<compile_context>
chip_gen: v7x
topology: tpu7x:2x2x1
jax: 0.10.2.dev20260603
libtpu: 0.0.44.dev20260713+nightly
codegen_flags: <defaults>
</compile_context>

<pallas_src>
import functools

import jax
import jax.numpy as jnp
from jax import lax
from jax.experimental import pallas as pl
from jax.experimental.pallas import tpu as pltpu
from jax.experimental.pallas import tpu_sc as plsc

N = 10000
D = 128
E = 320000
NC = 2
NS = 16
NW = NC * NS
CB = 128
CH = (E + NW * CB - 1) // (NW * CB)
EPAD = NW * CB * CH
NPAD = 10240
RPT = NPAD // NS
RCH = RPT // CB
CW = 16
BM = 1024
G = NPAD // BM

_mesh = plsc.VectorSubcoreMesh(core_axis_name="c", subcore_axis_name="s")


def _fill_own_rows(own_v, base):

    def fill_own(tt, carry):
        own_v[tt // 8, pl.ds((tt % 8) * 16, 16)] = (
            base + tt * 16 + lax.iota(jnp.int32, 16))
        return carry

    lax.fori_loop(0, RPT // 16, fill_own, 0)


@functools.partial(
    pl.kernel,
    out_type=jax.ShapeDtypeStruct((NC, NPAD, CW), jnp.float32),
    mesh=_mesh,
    scratch_types=[
        pltpu.VMEM((CB, CW), jnp.float32),
        pltpu.VMEM((CB, CW), jnp.float32),
        pltpu.VMEM((CH, CB), jnp.int32),
        pltpu.VMEM((RCH, CB), jnp.int32),
        pltpu.VMEM_SHARED((NPAD, CW), jnp.float32),
    ],
)
def _sc_counts(dst_hbm, out, buf_v, ones_v, dst_v, own_v, acc_sh):
    c = lax.axis_index("c")
    s = lax.axis_index("s")
    wid = c * NS + s
    pltpu.sync_copy(dst_hbm.at[wid], dst_v)

    def fill(i, carry):
        buf_v[i, :] = jnp.full((CW,), 0.0, jnp.float32)
        ones_v[i, :] = jnp.full((CW,), 1.0, jnp.float32)
        return carry

    lax.fori_loop(0, CB, fill, 0)
    base = s * RPT
    _fill_own_rows(own_v, base)

    for k in range(RCH):
        pltpu.sync_copy(buf_v, acc_sh.at[own_v.at[k]])
    pltpu.sync_copy(acc_sh.at[own_v.at[0]], buf_v)
    plsc.subcore_barrier()

    def body(j, carry):
        pltpu.sync_copy(ones_v, acc_sh.at[dst_v.at[j]], add=True)
        return carry

    lax.fori_loop(0, CH, body, 0)
    pltpu.sync_copy(acc_sh.at[own_v.at[0]], buf_v)
    plsc.subcore_barrier()

    for k in range(RCH):
        pltpu.sync_copy(acc_sh.at[own_v.at[k]], buf_v)
        pltpu.sync_copy(buf_v, out.at[c, pl.ds(base + k * CB, CB)])


@functools.partial(
    pl.kernel,
    out_type=jax.ShapeDtypeStruct((NC, NPAD, D), jnp.float32),
    mesh=_mesh,
    scratch_types=[
        pltpu.VMEM((CH, CB), jnp.int32),
        pltpu.VMEM((CH, CB), jnp.int32),
        pltpu.VMEM((CB, D), jnp.float32),
        pltpu.VMEM((RCH, CB), jnp.int32),
        pltpu.VMEM_SHARED((NPAD, D), jnp.float32),
    ],
)
def _sc_scatter(table_hbm, src_hbm, dst_hbm, out, src_v, dst_v, rows_v,
                own_v, acc_sh):
    c = lax.axis_index("c")
    s = lax.axis_index("s")
    wid = c * NS + s
    pltpu.sync_copy(src_hbm.at[wid], src_v)
    pltpu.sync_copy(dst_hbm.at[wid], dst_v)

    def fill(i, carry):
        for q in range(D // 16):
            rows_v[i, pl.ds(q * 16, 16)] = jnp.full((16,), 0.0, jnp.float32)
        return carry

    lax.fori_loop(0, CB, fill, 0)
    base = s * RPT
    _fill_own_rows(own_v, base)

    for k in range(RCH):
        pltpu.sync_copy(rows_v, acc_sh.at[own_v.at[k]])
    pltpu.sync_copy(acc_sh.at[own_v.at[0]], rows_v)
    plsc.subcore_barrier()

    def body(j, carry):
        pltpu.sync_copy(table_hbm.at[src_v.at[j]], rows_v)
        pltpu.sync_copy(rows_v, acc_sh.at[dst_v.at[j]], add=True)
        return carry

    lax.fori_loop(0, CH, body, 0)
    pltpu.sync_copy(acc_sh.at[own_v.at[0]], rows_v)
    plsc.subcore_barrier()

    for k in range(RCH):
        pltpu.sync_copy(acc_sh.at[own_v.at[k]], rows_v)
        pltpu.sync_copy(rows_v, out.at[c, pl.ds(base + k * CB, CB)])


def _dis_of(c0_ref, c1_ref):
    deg = 1.0 + c0_ref[0, :, 0:1] + c1_ref[0, :, 0:1]
    return lax.rsqrt(deg)


def _stage_first_body(x_ref, w_ref, c0_ref, c1_ref, o_ref):
    dis = _dis_of(c0_ref, c1_ref)
    o_ref[...] = jnp.dot(x_ref[...], w_ref[...],
                         preferred_element_type=jnp.float32) * dis


def _stage_mid_body(p0_ref, p1_ref, g_ref, c0_ref, c1_ref, b_ref, w_ref, o_ref):
    dis = _dis_of(c0_ref, c1_ref)
    h = jnp.maximum(
        dis * (p0_ref[0] + p1_ref[0] + g_ref[...]) + b_ref[...], 0.0)
    o_ref[...] = jnp.dot(h, w_ref[...], preferred_element_type=jnp.float32) * dis


def _stage_last_body(p0_ref, p1_ref, g_ref, c0_ref, c1_ref, b_ref, wf_ref,
                     bf_ref, o_ref):
    dis = _dis_of(c0_ref, c1_ref)
    h = jnp.maximum(
        dis * (p0_ref[0] + p1_ref[0] + g_ref[...]) + b_ref[...], 0.0)
    o_ref[...] = jnp.dot(h, wf_ref[...],
                         preferred_element_type=jnp.float32) + bf_ref[...]


_row_spec = pl.BlockSpec((BM, D), lambda i: (i, 0))
_prt_spec = pl.BlockSpec((1, BM, D), lambda i: (0, i, 0))
_cnt_spec = pl.BlockSpec((1, BM, CW), lambda i: (0, i, 0))
_w_spec = pl.BlockSpec((D, D), lambda i: (0, 0))
_b_spec = pl.BlockSpec((1, D), lambda i: (0, 0))

_stage_first = pl.pallas_call(
    _stage_first_body,
    grid=(G,),
    in_specs=[_row_spec, _w_spec, _cnt_spec, _cnt_spec],
    out_specs=_row_spec,
    out_shape=jax.ShapeDtypeStruct((NPAD, D), jnp.float32),
)

_stage_mid = pl.pallas_call(
    _stage_mid_body,
    grid=(G,),
    in_specs=[_prt_spec, _prt_spec, _row_spec, _cnt_spec, _cnt_spec, _b_spec,
              _w_spec],
    out_specs=_row_spec,
    out_shape=jax.ShapeDtypeStruct((NPAD, D), jnp.float32),
)

_stage_last = pl.pallas_call(
    _stage_last_body,
    grid=(G,),
    in_specs=[_prt_spec, _prt_spec, _row_spec, _cnt_spec, _cnt_spec, _b_spec,
              pl.BlockSpec((D, 1), lambda i: (0, 0)),
              pl.BlockSpec((1, 1), lambda i: (0, 0))],
    out_specs=pl.BlockSpec((BM, 1), lambda i: (i, 0)),
    out_shape=jax.ShapeDtypeStruct((NPAD, 1), jnp.float32),
)


def kernel(x, edge_index, W1, b1, W2, b2, W3, b3, Wf, bf):
    x_pad = jnp.zeros((NPAD, D), jnp.float32).at[:N].set(x)
    pad = EPAD - E
    src_t = jnp.concatenate(
        [edge_index[0], jnp.full((pad,), N, jnp.int32)]).reshape(NW, CH, CB)
    dst_t = jnp.concatenate(
        [edge_index[1], jnp.full((pad,), N, jnp.int32)]).reshape(NW, CH, CB)

    cc = _sc_counts(dst_t)
    c0, c1 = cc[0:1], cc[1:2]
    b1r = b1.reshape(1, D)
    b2r = b2.reshape(1, D)
    b3r = b3.reshape(1, D)
    bfr = bf.reshape(1, 1)

    g = _stage_first(x_pad, W1, c0, c1)
    pp = _sc_scatter(g, src_t, dst_t)
    g = _stage_mid(pp[0:1], pp[1:2], g, c0, c1, b1r, W2)
    pp = _sc_scatter(g, src_t, dst_t)
    g = _stage_mid(pp[0:1], pp[1:2], g, c0, c1, b2r, W3)
    pp = _sc_scatter(g, src_t, dst_t)
    out = _stage_last(pp[0:1], pp[1:2], g, c0, c1, b3r, Wf, bfr)
    return out[:N]

# --- scband reference (transcript-rebuilt; emitter-appended) ---
"""Pipeline reference for scband-gnnmodel-49959059587109 (READ-ONLY COPY).

The authoritative reference and input builder live on the scoring server;
editing this copy changes nothing except your own understanding.
"""

import jax, jax.numpy as jnp
import numpy as np


def setup_inputs(seed: int = 0) -> dict:
    key = jax.random.key(seed)
    ks = jax.random.split(key, 12)
    N, E, D, H, O = 10000, 320000, 128, 128, 1
    x = jax.random.normal(ks[0], (N, D), dtype=jnp.float32)
    edge_index = jax.random.randint(ks[1], (2, E), 0, N, dtype=jnp.int32)
    W1 = jax.random.normal(ks[2], (D, H), dtype=jnp.float32) * (1.0 / np.sqrt(D))
    b1 = jnp.zeros((H,), dtype=jnp.float32)
    W2 = jax.random.normal(ks[3], (H, H), dtype=jnp.float32) * (1.0 / np.sqrt(H))
    b2 = jnp.zeros((H,), dtype=jnp.float32)
    W3 = jax.random.normal(ks[4], (H, H), dtype=jnp.float32) * (1.0 / np.sqrt(H))
    b3 = jnp.zeros((H,), dtype=jnp.float32)
    Wf = jax.random.normal(ks[5], (H, O), dtype=jnp.float32) * (1.0 / np.sqrt(H))
    bf = jnp.zeros((O,), dtype=jnp.float32)
    return {"x": x, "edge_index": edge_index, "W1": W1, "b1": b1,
            "W2": W2, "b2": b2, "W3": W3, "b3": b3, "Wf": Wf, "bf": bf}


def reference(x, edge_index, W1, b1, W2, b2, W3, b3, Wf, bf):
    N = x.shape[0]
    # GCNConv semantics: add self-loops, symmetric normalization D^-1/2 (A+I) D^-1/2
    loop = jnp.arange(N, dtype=edge_index.dtype)
    ei = jnp.concatenate([edge_index, jnp.stack([loop, loop], axis=0)], axis=1)
    src = ei[0]
    dst = ei[1]
    deg = jax.ops.segment_sum(jnp.ones(src.shape[0], dtype=jnp.float32), dst, num_segments=N)
    deg_inv_sqrt = jax.lax.rsqrt(jnp.maximum(deg, 1.0))
    norm = deg_inv_sqrt[src] * deg_inv_sqrt[dst]

    def gcn_conv(h, W, b):
        h = h @ W
        msg = jnp.take(h, src, axis=0) * norm[:, None]
        agg = jax.ops.segment_sum(msg, dst, num_segments=N)
        return agg + b

    h = jax.nn.relu(gcn_conv(x, W1, b1))
    h = jax.nn.relu(gcn_conv(h, W2, b2))
    h = jax.nn.relu(gcn_conv(h, W3, b3))
    out = h @ Wf + bf
    return out

if __name__ == "__main__":
    import jax
    _d = setup_inputs()
    print(jax.jit(kernel)(*tuple(_d.values())))

</pallas_src>

<mosaic_0001>
#map = affine_map<(d0, d1) -> (0, 0)>
#map1 = affine_map<(d0, d1) -> (0, 0, 0)>
module attributes {stable_mosaic.version = 14 : i64} {
  func.func @_sc_scatter(%arg0: i32, %arg1: i32, %arg2: memref<10240x128xf32, #tpu.memory_space<hbm>>, %arg3: memref<32x79x128xi32, #tpu.memory_space<hbm>>, %arg4: memref<32x79x128xi32, #tpu.memory_space<hbm>>, %arg5: memref<2x10240x128xf32, #tpu.memory_space<hbm>>, %arg6: memref<79x128xi32, #tpu.memory_space<vmem>>, %arg7: memref<79x128xi32, #tpu.memory_space<vmem>>, %arg8: memref<128x128xf32, #tpu.memory_space<vmem>>, %arg9: memref<5x128xi32, #tpu.memory_space<vmem>>, %arg10: memref<10240x128xf32, #tpu.memory_space<vmem_shared>>) attributes {dimension_semantics = [#tpu.dimension_semantics<core_parallel>, #tpu.dimension_semantics<subcore_parallel>], iteration_bounds = array<i64: 2, 16>, scalar_prefetch = 0 : i64, scratch_operands = 5 : i64, tpu.core_type = #tpu.core_type<sc_vector_subcore>, window_params = [{transform_indices = #map}, {transform_indices = #map1}, {transform_indices = #map1}, {transform_indices = #map1}]} {
    %mul3A = arith.constant 16 : i32
    %mul3A_0 = arith.muli %arg0, %mul3A : i32
    %add3A = arith.addi %mul3A_0, %arg1 : i32
    "tpu.region"() ({
      %run_scoped3A_42 = tpu.sem_alloc : memref<!tpu.dma_semaphore, #tpu.memory_space<semaphore_mem>>
      %dma_start3A = arith.constant 0 : i32
      %dma_start3A_43 = arith.constant 0 : i32
      %dma_start3A_44 = tpu.memref_slice %arg3[%add3A, %dma_start3A, %dma_start3A_43] : memref<32x79x128xi32, #tpu.memory_space<hbm>> -> memref<1x79x128xi32, #tpu.memory_space<hbm>>
      %dma_start3A_45 = tpu.memref_squeeze %dma_start3A_44 : memref<1x79x128xi32, #tpu.memory_space<hbm>> -> memref<79x128xi32, #tpu.memory_space<hbm>>
      %dma_start3A_46 = arith.constant 0 : i32
      %dma_start3A_47 = arith.constant 0 : i32
      %dma_start3A_48 = tpu.memref_slice %arg3[%add3A, %dma_start3A_46, %dma_start3A_47] : memref<32x79x128xi32, #tpu.memory_space<hbm>> -> memref<1x79x128xi32, #tpu.memory_space<hbm>>
      %dma_start3A_49 = tpu.memref_squeeze %dma_start3A_48 : memref<1x79x128xi32, #tpu.memory_space<hbm>> -> memref<79x128xi32, #tpu.memory_space<hbm>>
      tpu.enqueue_dma source(%dma_start3A_49 : memref<79x128xi32, #tpu.memory_space<hbm>>) target(%arg6 : memref<79x128xi32, #tpu.memory_space<vmem>>) target_semaphore(%run_scoped3A_42 : memref<!tpu.dma_semaphore, #tpu.memory_space<semaphore_mem>>)
      %dma_wait3A = arith.constant 0 : i32
      %dma_wait3A_50 = arith.constant 0 : i32
      %dma_wait3A_51 = tpu.memref_slice %arg3[%add3A, %dma_wait3A, %dma_wait3A_50] : memref<32x79x128xi32, #tpu.memory_space<hbm>> -> memref<1x79x128xi32, #tpu.memory_space<hbm>>
      %dma_wait3A_52 = tpu.memref_squeeze %dma_wait3A_51 : memref<1x79x128xi32, #tpu.memory_space<hbm>> -> memref<79x128xi32, #tpu.memory_space<hbm>>
      %dma_wait3A_53 = arith.constant 0 : i32
      %dma_wait3A_54 = arith.constant 0 : i32
      %dma_wait3A_55 = tpu.memref_slice %arg3[%add3A, %dma_wait3A_53, %dma_wait3A_54] : memref<32x79x128xi32, #tpu.memory_space<hbm>> -> memref<1x79x128xi32, #tpu.memory_space<hbm>>
      %dma_wait3A_56 = tpu.memref_squeeze %dma_wait3A_55 : memref<1x79x128xi32, #tpu.memory_space<hbm>> -> memref<79x128xi32, #tpu.memory_space<hbm>>
      tpu.wait_dma2 semaphore(%run_scoped3A_42 : memref<!tpu.dma_semaphore, #tpu.memory_space<semaphore_mem>>) src(%dma_wait3A_56 : memref<79x128xi32, #tpu.memory_space<hbm>>) dst(%arg6 : memref<79x128xi32, #tpu.memory_space<vmem>>)
      tpu.yield
    }) : () -> ()
    "tpu.region"() ({
      %run_scoped3A_42 = tpu.sem_alloc : memref<!tpu.dma_semaphore, #tpu.memory_space<semaphore_mem>>
      %dma_start3A = arith.constant 0 : i32
      %dma_start3A_43 = arith.constant 0 : i32
      %dma_start3A_44 = tpu.memref_slice %arg4[%add3A, %dma_start3A, %dma_start3A_43] : memref<32x79x128xi32, #tpu.memory_space<hbm>> -> memref<1x79x128xi32, #tpu.memory_space<hbm>>
      %dma_start3A_45 = tpu.memref_squeeze %dma_start3A_44 : memref<1x79x128xi32, #tpu.memory_space<hbm>> -> memref<79x128xi32, #tpu.memory_space<hbm>>
      %dma_start3A_46 = arith.constant 0 : i32
      %dma_start3A_47 = arith.constant 0 : i32
      %dma_start3A_48 = tpu.memref_slice %arg4[%add3A, %dma_start3A_46, %dma_start3A_47] : memref<32x79x128xi32, #tpu.memory_space<hbm>> -> memref<1x79x128xi32, #tpu.memory_space<hbm>>
      %dma_start3A_49 = tpu.memref_squeeze %dma_start3A_48 : memref<1x79x128xi32, #tpu.memory_space<hbm>> -> memref<79x128xi32, #tpu.memory_space<hbm>>
      tpu.enqueue_dma source(%dma_start3A_49 : memref<79x128xi32, #tpu.memory_space<hbm>>) target(%arg7 : memref<79x128xi32, #tpu.memory_space<vmem>>) target_semaphore(%run_scoped3A_42 : memref<!tpu.dma_semaphore, #tpu.memory_space<semaphore_mem>>)
      %dma_wait3A = arith.constant 0 : i32
      %dma_wait3A_50 = arith.constant 0 : i32
      %dma_wait3A_51 = tpu.memref_slice %arg4[%add3A, %dma_wait3A, %dma_wait3A_50] : memref<32x79x128xi32, #tpu.memory_space<hbm>> -> memref<1x79x128xi32, #tpu.memory_space<hbm>>
      %dma_wait3A_52 = tpu.memref_squeeze %dma_wait3A_51 : memref<1x79x128xi32, #tpu.memory_space<hbm>> -> memref<79x128xi32, #tpu.memory_space<hbm>>
      %dma_wait3A_53 = arith.constant 0 : i32
      %dma_wait3A_54 = arith.constant 0 : i32
      %dma_wait3A_55 = tpu.memref_slice %arg4[%add3A, %dma_wait3A_53, %dma_wait3A_54] : memref<32x79x128xi32, #tpu.memory_space<hbm>> -> memref<1x79x128xi32, #tpu.memory_space<hbm>>
      %dma_wait3A_56 = tpu.memref_squeeze %dma_wait3A_55 : memref<1x79x128xi32, #tpu.memory_space<hbm>> -> memref<79x128xi32, #tpu.memory_space<hbm>>
      tpu.wait_dma2 semaphore(%run_scoped3A_42 : memref<!tpu.dma_semaphore, #tpu.memory_space<semaphore_mem>>) src(%dma_wait3A_56 : memref<79x128xi32, #tpu.memory_space<hbm>>) dst(%arg7 : memref<79x128xi32, #tpu.memory_space<vmem>>)
      tpu.yield
    }) : () -> ()
    %scan3A = arith.constant 0 : i32
    %scan3A_1 = arith.constant 0 : i32
    %scan3A_2 = arith.constant 128 : i32
    %scan3A_3 = arith.addi %scan3A_1, %scan3A_2 : i32
    %scan3A_4 = arith.constant 1 : i32
    scf.for %scan3A_42 = %scan3A_1 to %scan3A_3 step %scan3A_4  : i32 {
      %broadcast_in_dim3A = arith.constant 0.000000e+00 : f32
      %broadcast_in_dim3A_43 = vector.broadcast %broadcast_in_dim3A : f32 to vector<16xf32>
      %swap3A = arith.index_cast %scan3A_42 : i32 to index
      %swap3A_44 = arith.constant 0 : index
      %swap3A_45 = tpu.vector_load %arg8[%swap3A, %swap3A_44] {strides = array<i32>} : memref<128x128xf32, #tpu.memory_space<vmem>>, vector<1x16xf32>,
      %swap3A_46 = vector.shape_cast %swap3A_45 : vector<1x16xf32> to vector<16xf32>
      %swap3A_47 = vector.shape_cast %broadcast_in_dim3A_43 : vector<16xf32> to vector<1x16xf32>
      tpu.vector_store %arg8[%swap3A, %swap3A_44], %swap3A_47 {strides = array<i32>} : memref<128x128xf32, #tpu.memory_space<vmem>>, vector<1x16xf32>,
      %broadcast_in_dim3A_48 = arith.constant 0.000000e+00 : f32
      %broadcast_in_dim3A_49 = vector.broadcast %broadcast_in_dim3A_48 : f32 to vector<16xf32>
      %swap3A_50 = arith.index_cast %scan3A_42 : i32 to index
      %swap3A_51 = arith.constant 16 : index
      %swap3A_52 = tpu.vector_load %arg8[%swap3A_50, %swap3A_51] {strides = array<i32>} : memref<128x128xf32, #tpu.memory_space<vmem>>, vector<1x16xf32>,
      %swap3A_53 = vector.shape_cast %swap3A_52 : vector<1x16xf32> to vector<16xf32>
      %swap3A_54 = vector.shape_cast %broadcast_in_dim3A_49 : vector<16xf32> to vector<1x16xf32>
      tpu.vector_store %arg8[%swap3A_50, %swap3A_51], %swap3A_54 {strides = array<i32>} : memref<128x128xf32, #tpu.memory_space<vmem>>, vector<1x16xf32>,
      %broadcast_in_dim3A_55 = arith.constant 0.000000e+00 : f32
      %broadcast_in_dim3A_56 = vector.broadcast %broadcast_in_dim3A_55 : f32 to vector<16xf32>
      %swap3A_57 = arith.index_cast %scan3A_42 : i32 to index
      %swap3A_58 = arith.constant 32 : index
      %swap3A_59 = tpu.vector_load %arg8[%swap3A_57, %swap3A_58] {strides = array<i32>} : memref<128x128xf32, #tpu.memory_space<vmem>>, vector<1x16xf32>,
      %swap3A_60 = vector.shape_cast %swap3A_59 : vector<1x16xf32> to vector<16xf32>
      %swap3A_61 = vector.shape_cast %broadcast_in_dim3A_56 : vector<16xf32> to vector<1x16xf32>
      tpu.vector_store %arg8[%swap3A_57, %swap3A_58], %swap3A_61 {strides = array<i32>} : memref<128x128xf32, #tpu.memory_space<vmem>>, vector<1x16xf32>,
      %broadcast_in_dim3A_62 = arith.constant 0.000000e+00 : f32
      %broadcast_in_dim3A_63 = vector.broadcast %broadcast_in_dim3A_62 : f32 to vector<16xf32>
      %swap3A_64 = arith.index_cast %scan3A_42 : i32 to index
      %swap3A_65 = arith.constant 48 : index
      %swap3A_66 = tpu.vector_load %arg8[%swap3A_64, %swap3A_65] {strides = array<i32>} : memref<128x128xf32, #tpu.memory_space<vmem>>, vector<1x16xf32>,
      %swap3A_67 = vector.shape_cast %swap3A_66 : vector<1x16xf32> to vector<16xf32>
      %swap3A_68 = vector.shape_cast %broadcast_in_dim3A_63 : vector<16xf32> to vector<1x16xf32>
      tpu.vector_store %arg8[%swap3A_64, %swap3A_65], %swap3A_68 {strides = array<i32>} : memref<128x128xf32, #tpu.memory_space<vmem>>, vector<1x16xf32>,
      %broadcast_in_dim3A_69 = arith.constant 0.000000e+00 : f32
      %broadcast_in_dim3A_70 = vector.broadcast %broadcast_in_dim3A_69 : f32 to vector<16xf32>
      %swap3A_71 = arith.index_cast %scan3A_42 : i32 to index
      %swap3A_72 = arith.constant 64 : index
      %swap3A_73 = tpu.vector_load %arg8[%swap3A_71, %swap3A_72] {strides = array<i32>} : memref<128x128xf32, #tpu.memory_space<vmem>>, vector<1x16xf32>,
      %swap3A_74 = vector.shape_cast %swap3A_73 : vector<1x16xf32> to vector<16xf32>
      %swap3A_75 = vector.shape_cast %broadcast_in_dim3A_70 : vector<16xf32> to vector<1x16xf32>
      tpu.vector_store %arg8[%swap3A_71, %swap3A_72], %swap3A_75 {strides = array<i32>} : memref<128x128xf32, #tpu.memory_space<vmem>>, vector<1x16xf32>,
      %broadcast_in_dim3A_76 = arith.constant 0.000000e+00 : f32
      %broadcast_in_dim3A_77 = vector.broadcast %broadcast_in_dim3A_76 : f32 to vector<16xf32>
      %swap3A_78 = arith.index_cast %scan3A_42 : i32 to index
      %swap3A_79 = arith.constant 80 : index
      %swap3A_80 = tpu.vector_load %arg8[%swap3A_78, %swap3A_79] {strides = array<i32>} : memref<128x128xf32, #tpu.memory_space<vmem>>, vector<1x16xf32>,
      %swap3A_81 = vector.shape_cast %swap3A_80 : vector<1x16xf32> to vector<16xf32>
      %swap3A_82 = vector.shape_cast %broadcast_in_dim3A_77 : vector<16xf32> to vector<1x16xf32>
      tpu.vector_store %arg8[%swap3A_78, %swap3A_79], %swap3A_82 {strides = array<i32>} : memref<128x128xf32, #tpu.memory_space<vmem>>, vector<1x16xf32>,
      %broadcast_in_dim3A_83 = arith.constant 0.000000e+00 : f32
      %broadcast_in_dim3A_84 = vector.broadcast %broadcast_in_dim3A_83 : f32 to vector<16xf32>
      %swap3A_85 = arith.index_cast %scan3A_42 : i32 to index
      %swap3A_86 = arith.constant 96 : index
      %swap3A_87 = tpu.vector_load %arg8[%swap3A_85, %swap3A_86] {strides = array<i32>} : memref<128x128xf32, #tpu.memory_space<vmem>>, vector<1x16xf32>,
      %swap3A_88 = vector.shape_cast %swap3A_87 : vector<1x16xf32> to vector<16xf32>
      %swap3A_89 = vector.shape_cast %broadcast_in_dim3A_84 : vector<16xf32> to vector<1x16xf32>
      tpu.vector_store %arg8[%swap3A_85, %swap3A_86], %swap3A_89 {strides = array<i32>} : memref<128x128xf32, #tpu.memory_space<vmem>>, vector<1x16xf32>,
      %broadcast_in_dim3A_90 = arith.constant 0.000000e+00 : f32
      %broadcast_in_dim3A_91 = vector.broadcast %broadcast_in_dim3A_90 : f32 to vector<16xf32>
      %swap3A_92 = arith.index_cast %scan3A_42 : i32 to index
      %swap3A_93 = arith.constant 112 : index
      %swap3A_94 = tpu.vector_load %arg8[%swap3A_92, %swap3A_93] {strides = array<i32>} : memref<128x128xf32, #tpu.memory_space<vmem>>, vector<1x16xf32>,
      %swap3A_95 = vector.shape_cast %swap3A_94 : vector<1x16xf32> to vector<16xf32>
      %swap3A_96 = vector.shape_cast %broadcast_in_dim3A_91 : vector<16xf32> to vector<1x16xf32>
      tpu.vector_store %arg8[%swap3A_92, %swap3A_93], %swap3A_96 {strides = array<i32>} : memref<128x128xf32, #tpu.memory_space<vmem>>, vector<1x16xf32>,
    }
    %scan3A_5 = arith.constant 128 : i32
    %mul3A_6 = arith.constant 640 : i32
    %mul3A_7 = arith.muli %arg1, %mul3A_6 : i32
    %scan3A_8 = arith.constant 0 : i32
    %scan3A_9 = arith.constant 0 : i32
    %scan3A_10 = arith.constant 40 : i32
    %scan3A_11 = arith.addi %scan3A_9, %scan3A_10 : i32
    %scan3A_12 = arith.constant 1 : i32
    scf.for %scan3A_42 = %scan3A_9 to %scan3A_11 step %scan3A_12  : i32 {
      %mul3A_43 = arith.constant 16 : i32
      %mul3A_44 = arith.muli %scan3A_42, %mul3A_43 : i32
      %add3A_45 = arith.addi %mul3A_7, %mul3A_44 : i32
      %iota3A = tpu.iota {dimensions = array<i32: 0>} : vector<16xi32>
      %add3A_46 = vector.broadcast %add3A_45 : i32 to vector<16xi32>
      %add3A_47 = arith.addi %add3A_46, %iota3A : vector<16xi32>
      %jit3A = arith.constant 8 : i32
      %div3A = arith.divsi %scan3A_42, %jit3A : i32
      %sign3A = arith.constant 0 : i32
      %sign3A_48 = arith.cmpi sgt, %scan3A_42, %sign3A : i32
      %sign3A_49 = arith.extui %sign3A_48 : i1 to i32
      %sign3A_50 = arith.constant 0 : i32
      %sign3A_51 = arith.cmpi slt, %scan3A_42, %sign3A_50 : i32
      %sign3A_52 = arith.extui %sign3A_51 : i1 to i32
      %sign3A_53 = arith.subi %sign3A_49, %sign3A_52 : i32
      %sign3A_54 = arith.constant 0 : i32
      %sign3A_55 = arith.cmpi sgt, %jit3A, %sign3A_54 : i32
      %sign3A_56 = arith.extui %sign3A_55 : i1 to i32
      %sign3A_57 = arith.constant 0 : i32
      %sign3A_58 = arith.cmpi slt, %jit3A, %sign3A_57 : i32
      %sign3A_59 = arith.extui %sign3A_58 : i1 to i32
      %sign3A_60 = arith.subi %sign3A_56, %sign3A_59 : i32
      %ne3A = arith.cmpi ne, %sign3A_53, %sign3A_60 : i32
      %rem3A = arith.remsi %scan3A_42, %jit3A : i32
      %ne3A_61 = arith.constant 0 : i32
      %ne3A_62 = arith.cmpi ne, %rem3A, %ne3A_61 : i32
      %and3A = arith.andi %ne3A, %ne3A_62 : i1
      %sub3A = arith.constant 1 : i32
      %sub3A_63 = arith.subi %div3A, %sub3A : i32
      %select_n3A = arith.select %and3A, %sub3A_63, %div3A : i32
      %jit3A_64 = arith.constant 8 : i32
      %eq3A = arith.constant 0 : i32
      %eq3A_65 = arith.cmpi eq, %jit3A_64, %eq3A : i32
      %jit3A_66 = arith.constant 1 : i32
      %select_n3A_67 = arith.select %eq3A_65, %jit3A_66, %jit3A_64 : i32
      %rem3A_68 = arith.remsi %scan3A_42, %select_n3A_67 : i32
      %ne3A_69 = arith.constant 0 : i32
      %ne3A_70 = arith.cmpi ne, %rem3A_68, %ne3A_69 : i32
      %lt3A = arith.constant 0 : i32
      %lt3A_71 = arith.cmpi slt, %rem3A_68, %lt3A : i32
      %lt3A_72 = arith.constant 0 : i32
      %lt3A_73 = arith.cmpi slt, %select_n3A_67, %lt3A_72 : i32
      %ne3A_74 = arith.xori %lt3A_71, %lt3A_73 : i1
      %and3A_75 = arith.andi %ne3A_74, %ne3A_70 : i1
      %add3A_76 = arith.addi %rem3A_68, %select_n3A_67 : i32
      %select_n3A_77 = arith.select %and3A_75, %add3A_76, %rem3A_68 : i32
      %mul3A_78 = arith.constant 16 : i32
      %mul3A_79 = arith.muli %select_n3A_77, %mul3A_78 : i32
      %swap3A = arith.index_cast %select_n3A : i32 to index
      %swap3A_80 = arith.index_cast %mul3A_79 : i32 to index
      %swap3A_81 = tpu.vector_load %arg9[%swap3A, %swap3A_80] {strides = array<i32>} : memref<5x128xi32, #tpu.memory_space<vmem>>, vector<1x16xi32>,
      %swap3A_82 = vector.shape_cast %swap3A_81 : vector<1x16xi32> to vector<16xi32>
      %swap3A_83 = vector.shape_cast %add3A_47 : vector<16xi32> to vector<1x16xi32>
      tpu.vector_store %arg9[%swap3A, %swap3A_80], %swap3A_83 {strides = array<i32>} : memref<5x128xi32, #tpu.memory_space<vmem>>, vector<1x16xi32>,
    }
    %scan3A_13 = arith.constant 40 : i32
    %run_scoped3A = arith.constant 0 : i32
    "tpu.region"() ({
      %run_scoped3A_42 = tpu.sem_alloc : memref<!tpu.dma_semaphore, #tpu.memory_space<semaphore_mem>>
      %dma_start3A = arith.constant 0 : i32
      %dma_start3A_43 = tpu.memref_slice %arg9[%run_scoped3A, %dma_start3A] : memref<5x128xi32, #tpu.memory_space<vmem>> -> memref<1x128xi32, #tpu.memory_space<vmem>>
      %dma_start3A_44 = tpu.memref_squeeze %dma_start3A_43 : memref<1x128xi32, #tpu.memory_space<vmem>> -> memref<128xi32, #tpu.memory_space<vmem>>
      %dma_start3A_45 = arith.constant 0 : i32
      %dma_start3A_46 = arith.constant 0 : i32
      %dma_start3A_47 = tpu.memref_slice %arg10[%dma_start3A_45, %dma_start3A_46] : memref<10240x128xf32, #tpu.memory_space<vmem_shared>> -> memref<10240x128xf32, #tpu.memory_space<vmem_shared>>
      tpu.enqueue_indirect_dma source(%arg8 : memref<128x128xf32, #tpu.memory_space<vmem>>) target(%dma_start3A_47 : memref<10240x128xf32, #tpu.memory_space<vmem_shared>>) offsets(%dma_start3A_44 : memref<128xi32, #tpu.memory_space<vmem>>) semaphore(%run_scoped3A_42 : memref<!tpu.dma_semaphore, #tpu.memory_space<semaphore_mem>>)
      %dma_wait3A = arith.constant 0 : i32
      %dma_wait3A_48 = tpu.memref_slice %arg9[%run_scoped3A, %dma_wait3A] : memref<5x128xi32, #tpu.memory_space<vmem>> -> memref<1x128xi32, #tpu.memory_space<vmem>>
      %dma_wait3A_49 = tpu.memref_squeeze %dma_wait3A_48 : memref<1x128xi32, #tpu.memory_space<vmem>> -> memref<128xi32, #tpu.memory_space<vmem>>
      %dma_wait3A_50 = arith.constant 0 : i32
      %dma_wait3A_51 = arith.constant 0 : i32
      %dma_wait3A_52 = tpu.memref_slice %arg10[%dma_wait3A_50, %dma_wait3A_51] : memref<10240x128xf32, #tpu.memory_space<vmem_shared>> -> memref<10240x128xf32, #tpu.memory_space<vmem_shared>>
      tpu.wait_indirect_dma semaphore(%run_scoped3A_42 : memref<!tpu.dma_semaphore, #tpu.memory_space<semaphore_mem>>) src(%arg8 : memref<128x128xf32, #tpu.memory_space<vmem>>) dst(%dma_wait3A_52 : memref<10240x128xf32, #tpu.memory_space<vmem_shared>>)
      tpu.yield
    }) : () -> ()
    %run_scoped3A_14 = arith.constant 1 : i32
    "tpu.region"() ({
      %run_scoped3A_42 = tpu.sem_alloc : memref<!tpu.dma_semaphore, #tpu.memory_space<semaphore_mem>>
      %dma_start3A = arith.constant 0 : i32
      %dma_start3A_43 = tpu.memref_slice %arg9[%run_scoped3A_14, %dma_start3A] : memref<5x128xi32, #tpu.memory_space<vmem>> -> memref<1x128xi32, #tpu.memory_space<vmem>>
      %dma_start3A_44 = tpu.memref_squeeze %dma_start3A_43 : memref<1x128xi32, #tpu.memory_space<vmem>> -> memref<128xi32, #tpu.memory_space<vmem>>
      %dma_start3A_45 = arith.constant 0 : i32
      %dma_start3A_46 = arith.constant 0 : i32
      %dma_start3A_47 = tpu.memref_slice %arg10[%dma_start3A_45, %dma_start3A_46] : memref<10240x128xf32, #tpu.memory_space<vmem_shared>> -> memref<10240x128xf32, #tpu.memory_space<vmem_shared>>
      tpu.enqueue_indirect_dma source(%arg8 : memref<128x128xf32, #tpu.memory_space<vmem>>) target(%dma_start3A_47 : memref<10240x128xf32, #tpu.memory_space<vmem_shared>>) offsets(%dma_start3A_44 : memref<128xi32, #tpu.memory_space<vmem>>) semaphore(%run_scoped3A_42 : memref<!tpu.dma_semaphore, #tpu.memory_space<semaphore_mem>>)
      %dma_wait3A = arith.constant 0 : i32
      %dma_wait3A_48 = tpu.memref_slice %arg9[%run_scoped3A_14, %dma_wait3A] : memref<5x128xi32, #tpu.memory_space<vmem>> -> memref<1x128xi32, #tpu.memory_space<vmem>>
      %dma_wait3A_49 = tpu.memref_squeeze %dma_wait3A_48 : memref<1x128xi32, #tpu.memory_space<vmem>> -> memref<128xi32, #tpu.memory_space<vmem>>
      %dma_wait3A_50 = arith.constant 0 : i32
      %dma_wait3A_51 = arith.constant 0 : i32
      %dma_wait3A_52 = tpu.memref_slice %arg10[%dma_wait3A_50, %dma_wait3A_51] : memref<10240x128xf32, #tpu.memory_space<vmem_shared>> -> memref<10240x128xf32, #tpu.memory_space<vmem_shared>>
      tpu.wait_indirect_dma semaphore(%run_scoped3A_42 : memref<!tpu.dma_semaphore, #tpu.memory_space<semaphore_mem>>) src(%arg8 : memref<128x128xf32, #tpu.memory_space<vmem>>) dst(%dma_wait3A_52 : memref<10240x128xf32, #tpu.memory_space<vmem_shared>>)
      tpu.yield
    }) : () -> ()
    %run_scoped3A_15 = arith.constant 2 : i32
    "tpu.region"() ({
      %run_scoped3A_42 = tpu.sem_alloc : memref<!tpu.dma_semaphore, #tpu.memory_space<semaphore_mem>>
      %dma_start3A = arith.constant 0 : i32
      %dma_start3A_43 = tpu.memref_slice %arg9[%run_scoped3A_15, %dma_start3A] : memref<5x128xi32, #tpu.memory_space<vmem>> -> memref<1x128xi32, #tpu.memory_space<vmem>>
      %dma_start3A_44 = tpu.memref_squeeze %dma_start3A_43 : memref<1x128xi32, #tpu.memory_space<vmem>> -> memref<128xi32, #tpu.memory_space<vmem>>
      %dma_start3A_45 = arith.constant 0 : i32
      %dma_start3A_46 = arith.constant 0 : i32
      %dma_start3A_47 = tpu.memref_slice %arg10[%dma_start3A_45, %dma_start3A_46] : memref<10240x128xf32, #tpu.memory_space<vmem_shared>> -> memref<10240x128xf32, #tpu.memory_space<vmem_shared>>
      tpu.enqueue_indirect_dma source(%arg8 : memref<128x128xf32, #tpu.memory_space<vmem>>) target(%dma_start3A_47 : memref<10240x128xf32, #tpu.memory_space<vmem_shared>>) offsets(%dma_start3A_44 : memref<128xi32, #tpu.memory_space<vmem>>) semaphore(%run_scoped3A_42 : memref<!tpu.dma_semaphore, #tpu.memory_space<semaphore_mem>>)
      %dma_wait3A = arith.constant 0 : i32
      %dma_wait3A_48 = tpu.memref_slice %arg9[%run_scoped3A_15, %dma_wait3A] : memref<5x128xi32, #tpu.memory_space<vmem>> -> memref<1x128xi32, #tpu.memory_space<vmem>>
      %dma_wait3A_49 = tpu.memref_squeeze %dma_wait3A_48 : memref<1x128xi32, #tpu.memory_space<vmem>> -> memref<128xi32, #tpu.memory_space<vmem>>
      %dma_wait3A_50 = arith.constant 0 : i32
      %dma_wait3A_51 = arith.constant 0 : i32
      %dma_wait3A_52 = tpu.memref_slice %arg10[%dma_wait3A_50, %dma_wait3A_51] : memref<10240x128xf32, #tpu.memory_space<vmem_shared>> -> memref<10240x128xf32, #tpu.memory_space<vmem_shared>>
      tpu.wait_indirect_dma semaphore(%run_scoped3A_42 : memref<!tpu.dma_semaphore, #tpu.memory_space<semaphore_mem>>) src(%arg8 : memref<128x128xf32, #tpu.memory_space<vmem>>) dst(%dma_wait3A_52 : memref<10240x128xf32, #tpu.memory_space<vmem_shared>>)
      tpu.yield
    }) : () -> ()
    %run_scoped3A_16 = arith.constant 3 : i32
    "tpu.region"() ({
      %run_scoped3A_42 = tpu.sem_alloc : memref<!tpu.dma_semaphore, #tpu.memory_space<semaphore_mem>>
      %dma_start3A = arith.constant 0 : i32
      %dma_start3A_43 = tpu.memref_slice %arg9[%run_scoped3A_16, %dma_start3A] : memref<5x128xi32, #tpu.memory_space<vmem>> -> memref<1x128xi32, #tpu.memory_space<vmem>>
      %dma_start3A_44 = tpu.memref_squeeze %dma_start3A_43 : memref<1x128xi32, #tpu.memory_space<vmem>> -> memref<128xi32, #tpu.memory_space<vmem>>
      %dma_start3A_45 = arith.constant 0 : i32
      %dma_start3A_46 = arith.constant 0 : i32
      %dma_start3A_47 = tpu.memref_slice %arg10[%dma_start3A_45, %dma_start3A_46] : memref<10240x128xf32, #tpu.memory_space<vmem_shared>> -> memref<10240x128xf32, #tpu.memory_space<vmem_shared>>
      tpu.enqueue_indirect_dma source(%arg8 : memref<128x128xf32, #tpu.memory_space<vmem>>) target(%dma_start3A_47 : memref<10240x128xf32, #tpu.memory_space<vmem_shared>>) offsets(%dma_start3A_44 : memref<128xi32, #tpu.memory_space<vmem>>) semaphore(%run_scoped3A_42 : memref<!tpu.dma_semaphore, #tpu.memory_space<semaphore_mem>>)
      %dma_wait3A = arith.constant 0 : i32
      %dma_wait3A_48 = tpu.memref_slice %arg9[%run_scoped3A_16, %dma_wait3A] : memref<5x128xi32, #tpu.memory_space<vmem>> -> memref<1x128xi32, #tpu.memory_space<vmem>>
      %dma_wait3A_49 = tpu.memref_squeeze %dma_wait3A_48 : memref<1x128xi32, #tpu.memory_space<vmem>> -> memref<128xi32, #tpu.memory_space<vmem>>
      %dma_wait3A_50 = arith.constant 0 : i32
      %dma_wait3A_51 = arith.constant 0 : i32
      %dma_wait3A_52 = tpu.memref_slice %arg10[%dma_wait3A_50, %dma_wait3A_51] : memref<10240x128xf32, #tpu.memory_space<vmem_shared>> -> memref<10240x128xf32, #tpu.memory_space<vmem_shared>>
      tpu.wait_indirect_dma semaphore(%run_scoped3A_42 : memref<!tpu.dma_semaphore, #tpu.memory_space<semaphore_mem>>) src(%arg8 : memref<128x128xf32, #tpu.memory_space<vmem>>) dst(%dma_wait3A_52 : memref<10240x128xf32, #tpu.memory_space<vmem_shared>>)
      tpu.yield
    }) : () -> ()
    %run_scoped3A_17 = arith.constant 4 : i32
    "tpu.region"() ({
      %run_scoped3A_42 = tpu.sem_alloc : memref<!tpu.dma_semaphore, #tpu.memory_space<semaphore_mem>>
      %dma_start3A = arith.constant 0 : i32
      %dma_start3A_43 = tpu.memref_slice %arg9[%run_scoped3A_17, %dma_start3A] : memref<5x128xi32, #tpu.memory_space<vmem>> -> memref<1x128xi32, #tpu.memory_space<vmem>>
      %dma_start3A_44 = tpu.memref_squeeze %dma_start3A_43 : memref<1x128xi32, #tpu.memory_space<vmem>> -> memref<128xi32, #tpu.memory_space<vmem>>
      %dma_start3A_45 = arith.constant 0 : i32
      %dma_start3A_46 = arith.constant 0 : i32
      %dma_start3A_47 = tpu.memref_slice %arg10[%dma_start3A_45, %dma_start3A_46] : memref<10240x128xf32, #tpu.memory_space<vmem_shared>> -> memref<10240x128xf32, #tpu.memory_space<vmem_shared>>
      tpu.enqueue_indirect_dma source(%arg8 : memref<128x128xf32, #tpu.memory_space<vmem>>) target(%dma_start3A_47 : memref<10240x128xf32, #tpu.memory_space<vmem_shared>>) offsets(%dma_start3A_44 : memref<128xi32, #tpu.memory_space<vmem>>) semaphore(%run_scoped3A_42 : memref<!tpu.dma_semaphore, #tpu.memory_space<semaphore_mem>>)
      %dma_wait3A = arith.constant 0 : i32
      %dma_wait3A_48 = tpu.memref_slice %arg9[%run_scoped3A_17, %dma_wait3A] : memref<5x128xi32, #tpu.memory_space<vmem>> -> memref<1x128xi32, #tpu.memory_space<vmem>>
      %dma_wait3A_49 = tpu.memref_squeeze %dma_wait3A_48 : memref<1x128xi32, #tpu.memory_space<vmem>> -> memref<128xi32, #tpu.memory_space<vmem>>
      %dma_wait3A_50 = arith.constant 0 : i32
      %dma_wait3A_51 = arith.constant 0 : i32
      %dma_wait3A_52 = tpu.memref_slice %arg10[%dma_wait3A_50, %dma_wait3A_51] : memref<10240x128xf32, #tpu.memory_space<vmem_shared>> -> memref<10240x128xf32, #tpu.memory_space<vmem_shared>>
      tpu.wait_indirect_dma semaphore(%run_scoped3A_42 : memref<!tpu.dma_semaphore, #tpu.memory_space<semaphore_mem>>) src(%arg8 : memref<128x128xf32, #tpu.memory_space<vmem>>) dst(%dma_wait3A_52 : memref<10240x128xf32, #tpu.memory_space<vmem_shared>>)
      tpu.yield
    }) : () -> ()
    %run_scoped3A_18 = arith.constant 0 : i32
    "tpu.region"() ({
      %run_scoped3A_42 = tpu.sem_alloc : memref<!tpu.dma_semaphore, #tpu.memory_space<semaphore_mem>>
      %dma_start3A = arith.constant 0 : i32
      %dma_start3A_43 = tpu.memref_slice %arg9[%run_scoped3A_18, %dma_start3A] : memref<5x128xi32, #tpu.memory_space<vmem>> -> memref<1x128xi32, #tpu.memory_space<vmem>>
      %dma_start3A_44 = tpu.memref_squeeze %dma_start3A_43 : memref<1x128xi32, #tpu.memory_space<vmem>> -> memref<128xi32, #tpu.memory_space<vmem>>
      %dma_start3A_45 = arith.constant 0 : i32
      %dma_start3A_46 = arith.constant 0 : i32
      %dma_start3A_47 = tpu.memref_slice %arg10[%dma_start3A_45, %dma_start3A_46] : memref<10240x128xf32, #tpu.memory_space<vmem_shared>> -> memref<10240x128xf32, #tpu.memory_space<vmem_shared>>
      tpu.enqueue_indirect_dma source(%dma_start3A_47 : memref<10240x128xf32, #tpu.memory_space<vmem_shared>>) target(%arg8 : memref<128x128xf32, #tpu.memory_space<vmem>>) offsets(%dma_start3A_44 : memref<128xi32, #tpu.memory_space<vmem>>) semaphore(%run_scoped3A_42 : memref<!tpu.dma_semaphore, #tpu.memory_space<semaphore_mem>>)
      %dma_wait3A = arith.constant 0 : i32
      %dma_wait3A_48 = tpu.memref_slice %arg9[%run_scoped3A_18, %dma_wait3A] : memref<5x128xi32, #tpu.memory_space<vmem>> -> memref<1x128xi32, #tpu.memory_space<vmem>>
      %dma_wait3A_49 = tpu.memref_squeeze %dma_wait3A_48 : memref<1x128xi32, #tpu.memory_space<vmem>> -> memref<128xi32, #tpu.memory_space<vmem>>
      %dma_wait3A_50 = arith.constant 0 : i32
      %dma_wait3A_51 = arith.constant 0 : i32
      %dma_wait3A_52 = tpu.memref_slice %arg10[%dma_wait3A_50, %dma_wait3A_51] : memref<10240x128xf32, #tpu.memory_space<vmem_shared>> -> memref<10240x128xf32, #tpu.memory_space<vmem_shared>>
      tpu.wait_indirect_dma semaphore(%run_scoped3A_42 : memref<!tpu.dma_semaphore, #tpu.memory_space<semaphore_mem>>) src(%dma_wait3A_52 : memref<10240x128xf32, #tpu.memory_space<vmem_shared>>) dst(%arg8 : memref<128x128xf32, #tpu.memory_space<vmem>>)
      tpu.yield
    }) : () -> ()
    %barrier3A = arith.constant 0 : index
    tpu.barrier barrier_id(%barrier3A)
    %scan3A_19 = arith.constant 0 : i32
    %scan3A_20 = arith.constant 0 : i32
    %scan3A_21 = arith.constant 79 : i32
    %scan3A_22 = arith.addi %scan3A_20, %scan3A_21 : i32
    %scan3A_23 = arith.constant 1 : i32
    scf.for %scan3A_42 = %scan3A_20 to %scan3A_22 step %scan3A_23  : i32 {
      "tpu.region"() ({
        %run_scoped3A_43 = tpu.sem_alloc : memref<!tpu.dma_semaphore, #tpu.memory_space<semaphore_mem>>
        %dma_start3A = arith.constant 0 : i32
        %dma_start3A_44 = tpu.memref_slice %arg6[%scan3A_42, %dma_start3A] : memref<79x128xi32, #tpu.memory_space<vmem>> -> memref<1x128xi32, #tpu.memory_space<vmem>>
        %dma_start3A_45 = tpu.memref_squeeze %dma_start3A_44 : memref<1x128xi32, #tpu.memory_space<vmem>> -> memref<128xi32, #tpu.memory_space<vmem>>
        %dma_start3A_46 = arith.constant 0 : i32
        %dma_start3A_47 = arith.constant 0 : i32
        %dma_start3A_48 = tpu.memref_slice %arg2[%dma_start3A_46, %dma_start3A_47] : memref<10240x128xf32, #tpu.memory_space<hbm>> -> memref<10240x128xf32, #tpu.memory_space<hbm>>
        tpu.enqueue_indirect_dma source(%dma_start3A_48 : memref<10240x128xf32, #tpu.memory_space<hbm>>) target(%arg8 : memref<128x128xf32, #tpu.memory_space<vmem>>) offsets(%dma_start3A_45 : memref<128xi32, #tpu.memory_space<vmem>>) semaphore(%run_scoped3A_43 : memref<!tpu.dma_semaphore, #tpu.memory_space<semaphore_mem>>)
        %dma_wait3A = arith.constant 0 : i32
        %dma_wait3A_49 = tpu.memref_slice %arg6[%scan3A_42, %dma_wait3A] : memref<79x128xi32, #tpu.memory_space<vmem>> -> memref<1x128xi32, #tpu.memory_space<vmem>>
        %dma_wait3A_50 = tpu.memref_squeeze %dma_wait3A_49 : memref<1x128xi32, #tpu.memory_space<vmem>> -> memref<128xi32, #tpu.memory_space<vmem>>
        %dma_wait3A_51 = arith.constant 0 : i32
        %dma_wait3A_52 = arith.constant 0 : i32
        %dma_wait3A_53 = tpu.memref_slice %arg2[%dma_wait3A_51, %dma_wait3A_52] : memref<10240x128xf32, #tpu.memory_space<hbm>> -> memref<10240x128xf32, #tpu.memory_space<hbm>>
        tpu.wait_indirect_dma semaphore(%run_scoped3A_43 : memref<!tpu.dma_semaphore, #tpu.memory_space<semaphore_mem>>) src(%dma_wait3A_53 : memref<10240x128xf32, #tpu.memory_space<hbm>>) dst(%arg8 : memref<128x128xf32, #tpu.memory_space<vmem>>)
        tpu.yield
      }) : () -> ()
      "tpu.region"() ({
        %run_scoped3A_43 = tpu.sem_alloc : memref<!tpu.dma_semaphore, #tpu.memory_space<semaphore_mem>>
        %dma_start3A = arith.constant 0 : i32
        %dma_start3A_44 = tpu.memref_slice %arg7[%scan3A_42, %dma_start3A] : memref<79x128xi32, #tpu.memory_space<vmem>> -> memref<1x128xi32, #tpu.memory_space<vmem>>
        %dma_start3A_45 = tpu.memref_squeeze %dma_start3A_44 : memref<1x128xi32, #tpu.memory_space<vmem>> -> memref<128xi32, #tpu.memory_space<vmem>>
        %dma_start3A_46 = arith.constant 0 : i32
        %dma_start3A_47 = arith.constant 0 : i32
        %dma_start3A_48 = tpu.memref_slice %arg10[%dma_start3A_46, %dma_start3A_47] : memref<10240x128xf32, #tpu.memory_space<vmem_shared>> -> memref<10240x128xf32, #tpu.memory_space<vmem_shared>>
        tpu.enqueue_indirect_dma source(%arg8 : memref<128x128xf32, #tpu.memory_space<vmem>>) target(%dma_start3A_48 : memref<10240x128xf32, #tpu.memory_space<vmem_shared>>) offsets(%dma_start3A_45 : memref<128xi32, #tpu.memory_space<vmem>>) semaphore(%run_scoped3A_43 : memref<!tpu.dma_semaphore, #tpu.memory_space<semaphore_mem>>) {add = true}
        %dma_wait3A = arith.constant 0 : i32
        %dma_wait3A_49 = tpu.memref_slice %arg7[%scan3A_42, %dma_wait3A] : memref<79x128xi32, #tpu.memory_space<vmem>> -> memref<1x128xi32, #tpu.memory_space<vmem>>
        %dma_wait3A_50 = tpu.memref_squeeze %dma_wait3A_49 : memref<1x128xi32, #tpu.memory_space<vmem>> -> memref<128xi32, #tpu.memory_space<vmem>>
        %dma_wait3A_51 = arith.constant 0 : i32
        %dma_wait3A_52 = arith.constant 0 : i32
        %dma_wait3A_53 = tpu.memref_slice %arg10[%dma_wait3A_51, %dma_wait3A_52] : memref<10240x128xf32, #tpu.memory_space<vmem_shared>> -> memref<10240x128xf32, #tpu.memory_space<vmem_shared>>
        tpu.wait_indirect_dma semaphore(%run_scoped3A_43 : memref<!tpu.dma_semaphore, #tpu.memory_space<semaphore_mem>>) src(%arg8 : memref<128x128xf32, #tpu.memory_space<vmem>>) dst(%dma_wait3A_53 : memref<10240x128xf32, #tpu.memory_space<vmem_shared>>)
        tpu.yield
      }) : () -> ()
    }
    %scan3A_24 = arith.constant 79 : i32
    %run_scoped3A_25 = arith.constant 0 : i32
    "tpu.region"() ({
      %run_scoped3A_42 = tpu.sem_alloc : memref<!tpu.dma_semaphore, #tpu.memory_space<semaphore_mem>>
      %dma_start3A = arith.constant 0 : i32
      %dma_start3A_43 = tpu.memref_slice %arg9[%run_scoped3A_25, %dma_start3A] : memref<5x128xi32, #tpu.memory_space<vmem>> -> memref<1x128xi32, #tpu.memory_space<vmem>>
      %dma_start3A_44 = tpu.memref_squeeze %dma_start3A_43 : memref<1x128xi32, #tpu.memory_space<vmem>> -> memref<128xi32, #tpu.memory_space<vmem>>
      %dma_start3A_45 = arith.constant 0 : i32
      %dma_start3A_46 = arith.constant 0 : i32
      %dma_start3A_47 = tpu.memref_slice %arg10[%dma_start3A_45, %dma_start3A_46] : memref<10240x128xf32, #tpu.memory_space<vmem_shared>> -> memref<10240x128xf32, #tpu.memory_space<vmem_shared>>
      tpu.enqueue_indirect_dma source(%dma_start3A_47 : memref<10240x128xf32, #tpu.memory_space<vmem_shared>>) target(%arg8 : memref<128x128xf32, #tpu.memory_space<vmem>>) offsets(%dma_start3A_44 : memref<128xi32, #tpu.memory_space<vmem>>) semaphore(%run_scoped3A_42 : memref<!tpu.dma_semaphore, #tpu.memory_space<semaphore_mem>>)
      %dma_wait3A = arith.constant 0 : i32
      %dma_wait3A_48 = tpu.memref_slice %arg9[%run_scoped3A_25, %dma_wait3A] : memref<5x128xi32, #tpu.memory_space<vmem>> -> memref<1x128xi32, #tpu.memory_space<vmem>>
      %dma_wait3A_49 = tpu.memref_squeeze %dma_wait3A_48 : memref<1x128xi32, #tpu.memory_space<vmem>> -> memref<128xi32, #tpu.memory_space<vmem>>
      %dma_wait3A_50 = arith.constant 0 : i32
      %dma_wait3A_51 = arith.constant 0 : i32
      %dma_wait3A_52 = tpu.memref_slice %arg10[%dma_wait3A_50, %dma_wait3A_51] : memref<10240x128xf32, #tpu.memory_space<vmem_shared>> -> memref<10240x128xf32, #tpu.memory_space<vmem_shared>>
      tpu.wait_indirect_dma semaphore(%run_scoped3A_42 : memref<!tpu.dma_semaphore, #tpu.memory_space<semaphore_mem>>) src(%dma_wait3A_52 : memref<10240x128xf32, #tpu.memory_space<vmem_shared>>) dst(%arg8 : memref<128x128xf32, #tpu.memory_space<vmem>>)
      tpu.yield
    }) : () -> ()
    %barrier3A_26 = arith.constant 0 : index
    tpu.barrier barrier_id(%barrier3A_26)
    %run_scoped3A_27 = arith.constant 0 : i32
    "tpu.region"() ({
      %run_scoped3A_42 = tpu.sem_alloc : memref<!tpu.dma_semaphore, #tpu.memory_space<semaphore_mem>>
      %dma_start3A = arith.constant 0 : i32
      %dma_start3A_43 = tpu.memref_slice %arg9[%run_scoped3A_27, %dma_start3A] : memref<5x128xi32, #tpu.memory_space<vmem>> -> memref<1x128xi32, #tpu.memory_space<vmem>>
      %dma_start3A_44 = tpu.memref_squeeze %dma_start3A_43 : memref<1x128xi32, #tpu.memory_space<vmem>> -> memref<128xi32, #tpu.memory_space<vmem>>
      %dma_start3A_45 = arith.constant 0 : i32
      %dma_start3A_46 = arith.constant 0 : i32
      %dma_start3A_47 = tpu.memref_slice %arg10[%dma_start3A_45, %dma_start3A_46] : memref<10240x128xf32, #tpu.memory_space<vmem_shared>> -> memref<10240x128xf32, #tpu.memory_space<vmem_shared>>
      tpu.enqueue_indirect_dma source(%dma_start3A_47 : memref<10240x128xf32, #tpu.memory_space<vmem_shared>>) target(%arg8 : memref<128x128xf32, #tpu.memory_space<vmem>>) offsets(%dma_start3A_44 : memref<128xi32, #tpu.memory_space<vmem>>) semaphore(%run_scoped3A_42 : memref<!tpu.dma_semaphore, #tpu.memory_space<semaphore_mem>>)
      %dma_wait3A = arith.constant 0 : i32
      %dma_wait3A_48 = tpu.memref_slice %arg9[%run_scoped3A_27, %dma_wait3A] : memref<5x128xi32, #tpu.memory_space<vmem>> -> memref<1x128xi32, #tpu.memory_space<vmem>>
      %dma_wait3A_49 = tpu.memref_squeeze %dma_wait3A_48 : memref<1x128xi32, #tpu.memory_space<vmem>> -> memref<128xi32, #tpu.memory_space<vmem>>
      %dma_wait3A_50 = arith.constant 0 : i32
      %dma_wait3A_51 = arith.constant 0 : i32
      %dma_wait3A_52 = tpu.memref_slice %arg10[%dma_wait3A_50, %dma_wait3A_51] : memref<10240x128xf32, #tpu.memory_space<vmem_shared>> -> memref<10240x128xf32, #tpu.memory_space<vmem_shared>>
      tpu.wait_indirect_dma semaphore(%run_scoped3A_42 : memref<!tpu.dma_semaphore, #tpu.memory_space<semaphore_mem>>) src(%dma_wait3A_52 : memref<10240x128xf32, #tpu.memory_space<vmem_shared>>) dst(%arg8 : memref<128x128xf32, #tpu.memory_space<vmem>>)
      tpu.yield
    }) : () -> ()
    %add3A_28 = arith.constant 0 : i32
    %add3A_29 = arith.addi %mul3A_7, %add3A_28 : i32
    "tpu.region"() ({
      %run_scoped3A_42 = tpu.sem_alloc : memref<!tpu.dma_semaphore, #tpu.memory_space<semaphore_mem>>
      %dma_start3A = arith.constant 0 : i32
      %dma_start3A_43 = tpu.memref_slice %arg5[%arg0, %add3A_29, %dma_start3A] : memref<2x10240x128xf32, #tpu.memory_space<hbm>> -> memref<1x128x128xf32, #tpu.memory_space<hbm>>
      %dma_start3A_44 = tpu.memref_squeeze %dma_start3A_43 : memref<1x128x128xf32, #tpu.memory_space<hbm>> -> memref<128x128xf32, #tpu.memory_space<hbm>>
      %dma_start3A_45 = arith.constant 0 : i32
      %dma_start3A_46 = tpu.memref_slice %arg5[%arg0, %add3A_29, %dma_start3A_45] : memref<2x10240x128xf32, #tpu.memory_space<hbm>> -> memref<1x128x128xf32, #tpu.memory_space<hbm>>
      %dma_start3A_47 = tpu.memref_squeeze %dma_start3A_46 : memref<1x128x128xf32, #tpu.memory_space<hbm>> -> memref<128x128xf32, #tpu.memory_space<hbm>>
      tpu.enqueue_dma source(%arg8 : memref<128x128xf32, #tpu.memory_space<vmem>>) target(%dma_start3A_47 : memref<128x128xf32, #tpu.memory_space<hbm>>) target_semaphore(%run_scoped3A_42 : memref<!tpu.dma_semaphore, #tpu.memory_space<semaphore_mem>>)
      %dma_wait3A = arith.constant 0 : i32
      %dma_wait3A_48 = tpu.memref_slice %arg5[%arg0, %add3A_29, %dma_wait3A] : memref<2x10240x128xf32, #tpu.memory_space<hbm>> -> memref<1x128x128xf32, #tpu.memory_space<hbm>>
      %dma_wait3A_49 = tpu.memref_squeeze %dma_wait3A_48 : memref<1x128x128xf32, #tpu.memory_space<hbm>> -> memref<128x128xf32, #tpu.memory_space<hbm>>
      %dma_wait3A_50 = arith.constant 0 : i32
      %dma_wait3A_51 = tpu.memref_slice %arg5[%arg0, %add3A_29, %dma_wait3A_50] : memref<2x10240x128xf32, #tpu.memory_space<hbm>> -> memref<1x128x128xf32, #tpu.memory_space<hbm>>
      %dma_wait3A_52 = tpu.memref_squeeze %dma_wait3A_51 : memref<1x128x128xf32, #tpu.memory_space<hbm>> -> memref<128x128xf32, #tpu.memory_space<hbm>>
      tpu.wait_dma2 semaphore(%run_scoped3A_42 : memref<!tpu.dma_semaphore, #tpu.memory_space<semaphore_mem>>) src(%arg8 : memref<128x128xf32, #tpu.memory_space<vmem>>) dst(%dma_wait3A_52 : memref<128x128xf32, #tpu.memory_space<hbm>>)
      tpu.yield
    }) : () -> ()
    %run_scoped3A_30 = arith.constant 1 : i32
    "tpu.region"() ({
      %run_scoped3A_42 = tpu.sem_alloc : memref<!tpu.dma_semaphore, #tpu.memory_space<semaphore_mem>>
      %dma_start3A = arith.constant 0 : i32
      %dma_start3A_43 = tpu.memref_slice %arg9[%run_scoped3A_30, %dma_start3A] : memref<5x128xi32, #tpu.memory_space<vmem>> -> memref<1x128xi32, #tpu.memory_space<vmem>>
      %dma_start3A_44 = tpu.memref_squeeze %dma_start3A_43 : memref<1x128xi32, #tpu.memory_space<vmem>> -> memref<128xi32, #tpu.memory_space<vmem>>
      %dma_start3A_45 = arith.constant 0 : i32
      %dma_start3A_46 = arith.constant 0 : i32
      %dma_start3A_47 = tpu.memref_slice %arg10[%dma_start3A_45, %dma_start3A_46] : memref<10240x128xf32, #tpu.memory_space<vmem_shared>> -> memref<10240x128xf32, #tpu.memory_space<vmem_shared>>
      tpu.enqueue_indirect_dma source(%dma_start3A_47 : memref<10240x128xf32, #tpu.memory_space<vmem_shared>>) target(%arg8 : memref<128x128xf32, #tpu.memory_space<vmem>>) offsets(%dma_start3A_44 : memref<128xi32, #tpu.memory_space<vmem>>) semaphore(%run_scoped3A_42 : memref<!tpu.dma_semaphore, #tpu.memory_space<semaphore_mem>>)
      %dma_wait3A = arith.constant 0 : i32
      %dma_wait3A_48 = tpu.memref_slice %arg9[%run_scoped3A_30, %dma_wait3A] : memref<5x128xi32, #tpu.memory_space<vmem>> -> memref<1x128xi32, #tpu.memory_space<vmem>>
      %dma_wait3A_49 = tpu.memref_squeeze %dma_wait3A_48 : memref<1x128xi32, #tpu.memory_space<vmem>> -> memref<128xi32, #tpu.memory_space<vmem>>
      %dma_wait3A_50 = arith.constant 0 : i32
      %dma_wait3A_51 = arith.constant 0 : i32
      %dma_wait3A_52 = tpu.memref_slice %arg10[%dma_wait3A_50, %dma_wait3A_51] : memref<10240x128xf32, #tpu.memory_space<vmem_shared>> -> memref<10240x128xf32, #tpu.memory_space<vmem_shared>>
      tpu.wait_indirect_dma semaphore(%run_scoped3A_42 : memref<!tpu.dma_semaphore, #tpu.memory_space<semaphore_mem>>) src(%dma_wait3A_52 : memref<10240x128xf32, #tpu.memory_space<vmem_shared>>) dst(%arg8 : memref<128x128xf32, #tpu.memory_space<vmem>>)
      tpu.yield
    }) : () -> ()
    %add3A_31 = arith.constant 128 : i32
    %add3A_32 = arith.addi %mul3A_7, %add3A_31 : i32
    "tpu.region"() ({
      %run_scoped3A_42 = tpu.sem_alloc : memref<!tpu.dma_semaphore, #tpu.memory_space<semaphore_mem>>
      %dma_start3A = arith.constant 0 : i32
      %dma_start3A_43 = tpu.memref_slice %arg5[%arg0, %add3A_32, %dma_start3A] : memref<2x10240x128xf32, #tpu.memory_space<hbm>> -> memref<1x128x128xf32, #tpu.memory_space<hbm>>
      %dma_start3A_44 = tpu.memref_squeeze %dma_start3A_43 : memref<1x128x128xf32, #tpu.memory_space<hbm>> -> memref<128x128xf32, #tpu.memory_space<hbm>>
      %dma_start3A_45 = arith.constant 0 : i32
      %dma_start3A_46 = tpu.memref_slice %arg5[%arg0, %add3A_32, %dma_start3A_45] : memref<2x10240x128xf32, #tpu.memory_space<hbm>> -> memref<1x128x128xf32, #tpu.memory_space<hbm>>
      %dma_start3A_47 = tpu.memref_squeeze %dma_start3A_46 : memref<1x128x128xf32, #tpu.memory_space<hbm>> -> memref<128x128xf32, #tpu.memory_space<hbm>>
      tpu.enqueue_dma source(%arg8 : memref<128x128xf32, #tpu.memory_space<vmem>>) target(%dma_start3A_47 : memref<128x128xf32, #tpu.memory_space<hbm>>) target_semaphore(%run_scoped3A_42 : memref<!tpu.dma_semaphore, #tpu.memory_space<semaphore_mem>>)
      %dma_wait3A = arith.constant 0 : i32
      %dma_wait3A_48 = tpu.memref_slice %arg5[%arg0, %add3A_32, %dma_wait3A] : memref<2x10240x128xf32, #tpu.memory_space<hbm>> -> memref<1x128x128xf32, #tpu.memory_space<hbm>>
      %dma_wait3A_49 = tpu.memref_squeeze %dma_wait3A_48 : memref<1x128x128xf32, #tpu.memory_space<hbm>> -> memref<128x128xf32, #tpu.memory_space<hbm>>
      %dma_wait3A_50 = arith.constant 0 : i32
      %dma_wait3A_51 = tpu.memref_slice %arg5[%arg0, %add3A_32, %dma_wait3A_50] : memref<2x10240x128xf32, #tpu.memory_space<hbm>> -> memref<1x128x128xf32, #tpu.memory_space<hbm>>
      %dma_wait3A_52 = tpu.memref_squeeze %dma_wait3A_51 : memref<1x128x128xf32, #tpu.memory_space<hbm>> -> memref<128x128xf32, #tpu.memory_space<hbm>>
      tpu.wait_dma2 semaphore(%run_scoped3A_42 : memref<!tpu.dma_semaphore, #tpu.memory_space<semaphore_mem>>) src(%arg8 : memref<128x128xf32, #tpu.memory_space<vmem>>) dst(%dma_wait3A_52 : memref<128x128xf32, #tpu.memory_space<hbm>>)
      tpu.yield
    }) : () -> ()
    %run_scoped3A_33 = arith.constant 2 : i32
    "tpu.region"() ({
      %run_scoped3A_42 = tpu.sem_alloc : memref<!tpu.dma_semaphore, #tpu.memory_space<semaphore_mem>>
      %dma_start3A = arith.constant 0 : i32
      %dma_start3A_43 = tpu.memref_slice %arg9[%run_scoped3A_33, %dma_start3A] : memref<5x128xi32, #tpu.memory_space<vmem>> -> memref<1x128xi32, #tpu.memory_space<vmem>>
      %dma_start3A_44 = tpu.memref_squeeze %dma_start3A_43 : memref<1x128xi32, #tpu.memory_space<vmem>> -> memref<128xi32, #tpu.memory_space<vmem>>
      %dma_start3A_45 = arith.constant 0 : i32
      %dma_start3A_46 = arith.constant 0 : i32
      %dma_start3A_47 = tpu.memref_slice %arg10[%dma_start3A_45, %dma_start3A_46] : memref<10240x128xf32, #tpu.memory_space<vmem_shared>> -> memref<10240x128xf32, #tpu.memory_space<vmem_shared>>
      tpu.enqueue_indirect_dma source(%dma_start3A_47 : memref<10240x128xf32, #tpu.memory_space<vmem_shared>>) target(%arg8 : memref<128x128xf32, #tpu.memory_space<vmem>>) offsets(%dma_start3A_44 : memref<128xi32, #tpu.memory_space<vmem>>) semaphore(%run_scoped3A_42 : memref<!tpu.dma_semaphore, #tpu.memory_space<semaphore_mem>>)
      %dma_wait3A = arith.constant 0 : i32
      %dma_wait3A_48 = tpu.memref_slice %arg9[%run_scoped3A_33, %dma_wait3A] : memref<5x128xi32, #tpu.memory_space<vmem>> -> memref<1x128xi32, #tpu.memory_space<vmem>>
      %dma_wait3A_49 = tpu.memref_squeeze %dma_wait3A_48 : memref<1x128xi32, #tpu.memory_space<vmem>> -> memref<128xi32, #tpu.memory_space<vmem>>
      %dma_wait3A_50 = arith.constant 0 : i32
      %dma_wait3A_51 = arith.constant 0 : i32
      %dma_wait3A_52 = tpu.memref_slice %arg10[%dma_wait3A_50, %dma_wait3A_51] : memref<10240x128xf32, #tpu.memory_space<vmem_shared>> -> memref<10240x128xf32, #tpu.memory_space<vmem_shared>>
      tpu.wait_indirect_dma semaphore(%run_scoped3A_42 : memref<!tpu.dma_semaphore, #tpu.memory_space<semaphore_mem>>) src(%dma_wait3A_52 : memref<10240x128xf32, #tpu.memory_space<vmem_shared>>) dst(%arg8 : memref<128x128xf32, #tpu.memory_space<vmem>>)
      tpu.yield
    }) : () -> ()
    %add3A_34 = arith.constant 256 : i32
    %add3A_35 = arith.addi %mul3A_7, %add3A_34 : i32
    "tpu.region"() ({
      %run_scoped3A_42 = tpu.sem_alloc : memref<!tpu.dma_semaphore, #tpu.memory_space<semaphore_mem>>
      %dma_start3A = arith.constant 0 : i32
      %dma_start3A_43 = tpu.memref_slice %arg5[%arg0, %add3A_35, %dma_start3A] : memref<2x10240x128xf32, #tpu.memory_space<hbm>> -> memref<1x128x128xf32, #tpu.memory_space<hbm>>
      %dma_start3A_44 = tpu.memref_squeeze %dma_start3A_43 : memref<1x128x128xf32, #tpu.memory_space<hbm>> -> memref<128x128xf32, #tpu.memory_space<hbm>>
      %dma_start3A_45 = arith.constant 0 : i32
      %dma_start3A_46 = tpu.memref_slice %arg5[%arg0, %add3A_35, %dma_start3A_45] : memref<2x10240x128xf32, #tpu.memory_space<hbm>> -> memref<1x128x128xf32, #tpu.memory_space<hbm>>
      %dma_start3A_47 = tpu.memref_squeeze %dma_start3A_46 : memref<1x128x128xf32, #tpu.memory_space<hbm>> -> memref<128x128xf32, #tpu.memory_space<hbm>>
      tpu.enqueue_dma source(%arg8 : memref<128x128xf32, #tpu.memory_space<vmem>>) target(%dma_start3A_47 : memref<128x128xf32, #tpu.memory_space<hbm>>) target_semaphore(%run_scoped3A_42 : memref<!tpu.dma_semaphore, #tpu.memory_space<semaphore_mem>>)
      %dma_wait3A = arith.constant 0 : i32
      %dma_wait3A_48 = tpu.memref_slice %arg5[%arg0, %add3A_35, %dma_wait3A] : memref<2x10240x128xf32, #tpu.memory_space<hbm>> -> memref<1x128x128xf32, #tpu.memory_space<hbm>>
      %dma_wait3A_49 = tpu.memref_squeeze %dma_wait3A_48 : memref<1x128x128xf32, #tpu.memory_space<hbm>> -> memref<128x128xf32, #tpu.memory_space<hbm>>
      %dma_wait3A_50 = arith.constant 0 : i32
      %dma_wait3A_51 = tpu.memref_slice %arg5[%arg0, %add3A_35, %dma_wait3A_50] : memref<2x10240x128xf32, #tpu.memory_space<hbm>> -> memref<1x128x128xf32, #tpu.memory_space<hbm>>
      %dma_wait3A_52 = tpu.memref_squeeze %dma_wait3A_51 : memref<1x128x128xf32, #tpu.memory_space<hbm>> -> memref<128x128xf32, #tpu.memory_space<hbm>>
      tpu.wait_dma2 semaphore(%run_scoped3A_42 : memref<!tpu.dma_semaphore, #tpu.memory_space<semaphore_mem>>) src(%arg8 : memref<128x128xf32, #tpu.memory_space<vmem>>) dst(%dma_wait3A_52 : memref<128x128xf32, #tpu.memory_space<hbm>>)
      tpu.yield
    }) : () -> ()
    %run_scoped3A_36 = arith.constant 3 : i32
    "tpu.region"() ({
      %run_scoped3A_42 = tpu.sem_alloc : memref<!tpu.dma_semaphore, #tpu.memory_space<semaphore_mem>>
      %dma_start3A = arith.constant 0 : i32
      %dma_start3A_43 = tpu.memref_slice %arg9[%run_scoped3A_36, %dma_start3A] : memref<5x128xi32, #tpu.memory_space<vmem>> -> memref<1x128xi32, #tpu.memory_space<vmem>>
      %dma_start3A_44 = tpu.memref_squeeze %dma_start3A_43 : memref<1x128xi32, #tpu.memory_space<vmem>> -> memref<128xi32, #tpu.memory_space<vmem>>
      %dma_start3A_45 = arith.constant 0 : i32
      %dma_start3A_46 = arith.constant 0 : i32
      %dma_start3A_47 = tpu.memref_slice %arg10[%dma_start3A_45, %dma_start3A_46] : memref<10240x128xf32, #tpu.memory_space<vmem_shared>> -> memref<10240x128xf32, #tpu.memory_space<vmem_shared>>
      tpu.enqueue_indirect_dma source(%dma_start3A_47 : memref<10240x128xf32, #tpu.memory_space<vmem_shared>>) target(%arg8 : memref<128x128xf32, #tpu.memory_space<vmem>>) offsets(%dma_start3A_44 : memref<128xi32, #tpu.memory_space<vmem>>) semaphore(%run_scoped3A_42 : memref<!tpu.dma_semaphore, #tpu.memory_space<semaphore_mem>>)
      %dma_wait3A = arith.constant 0 : i32
      %dma_wait3A_48 = tpu.memref_slice %arg9[%run_scoped3A_36, %dma_wait3A] : memref<5x128xi32, #tpu.memory_space<vmem>> -> memref<1x128xi32, #tpu.memory_space<vmem>>
      %dma_wait3A_49 = tpu.memref_squeeze %dma_wait3A_48 : memref<1x128xi32, #tpu.memory_space<vmem>> -> memref<128xi32, #tpu.memory_space<vmem>>
      %dma_wait3A_50 = arith.constant 0 : i32
      %dma_wait3A_51 = arith.constant 0 : i32
      %dma_wait3A_52 = tpu.memref_slice %arg10[%dma_wait3A_50, %dma_wait3A_51] : memref<10240x128xf32, #tpu.memory_space<vmem_shared>> -> memref<10240x128xf32, #tpu.memory_space<vmem_shared>>
      tpu.wait_indirect_dma semaphore(%run_scoped3A_42 : memref<!tpu.dma_semaphore, #tpu.memory_space<semaphore_mem>>) src(%dma_wait3A_52 : memref<10240x128xf32, #tpu.memory_space<vmem_shared>>) dst(%arg8 : memref<128x128xf32, #tpu.memory_space<vmem>>)
      tpu.yield
    }) : () -> ()
    %add3A_37 = arith.constant 384 : i32
    %add3A_38 = arith.addi %mul3A_7, %add3A_37 : i32
    "tpu.region"() ({
      %run_scoped3A_42 = tpu.sem_alloc : memref<!tpu.dma_semaphore, #tpu.memory_space<semaphore_mem>>
      %dma_start3A = arith.constant 0 : i32
      %dma_start3A_43 = tpu.memref_slice %arg5[%arg0, %add3A_38, %dma_start3A] : memref<2x10240x128xf32, #tpu.memory_space<hbm>> -> memref<1x128x128xf32, #tpu.memory_space<hbm>>
      %dma_start3A_44 = tpu.memref_squeeze %dma_start3A_43 : memref<1x128x128xf32, #tpu.memory_space<hbm>> -> memref<128x128xf32, #tpu.memory_space<hbm>>
      %dma_start3A_45 = arith.constant 0 : i32
      %dma_start3A_46 = tpu.memref_slice %arg5[%arg0, %add3A_38, %dma_start3A_45] : memref<2x10240x128xf32, #tpu.memory_space<hbm>> -> memref<1x128x128xf32, #tpu.memory_space<hbm>>
      %dma_start3A_47 = tpu.memref_squeeze %dma_start3A_46 : memref<1x128x128xf32, #tpu.memory_space<hbm>> -> memref<128x128xf32, #tpu.memory_space<hbm>>
      tpu.enqueue_dma source(%arg8 : memref<128x128xf32, #tpu.memory_space<vmem>>) target(%dma_start3A_47 : memref<128x128xf32, #tpu.memory_space<hbm>>) target_semaphore(%run_scoped3A_42 : memref<!tpu.dma_semaphore, #tpu.memory_space<semaphore_mem>>)
      %dma_wait3A = arith.constant 0 : i32
      %dma_wait3A_48 = tpu.memref_slice %arg5[%arg0, %add3A_38, %dma_wait3A] : memref<2x10240x128xf32, #tpu.memory_space<hbm>> -> memref<1x128x128xf32, #tpu.memory_space<hbm>>
      %dma_wait3A_49 = tpu.memref_squeeze %dma_wait3A_48 : memref<1x128x128xf32, #tpu.memory_space<hbm>> -> memref<128x128xf32, #tpu.memory_space<hbm>>
      %dma_wait3A_50 = arith.constant 0 : i32
      %dma_wait3A_51 = tpu.memref_slice %arg5[%arg0, %add3A_38, %dma_wait3A_50] : memref<2x10240x128xf32, #tpu.memory_space<hbm>> -> memref<1x128x128xf32, #tpu.memory_space<hbm>>
      %dma_wait3A_52 = tpu.memref_squeeze %dma_wait3A_51 : memref<1x128x128xf32, #tpu.memory_space<hbm>> -> memref<128x128xf32, #tpu.memory_space<hbm>>
      tpu.wait_dma2 semaphore(%run_scoped3A_42 : memref<!tpu.dma_semaphore, #tpu.memory_space<semaphore_mem>>) src(%arg8 : memref<128x128xf32, #tpu.memory_space<vmem>>) dst(%dma_wait3A_52 : memref<128x128xf32, #tpu.memory_space<hbm>>)
      tpu.yield
    }) : () -> ()
    %run_scoped3A_39 = arith.constant 4 : i32
    "tpu.region"() ({
      %run_scoped3A_42 = tpu.sem_alloc : memref<!tpu.dma_semaphore, #tpu.memory_space<semaphore_mem>>
      %dma_start3A = arith.constant 0 : i32
      %dma_start3A_43 = tpu.memref_slice %arg9[%run_scoped3A_39, %dma_start3A] : memref<5x128xi32, #tpu.memory_space<vmem>> -> memref<1x128xi32, #tpu.memory_space<vmem>>
      %dma_start3A_44 = tpu.memref_squeeze %dma_start3A_43 : memref<1x128xi32, #tpu.memory_space<vmem>> -> memref<128xi32, #tpu.memory_space<vmem>>
      %dma_start3A_45 = arith.constant 0 : i32
      %dma_start3A_46 = arith.constant 0 : i32
      %dma_start3A_47 = tpu.memref_slice %arg10[%dma_start3A_45, %dma_start3A_46] : memref<10240x128xf32, #tpu.memory_space<vmem_shared>> -> memref<10240x128xf32, #tpu.memory_space<vmem_shared>>
      tpu.enqueue_indirect_dma source(%dma_start3A_47 : memref<10240x128xf32, #tpu.memory_space<vmem_shared>>) target(%arg8 : memref<128x128xf32, #tpu.memory_space<vmem>>) offsets(%dma_start3A_44 : memref<128xi32, #tpu.memory_space<vmem>>) semaphore(%run_scoped3A_42 : memref<!tpu.dma_semaphore, #tpu.memory_space<semaphore_mem>>)
      %dma_wait3A = arith.constant 0 : i32
      %dma_wait3A_48 = tpu.memref_slice %arg9[%run_scoped3A_39, %dma_wait3A] : memref<5x128xi32, #tpu.memory_space<vmem>> -> memref<1x128xi32, #tpu.memory_space<vmem>>
      %dma_wait3A_49 = tpu.memref_squeeze %dma_wait3A_48 : memref<1x128xi32, #tpu.memory_space<vmem>> -> memref<128xi32, #tpu.memory_space<vmem>>
      %dma_wait3A_50 = arith.constant 0 : i32
      %dma_wait3A_51 = arith.constant 0 : i32
      %dma_wait3A_52 = tpu.memref_slice %arg10[%dma_wait3A_50, %dma_wait3A_51] : memref<10240x128xf32, #tpu.memory_space<vmem_shared>> -> memref<10240x128xf32, #tpu.memory_space<vmem_shared>>
      tpu.wait_indirect_dma semaphore(%run_scoped3A_42 : memref<!tpu.dma_semaphore, #tpu.memory_space<semaphore_mem>>) src(%dma_wait3A_52 : memref<10240x128xf32, #tpu.memory_space<vmem_shared>>) dst(%arg8 : memref<128x128xf32, #tpu.memory_space<vmem>>)
      tpu.yield
    }) : () -> ()
    %add3A_40 = arith.constant 512 : i32
    %add3A_41 = arith.addi %mul3A_7, %add3A_40 : i32
    "tpu.region"() ({
      %run_scoped3A_42 = tpu.sem_alloc : memref<!tpu.dma_semaphore, #tpu.memory_space<semaphore_mem>>
      %dma_start3A = arith.constant 0 : i32
      %dma_start3A_43 = tpu.memref_slice %arg5[%arg0, %add3A_41, %dma_start3A] : memref<2x10240x128xf32, #tpu.memory_space<hbm>> -> memref<1x128x128xf32, #tpu.memory_space<hbm>>
      %dma_start3A_44 = tpu.memref_squeeze %dma_start3A_43 : memref<1x128x128xf32, #tpu.memory_space<hbm>> -> memref<128x128xf32, #tpu.memory_space<hbm>>
      %dma_start3A_45 = arith.constant 0 : i32
      %dma_start3A_46 = tpu.memref_slice %arg5[%arg0, %add3A_41, %dma_start3A_45] : memref<2x10240x128xf32, #tpu.memory_space<hbm>> -> memref<1x128x128xf32, #tpu.memory_space<hbm>>
      %dma_start3A_47 = tpu.memref_squeeze %dma_start3A_46 : memref<1x128x128xf32, #tpu.memory_space<hbm>> -> memref<128x128xf32, #tpu.memory_space<hbm>>
      tpu.enqueue_dma source(%arg8 : memref<128x128xf32, #tpu.memory_space<vmem>>) target(%dma_start3A_47 : memref<128x128xf32, #tpu.memory_space<hbm>>) target_semaphore(%run_scoped3A_42 : memref<!tpu.dma_semaphore, #tpu.memory_space<semaphore_mem>>)
      %dma_wait3A = arith.constant 0 : i32
      %dma_wait3A_48 = tpu.memref_slice %arg5[%arg0, %add3A_41, %dma_wait3A] : memref<2x10240x128xf32, #tpu.memory_space<hbm>> -> memref<1x128x128xf32, #tpu.memory_space<hbm>>
      %dma_wait3A_49 = tpu.memref_squeeze %dma_wait3A_48 : memref<1x128x128xf32, #tpu.memory_space<hbm>> -> memref<128x128xf32, #tpu.memory_space<hbm>>
      %dma_wait3A_50 = arith.constant 0 : i32
      %dma_wait3A_51 = tpu.memref_slice %arg5[%arg0, %add3A_41, %dma_wait3A_50] : memref<2x10240x128xf32, #tpu.memory_space<hbm>> -> memref<1x128x128xf32, #tpu.memory_space<hbm>>
      %dma_wait3A_52 = tpu.memref_squeeze %dma_wait3A_51 : memref<1x128x128xf32, #tpu.memory_space<hbm>> -> memref<128x128xf32, #tpu.memory_space<hbm>>
      tpu.wait_dma2 semaphore(%run_scoped3A_42 : memref<!tpu.dma_semaphore, #tpu.memory_space<semaphore_mem>>) src(%arg8 : memref<128x128xf32, #tpu.memory_space<vmem>>) dst(%dma_wait3A_52 : memref<128x128xf32, #tpu.memory_space<hbm>>)
      tpu.yield
    }) : () -> ()
    return
  }
}

#map = affine_map<(d0, d1) -> (0, 0, 0)>
module attributes {stable_mosaic.version = 14 : i64} {
  func.func @_sc_counts(%arg0: i32, %arg1: i32, %arg2: memref<32x79x128xi32, #tpu.memory_space<hbm>>, %arg3: memref<2x10240x16xf32, #tpu.memory_space<hbm>>, %arg4: memref<128x16xf32, #tpu.memory_space<vmem>>, %arg5: memref<128x16xf32, #tpu.memory_space<vmem>>, %arg6: memref<79x128xi32, #tpu.memory_space<vmem>>, %arg7: memref<5x128xi32, #tpu.memory_space<vmem>>, %arg8: memref<10240x16xf32, #tpu.memory_space<vmem_shared>>) attributes {dimension_semantics = [#tpu.dimension_semantics<core_parallel>, #tpu.dimension_semantics<subcore_parallel>], iteration_bounds = array<i64: 2, 16>, scalar_prefetch = 0 : i64, scratch_operands = 5 : i64, tpu.core_type = #tpu.core_type<sc_vector_subcore>, window_params = [{transform_indices = #map}, {transform_indices = #map}]} {
    %mul3A = arith.constant 16 : i32
    %mul3A_0 = arith.muli %arg0, %mul3A : i32
    %add3A = arith.addi %mul3A_0, %arg1 : i32
    "tpu.region"() ({
      %run_scoped3A_42 = tpu.sem_alloc : memref<!tpu.dma_semaphore, #tpu.memory_space<semaphore_mem>>
      %dma_start3A = arith.constant 0 : i32
      %dma_start3A_43 = arith.constant 0 : i32
      %dma_start3A_44 = tpu.memref_slice %arg2[%add3A, %dma_start3A, %dma_start3A_43] : memref<32x79x128xi32, #tpu.memory_space<hbm>> -> memref<1x79x128xi32, #tpu.memory_space<hbm>>
      %dma_start3A_45 = tpu.memref_squeeze %dma_start3A_44 : memref<1x79x128xi32, #tpu.memory_space<hbm>> -> memref<79x128xi32, #tpu.memory_space<hbm>>
      %dma_start3A_46 = arith.constant 0 : i32
      %dma_start3A_47 = arith.constant 0 : i32
      %dma_start3A_48 = tpu.memref_slice %arg2[%add3A, %dma_start3A_46, %dma_start3A_47] : memref<32x79x128xi32, #tpu.memory_space<hbm>> -> memref<1x79x128xi32, #tpu.memory_space<hbm>>
      %dma_start3A_49 = tpu.memref_squeeze %dma_start3A_48 : memref<1x79x128xi32, #tpu.memory_space<hbm>> -> memref<79x128xi32, #tpu.memory_space<hbm>>
      tpu.enqueue_dma source(%dma_start3A_49 : memref<79x128xi32, #tpu.memory_space<hbm>>) target(%arg6 : memref<79x128xi32, #tpu.memory_space<vmem>>) target_semaphore(%run_scoped3A_42 : memref<!tpu.dma_semaphore, #tpu.memory_space<semaphore_mem>>)
      %dma_wait3A = arith.constant 0 : i32
      %dma_wait3A_50 = arith.constant 0 : i32
      %dma_wait3A_51 = tpu.memref_slice %arg2[%add3A, %dma_wait3A, %dma_wait3A_50] : memref<32x79x128xi32, #tpu.memory_space<hbm>> -> memref<1x79x128xi32, #tpu.memory_space<hbm>>
      %dma_wait3A_52 = tpu.memref_squeeze %dma_wait3A_51 : memref<1x79x128xi32, #tpu.memory_space<hbm>> -> memref<79x128xi32, #tpu.memory_space<hbm>>
      %dma_wait3A_53 = arith.constant 0 : i32
      %dma_wait3A_54 = arith.constant 0 : i32
      %dma_wait3A_55 = tpu.memref_slice %arg2[%add3A, %dma_wait3A_53, %dma_wait3A_54] : memref<32x79x128xi32, #tpu.memory_space<hbm>> -> memref<1x79x128xi32, #tpu.memory_space<hbm>>
      %dma_wait3A_56 = tpu.memref_squeeze %dma_wait3A_55 : memref<1x79x128xi32, #tpu.memory_space<hbm>> -> memref<79x128xi32, #tpu.memory_space<hbm>>
      tpu.wait_dma2 semaphore(%run_scoped3A_42 : memref<!tpu.dma_semaphore, #tpu.memory_space<semaphore_mem>>) src(%dma_wait3A_56 : memref<79x128xi32, #tpu.memory_space<hbm>>) dst(%arg6 : memref<79x128xi32, #tpu.memory_space<vmem>>)
      tpu.yield
    }) : () -> ()
    %scan3A = arith.constant 0 : i32
    %scan3A_1 = arith.constant 0 : i32
    %scan3A_2 = arith.constant 128 : i32
    %scan3A_3 = arith.addi %scan3A_1, %scan3A_2 : i32
    %scan3A_4 = arith.constant 1 : i32
    scf.for %scan3A_42 = %scan3A_1 to %scan3A_3 step %scan3A_4  : i32 {
      %broadcast_in_dim3A = arith.constant 0.000000e+00 : f32
      %broadcast_in_dim3A_43 = vector.broadcast %broadcast_in_dim3A : f32 to vector<16xf32>
      %swap3A = arith.index_cast %scan3A_42 : i32 to index
      %swap3A_44 = arith.constant 0 : index
      %swap3A_45 = tpu.vector_load %arg4[%swap3A, %swap3A_44] {strides = array<i32>} : memref<128x16xf32, #tpu.memory_space<vmem>>, vector<1x16xf32>,
      %swap3A_46 = vector.shape_cast %swap3A_45 : vector<1x16xf32> to vector<16xf32>
      %swap3A_47 = vector.shape_cast %broadcast_in_dim3A_43 : vector<16xf32> to vector<1x16xf32>
      tpu.vector_store %arg4[%swap3A, %swap3A_44], %swap3A_47 {strides = array<i32>} : memref<128x16xf32, #tpu.memory_space<vmem>>, vector<1x16xf32>,
      %broadcast_in_dim3A_48 = arith.constant 1.000000e+00 : f32
      %broadcast_in_dim3A_49 = vector.broadcast %broadcast_in_dim3A_48 : f32 to vector<16xf32>
      %swap3A_50 = arith.index_cast %scan3A_42 : i32 to index
      %swap3A_51 = arith.constant 0 : index
      %swap3A_52 = tpu.vector_load %arg5[%swap3A_50, %swap3A_51] {strides = array<i32>} : memref<128x16xf32, #tpu.memory_space<vmem>>, vector<1x16xf32>,
      %swap3A_53 = vector.shape_cast %swap3A_52 : vector<1x16xf32> to vector<16xf32>
      %swap3A_54 = vector.shape_cast %broadcast_in_dim3A_49 : vector<16xf32> to vector<1x16xf32>
      tpu.vector_store %arg5[%swap3A_50, %swap3A_51], %swap3A_54 {strides = array<i32>} : memref<128x16xf32, #tpu.memory_space<vmem>>, vector<1x16xf32>,
    }
    %scan3A_5 = arith.constant 128 : i32
    %mul3A_6 = arith.constant 640 : i32
    %mul3A_7 = arith.muli %arg1, %mul3A_6 : i32
    %scan3A_8 = arith.constant 0 : i32
    %scan3A_9 = arith.constant 0 : i32
    %scan3A_10 = arith.constant 40 : i32
    %scan3A_11 = arith.addi %scan3A_9, %scan3A_10 : i32
    %scan3A_12 = arith.constant 1 : i32
    scf.for %scan3A_42 = %scan3A_9 to %scan3A_11 step %scan3A_12  : i32 {
      %mul3A_43 = arith.constant 16 : i32
      %mul3A_44 = arith.muli %scan3A_42, %mul3A_43 : i32
      %add3A_45 = arith.addi %mul3A_7, %mul3A_44 : i32
      %iota3A = tpu.iota {dimensions = array<i32: 0>} : vector<16xi32>
      %add3A_46 = vector.broadcast %add3A_45 : i32 to vector<16xi32>
      %add3A_47 = arith.addi %add3A_46, %iota3A : vector<16xi32>
      %jit3A = arith.constant 8 : i32
      %div3A = arith.divsi %scan3A_42, %jit3A : i32
      %sign3A = arith.constant 0 : i32
      %sign3A_48 = arith.cmpi sgt, %scan3A_42, %sign3A : i32
      %sign3A_49 = arith.extui %sign3A_48 : i1 to i32
      %sign3A_50 = arith.constant 0 : i32
      %sign3A_51 = arith.cmpi slt, %scan3A_42, %sign3A_50 : i32
      %sign3A_52 = arith.extui %sign3A_51 : i1 to i32
      %sign3A_53 = arith.subi %sign3A_49, %sign3A_52 : i32
      %sign3A_54 = arith.constant 0 : i32
      %sign3A_55 = arith.cmpi sgt, %jit3A, %sign3A_54 : i32
      %sign3A_56 = arith.extui %sign3A_55 : i1 to i32
      %sign3A_57 = arith.constant 0 : i32
      %sign3A_58 = arith.cmpi slt, %jit3A, %sign3A_57 : i32
      %sign3A_59 = arith.extui %sign3A_58 : i1 to i32
      %sign3A_60 = arith.subi %sign3A_56, %sign3A_59 : i32
      %ne3A = arith.cmpi ne, %sign3A_53, %sign3A_60 : i32
      %rem3A = arith.remsi %scan3A_42, %jit3A : i32
      %ne3A_61 = arith.constant 0 : i32
      %ne3A_62 = arith.cmpi ne, %rem3A, %ne3A_61 : i32
      %and3A = arith.andi %ne3A, %ne3A_62 : i1
      %sub3A = arith.constant 1 : i32
      %sub3A_63 = arith.subi %div3A, %sub3A : i32
      %select_n3A = arith.select %and3A, %sub3A_63, %div3A : i32
      %jit3A_64 = arith.constant 8 : i32
      %eq3A = arith.constant 0 : i32
      %eq3A_65 = arith.cmpi eq, %jit3A_64, %eq3A : i32
      %jit3A_66 = arith.constant 1 : i32
      %select_n3A_67 = arith.select %eq3A_65, %jit3A_66, %jit3A_64 : i32
      %rem3A_68 = arith.remsi %scan3A_42, %select_n3A_67 : i32
      %ne3A_69 = arith.constant 0 : i32
      %ne3A_70 = arith.cmpi ne, %rem3A_68, %ne3A_69 : i32
      %lt3A = arith.constant 0 : i32
      %lt3A_71 = arith.cmpi slt, %rem3A_68, %lt3A : i32
      %lt3A_72 = arith.constant 0 : i32
      %lt3A_73 = arith.cmpi slt, %select_n3A_67, %lt3A_72 : i32
      %ne3A_74 = arith.xori %lt3A_71, %lt3A_73 : i1
      %and3A_75 = arith.andi %ne3A_74, %ne3A_70 : i1
      %add3A_76 = arith.addi %rem3A_68, %select_n3A_67 : i32
      %select_n3A_77 = arith.select %and3A_75, %add3A_76, %rem3A_68 : i32
      %mul3A_78 = arith.constant 16 : i32
      %mul3A_79 = arith.muli %select_n3A_77, %mul3A_78 : i32
      %swap3A = arith.index_cast %select_n3A : i32 to index
      %swap3A_80 = arith.index_cast %mul3A_79 : i32 to index
      %swap3A_81 = tpu.vector_load %arg7[%swap3A, %swap3A_80] {strides = array<i32>} : memref<5x128xi32, #tpu.memory_space<vmem>>, vector<1x16xi32>,
      %swap3A_82 = vector.shape_cast %swap3A_81 : vector<1x16xi32> to vector<16xi32>
      %swap3A_83 = vector.shape_cast %add3A_47 : vector<16xi32> to vector<1x16xi32>
      tpu.vector_store %arg7[%swap3A, %swap3A_80], %swap3A_83 {strides = array<i32>} : memref<5x128xi32, #tpu.memory_space<vmem>>, vector<1x16xi32>,
    }
    %scan3A_13 = arith.constant 40 : i32
    %run_scoped3A = arith.constant 0 : i32
    "tpu.region"() ({
      %run_scoped3A_42 = tpu.sem_alloc : memref<!tpu.dma_semaphore, #tpu.memory_space<semaphore_mem>>
      %dma_start3A = arith.constant 0 : i32
      %dma_start3A_43 = tpu.memref_slice %arg7[%run_scoped3A, %dma_start3A] : memref<5x128xi32, #tpu.memory_space<vmem>> -> memref<1x128xi32, #tpu.memory_space<vmem>>
      %dma_start3A_44 = tpu.memref_squeeze %dma_start3A_43 : memref<1x128xi32, #tpu.memory_space<vmem>> -> memref<128xi32, #tpu.memory_space<vmem>>
      %dma_start3A_45 = arith.constant 0 : i32
      %dma_start3A_46 = arith.constant 0 : i32
      %dma_start3A_47 = tpu.memref_slice %arg8[%dma_start3A_45, %dma_start3A_46] : memref<10240x16xf32, #tpu.memory_space<vmem_shared>> -> memref<10240x16xf32, #tpu.memory_space<vmem_shared>>
      tpu.enqueue_indirect_dma source(%arg4 : memref<128x16xf32, #tpu.memory_space<vmem>>) target(%dma_start3A_47 : memref<10240x16xf32, #tpu.memory_space<vmem_shared>>) offsets(%dma_start3A_44 : memref<128xi32, #tpu.memory_space<vmem>>) semaphore(%run_scoped3A_42 : memref<!tpu.dma_semaphore, #tpu.memory_space<semaphore_mem>>)
      %dma_wait3A = arith.constant 0 : i32
      %dma_wait3A_48 = tpu.memref_slice %arg7[%run_scoped3A, %dma_wait3A] : memref<5x128xi32, #tpu.memory_space<vmem>> -> memref<1x128xi32, #tpu.memory_space<vmem>>
      %dma_wait3A_49 = tpu.memref_squeeze %dma_wait3A_48 : memref<1x128xi32, #tpu.memory_space<vmem>> -> memref<128xi32, #tpu.memory_space<vmem>>
      %dma_wait3A_50 = arith.constant 0 : i32
      %dma_wait3A_51 = arith.constant 0 : i32
      %dma_wait3A_52 = tpu.memref_slice %arg8[%dma_wait3A_50, %dma_wait3A_51] : memref<10240x16xf32, #tpu.memory_space<vmem_shared>> -> memref<10240x16xf32, #tpu.memory_space<vmem_shared>>
      tpu.wait_indirect_dma semaphore(%run_scoped3A_42 : memref<!tpu.dma_semaphore, #tpu.memory_space<semaphore_mem>>) src(%arg4 : memref<128x16xf32, #tpu.memory_space<vmem>>) dst(%dma_wait3A_52 : memref<10240x16xf32, #tpu.memory_space<vmem_shared>>)
      tpu.yield
    }) : () -> ()
    %run_scoped3A_14 = arith.constant 1 : i32
    "tpu.region"() ({
      %run_scoped3A_42 = tpu.sem_alloc : memref<!tpu.dma_semaphore, #tpu.memory_space<semaphore_mem>>
      %dma_start3A = arith.constant 0 : i32
      %dma_start3A_43 = tpu.memref_slice %arg7[%run_scoped3A_14, %dma_start3A] : memref<5x128xi32, #tpu.memory_space<vmem>> -> memref<1x128xi32, #tpu.memory_space<vmem>>
      %dma_start3A_44 = tpu.memref_squeeze %dma_start3A_43 : memref<1x128xi32, #tpu.memory_space<vmem>> -> memref<128xi32, #tpu.memory_space<vmem>>
      %dma_start3A_45 = arith.constant 0 : i32
      %dma_start3A_46 = arith.constant 0 : i32
      %dma_start3A_47 = tpu.memref_slice %arg8[%dma_start3A_45, %dma_start3A_46] : memref<10240x16xf32, #tpu.memory_space<vmem_shared>> -> memref<10240x16xf32, #tpu.memory_space<vmem_shared>>
      tpu.enqueue_indirect_dma source(%arg4 : memref<128x16xf32, #tpu.memory_space<vmem>>) target(%dma_start3A_47 : memref<10240x16xf32, #tpu.memory_space<vmem_shared>>) offsets(%dma_start3A_44 : memref<128xi32, #tpu.memory_space<vmem>>) semaphore(%run_scoped3A_42 : memref<!tpu.dma_semaphore, #tpu.memory_space<semaphore_mem>>)
      %dma_wait3A = arith.constant 0 : i32
      %dma_wait3A_48 = tpu.memref_slice %arg7[%run_scoped3A_14, %dma_wait3A] : memref<5x128xi32, #tpu.memory_space<vmem>> -> memref<1x128xi32, #tpu.memory_space<vmem>>
      %dma_wait3A_49 = tpu.memref_squeeze %dma_wait3A_48 : memref<1x128xi32, #tpu.memory_space<vmem>> -> memref<128xi32, #tpu.memory_space<vmem>>
      %dma_wait3A_50 = arith.constant 0 : i32
      %dma_wait3A_51 = arith.constant 0 : i32
      %dma_wait3A_52 = tpu.memref_slice %arg8[%dma_wait3A_50, %dma_wait3A_51] : memref<10240x16xf32, #tpu.memory_space<vmem_shared>> -> memref<10240x16xf32, #tpu.memory_space<vmem_shared>>
      tpu.wait_indirect_dma semaphore(%run_scoped3A_42 : memref<!tpu.dma_semaphore, #tpu.memory_space<semaphore_mem>>) src(%arg4 : memref<128x16xf32, #tpu.memory_space<vmem>>) dst(%dma_wait3A_52 : memref<10240x16xf32, #tpu.memory_space<vmem_shared>>)
      tpu.yield
    }) : () -> ()
    %run_scoped3A_15 = arith.constant 2 : i32
    "tpu.region"() ({
      %run_scoped3A_42 = tpu.sem_alloc : memref<!tpu.dma_semaphore, #tpu.memory_space<semaphore_mem>>
      %dma_start3A = arith.constant 0 : i32
      %dma_start3A_43 = tpu.memref_slice %arg7[%run_scoped3A_15, %dma_start3A] : memref<5x128xi32, #tpu.memory_space<vmem>> -> memref<1x128xi32, #tpu.memory_space<vmem>>
      %dma_start3A_44 = tpu.memref_squeeze %dma_start3A_43 : memref<1x128xi32, #tpu.memory_space<vmem>> -> memref<128xi32, #tpu.memory_space<vmem>>
      %dma_start3A_45 = arith.constant 0 : i32
      %dma_start3A_46 = arith.constant 0 : i32
      %dma_start3A_47 = tpu.memref_slice %arg8[%dma_start3A_45, %dma_start3A_46] : memref<10240x16xf32, #tpu.memory_space<vmem_shared>> -> memref<10240x16xf32, #tpu.memory_space<vmem_shared>>
      tpu.enqueue_indirect_dma source(%arg4 : memref<128x16xf32, #tpu.memory_space<vmem>>) target(%dma_start3A_47 : memref<10240x16xf32, #tpu.memory_space<vmem_shared>>) offsets(%dma_start3A_44 : memref<128xi32, #tpu.memory_space<vmem>>) semaphore(%run_scoped3A_42 : memref<!tpu.dma_semaphore, #tpu.memory_space<semaphore_mem>>)
      %dma_wait3A = arith.constant 0 : i32
      %dma_wait3A_48 = tpu.memref_slice %arg7[%run_scoped3A_15, %dma_wait3A] : memref<5x128xi32, #tpu.memory_space<vmem>> -> memref<1x128xi32, #tpu.memory_space<vmem>>
      %dma_wait3A_49 = tpu.memref_squeeze %dma_wait3A_48 : memref<1x128xi32, #tpu.memory_space<vmem>> -> memref<128xi32, #tpu.memory_space<vmem>>
      %dma_wait3A_50 = arith.constant 0 : i32
      %dma_wait3A_51 = arith.constant 0 : i32
      %dma_wait3A_52 = tpu.memref_slice %arg8[%dma_wait3A_50, %dma_wait3A_51] : memref<10240x16xf32, #tpu.memory_space<vmem_shared>> -> memref<10240x16xf32, #tpu.memory_space<vmem_shared>>
      tpu.wait_indirect_dma semaphore(%run_scoped3A_42 : memref<!tpu.dma_semaphore, #tpu.memory_space<semaphore_mem>>) src(%arg4 : memref<128x16xf32, #tpu.memory_space<vmem>>) dst(%dma_wait3A_52 : memref<10240x16xf32, #tpu.memory_space<vmem_shared>>)
      tpu.yield
    }) : () -> ()
    %run_scoped3A_16 = arith.constant 3 : i32
    "tpu.region"() ({
      %run_scoped3A_42 = tpu.sem_alloc : memref<!tpu.dma_semaphore, #tpu.memory_space<semaphore_mem>>
      %dma_start3A = arith.constant 0 : i32
      %dma_start3A_43 = tpu.memref_slice %arg7[%run_scoped3A_16, %dma_start3A] : memref<5x128xi32, #tpu.memory_space<vmem>> -> memref<1x128xi32, #tpu.memory_space<vmem>>
      %dma_start3A_44 = tpu.memref_squeeze %dma_start3A_43 : memref<1x128xi32, #tpu.memory_space<vmem>> -> memref<128xi32, #tpu.memory_space<vmem>>
      %dma_start3A_45 = arith.constant 0 : i32
      %dma_start3A_46 = arith.constant 0 : i32
      %dma_start3A_47 = tpu.memref_slice %arg8[%dma_start3A_45, %dma_start3A_46] : memref<10240x16xf32, #tpu.memory_space<vmem_shared>> -> memref<10240x16xf32, #tpu.memory_space<vmem_shared>>
      tpu.enqueue_indirect_dma source(%arg4 : memref<128x16xf32, #tpu.memory_space<vmem>>) target(%dma_start3A_47 : memref<10240x16xf32, #tpu.memory_space<vmem_shared>>) offsets(%dma_start3A_44 : memref<128xi32, #tpu.memory_space<vmem>>) semaphore(%run_scoped3A_42 : memref<!tpu.dma_semaphore, #tpu.memory_space<semaphore_mem>>)
      %dma_wait3A = arith.constant 0 : i32
      %dma_wait3A_48 = tpu.memref_slice %arg7[%run_scoped3A_16, %dma_wait3A] : memref<5x128xi32, #tpu.memory_space<vmem>> -> memref<1x128xi32, #tpu.memory_space<vmem>>
      %dma_wait3A_49 = tpu.memref_squeeze %dma_wait3A_48 : memref<1x128xi32, #tpu.memory_space<vmem>> -> memref<128xi32, #tpu.memory_space<vmem>>
      %dma_wait3A_50 = arith.constant 0 : i32
      %dma_wait3A_51 = arith.constant 0 : i32
      %dma_wait3A_52 = tpu.memref_slice %arg8[%dma_wait3A_50, %dma_wait3A_51] : memref<10240x16xf32, #tpu.memory_space<vmem_shared>> -> memref<10240x16xf32, #tpu.memory_space<vmem_shared>>
      tpu.wait_indirect_dma semaphore(%run_scoped3A_42 : memref<!tpu.dma_semaphore, #tpu.memory_space<semaphore_mem>>) src(%arg4 : memref<128x16xf32, #tpu.memory_space<vmem>>) dst(%dma_wait3A_52 : memref<10240x16xf32, #tpu.memory_space<vmem_shared>>)
      tpu.yield
    }) : () -> ()
    %run_scoped3A_17 = arith.constant 4 : i32
    "tpu.region"() ({
      %run_scoped3A_42 = tpu.sem_alloc : memref<!tpu.dma_semaphore, #tpu.memory_space<semaphore_mem>>
      %dma_start3A = arith.constant 0 : i32
      %dma_start3A_43 = tpu.memref_slice %arg7[%run_scoped3A_17, %dma_start3A] : memref<5x128xi32, #tpu.memory_space<vmem>> -> memref<1x128xi32, #tpu.memory_space<vmem>>
      %dma_start3A_44 = tpu.memref_squeeze %dma_start3A_43 : memref<1x128xi32, #tpu.memory_space<vmem>> -> memref<128xi32, #tpu.memory_space<vmem>>
      %dma_start3A_45 = arith.constant 0 : i32
      %dma_start3A_46 = arith.constant 0 : i32
      %dma_start3A_47 = tpu.memref_slice %arg8[%dma_start3A_45, %dma_start3A_46] : memref<10240x16xf32, #tpu.memory_space<vmem_shared>> -> memref<10240x16xf32, #tpu.memory_space<vmem_shared>>
      tpu.enqueue_indirect_dma source(%arg4 : memref<128x16xf32, #tpu.memory_space<vmem>>) target(%dma_start3A_47 : memref<10240x16xf32, #tpu.memory_space<vmem_shared>>) offsets(%dma_start3A_44 : memref<128xi32, #tpu.memory_space<vmem>>) semaphore(%run_scoped3A_42 : memref<!tpu.dma_semaphore, #tpu.memory_space<semaphore_mem>>)
      %dma_wait3A = arith.constant 0 : i32
      %dma_wait3A_48 = tpu.memref_slice %arg7[%run_scoped3A_17, %dma_wait3A] : memref<5x128xi32, #tpu.memory_space<vmem>> -> memref<1x128xi32, #tpu.memory_space<vmem>>
      %dma_wait3A_49 = tpu.memref_squeeze %dma_wait3A_48 : memref<1x128xi32, #tpu.memory_space<vmem>> -> memref<128xi32, #tpu.memory_space<vmem>>
      %dma_wait3A_50 = arith.constant 0 : i32
      %dma_wait3A_51 = arith.constant 0 : i32
      %dma_wait3A_52 = tpu.memref_slice %arg8[%dma_wait3A_50, %dma_wait3A_51] : memref<10240x16xf32, #tpu.memory_space<vmem_shared>> -> memref<10240x16xf32, #tpu.memory_space<vmem_shared>>
      tpu.wait_indirect_dma semaphore(%run_scoped3A_42 : memref<!tpu.dma_semaphore, #tpu.memory_space<semaphore_mem>>) src(%arg4 : memref<128x16xf32, #tpu.memory_space<vmem>>) dst(%dma_wait3A_52 : memref<10240x16xf32, #tpu.memory_space<vmem_shared>>)
      tpu.yield
    }) : () -> ()
    %run_scoped3A_18 = arith.constant 0 : i32
    "tpu.region"() ({
      %run_scoped3A_42 = tpu.sem_alloc : memref<!tpu.dma_semaphore, #tpu.memory_space<semaphore_mem>>
      %dma_start3A = arith.constant 0 : i32
      %dma_start3A_43 = tpu.memref_slice %arg7[%run_scoped3A_18, %dma_start3A] : memref<5x128xi32, #tpu.memory_space<vmem>> -> memref<1x128xi32, #tpu.memory_space<vmem>>
      %dma_start3A_44 = tpu.memref_squeeze %dma_start3A_43 : memref<1x128xi32, #tpu.memory_space<vmem>> -> memref<128xi32, #tpu.memory_space<vmem>>
      %dma_start3A_45 = arith.constant 0 : i32
      %dma_start3A_46 = arith.constant 0 : i32
      %dma_start3A_47 = tpu.memref_slice %arg8[%dma_start3A_45, %dma_start3A_46] : memref<10240x16xf32, #tpu.memory_space<vmem_shared>> -> memref<10240x16xf32, #tpu.memory_space<vmem_shared>>
      tpu.enqueue_indirect_dma source(%dma_start3A_47 : memref<10240x16xf32, #tpu.memory_space<vmem_shared>>) target(%arg4 : memref<128x16xf32, #tpu.memory_space<vmem>>) offsets(%dma_start3A_44 : memref<128xi32, #tpu.memory_space<vmem>>) semaphore(%run_scoped3A_42 : memref<!tpu.dma_semaphore, #tpu.memory_space<semaphore_mem>>)
      %dma_wait3A = arith.constant 0 : i32
      %dma_wait3A_48 = tpu.memref_slice %arg7[%run_scoped3A_18, %dma_wait3A] : memref<5x128xi32, #tpu.memory_space<vmem>> -> memref<1x128xi32, #tpu.memory_space<vmem>>
      %dma_wait3A_49 = tpu.memref_squeeze %dma_wait3A_48 : memref<1x128xi32, #tpu.memory_space<vmem>> -> memref<128xi32, #tpu.memory_space<vmem>>
      %dma_wait3A_50 = arith.constant 0 : i32
      %dma_wait3A_51 = arith.constant 0 : i32
      %dma_wait3A_52 = tpu.memref_slice %arg8[%dma_wait3A_50, %dma_wait3A_51] : memref<10240x16xf32, #tpu.memory_space<vmem_shared>> -> memref<10240x16xf32, #tpu.memory_space<vmem_shared>>
      tpu.wait_indirect_dma semaphore(%run_scoped3A_42 : memref<!tpu.dma_semaphore, #tpu.memory_space<semaphore_mem>>) src(%dma_wait3A_52 : memref<10240x16xf32, #tpu.memory_space<vmem_shared>>) dst(%arg4 : memref<128x16xf32, #tpu.memory_space<vmem>>)
      tpu.yield
    }) : () -> ()
    %barrier3A = arith.constant 0 : index
    tpu.barrier barrier_id(%barrier3A)
    %scan3A_19 = arith.constant 0 : i32
    %scan3A_20 = arith.constant 0 : i32
    %scan3A_21 = arith.constant 79 : i32
    %scan3A_22 = arith.addi %scan3A_20, %scan3A_21 : i32
    %scan3A_23 = arith.constant 1 : i32
    scf.for %scan3A_42 = %scan3A_20 to %scan3A_22 step %scan3A_23  : i32 {
      "tpu.region"() ({
        %run_scoped3A_43 = tpu.sem_alloc : memref<!tpu.dma_semaphore, #tpu.memory_space<semaphore_mem>>
        %dma_start3A = arith.constant 0 : i32
        %dma_start3A_44 = tpu.memref_slice %arg6[%scan3A_42, %dma_start3A] : memref<79x128xi32, #tpu.memory_space<vmem>> -> memref<1x128xi32, #tpu.memory_space<vmem>>
        %dma_start3A_45 = tpu.memref_squeeze %dma_start3A_44 : memref<1x128xi32, #tpu.memory_space<vmem>> -> memref<128xi32, #tpu.memory_space<vmem>>
        %dma_start3A_46 = arith.constant 0 : i32
        %dma_start3A_47 = arith.constant 0 : i32
        %dma_start3A_48 = tpu.memref_slice %arg8[%dma_start3A_46, %dma_start3A_47] : memref<10240x16xf32, #tpu.memory_space<vmem_shared>> -> memref<10240x16xf32, #tpu.memory_space<vmem_shared>>
        tpu.enqueue_indirect_dma source(%arg5 : memref<128x16xf32, #tpu.memory_space<vmem>>) target(%dma_start3A_48 : memref<10240x16xf32, #tpu.memory_space<vmem_shared>>) offsets(%dma_start3A_45 : memref<128xi32, #tpu.memory_space<vmem>>) semaphore(%run_scoped3A_43 : memref<!tpu.dma_semaphore, #tpu.memory_space<semaphore_mem>>) {add = true}
        %dma_wait3A = arith.constant 0 : i32
        %dma_wait3A_49 = tpu.memref_slice %arg6[%scan3A_42, %dma_wait3A] : memref<79x128xi32, #tpu.memory_space<vmem>> -> memref<1x128xi32, #tpu.memory_space<vmem>>
        %dma_wait3A_50 = tpu.memref_squeeze %dma_wait3A_49 : memref<1x128xi32, #tpu.memory_space<vmem>> -> memref<128xi32, #tpu.memory_space<vmem>>
        %dma_wait3A_51 = arith.constant 0 : i32
        %dma_wait3A_52 = arith.constant 0 : i32
        %dma_wait3A_53 = tpu.memref_slice %arg8[%dma_wait3A_51, %dma_wait3A_52] : memref<10240x16xf32, #tpu.memory_space<vmem_shared>> -> memref<10240x16xf32, #tpu.memory_space<vmem_shared>>
        tpu.wait_indirect_dma semaphore(%run_scoped3A_43 : memref<!tpu.dma_semaphore, #tpu.memory_space<semaphore_mem>>) src(%arg5 : memref<128x16xf32, #tpu.memory_space<vmem>>) dst(%dma_wait3A_53 : memref<10240x16xf32, #tpu.memory_space<vmem_shared>>)
        tpu.yield
      }) : () -> ()
    }
    %scan3A_24 = arith.constant 79 : i32
    %run_scoped3A_25 = arith.constant 0 : i32
    "tpu.region"() ({
      %run_scoped3A_42 = tpu.sem_alloc : memref<!tpu.dma_semaphore, #tpu.memory_space<semaphore_mem>>
      %dma_start3A = arith.constant 0 : i32
      %dma_start3A_43 = tpu.memref_slice %arg7[%run_scoped3A_25, %dma_start3A] : memref<5x128xi32, #tpu.memory_space<vmem>> -> memref<1x128xi32, #tpu.memory_space<vmem>>
      %dma_start3A_44 = tpu.memref_squeeze %dma_start3A_43 : memref<1x128xi32, #tpu.memory_space<vmem>> -> memref<128xi32, #tpu.memory_space<vmem>>
      %dma_start3A_45 = arith.constant 0 : i32
      %dma_start3A_46 = arith.constant 0 : i32
      %dma_start3A_47 = tpu.memref_slice %arg8[%dma_start3A_45, %dma_start3A_46] : memref<10240x16xf32, #tpu.memory_space<vmem_shared>> -> memref<10240x16xf32, #tpu.memory_space<vmem_shared>>
      tpu.enqueue_indirect_dma source(%dma_start3A_47 : memref<10240x16xf32, #tpu.memory_space<vmem_shared>>) target(%arg4 : memref<128x16xf32, #tpu.memory_space<vmem>>) offsets(%dma_start3A_44 : memref<128xi32, #tpu.memory_space<vmem>>) semaphore(%run_scoped3A_42 : memref<!tpu.dma_semaphore, #tpu.memory_space<semaphore_mem>>)
      %dma_wait3A = arith.constant 0 : i32
      %dma_wait3A_48 = tpu.memref_slice %arg7[%run_scoped3A_25, %dma_wait3A] : memref<5x128xi32, #tpu.memory_space<vmem>> -> memref<1x128xi32, #tpu.memory_space<vmem>>
      %dma_wait3A_49 = tpu.memref_squeeze %dma_wait3A_48 : memref<1x128xi32, #tpu.memory_space<vmem>> -> memref<128xi32, #tpu.memory_space<vmem>>
      %dma_wait3A_50 = arith.constant 0 : i32
      %dma_wait3A_51 = arith.constant 0 : i32
      %dma_wait3A_52 = tpu.memref_slice %arg8[%dma_wait3A_50, %dma_wait3A_51] : memref<10240x16xf32, #tpu.memory_space<vmem_shared>> -> memref<10240x16xf32, #tpu.memory_space<vmem_shared>>
      tpu.wait_indirect_dma semaphore(%run_scoped3A_42 : memref<!tpu.dma_semaphore, #tpu.memory_space<semaphore_mem>>) src(%dma_wait3A_52 : memref<10240x16xf32, #tpu.memory_space<vmem_shared>>) dst(%arg4 : memref<128x16xf32, #tpu.memory_space<vmem>>)
      tpu.yield
    }) : () -> ()
    %barrier3A_26 = arith.constant 0 : index
    tpu.barrier barrier_id(%barrier3A_26)
    %run_scoped3A_27 = arith.constant 0 : i32
    "tpu.region"() ({
      %run_scoped3A_42 = tpu.sem_alloc : memref<!tpu.dma_semaphore, #tpu.memory_space<semaphore_mem>>
      %dma_start3A = arith.constant 0 : i32
      %dma_start3A_43 = tpu.memref_slice %arg7[%run_scoped3A_27, %dma_start3A] : memref<5x128xi32, #tpu.memory_space<vmem>> -> memref<1x128xi32, #tpu.memory_space<vmem>>
      %dma_start3A_44 = tpu.memref_squeeze %dma_start3A_43 : memref<1x128xi32, #tpu.memory_space<vmem>> -> memref<128xi32, #tpu.memory_space<vmem>>
      %dma_start3A_45 = arith.constant 0 : i32
      %dma_start3A_46 = arith.constant 0 : i32
      %dma_start3A_47 = tpu.memref_slice %arg8[%dma_start3A_45, %dma_start3A_46] : memref<10240x16xf32, #tpu.memory_space<vmem_shared>> -> memref<10240x16xf32, #tpu.memory_space<vmem_shared>>
      tpu.enqueue_indirect_dma source(%dma_start3A_47 : memref<10240x16xf32, #tpu.memory_space<vmem_shared>>) target(%arg4 : memref<128x16xf32, #tpu.memory_space<vmem>>) offsets(%dma_start3A_44 : memref<128xi32, #tpu.memory_space<vmem>>) semaphore(%run_scoped3A_42 : memref<!tpu.dma_semaphore, #tpu.memory_space<semaphore_mem>>)
      %dma_wait3A = arith.constant 0 : i32
      %dma_wait3A_48 = tpu.memref_slice %arg7[%run_scoped3A_27, %dma_wait3A] : memref<5x128xi32, #tpu.memory_space<vmem>> -> memref<1x128xi32, #tpu.memory_space<vmem>>
      %dma_wait3A_49 = tpu.memref_squeeze %dma_wait3A_48 : memref<1x128xi32, #tpu.memory_space<vmem>> -> memref<128xi32, #tpu.memory_space<vmem>>
      %dma_wait3A_50 = arith.constant 0 : i32
      %dma_wait3A_51 = arith.constant 0 : i32
      %dma_wait3A_52 = tpu.memref_slice %arg8[%dma_wait3A_50, %dma_wait3A_51] : memref<10240x16xf32, #tpu.memory_space<vmem_shared>> -> memref<10240x16xf32, #tpu.memory_space<vmem_shared>>
      tpu.wait_indirect_dma semaphore(%run_scoped3A_42 : memref<!tpu.dma_semaphore, #tpu.memory_space<semaphore_mem>>) src(%dma_wait3A_52 : memref<10240x16xf32, #tpu.memory_space<vmem_shared>>) dst(%arg4 : memref<128x16xf32, #tpu.memory_space<vmem>>)
      tpu.yield
    }) : () -> ()
    %add3A_28 = arith.constant 0 : i32
    %add3A_29 = arith.addi %mul3A_7, %add3A_28 : i32
    "tpu.region"() ({
      %run_scoped3A_42 = tpu.sem_alloc : memref<!tpu.dma_semaphore, #tpu.memory_space<semaphore_mem>>
      %dma_start3A = arith.constant 0 : i32
      %dma_start3A_43 = tpu.memref_slice %arg3[%arg0, %add3A_29, %dma_start3A] : memref<2x10240x16xf32, #tpu.memory_space<hbm>> -> memref<1x128x16xf32, #tpu.memory_space<hbm>>
      %dma_start3A_44 = tpu.memref_squeeze %dma_start3A_43 : memref<1x128x16xf32, #tpu.memory_space<hbm>> -> memref<128x16xf32, #tpu.memory_space<hbm>>
      %dma_start3A_45 = arith.constant 0 : i32
      %dma_start3A_46 = tpu.memref_slice %arg3[%arg0, %add3A_29, %dma_start3A_45] : memref<2x10240x16xf32, #tpu.memory_space<hbm>> -> memref<1x128x16xf32, #tpu.memory_space<hbm>>
      %dma_start3A_47 = tpu.memref_squeeze %dma_start3A_46 : memref<1x128x16xf32, #tpu.memory_space<hbm>> -> memref<128x16xf32, #tpu.memory_space<hbm>>
      tpu.enqueue_dma source(%arg4 : memref<128x16xf32, #tpu.memory_space<vmem>>) target(%dma_start3A_47 : memref<128x16xf32, #tpu.memory_space<hbm>>) target_semaphore(%run_scoped3A_42 : memref<!tpu.dma_semaphore, #tpu.memory_space<semaphore_mem>>)
      %dma_wait3A = arith.constant 0 : i32
      %dma_wait3A_48 = tpu.memref_slice %arg3[%arg0, %add3A_29, %dma_wait3A] : memref<2x10240x16xf32, #tpu.memory_space<hbm>> -> memref<1x128x16xf32, #tpu.memory_space<hbm>>
      %dma_wait3A_49 = tpu.memref_squeeze %dma_wait3A_48 : memref<1x128x16xf32, #tpu.memory_space<hbm>> -> memref<128x16xf32, #tpu.memory_space<hbm>>
      %dma_wait3A_50 = arith.constant 0 : i32
      %dma_wait3A_51 = tpu.memref_slice %arg3[%arg0, %add3A_29, %dma_wait3A_50] : memref<2x10240x16xf32, #tpu.memory_space<hbm>> -> memref<1x128x16xf32, #tpu.memory_space<hbm>>
      %dma_wait3A_52 = tpu.memref_squeeze %dma_wait3A_51 : memref<1x128x16xf32, #tpu.memory_space<hbm>> -> memref<128x16xf32, #tpu.memory_space<hbm>>
      tpu.wait_dma2 semaphore(%run_scoped3A_42 : memref<!tpu.dma_semaphore, #tpu.memory_space<semaphore_mem>>) src(%arg4 : memref<128x16xf32, #tpu.memory_space<vmem>>) dst(%dma_wait3A_52 : memref<128x16xf32, #tpu.memory_space<hbm>>)
      tpu.yield
    }) : () -> ()
    %run_scoped3A_30 = arith.constant 1 : i32
    "tpu.region"() ({
      %run_scoped3A_42 = tpu.sem_alloc : memref<!tpu.dma_semaphore, #tpu.memory_space<semaphore_mem>>
      %dma_start3A = arith.constant 0 : i32
      %dma_start3A_43 = tpu.memref_slice %arg7[%run_scoped3A_30, %dma_start3A] : memref<5x128xi32, #tpu.memory_space<vmem>> -> memref<1x128xi32, #tpu.memory_space<vmem>>
      %dma_start3A_44 = tpu.memref_squeeze %dma_start3A_43 : memref<1x128xi32, #tpu.memory_space<vmem>> -> memref<128xi32, #tpu.memory_space<vmem>>
      %dma_start3A_45 = arith.constant 0 : i32
      %dma_start3A_46 = arith.constant 0 : i32
      %dma_start3A_47 = tpu.memref_slice %arg8[%dma_start3A_45, %dma_start3A_46] : memref<10240x16xf32, #tpu.memory_space<vmem_shared>> -> memref<10240x16xf32, #tpu.memory_space<vmem_shared>>
      tpu.enqueue_indirect_dma source(%dma_start3A_47 : memref<10240x16xf32, #tpu.memory_space<vmem_shared>>) target(%arg4 : memref<128x16xf32, #tpu.memory_space<vmem>>) offsets(%dma_start3A_44 : memref<128xi32, #tpu.memory_space<vmem>>) semaphore(%run_scoped3A_42 : memref<!tpu.dma_semaphore, #tpu.memory_space<semaphore_mem>>)
      %dma_wait3A = arith.constant 0 : i32
      %dma_wait3A_48 = tpu.memref_slice %arg7[%run_scoped3A_30, %dma_wait3A] : memref<5x128xi32, #tpu.memory_space<vmem>> -> memref<1x128xi32, #tpu.memory_space<vmem>>
      %dma_wait3A_49 = tpu.memref_squeeze %dma_wait3A_48 : memref<1x128xi32, #tpu.memory_space<vmem>> -> memref<128xi32, #tpu.memory_space<vmem>>
      %dma_wait3A_50 = arith.constant 0 : i32
      %dma_wait3A_51 = arith.constant 0 : i32
      %dma_wait3A_52 = tpu.memref_slice %arg8[%dma_wait3A_50, %dma_wait3A_51] : memref<10240x16xf32, #tpu.memory_space<vmem_shared>> -> memref<10240x16xf32, #tpu.memory_space<vmem_shared>>
      tpu.wait_indirect_dma semaphore(%run_scoped3A_42 : memref<!tpu.dma_semaphore, #tpu.memory_space<semaphore_mem>>) src(%dma_wait3A_52 : memref<10240x16xf32, #tpu.memory_space<vmem_shared>>) dst(%arg4 : memref<128x16xf32, #tpu.memory_space<vmem>>)
      tpu.yield
    }) : () -> ()
    %add3A_31 = arith.constant 128 : i32
    %add3A_32 = arith.addi %mul3A_7, %add3A_31 : i32
    "tpu.region"() ({
      %run_scoped3A_42 = tpu.sem_alloc : memref<!tpu.dma_semaphore, #tpu.memory_space<semaphore_mem>>
      %dma_start3A = arith.constant 0 : i32
      %dma_start3A_43 = tpu.memref_slice %arg3[%arg0, %add3A_32, %dma_start3A] : memref<2x10240x16xf32, #tpu.memory_space<hbm>> -> memref<1x128x16xf32, #tpu.memory_space<hbm>>
      %dma_start3A_44 = tpu.memref_squeeze %dma_start3A_43 : memref<1x128x16xf32, #tpu.memory_space<hbm>> -> memref<128x16xf32, #tpu.memory_space<hbm>>
      %dma_start3A_45 = arith.constant 0 : i32
      %dma_start3A_46 = tpu.memref_slice %arg3[%arg0, %add3A_32, %dma_start3A_45] : memref<2x10240x16xf32, #tpu.memory_space<hbm>> -> memref<1x128x16xf32, #tpu.memory_space<hbm>>
      %dma_start3A_47 = tpu.memref_squeeze %dma_start3A_46 : memref<1x128x16xf32, #tpu.memory_space<hbm>> -> memref<128x16xf32, #tpu.memory_space<hbm>>
      tpu.enqueue_dma source(%arg4 : memref<128x16xf32, #tpu.memory_space<vmem>>) target(%dma_start3A_47 : memref<128x16xf32, #tpu.memory_space<hbm>>) target_semaphore(%run_scoped3A_42 : memref<!tpu.dma_semaphore, #tpu.memory_space<semaphore_mem>>)
      %dma_wait3A = arith.constant 0 : i32
      %dma_wait3A_48 = tpu.memref_slice %arg3[%arg0, %add3A_32, %dma_wait3A] : memref<2x10240x16xf32, #tpu.memory_space<hbm>> -> memref<1x128x16xf32, #tpu.memory_space<hbm>>
      %dma_wait3A_49 = tpu.memref_squeeze %dma_wait3A_48 : memref<1x128x16xf32, #tpu.memory_space<hbm>> -> memref<128x16xf32, #tpu.memory_space<hbm>>
      %dma_wait3A_50 = arith.constant 0 : i32
      %dma_wait3A_51 = tpu.memref_slice %arg3[%arg0, %add3A_32, %dma_wait3A_50] : memref<2x10240x16xf32, #tpu.memory_space<hbm>> -> memref<1x128x16xf32, #tpu.memory_space<hbm>>
      %dma_wait3A_52 = tpu.memref_squeeze %dma_wait3A_51 : memref<1x128x16xf32, #tpu.memory_space<hbm>> -> memref<128x16xf32, #tpu.memory_space<hbm>>
      tpu.wait_dma2 semaphore(%run_scoped3A_42 : memref<!tpu.dma_semaphore, #tpu.memory_space<semaphore_mem>>) src(%arg4 : memref<128x16xf32, #tpu.memory_space<vmem>>) dst(%dma_wait3A_52 : memref<128x16xf32, #tpu.memory_space<hbm>>)
      tpu.yield
    }) : () -> ()
    %run_scoped3A_33 = arith.constant 2 : i32
    "tpu.region"() ({
      %run_scoped3A_42 = tpu.sem_alloc : memref<!tpu.dma_semaphore, #tpu.memory_space<semaphore_mem>>
      %dma_start3A = arith.constant 0 : i32
      %dma_start3A_43 = tpu.memref_slice %arg7[%run_scoped3A_33, %dma_start3A] : memref<5x128xi32, #tpu.memory_space<vmem>> -> memref<1x128xi32, #tpu.memory_space<vmem>>
      %dma_start3A_44 = tpu.memref_squeeze %dma_start3A_43 : memref<1x128xi32, #tpu.memory_space<vmem>> -> memref<128xi32, #tpu.memory_space<vmem>>
      %dma_start3A_45 = arith.constant 0 : i32
      %dma_start3A_46 = arith.constant 0 : i32
      %dma_start3A_47 = tpu.memref_slice %arg8[%dma_start3A_45, %dma_start3A_46] : memref<10240x16xf32, #tpu.memory_space<vmem_shared>> -> memref<10240x16xf32, #tpu.memory_space<vmem_shared>>
      tpu.enqueue_indirect_dma source(%dma_start3A_47 : memref<10240x16xf32, #tpu.memory_space<vmem_shared>>) target(%arg4 : memref<128x16xf32, #tpu.memory_space<vmem>>) offsets(%dma_start3A_44 : memref<128xi32, #tpu.memory_space<vmem>>) semaphore(%run_scoped3A_42 : memref<!tpu.dma_semaphore, #tpu.memory_space<semaphore_mem>>)
      %dma_wait3A = arith.constant 0 : i32
      %dma_wait3A_48 = tpu.memref_slice %arg7[%run_scoped3A_33, %dma_wait3A] : memref<5x128xi32, #tpu.memory_space<vmem>> -> memref<1x128xi32, #tpu.memory_space<vmem>>
      %dma_wait3A_49 = tpu.memref_squeeze %dma_wait3A_48 : memref<1x128xi32, #tpu.memory_space<vmem>> -> memref<128xi32, #tpu.memory_space<vmem>>
      %dma_wait3A_50 = arith.constant 0 : i32
      %dma_wait3A_51 = arith.constant 0 : i32
      %dma_wait3A_52 = tpu.memref_slice %arg8[%dma_wait3A_50, %dma_wait3A_51] : memref<10240x16xf32, #tpu.memory_space<vmem_shared>> -> memref<10240x16xf32, #tpu.memory_space<vmem_shared>>
      tpu.wait_indirect_dma semaphore(%run_scoped3A_42 : memref<!tpu.dma_semaphore, #tpu.memory_space<semaphore_mem>>) src(%dma_wait3A_52 : memref<10240x16xf32, #tpu.memory_space<vmem_shared>>) dst(%arg4 : memref<128x16xf32, #tpu.memory_space<vmem>>)
      tpu.yield
    }) : () -> ()
    %add3A_34 = arith.constant 256 : i32
    %add3A_35 = arith.addi %mul3A_7, %add3A_34 : i32
    "tpu.region"() ({
      %run_scoped3A_42 = tpu.sem_alloc : memref<!tpu.dma_semaphore, #tpu.memory_space<semaphore_mem>>
      %dma_start3A = arith.constant 0 : i32
      %dma_start3A_43 = tpu.memref_slice %arg3[%arg0, %add3A_35, %dma_start3A] : memref<2x10240x16xf32, #tpu.memory_space<hbm>> -> memref<1x128x16xf32, #tpu.memory_space<hbm>>
      %dma_start3A_44 = tpu.memref_squeeze %dma_start3A_43 : memref<1x128x16xf32, #tpu.memory_space<hbm>> -> memref<128x16xf32, #tpu.memory_space<hbm>>
      %dma_start3A_45 = arith.constant 0 : i32
      %dma_start3A_46 = tpu.memref_slice %arg3[%arg0, %add3A_35, %dma_start3A_45] : memref<2x10240x16xf32, #tpu.memory_space<hbm>> -> memref<1x128x16xf32, #tpu.memory_space<hbm>>
      %dma_start3A_47 = tpu.memref_squeeze %dma_start3A_46 : memref<1x128x16xf32, #tpu.memory_space<hbm>> -> memref<128x16xf32, #tpu.memory_space<hbm>>
      tpu.enqueue_dma source(%arg4 : memref<128x16xf32, #tpu.memory_space<vmem>>) target(%dma_start3A_47 : memref<128x16xf32, #tpu.memory_space<hbm>>) target_semaphore(%run_scoped3A_42 : memref<!tpu.dma_semaphore, #tpu.memory_space<semaphore_mem>>)
      %dma_wait3A = arith.constant 0 : i32
      %dma_wait3A_48 = tpu.memref_slice %arg3[%arg0, %add3A_35, %dma_wait3A] : memref<2x10240x16xf32, #tpu.memory_space<hbm>> -> memref<1x128x16xf32, #tpu.memory_space<hbm>>
      %dma_wait3A_49 = tpu.memref_squeeze %dma_wait3A_48 : memref<1x128x16xf32, #tpu.memory_space<hbm>> -> memref<128x16xf32, #tpu.memory_space<hbm>>
      %dma_wait3A_50 = arith.constant 0 : i32
      %dma_wait3A_51 = tpu.memref_slice %arg3[%arg0, %add3A_35, %dma_wait3A_50] : memref<2x10240x16xf32, #tpu.memory_space<hbm>> -> memref<1x128x16xf32, #tpu.memory_space<hbm>>
      %dma_wait3A_52 = tpu.memref_squeeze %dma_wait3A_51 : memref<1x128x16xf32, #tpu.memory_space<hbm>> -> memref<128x16xf32, #tpu.memory_space<hbm>>
      tpu.wait_dma2 semaphore(%run_scoped3A_42 : memref<!tpu.dma_semaphore, #tpu.memory_space<semaphore_mem>>) src(%arg4 : memref<128x16xf32, #tpu.memory_space<vmem>>) dst(%dma_wait3A_52 : memref<128x16xf32, #tpu.memory_space<hbm>>)
      tpu.yield
    }) : () -> ()
    %run_scoped3A_36 = arith.constant 3 : i32
    "tpu.region"() ({
      %run_scoped3A_42 = tpu.sem_alloc : memref<!tpu.dma_semaphore, #tpu.memory_space<semaphore_mem>>
      %dma_start3A = arith.constant 0 : i32
      %dma_start3A_43 = tpu.memref_slice %arg7[%run_scoped3A_36, %dma_start3A] : memref<5x128xi32, #tpu.memory_space<vmem>> -> memref<1x128xi32, #tpu.memory_space<vmem>>
      %dma_start3A_44 = tpu.memref_squeeze %dma_start3A_43 : memref<1x128xi32, #tpu.memory_space<vmem>> -> memref<128xi32, #tpu.memory_space<vmem>>
      %dma_start3A_45 = arith.constant 0 : i32
      %dma_start3A_46 = arith.constant 0 : i32
      %dma_start3A_47 = tpu.memref_slice %arg8[%dma_start3A_45, %dma_start3A_46] : memref<10240x16xf32, #tpu.memory_space<vmem_shared>> -> memref<10240x16xf32, #tpu.memory_space<vmem_shared>>
      tpu.enqueue_indirect_dma source(%dma_start3A_47 : memref<10240x16xf32, #tpu.memory_space<vmem_shared>>) target(%arg4 : memref<128x16xf32, #tpu.memory_space<vmem>>) offsets(%dma_start3A_44 : memref<128xi32, #tpu.memory_space<vmem>>) semaphore(%run_scoped3A_42 : memref<!tpu.dma_semaphore, #tpu.memory_space<semaphore_mem>>)
      %dma_wait3A = arith.constant 0 : i32
      %dma_wait3A_48 = tpu.memref_slice %arg7[%run_scoped3A_36, %dma_wait3A] : memref<5x128xi32, #tpu.memory_space<vmem>> -> memref<1x128xi32, #tpu.memory_space<vmem>>
      %dma_wait3A_49 = tpu.memref_squeeze %dma_wait3A_48 : memref<1x128xi32, #tpu.memory_space<vmem>> -> memref<128xi32, #tpu.memory_space<vmem>>
      %dma_wait3A_50 = arith.constant 0 : i32
      %dma_wait3A_51 = arith.constant 0 : i32
      %dma_wait3A_52 = tpu.memref_slice %arg8[%dma_wait3A_50, %dma_wait3A_51] : memref<10240x16xf32, #tpu.memory_space<vmem_shared>> -> memref<10240x16xf32, #tpu.memory_space<vmem_shared>>
      tpu.wait_indirect_dma semaphore(%run_scoped3A_42 : memref<!tpu.dma_semaphore, #tpu.memory_space<semaphore_mem>>) src(%dma_wait3A_52 : memref<10240x16xf32, #tpu.memory_space<vmem_shared>>) dst(%arg4 : memref<128x16xf32, #tpu.memory_space<vmem>>)
      tpu.yield
    }) : () -> ()
    %add3A_37 = arith.constant 384 : i32
    %add3A_38 = arith.addi %mul3A_7, %add3A_37 : i32
    "tpu.region"() ({
      %run_scoped3A_42 = tpu.sem_alloc : memref<!tpu.dma_semaphore, #tpu.memory_space<semaphore_mem>>
      %dma_start3A = arith.constant 0 : i32
      %dma_start3A_43 = tpu.memref_slice %arg3[%arg0, %add3A_38, %dma_start3A] : memref<2x10240x16xf32, #tpu.memory_space<hbm>> -> memref<1x128x16xf32, #tpu.memory_space<hbm>>
      %dma_start3A_44 = tpu.memref_squeeze %dma_start3A_43 : memref<1x128x16xf32, #tpu.memory_space<hbm>> -> memref<128x16xf32, #tpu.memory_space<hbm>>
      %dma_start3A_45 = arith.constant 0 : i32
      %dma_start3A_46 = tpu.memref_slice %arg3[%arg0, %add3A_38, %dma_start3A_45] : memref<2x10240x16xf32, #tpu.memory_space<hbm>> -> memref<1x128x16xf32, #tpu.memory_space<hbm>>
      %dma_start3A_47 = tpu.memref_squeeze %dma_start3A_46 : memref<1x128x16xf32, #tpu.memory_space<hbm>> -> memref<128x16xf32, #tpu.memory_space<hbm>>
      tpu.enqueue_dma source(%arg4 : memref<128x16xf32, #tpu.memory_space<vmem>>) target(%dma_start3A_47 : memref<128x16xf32, #tpu.memory_space<hbm>>) target_semaphore(%run_scoped3A_42 : memref<!tpu.dma_semaphore, #tpu.memory_space<semaphore_mem>>)
      %dma_wait3A = arith.constant 0 : i32
      %dma_wait3A_48 = tpu.memref_slice %arg3[%arg0, %add3A_38, %dma_wait3A] : memref<2x10240x16xf32, #tpu.memory_space<hbm>> -> memref<1x128x16xf32, #tpu.memory_space<hbm>>
      %dma_wait3A_49 = tpu.memref_squeeze %dma_wait3A_48 : memref<1x128x16xf32, #tpu.memory_space<hbm>> -> memref<128x16xf32, #tpu.memory_space<hbm>>
      %dma_wait3A_50 = arith.constant 0 : i32
      %dma_wait3A_51 = tpu.memref_slice %arg3[%arg0, %add3A_38, %dma_wait3A_50] : memref<2x10240x16xf32, #tpu.memory_space<hbm>> -> memref<1x128x16xf32, #tpu.memory_space<hbm>>
      %dma_wait3A_52 = tpu.memref_squeeze %dma_wait3A_51 : memref<1x128x16xf32, #tpu.memory_space<hbm>> -> memref<128x16xf32, #tpu.memory_space<hbm>>
      tpu.wait_dma2 semaphore(%run_scoped3A_42 : memref<!tpu.dma_semaphore, #tpu.memory_space<semaphore_mem>>) src(%arg4 : memref<128x16xf32, #tpu.memory_space<vmem>>) dst(%dma_wait3A_52 : memref<128x16xf32, #tpu.memory_space<hbm>>)
      tpu.yield
    }) : () -> ()
    %run_scoped3A_39 = arith.constant 4 : i32
    "tpu.region"() ({
      %run_scoped3A_42 = tpu.sem_alloc : memref<!tpu.dma_semaphore, #tpu.memory_space<semaphore_mem>>
      %dma_start3A = arith.constant 0 : i32
      %dma_start3A_43 = tpu.memref_slice %arg7[%run_scoped3A_39, %dma_start3A] : memref<5x128xi32, #tpu.memory_space<vmem>> -> memref<1x128xi32, #tpu.memory_space<vmem>>
      %dma_start3A_44 = tpu.memref_squeeze %dma_start3A_43 : memref<1x128xi32, #tpu.memory_space<vmem>> -> memref<128xi32, #tpu.memory_space<vmem>>
      %dma_start3A_45 = arith.constant 0 : i32
      %dma_start3A_46 = arith.constant 0 : i32
      %dma_start3A_47 = tpu.memref_slice %arg8[%dma_start3A_45, %dma_start3A_46] : memref<10240x16xf32, #tpu.memory_space<vmem_shared>> -> memref<10240x16xf32, #tpu.memory_space<vmem_shared>>
      tpu.enqueue_indirect_dma source(%dma_start3A_47 : memref<10240x16xf32, #tpu.memory_space<vmem_shared>>) target(%arg4 : memref<128x16xf32, #tpu.memory_space<vmem>>) offsets(%dma_start3A_44 : memref<128xi32, #tpu.memory_space<vmem>>) semaphore(%run_scoped3A_42 : memref<!tpu.dma_semaphore, #tpu.memory_space<semaphore_mem>>)
      %dma_wait3A = arith.constant 0 : i32
      %dma_wait3A_48 = tpu.memref_slice %arg7[%run_scoped3A_39, %dma_wait3A] : memref<5x128xi32, #tpu.memory_space<vmem>> -> memref<1x128xi32, #tpu.memory_space<vmem>>
      %dma_wait3A_49 = tpu.memref_squeeze %dma_wait3A_48 : memref<1x128xi32, #tpu.memory_space<vmem>> -> memref<128xi32, #tpu.memory_space<vmem>>
      %dma_wait3A_50 = arith.constant 0 : i32
      %dma_wait3A_51 = arith.constant 0 : i32
      %dma_wait3A_52 = tpu.memref_slice %arg8[%dma_wait3A_50, %dma_wait3A_51] : memref<10240x16xf32, #tpu.memory_space<vmem_shared>> -> memref<10240x16xf32, #tpu.memory_space<vmem_shared>>
      tpu.wait_indirect_dma semaphore(%run_scoped3A_42 : memref<!tpu.dma_semaphore, #tpu.memory_space<semaphore_mem>>) src(%dma_wait3A_52 : memref<10240x16xf32, #tpu.memory_space<vmem_shared>>) dst(%arg4 : memref<128x16xf32, #tpu.memory_space<vmem>>)
      tpu.yield
    }) : () -> ()
    %add3A_40 = arith.constant 512 : i32
    %add3A_41 = arith.addi %mul3A_7, %add3A_40 : i32
    "tpu.region"() ({
      %run_scoped3A_42 = tpu.sem_alloc : memref<!tpu.dma_semaphore, #tpu.memory_space<semaphore_mem>>
      %dma_start3A = arith.constant 0 : i32
      %dma_start3A_43 = tpu.memref_slice %arg3[%arg0, %add3A_41, %dma_start3A] : memref<2x10240x16xf32, #tpu.memory_space<hbm>> -> memref<1x128x16xf32, #tpu.memory_space<hbm>>
      %dma_start3A_44 = tpu.memref_squeeze %dma_start3A_43 : memref<1x128x16xf32, #tpu.memory_space<hbm>> -> memref<128x16xf32, #tpu.memory_space<hbm>>
      %dma_start3A_45 = arith.constant 0 : i32
      %dma_start3A_46 = tpu.memref_slice %arg3[%arg0, %add3A_41, %dma_start3A_45] : memref<2x10240x16xf32, #tpu.memory_space<hbm>> -> memref<1x128x16xf32, #tpu.memory_space<hbm>>
      %dma_start3A_47 = tpu.memref_squeeze %dma_start3A_46 : memref<1x128x16xf32, #tpu.memory_space<hbm>> -> memref<128x16xf32, #tpu.memory_space<hbm>>
      tpu.enqueue_dma source(%arg4 : memref<128x16xf32, #tpu.memory_space<vmem>>) target(%dma_start3A_47 : memref<128x16xf32, #tpu.memory_space<hbm>>) target_semaphore(%run_scoped3A_42 : memref<!tpu.dma_semaphore, #tpu.memory_space<semaphore_mem>>)
      %dma_wait3A = arith.constant 0 : i32
      %dma_wait3A_48 = tpu.memref_slice %arg3[%arg0, %add3A_41, %dma_wait3A] : memref<2x10240x16xf32, #tpu.memory_space<hbm>> -> memref<1x128x16xf32, #tpu.memory_space<hbm>>
      %dma_wait3A_49 = tpu.memref_squeeze %dma_wait3A_48 : memref<1x128x16xf32, #tpu.memory_space<hbm>> -> memref<128x16xf32, #tpu.memory_space<hbm>>
      %dma_wait3A_50 = arith.constant 0 : i32
      %dma_wait3A_51 = tpu.memref_slice %arg3[%arg0, %add3A_41, %dma_wait3A_50] : memref<2x10240x16xf32, #tpu.memory_space<hbm>> -> memref<1x128x16xf32, #tpu.memory_space<hbm>>
      %dma_wait3A_52 = tpu.memref_squeeze %dma_wait3A_51 : memref<1x128x16xf32, #tpu.memory_space<hbm>> -> memref<128x16xf32, #tpu.memory_space<hbm>>
      tpu.wait_dma2 semaphore(%run_scoped3A_42 : memref<!tpu.dma_semaphore, #tpu.memory_space<semaphore_mem>>) src(%arg4 : memref<128x16xf32, #tpu.memory_space<vmem>>) dst(%dma_wait3A_52 : memref<128x16xf32, #tpu.memory_space<hbm>>)
      tpu.yield
    }) : () -> ()
    return
  }
}

#map = affine_map<(d0, d1) -> (0, 0)>
#map1 = affine_map<(d0, d1) -> (0, 0, 0)>
module attributes {stable_mosaic.version = 14 : i64} {
  func.func @_sc_scatter(%arg0: i32, %arg1: i32, %arg2: memref<10240x128xf32, #tpu.memory_space<hbm>>, %arg3: memref<32x79x128xi32, #tpu.memory_space<hbm>>, %arg4: memref<32x79x128xi32, #tpu.memory_space<hbm>>, %arg5: memref<2x10240x128xf32, #tpu.memory_space<hbm>>, %arg6: memref<79x128xi32, #tpu.memory_space<vmem>>, %arg7: memref<79x128xi32, #tpu.memory_space<vmem>>, %arg8: memref<128x128xf32, #tpu.memory_space<vmem>>, %arg9: memref<5x128xi32, #tpu.memory_space<vmem>>, %arg10: memref<10240x128xf32, #tpu.memory_space<vmem_shared>>) attributes {dimension_semantics = [#tpu.dimension_semantics<core_parallel>, #tpu.dimension_semantics<subcore_parallel>], iteration_bounds = array<i64: 2, 16>, scalar_prefetch = 0 : i64, scratch_operands = 5 : i64, tpu.core_type = #tpu.core_type<sc_vector_subcore>, window_params = [{transform_indices = #map}, {transform_indices = #map1}, {transform_indices = #map1}, {transform_indices = #map1}]} {
    %mul3A = arith.constant 16 : i32
    %mul3A_0 = arith.muli %arg0, %mul3A : i32
    %add3A = arith.addi %mul3A_0, %arg1 : i32
    "tpu.region"() ({
      %run_scoped3A_42 = tpu.sem_alloc : memref<!tpu.dma_semaphore, #tpu.memory_space<semaphore_mem>>
      %dma_start3A = arith.constant 0 : i32
      %dma_start3A_43 = arith.constant 0 : i32
      %dma_start3A_44 = tpu.memref_slice %arg3[%add3A, %dma_start3A, %dma_start3A_43] : memref<32x79x128xi32, #tpu.memory_space<hbm>> -> memref<1x79x128xi32, #tpu.memory_space<hbm>>
      %dma_start3A_45 = tpu.memref_squeeze %dma_start3A_44 : memref<1x79x128xi32, #tpu.memory_space<hbm>> -> memref<79x128xi32, #tpu.memory_space<hbm>>
      %dma_start3A_46 = arith.constant 0 : i32
      %dma_start3A_47 = arith.constant 0 : i32
      %dma_start3A_48 = tpu.memref_slice %arg3[%add3A, %dma_start3A_46, %dma_start3A_47] : memref<32x79x128xi32, #tpu.memory_space<hbm>> -> memref<1x79x128xi32, #tpu.memory_space<hbm>>
      %dma_start3A_49 = tpu.memref_squeeze %dma_start3A_48 : memref<1x79x128xi32, #tpu.memory_space<hbm>> -> memref<79x128xi32, #tpu.memory_space<hbm>>
      tpu.enqueue_dma source(%dma_start3A_49 : memref<79x128xi32, #tpu.memory_space<hbm>>) target(%arg6 : memref<79x128xi32, #tpu.memory_space<vmem>>) target_semaphore(%run_scoped3A_42 : memref<!tpu.dma_semaphore, #tpu.memory_space<semaphore_mem>>)
      %dma_wait3A = arith.constant 0 : i32
      %dma_wait3A_50 = arith.constant 0 : i32
      %dma_wait3A_51 = tpu.memref_slice %arg3[%add3A, %dma_wait3A, %dma_wait3A_50] : memref<32x79x128xi32, #tpu.memory_space<hbm>> -> memref<1x79x128xi32, #tpu.memory_space<hbm>>
      %dma_wait3A_52 = tpu.memref_squeeze %dma_wait3A_51 : memref<1x79x128xi32, #tpu.memory_space<hbm>> -> memref<79x128xi32, #tpu.memory_space<hbm>>
      %dma_wait3A_53 = arith.constant 0 : i32
      %dma_wait3A_54 = arith.constant 0 : i32
      %dma_wait3A_55 = tpu.memref_slice %arg3[%add3A, %dma_wait3A_53, %dma_wait3A_54] : memref<32x79x128xi32, #tpu.memory_space<hbm>> -> memref<1x79x128xi32, #tpu.memory_space<hbm>>
      %dma_wait3A_56 = tpu.memref_squeeze %dma_wait3A_55 : memref<1x79x128xi32, #tpu.memory_space<hbm>> -> memref<79x128xi32, #tpu.memory_space<hbm>>
      tpu.wait_dma2 semaphore(%run_scoped3A_42 : memref<!tpu.dma_semaphore, #tpu.memory_space<semaphore_mem>>) src(%dma_wait3A_56 : memref<79x128xi32, #tpu.memory_space<hbm>>) dst(%arg6 : memref<79x128xi32, #tpu.memory_space<vmem>>)
      tpu.yield
    }) : () -> ()
    "tpu.region"() ({
      %run_scoped3A_42 = tpu.sem_alloc : memref<!tpu.dma_semaphore, #tpu.memory_space<semaphore_mem>>
      %dma_start3A = arith.constant 0 : i32
      %dma_start3A_43 = arith.constant 0 : i32
      %dma_start3A_44 = tpu.memref_slice %arg4[%add3A, %dma_start3A, %dma_start3A_43] : memref<32x79x128xi32, #tpu.memory_space<hbm>> -> memref<1x79x128xi32, #tpu.memory_space<hbm>>
      %dma_start3A_45 = tpu.memref_squeeze %dma_start3A_44 : memref<1x79x128xi32, #tpu.memory_space<hbm>> -> memref<79x128xi32, #tpu.memory_space<hbm>>
      %dma_start3A_46 = arith.constant 0 : i32
      %dma_start3A_47 = arith.constant 0 : i32
      %dma_start3A_48 = tpu.memref_slice %arg4[%add3A, %dma_start3A_46, %dma_start3A_47] : memref<32x79x128xi32, #tpu.memory_space<hbm>> -> memref<1x79x128xi32, #tpu.memory_space<hbm>>
      %dma_start3A_49 = tpu.memref_squeeze %dma_start3A_48 : memref<1x79x128xi32, #tpu.memory_space<hbm>> -> memref<79x128xi32, #tpu.memory_space<hbm>>
      tpu.enqueue_dma source(%dma_start3A_49 : memref<79x128xi32, #tpu.memory_space<hbm>>) target(%arg7 : memref<79x128xi32, #tpu.memory_space<vmem>>) target_semaphore(%run_scoped3A_42 : memref<!tpu.dma_semaphore, #tpu.memory_space<semaphore_mem>>)
      %dma_wait3A = arith.constant 0 : i32
      %dma_wait3A_50 = arith.constant 0 : i32
      %dma_wait3A_51 = tpu.memref_slice %arg4[%add3A, %dma_wait3A, %dma_wait3A_50] : memref<32x79x128xi32, #tpu.memory_space<hbm>> -> memref<1x79x128xi32, #tpu.memory_space<hbm>>
      %dma_wait3A_52 = tpu.memref_squeeze %dma_wait3A_51 : memref<1x79x128xi32, #tpu.memory_space<hbm>> -> memref<79x128xi32, #tpu.memory_space<hbm>>
      %dma_wait3A_53 = arith.constant 0 : i32
      %dma_wait3A_54 = arith.constant 0 : i32
      %dma_wait3A_55 = tpu.memref_slice %arg4[%add3A, %dma_wait3A_53, %dma_wait3A_54] : memref<32x79x128xi32, #tpu.memory_space<hbm>> -> memref<1x79x128xi32, #tpu.memory_space<hbm>>
      %dma_wait3A_56 = tpu.memref_squeeze %dma_wait3A_55 : memref<1x79x128xi32, #tpu.memory_space<hbm>> -> memref<79x128xi32, #tpu.memory_space<hbm>>
      tpu.wait_dma2 semaphore(%run_scoped3A_42 : memref<!tpu.dma_semaphore, #tpu.memory_space<semaphore_mem>>) src(%dma_wait3A_56 : memref<79x128xi32, #tpu.memory_space<hbm>>) dst(%arg7 : memref<79x128xi32, #tpu.memory_space<vmem>>)
      tpu.yield
    }) : () -> ()
    %scan3A = arith.constant 0 : i32
    %scan3A_1 = arith.constant 0 : i32
    %scan3A_2 = arith.constant 128 : i32
    %scan3A_3 = arith.addi %scan3A_1, %scan3A_2 : i32
    %scan3A_4 = arith.constant 1 : i32
    scf.for %scan3A_42 = %scan3A_1 to %scan3A_3 step %scan3A_4  : i32 {
      %broadcast_in_dim3A = arith.constant 0.000000e+00 : f32
      %broadcast_in_dim3A_43 = vector.broadcast %broadcast_in_dim3A : f32 to vector<16xf32>
      %swap3A = arith.index_cast %scan3A_42 : i32 to index
      %swap3A_44 = arith.constant 0 : index
      %swap3A_45 = tpu.vector_load %arg8[%swap3A, %swap3A_44] {strides = array<i32>} : memref<128x128xf32, #tpu.memory_space<vmem>>, vector<1x16xf32>,
      %swap3A_46 = vector.shape_cast %swap3A_45 : vector<1x16xf32> to vector<16xf32>
      %swap3A_47 = vector.shape_cast %broadcast_in_dim3A_43 : vector<16xf32> to vector<1x16xf32>
      tpu.vector_store %arg8[%swap3A, %swap3A_44], %swap3A_47 {strides = array<i32>} : memref<128x128xf32, #tpu.memory_space<vmem>>, vector<1x16xf32>,
      %broadcast_in_dim3A_48 = arith.constant 0.000000e+00 : f32
      %broadcast_in_dim3A_49 = vector.broadcast %broadcast_in_dim3A_48 : f32 to vector<16xf32>
      %swap3A_50 = arith.index_cast %scan3A_42 : i32 to index
      %swap3A_51 = arith.constant 16 : index
      %swap3A_52 = tpu.vector_load %arg8[%swap3A_50, %swap3A_51] {strides = array<i32>} : memref<128x128xf32, #tpu.memory_space<vmem>>, vector<1x16xf32>,
      %swap3A_53 = vector.shape_cast %swap3A_52 : vector<1x16xf32> to vector<16xf32>
      %swap3A_54 = vector.shape_cast %broadcast_in_dim3A_49 : vector<16xf32> to vector<1x16xf32>
      tpu.vector_store %arg8[%swap3A_50, %swap3A_51], %swap3A_54 {strides = array<i32>} : memref<128x128xf32, #tpu.memory_space<vmem>>, vector<1x16xf32>,
      %broadcast_in_dim3A_55 = arith.constant 0.000000e+00 : f32
      %broadcast_in_dim3A_56 = vector.broadcast %broadcast_in_dim3A_55 : f32 to vector<16xf32>
      %swap3A_57 = arith.index_cast %scan3A_42 : i32 to index
      %swap3A_58 = arith.constant 32 : index
      %swap3A_59 = tpu.vector_load %arg8[%swap3A_57, %swap3A_58] {strides = array<i32>} : memref<128x128xf32, #tpu.memory_space<vmem>>, vector<1x16xf32>,
      %swap3A_60 = vector.shape_cast %swap3A_59 : vector<1x16xf32> to vector<16xf32>
      %swap3A_61 = vector.shape_cast %broadcast_in_dim3A_56 : vector<16xf32> to vector<1x16xf32>
      tpu.vector_store %arg8[%swap3A_57, %swap3A_58], %swap3A_61 {strides = array<i32>} : memref<128x128xf32, #tpu.memory_space<vmem>>, vector<1x16xf32>,
      %broadcast_in_dim3A_62 = arith.constant 0.000000e+00 : f32
      %broadcast_in_dim3A_63 = vector.broadcast %broadcast_in_dim3A_62 : f32 to vector<16xf32>
      %swap3A_64 = arith.index_cast %scan3A_42 : i32 to index
      %swap3A_65 = arith.constant 48 : index
      %swap3A_66 = tpu.vector_load %arg8[%swap3A_64, %swap3A_65] {strides = array<i32>} : memref<128x128xf32, #tpu.memory_space<vmem>>, vector<1x16xf32>,
      %swap3A_67 = vector.shape_cast %swap3A_66 : vector<1x16xf32> to vector<16xf32>
      %swap3A_68 = vector.shape_cast %broadcast_in_dim3A_63 : vector<16xf32> to vector<1x16xf32>
      tpu.vector_store %arg8[%swap3A_64, %swap3A_65], %swap3A_68 {strides = array<i32>} : memref<128x128xf32, #tpu.memory_space<vmem>>, vector<1x16xf32>,
      %broadcast_in_dim3A_69 = arith.constant 0.000000e+00 : f32
      %broadcast_in_dim3A_70 = vector.broadcast %broadcast_in_dim3A_69 : f32 to vector<16xf32>
      %swap3A_71 = arith.index_cast %scan3A_42 : i32 to index
      %swap3A_72 = arith.constant 64 : index
      %swap3A_73 = tpu.vector_load %arg8[%swap3A_71, %swap3A_72] {strides = array<i32>} : memref<128x128xf32, #tpu.memory_space<vmem>>, vector<1x16xf32>,
      %swap3A_74 = vector.shape_cast %swap3A_73 : vector<1x16xf32> to vector<16xf32>
      %swap3A_75 = vector.shape_cast %broadcast_in_dim3A_70 : vector<16xf32> to vector<1x16xf32>
      tpu.vector_store %arg8[%swap3A_71, %swap3A_72], %swap3A_75 {strides = array<i32>} : memref<128x128xf32, #tpu.memory_space<vmem>>, vector<1x16xf32>,
      %broadcast_in_dim3A_76 = arith.constant 0.000000e+00 : f32
      %broadcast_in_dim3A_77 = vector.broadcast %broadcast_in_dim3A_76 : f32 to vector<16xf32>
      %swap3A_78 = arith.index_cast %scan3A_42 : i32 to index
      %swap3A_79 = arith.constant 80 : index
      %swap3A_80 = tpu.vector_load %arg8[%swap3A_78, %swap3A_79] {strides = array<i32>} : memref<128x128xf32, #tpu.memory_space<vmem>>, vector<1x16xf32>,
      %swap3A_81 = vector.shape_cast %swap3A_80 : vector<1x16xf32> to vector<16xf32>
      %swap3A_82 = vector.shape_cast %broadcast_in_dim3A_77 : vector<16xf32> to vector<1x16xf32>
      tpu.vector_store %arg8[%swap3A_78, %swap3A_79], %swap3A_82 {strides = array<i32>} : memref<128x128xf32, #tpu.memory_space<vmem>>, vector<1x16xf32>,
      %broadcast_in_dim3A_83 = arith.constant 0.000000e+00 : f32
      %broadcast_in_dim3A_84 = vector.broadcast %broadcast_in_dim3A_83 : f32 to vector<16xf32>
      %swap3A_85 = arith.index_cast %scan3A_42 : i32 to index
      %swap3A_86 = arith.constant 96 : index
      %swap3A_87 = tpu.vector_load %arg8[%swap3A_85, %swap3A_86] {strides = array<i32>} : memref<128x128xf32, #tpu.memory_space<vmem>>, vector<1x16xf32>,
      %swap3A_88 = vector.shape_cast %swap3A_87 : vector<1x16xf32> to vector<16xf32>
      %swap3A_89 = vector.shape_cast %broadcast_in_dim3A_84 : vector<16xf32> to vector<1x16xf32>
      tpu.vector_store %arg8[%swap3A_85, %swap3A_86], %swap3A_89 {strides = array<i32>} : memref<128x128xf32, #tpu.memory_space<vmem>>, vector<1x16xf32>,
      %broadcast_in_dim3A_90 = arith.constant 0.000000e+00 : f32
      %broadcast_in_dim3A_91 = vector.broadcast %broadcast_in_dim3A_90 : f32 to vector<16xf32>
      %swap3A_92 = arith.index_cast %scan3A_42 : i32 to index
      %swap3A_93 = arith.constant 112 : index
      %swap3A_94 = tpu.vector_load %arg8[%swap3A_92, %swap3A_93] {strides = array<i32>} : memref<128x128xf32, #tpu.memory_space<vmem>>, vector<1x16xf32>,
      %swap3A_95 = vector.shape_cast %swap3A_94 : vector<1x16xf32> to vector<16xf32>
      %swap3A_96 = vector.shape_cast %broadcast_in_dim3A_91 : vector<16xf32> to vector<1x16xf32>
      tpu.vector_store %arg8[%swap3A_92, %swap3A_93], %swap3A_96 {strides = array<i32>} : memref<128x128xf32, #tpu.memory_space<vmem>>, vector<1x16xf32>,
    }
    %scan3A_5 = arith.constant 128 : i32
    %mul3A_6 = arith.constant 640 : i32
    %mul3A_7 = arith.muli %arg1, %mul3A_6 : i32
    %scan3A_8 = arith.constant 0 : i32
    %scan3A_9 = arith.constant 0 : i32
    %scan3A_10 = arith.constant 40 : i32
    %scan3A_11 = arith.addi %scan3A_9, %scan3A_10 : i32
    %scan3A_12 = arith.constant 1 : i32
    scf.for %scan3A_42 = %scan3A_9 to %scan3A_11 step %scan3A_12  : i32 {
      %mul3A_43 = arith.constant 16 : i32
      %mul3A_44 = arith.muli %scan3A_42, %mul3A_43 : i32
      %add3A_45 = arith.addi %mul3A_7, %mul3A_44 : i32
      %iota3A = tpu.iota {dimensions = array<i32: 0>} : vector<16xi32>
      %add3A_46 = vector.broadcast %add3A_45 : i32 to vector<16xi32>
      %add3A_47 = arith.addi %add3A_46, %iota3A : vector<16xi32>
      %jit3A = arith.constant 8 : i32
      %div3A = arith.divsi %scan3A_42, %jit3A : i32
      %sign3A = arith.constant 0 : i32
      %sign3A_48 = arith.cmpi sgt, %scan3A_42, %sign3A : i32
      %sign3A_49 = arith.extui %sign3A_48 : i1 to i32
      %sign3A_50 = arith.constant 0 : i32
      %sign3A_51 = arith.cmpi slt, %scan3A_42, %sign3A_50 : i32
      %sign3A_52 = arith.extui %sign3A_51 : i1 to i32
      %sign3A_53 = arith.subi %sign3A_49, %sign3A_52 : i32
      %sign3A_54 = arith.constant 0 : i32
      %sign3A_55 = arith.cmpi sgt, %jit3A, %sign3A_54 : i32
      %sign3A_56 = arith.extui %sign3A_55 : i1 to i32
      %sign3A_57 = arith.constant 0 : i32
      %sign3A_58 = arith.cmpi slt, %jit3A, %sign3A_57 : i32
      %sign3A_59 = arith.extui %sign3A_58 : i1 to i32
      %sign3A_60 = arith.subi %sign3A_56, %sign3A_59 : i32
      %ne3A = arith.cmpi ne, %sign3A_53, %sign3A_60 : i32
      %rem3A = arith.remsi %scan3A_42, %jit3A : i32
      %ne3A_61 = arith.constant 0 : i32
      %ne3A_62 = arith.cmpi ne, %rem3A, %ne3A_61 : i32
      %and3A = arith.andi %ne3A, %ne3A_62 : i1
      %sub3A = arith.constant 1 : i32
      %sub3A_63 = arith.subi %div3A, %sub3A : i32
      %select_n3A = arith.select %and3A, %sub3A_63, %div3A : i32
      %jit3A_64 = arith.constant 8 : i32
      %eq3A = arith.constant 0 : i32
      %eq3A_65 = arith.cmpi eq, %jit3A_64, %eq3A : i32
      %jit3A_66 = arith.constant 1 : i32
      %select_n3A_67 = arith.select %eq3A_65, %jit3A_66, %jit3A_64 : i32
      %rem3A_68 = arith.remsi %scan3A_42, %select_n3A_67 : i32
      %ne3A_69 = arith.constant 0 : i32
      %ne3A_70 = arith.cmpi ne, %rem3A_68, %ne3A_69 : i32
      %lt3A = arith.constant 0 : i32
      %lt3A_71 = arith.cmpi slt, %rem3A_68, %lt3A : i32
      %lt3A_72 = arith.constant 0 : i32
      %lt3A_73 = arith.cmpi slt, %select_n3A_67, %lt3A_72 : i32
      %ne3A_74 = arith.xori %lt3A_71, %lt3A_73 : i1
      %and3A_75 = arith.andi %ne3A_74, %ne3A_70 : i1
      %add3A_76 = arith.addi %rem3A_68, %select_n3A_67 : i32
      %select_n3A_77 = arith.select %and3A_75, %add3A_76, %rem3A_68 : i32
      %mul3A_78 = arith.constant 16 : i32
      %mul3A_79 = arith.muli %select_n3A_77, %mul3A_78 : i32
      %swap3A = arith.index_cast %select_n3A : i32 to index
      %swap3A_80 = arith.index_cast %mul3A_79 : i32 to index
      %swap3A_81 = tpu.vector_load %arg9[%swap3A, %swap3A_80] {strides = array<i32>} : memref<5x128xi32, #tpu.memory_space<vmem>>, vector<1x16xi32>,
      %swap3A_82 = vector.shape_cast %swap3A_81 : vector<1x16xi32> to vector<16xi32>
      %swap3A_83 = vector.shape_cast %add3A_47 : vector<16xi32> to vector<1x16xi32>
      tpu.vector_store %arg9[%swap3A, %swap3A_80], %swap3A_83 {strides = array<i32>} : memref<5x128xi32, #tpu.memory_space<vmem>>, vector<1x16xi32>,
    }
    %scan3A_13 = arith.constant 40 : i32
    %run_scoped3A = arith.constant 0 : i32
    "tpu.region"() ({
      %run_scoped3A_42 = tpu.sem_alloc : memref<!tpu.dma_semaphore, #tpu.memory_space<semaphore_mem>>
      %dma_start3A = arith.constant 0 : i32
      %dma_start3A_43 = tpu.memref_slice %arg9[%run_scoped3A, %dma_start3A] : memref<5x128xi32, #tpu.memory_space<vmem>> -> memref<1x128xi32, #tpu.memory_space<vmem>>
      %dma_start3A_44 = tpu.memref_squeeze %dma_start3A_43 : memref<1x128xi32, #tpu.memory_space<vmem>> -> memref<128xi32, #tpu.memory_space<vmem>>
      %dma_start3A_45 = arith.constant 0 : i32
      %dma_start3A_46 = arith.constant 0 : i32
      %dma_start3A_47 = tpu.memref_slice %arg10[%dma_start3A_45, %dma_start3A_46] : memref<10240x128xf32, #tpu.memory_space<vmem_shared>> -> memref<10240x128xf32, #tpu.memory_space<vmem_shared>>
      tpu.enqueue_indirect_dma source(%arg8 : memref<128x128xf32, #tpu.memory_space<vmem>>) target(%dma_start3A_47 : memref<10240x128xf32, #tpu.memory_space<vmem_shared>>) offsets(%dma_start3A_44 : memref<128xi32, #tpu.memory_space<vmem>>) semaphore(%run_scoped3A_42 : memref<!tpu.dma_semaphore, #tpu.memory_space<semaphore_mem>>)
      %dma_wait3A = arith.constant 0 : i32
      %dma_wait3A_48 = tpu.memref_slice %arg9[%run_scoped3A, %dma_wait3A] : memref<5x128xi32, #tpu.memory_space<vmem>> -> memref<1x128xi32, #tpu.memory_space<vmem>>
      %dma_wait3A_49 = tpu.memref_squeeze %dma_wait3A_48 : memref<1x128xi32, #tpu.memory_space<vmem>> -> memref<128xi32, #tpu.memory_space<vmem>>
      %dma_wait3A_50 = arith.constant 0 : i32
      %dma_wait3A_51 = arith.constant 0 : i32
      %dma_wait3A_52 = tpu.memref_slice %arg10[%dma_wait3A_50, %dma_wait3A_51] : memref<10240x128xf32, #tpu.memory_space<vmem_shared>> -> memref<10240x128xf32, #tpu.memory_space<vmem_shared>>
      tpu.wait_indirect_dma semaphore(%run_scoped3A_42 : memref<!tpu.dma_semaphore, #tpu.memory_space<semaphore_mem>>) src(%arg8 : memref<128x128xf32, #tpu.memory_space<vmem>>) dst(%dma_wait3A_52 : memref<10240x128xf32, #tpu.memory_space<vmem_shared>>)
      tpu.yield
    }) : () -> ()
    %run_scoped3A_14 = arith.constant 1 : i32
    "tpu.region"() ({
      %run_scoped3A_42 = tpu.sem_alloc : memref<!tpu.dma_semaphore, #tpu.memory_space<semaphore_mem>>
      %dma_start3A = arith.constant 0 : i32
      %dma_start3A_43 = tpu.memref_slice %arg9[%run_scoped3A_14, %dma_start3A] : memref<5x128xi32, #tpu.memory_space<vmem>> -> memref<1x128xi32, #tpu.memory_space<vmem>>
      %dma_start3A_44 = tpu.memref_squeeze %dma_start3A_43 : memref<1x128xi32, #tpu.memory_space<vmem>> -> memref<128xi32, #tpu.memory_space<vmem>>
      %dma_start3A_45 = arith.constant 0 : i32
      %dma_start3A_46 = arith.constant 0 : i32
      %dma_start3A_47 = tpu.memref_slice %arg10[%dma_start3A_45, %dma_start3A_46] : memref<10240x128xf32, #tpu.memory_space<vmem_shared>> -> memref<10240x128xf32, #tpu.memory_space<vmem_shared>>
      tpu.enqueue_indirect_dma source(%arg8 : memref<128x128xf32, #tpu.memory_space<vmem>>) target(%dma_start3A_47 : memref<10240x128xf32, #tpu.memory_space<vmem_shared>>) offsets(%dma_start3A_44 : memref<128xi32, #tpu.memory_space<vmem>>) semaphore(%run_scoped3A_42 : memref<!tpu.dma_semaphore, #tpu.memory_space<semaphore_mem>>)
      %dma_wait3A = arith.constant 0 : i32
      %dma_wait3A_48 = tpu.memref_slice %arg9[%run_scoped3A_14, %dma_wait3A] : memref<5x128xi32, #tpu.memory_space<vmem>> -> memref<1x128xi32, #tpu.memory_space<vmem>>
      %dma_wait3A_49 = tpu.memref_squeeze %dma_wait3A_48 : memref<1x128xi32, #tpu.memory_space<vmem>> -> memref<128xi32, #tpu.memory_space<vmem>>
      %dma_wait3A_50 = arith.constant 0 : i32
      %dma_wait3A_51 = arith.constant 0 : i32
      %dma_wait3A_52 = tpu.memref_slice %arg10[%dma_wait3A_50, %dma_wait3A_51] : memref<10240x128xf32, #tpu.memory_space<vmem_shared>> -> memref<10240x128xf32, #tpu.memory_space<vmem_shared>>
      tpu.wait_indirect_dma semaphore(%run_scoped3A_42 : memref<!tpu.dma_semaphore, #tpu.memory_space<semaphore_mem>>) src(%arg8 : memref<128x128xf32, #tpu.memory_space<vmem>>) dst(%dma_wait3A_52 : memref<10240x128xf32, #tpu.memory_space<vmem_shared>>)
      tpu.yield
    }) : () -> ()
    %run_scoped3A_15 = arith.constant 2 : i32
    "tpu.region"() ({
      %run_scoped3A_42 = tpu.sem_alloc : memref<!tpu.dma_semaphore, #tpu.memory_space<semaphore_mem>>
      %dma_start3A = arith.constant 0 : i32
      %dma_start3A_43 = tpu.memref_slice %arg9[%run_scoped3A_15, %dma_start3A] : memref<5x128xi32, #tpu.memory_space<vmem>> -> memref<1x128xi32, #tpu.memory_space<vmem>>
      %dma_start3A_44 = tpu.memref_squeeze %dma_start3A_43 : memref<1x128xi32, #tpu.memory_space<vmem>> -> memref<128xi32, #tpu.memory_space<vmem>>
      %dma_start3A_45 = arith.constant 0 : i32
      %dma_start3A_46 = arith.constant 0 : i32
      %dma_start3A_47 = tpu.memref_slice %arg10[%dma_start3A_45, %dma_start3A_46] : memref<10240x128xf32, #tpu.memory_space<vmem_shared>> -> memref<10240x128xf32, #tpu.memory_space<vmem_shared>>
      tpu.enqueue_indirect_dma source(%arg8 : memref<128x128xf32, #tpu.memory_space<vmem>>) target(%dma_start3A_47 : memref<10240x128xf32, #tpu.memory_space<vmem_shared>>) offsets(%dma_start3A_44 : memref<128xi32, #tpu.memory_space<vmem>>) semaphore(%run_scoped3A_42 : memref<!tpu.dma_semaphore, #tpu.memory_space<semaphore_mem>>)
      %dma_wait3A = arith.constant 0 : i32
      %dma_wait3A_48 = tpu.memref_slice %arg9[%run_scoped3A_15, %dma_wait3A] : memref<5x128xi32, #tpu.memory_space<vmem>> -> memref<1x128xi32, #tpu.memory_space<vmem>>
      %dma_wait3A_49 = tpu.memref_squeeze %dma_wait3A_48 : memref<1x128xi32, #tpu.memory_space<vmem>> -> memref<128xi32, #tpu.memory_space<vmem>>
      %dma_wait3A_50 = arith.constant 0 : i32
      %dma_wait3A_51 = arith.constant 0 : i32
      %dma_wait3A_52 = tpu.memref_slice %arg10[%dma_wait3A_50, %dma_wait3A_51] : memref<10240x128xf32, #tpu.memory_space<vmem_shared>> -> memref<10240x128xf32, #tpu.memory_space<vmem_shared>>
      tpu.wait_indirect_dma semaphore(%run_scoped3A_42 : memref<!tpu.dma_semaphore, #tpu.memory_space<semaphore_mem>>) src(%arg8 : memref<128x128xf32, #tpu.memory_space<vmem>>) dst(%dma_wait3A_52 : memref<10240x128xf32, #tpu.memory_space<vmem_shared>>)
      tpu.yield
    }) : () -> ()
    %run_scoped3A_16 = arith.constant 3 : i32
    "tpu.region"() ({
      %run_scoped3A_42 = tpu.sem_alloc : memref<!tpu.dma_semaphore, #tpu.memory_space<semaphore_mem>>
      %dma_start3A = arith.constant 0 : i32
      %dma_start3A_43 = tpu.memref_slice %arg9[%run_scoped3A_16, %dma_start3A] : memref<5x128xi32, #tpu.memory_space<vmem>> -> memref<1x128xi32, #tpu.memory_space<vmem>>
      %dma_start3A_44 = tpu.memref_squeeze %dma_start3A_43 : memref<1x128xi32, #tpu.memory_space<vmem>> -> memref<128xi32, #tpu.memory_space<vmem>>
      %dma_start3A_45 = arith.constant 0 : i32
      %dma_start3A_46 = arith.constant 0 : i32
      %dma_start3A_47 = tpu.memref_slice %arg10[%dma_start3A_45, %dma_start3A_46] : memref<10240x128xf32, #tpu.memory_space<vmem_shared>> -> memref<10240x128xf32, #tpu.memory_space<vmem_shared>>
      tpu.enqueue_indirect_dma source(%arg8 : memref<128x128xf32, #tpu.memory_space<vmem>>) target(%dma_start3A_47 : memref<10240x128xf32, #tpu.memory_space<vmem_shared>>) offsets(%dma_start3A_44 : memref<128xi32, #tpu.memory_space<vmem>>) semaphore(%run_scoped3A_42 : memref<!tpu.dma_semaphore, #tpu.memory_space<semaphore_mem>>)
      %dma_wait3A = arith.constant 0 : i32
      %dma_wait3A_48 = tpu.memref_slice %arg9[%run_scoped3A_16, %dma_wait3A] : memref<5x128xi32, #tpu.memory_space<vmem>> -> memref<1x128xi32, #tpu.memory_space<vmem>>
      %dma_wait3A_49 = tpu.memref_squeeze %dma_wait3A_48 : memref<1x128xi32, #tpu.memory_space<vmem>> -> memref<128xi32, #tpu.memory_space<vmem>>
      %dma_wait3A_50 = arith.constant 0 : i32
      %dma_wait3A_51 = arith.constant 0 : i32
      %dma_wait3A_52 = tpu.memref_slice %arg10[%dma_wait3A_50, %dma_wait3A_51] : memref<10240x128xf32, #tpu.memory_space<vmem_shared>> -> memref<10240x128xf32, #tpu.memory_space<vmem_shared>>
      tpu.wait_indirect_dma semaphore(%run_scoped3A_42 : memref<!tpu.dma_semaphore, #tpu.memory_space<semaphore_mem>>) src(%arg8 : memref<128x128xf32, #tpu.memory_space<vmem>>) dst(%dma_wait3A_52 : memref<10240x128xf32, #tpu.memory_space<vmem_shared>>)
      tpu.yield
    }) : () -> ()
    %run_scoped3A_17 = arith.constant 4 : i32
    "tpu.region"() ({
      %run_scoped3A_42 = tpu.sem_alloc : memref<!tpu.dma_semaphore, #tpu.memory_space<semaphore_mem>>
      %dma_start3A = arith.constant 0 : i32
      %dma_start3A_43 = tpu.memref_slice %arg9[%run_scoped3A_17, %dma_start3A] : memref<5x128xi32, #tpu.memory_space<vmem>> -> memref<1x128xi32, #tpu.memory_space<vmem>>
      %dma_start3A_44 = tpu.memref_squeeze %dma_start3A_43 : memref<1x128xi32, #tpu.memory_space<vmem>> -> memref<128xi32, #tpu.memory_space<vmem>>
      %dma_start3A_45 = arith.constant 0 : i32
      %dma_start3A_46 = arith.constant 0 : i32
      %dma_start3A_47 = tpu.memref_slice %arg10[%dma_start3A_45, %dma_start3A_46] : memref<10240x128xf32, #tpu.memory_space<vmem_shared>> -> memref<10240x128xf32, #tpu.memory_space<vmem_shared>>
      tpu.enqueue_indirect_dma source(%arg8 : memref<128x128xf32, #tpu.memory_space<vmem>>) target(%dma_start3A_47 : memref<10240x128xf32, #tpu.memory_space<vmem_shared>>) offsets(%dma_start3A_44 : memref<128xi32, #tpu.memory_space<vmem>>) semaphore(%run_scoped3A_42 : memref<!tpu.dma_semaphore, #tpu.memory_space<semaphore_mem>>)
      %dma_wait3A = arith.constant 0 : i32
      %dma_wait3A_48 = tpu.memref_slice %arg9[%run_scoped3A_17, %dma_wait3A] : memref<5x128xi32, #tpu.memory_space<vmem>> -> memref<1x128xi32, #tpu.memory_space<vmem>>
      %dma_wait3A_49 = tpu.memref_squeeze %dma_wait3A_48 : memref<1x128xi32, #tpu.memory_space<vmem>> -> memref<128xi32, #tpu.memory_space<vmem>>
      %dma_wait3A_50 = arith.constant 0 : i32
      %dma_wait3A_51 = arith.constant 0 : i32
      %dma_wait3A_52 = tpu.memref_slice %arg10[%dma_wait3A_50, %dma_wait3A_51] : memref<10240x128xf32, #tpu.memory_space<vmem_shared>> -> memref<10240x128xf32, #tpu.memory_space<vmem_shared>>
      tpu.wait_indirect_dma semaphore(%run_scoped3A_42 : memref<!tpu.dma_semaphore, #tpu.memory_space<semaphore_mem>>) src(%arg8 : memref<128x128xf32, #tpu.memory_space<vmem>>) dst(%dma_wait3A_52 : memref<10240x128xf32, #tpu.memory_space<vmem_shared>>)
      tpu.yield
    }) : () -> ()
    %run_scoped3A_18 = arith.constant 0 : i32
    "tpu.region"() ({
      %run_scoped3A_42 = tpu.sem_alloc : memref<!tpu.dma_semaphore, #tpu.memory_space<semaphore_mem>>
      %dma_start3A = arith.constant 0 : i32
      %dma_start3A_43 = tpu.memref_slice %arg9[%run_scoped3A_18, %dma_start3A] : memref<5x128xi32, #tpu.memory_space<vmem>> -> memref<1x128xi32, #tpu.memory_space<vmem>>
      %dma_start3A_44 = tpu.memref_squeeze %dma_start3A_43 : memref<1x128xi32, #tpu.memory_space<vmem>> -> memref<128xi32, #tpu.memory_space<vmem>>
      %dma_start3A_45 = arith.constant 0 : i32
      %dma_start3A_46 = arith.constant 0 : i32
      %dma_start3A_47 = tpu.memref_slice %arg10[%dma_start3A_45, %dma_start3A_46] : memref<10240x128xf32, #tpu.memory_space<vmem_shared>> -> memref<10240x128xf32, #tpu.memory_space<vmem_shared>>
      tpu.enqueue_indirect_dma source(%dma_start3A_47 : memref<10240x128xf32, #tpu.memory_space<vmem_shared>>) target(%arg8 : memref<128x128xf32, #tpu.memory_space<vmem>>) offsets(%dma_start3A_44 : memref<128xi32, #tpu.memory_space<vmem>>) semaphore(%run_scoped3A_42 : memref<!tpu.dma_semaphore, #tpu.memory_space<semaphore_mem>>)
      %dma_wait3A = arith.constant 0 : i32
      %dma_wait3A_48 = tpu.memref_slice %arg9[%run_scoped3A_18, %dma_wait3A] : memref<5x128xi32, #tpu.memory_space<vmem>> -> memref<1x128xi32, #tpu.memory_space<vmem>>
      %dma_wait3A_49 = tpu.memref_squeeze %dma_wait3A_48 : memref<1x128xi32, #tpu.memory_space<vmem>> -> memref<128xi32, #tpu.memory_space<vmem>>
      %dma_wait3A_50 = arith.constant 0 : i32
      %dma_wait3A_51 = arith.constant 0 : i32
      %dma_wait3A_52 = tpu.memref_slice %arg10[%dma_wait3A_50, %dma_wait3A_51] : memref<10240x128xf32, #tpu.memory_space<vmem_shared>> -> memref<10240x128xf32, #tpu.memory_space<vmem_shared>>
      tpu.wait_indirect_dma semaphore(%run_scoped3A_42 : memref<!tpu.dma_semaphore, #tpu.memory_space<semaphore_mem>>) src(%dma_wait3A_52 : memref<10240x128xf32, #tpu.memory_space<vmem_shared>>) dst(%arg8 : memref<128x128xf32, #tpu.memory_space<vmem>>)
      tpu.yield
    }) : () -> ()
    %barrier3A = arith.constant 0 : index
    tpu.barrier barrier_id(%barrier3A)
    %scan3A_19 = arith.constant 0 : i32
    %scan3A_20 = arith.constant 0 : i32
    %scan3A_21 = arith.constant 79 : i32
    %scan3A_22 = arith.addi %scan3A_20, %scan3A_21 : i32
    %scan3A_23 = arith.constant 1 : i32
    scf.for %scan3A_42 = %scan3A_20 to %scan3A_22 step %scan3A_23  : i32 {
      "tpu.region"() ({
        %run_scoped3A_43 = tpu.sem_alloc : memref<!tpu.dma_semaphore, #tpu.memory_space<semaphore_mem>>
        %dma_start3A = arith.constant 0 : i32
        %dma_start3A_44 = tpu.memref_slice %arg6[%scan3A_42, %dma_start3A] : memref<79x128xi32, #tpu.memory_space<vmem>> -> memref<1x128xi32, #tpu.memory_space<vmem>>
        %dma_start3A_45 = tpu.memref_squeeze %dma_start3A_44 : memref<1x128xi32, #tpu.memory_space<vmem>> -> memref<128xi32, #tpu.memory_space<vmem>>
        %dma_start3A_46 = arith.constant 0 : i32
        %dma_start3A_47 = arith.constant 0 : i32
        %dma_start3A_48 = tpu.memref_slice %arg2[%dma_start3A_46, %dma_start3A_47] : memref<10240x128xf32, #tpu.memory_space<hbm>> -> memref<10240x128xf32, #tpu.memory_space<hbm>>
        tpu.enqueue_indirect_dma source(%dma_start3A_48 : memref<10240x128xf32, #tpu.memory_space<hbm>>) target(%arg8 : memref<128x128xf32, #tpu.memory_space<vmem>>) offsets(%dma_start3A_45 : memref<128xi32, #tpu.memory_space<vmem>>) semaphore(%run_scoped3A_43 : memref<!tpu.dma_semaphore, #tpu.memory_space<semaphore_mem>>)
        %dma_wait3A = arith.constant 0 : i32
        %dma_wait3A_49 = tpu.memref_slice %arg6[%scan3A_42, %dma_wait3A] : memref<79x128xi32, #tpu.memory_space<vmem>> -> memref<1x128xi32, #tpu.memory_space<vmem>>
        %dma_wait3A_50 = tpu.memref_squeeze %dma_wait3A_49 : memref<1x128xi32, #tpu.memory_space<vmem>> -> memref<128xi32, #tpu.memory_space<vmem>>
        %dma_wait3A_51 = arith.constant 0 : i32
        %dma_wait3A_52 = arith.constant 0 : i32
        %dma_wait3A_53 = tpu.memref_slice %arg2[%dma_wait3A_51, %dma_wait3A_52] : memref<10240x128xf32, #tpu.memory_space<hbm>> -> memref<10240x128xf32, #tpu.memory_space<hbm>>
        tpu.wait_indirect_dma semaphore(%run_scoped3A_43 : memref<!tpu.dma_semaphore, #tpu.memory_space<semaphore_mem>>) src(%dma_wait3A_53 : memref<10240x128xf32, #tpu.memory_space<hbm>>) dst(%arg8 : memref<128x128xf32, #tpu.memory_space<vmem>>)
        tpu.yield
      }) : () -> ()
      "tpu.region"() ({
        %run_scoped3A_43 = tpu.sem_alloc : memref<!tpu.dma_semaphore, #tpu.memory_space<semaphore_mem>>
        %dma_start3A = arith.constant 0 : i32
        %dma_start3A_44 = tpu.memref_slice %arg7[%scan3A_42, %dma_start3A] : memref<79x128xi32, #tpu.memory_space<vmem>> -> memref<1x128xi32, #tpu.memory_space<vmem>>
        %dma_start3A_45 = tpu.memref_squeeze %dma_start3A_44 : memref<1x128xi32, #tpu.memory_space<vmem>> -> memref<128xi32, #tpu.memory_space<vmem>>
        %dma_start3A_46 = arith.constant 0 : i32
        %dma_start3A_47 = arith.constant 0 : i32
        %dma_start3A_48 = tpu.memref_slice %arg10[%dma_start3A_46, %dma_start3A_47] : memref<10240x128xf32, #tpu.memory_space<vmem_shared>> -> memref<10240x128xf32, #tpu.memory_space<vmem_shared>>
        tpu.enqueue_indirect_dma source(%arg8 : memref<128x128xf32, #tpu.memory_space<vmem>>) target(%dma_start3A_48 : memref<10240x128xf32, #tpu.memory_space<vmem_shared>>) offsets(%dma_start3A_45 : memref<128xi32, #tpu.memory_space<vmem>>) semaphore(%run_scoped3A_43 : memref<!tpu.dma_semaphore, #tpu.memory_space<semaphore_mem>>) {add = true}
        %dma_wait3A = arith.constant 0 : i32
        %dma_wait3A_49 = tpu.memref_slice %arg7[%scan3A_42, %dma_wait3A] : memref<79x128xi32, #tpu.memory_space<vmem>> -> memref<1x128xi32, #tpu.memory_space<vmem>>
        %dma_wait3A_50 = tpu.memref_squeeze %dma_wait3A_49 : memref<1x128xi32, #tpu.memory_space<vmem>> -> memref<128xi32, #tpu.memory_space<vmem>>
        %dma_wait3A_51 = arith.constant 0 : i32
        %dma_wait3A_52 = arith.constant 0 : i32
        %dma_wait3A_53 = tpu.memref_slice %arg10[%dma_wait3A_51, %dma_wait3A_52] : memref<10240x128xf32, #tpu.memory_space<vmem_shared>> -> memref<10240x128xf32, #tpu.memory_space<vmem_shared>>
        tpu.wait_indirect_dma semaphore(%run_scoped3A_43 : memref<!tpu.dma_semaphore, #tpu.memory_space<semaphore_mem>>) src(%arg8 : memref<128x128xf32, #tpu.memory_space<vmem>>) dst(%dma_wait3A_53 : memref<10240x128xf32, #tpu.memory_space<vmem_shared>>)
        tpu.yield
      }) : () -> ()
    }
    %scan3A_24 = arith.constant 79 : i32
    %run_scoped3A_25 = arith.constant 0 : i32
    "tpu.region"() ({
      %run_scoped3A_42 = tpu.sem_alloc : memref<!tpu.dma_semaphore, #tpu.memory_space<semaphore_mem>>
      %dma_start3A = arith.constant 0 : i32
      %dma_start3A_43 = tpu.memref_slice %arg9[%run_scoped3A_25, %dma_start3A] : memref<5x128xi32, #tpu.memory_space<vmem>> -> memref<1x128xi32, #tpu.memory_space<vmem>>
      %dma_start3A_44 = tpu.memref_squeeze %dma_start3A_43 : memref<1x128xi32, #tpu.memory_space<vmem>> -> memref<128xi32, #tpu.memory_space<vmem>>
      %dma_start3A_45 = arith.constant 0 : i32
      %dma_start3A_46 = arith.constant 0 : i32
      %dma_start3A_47 = tpu.memref_slice %arg10[%dma_start3A_45, %dma_start3A_46] : memref<10240x128xf32, #tpu.memory_space<vmem_shared>> -> memref<10240x128xf32, #tpu.memory_space<vmem_shared>>
      tpu.enqueue_indirect_dma source(%dma_start3A_47 : memref<10240x128xf32, #tpu.memory_space<vmem_shared>>) target(%arg8 : memref<128x128xf32, #tpu.memory_space<vmem>>) offsets(%dma_start3A_44 : memref<128xi32, #tpu.memory_space<vmem>>) semaphore(%run_scoped3A_42 : memref<!tpu.dma_semaphore, #tpu.memory_space<semaphore_mem>>)
      %dma_wait3A = arith.constant 0 : i32
      %dma_wait3A_48 = tpu.memref_slice %arg9[%run_scoped3A_25, %dma_wait3A] : memref<5x128xi32, #tpu.memory_space<vmem>> -> memref<1x128xi32, #tpu.memory_space<vmem>>
      %dma_wait3A_49 = tpu.memref_squeeze %dma_wait3A_48 : memref<1x128xi32, #tpu.memory_space<vmem>> -> memref<128xi32, #tpu.memory_space<vmem>>
      %dma_wait3A_50 = arith.constant 0 : i32
      %dma_wait3A_51 = arith.constant 0 : i32
      %dma_wait3A_52 = tpu.memref_slice %arg10[%dma_wait3A_50, %dma_wait3A_51] : memref<10240x128xf32, #tpu.memory_space<vmem_shared>> -> memref<10240x128xf32, #tpu.memory_space<vmem_shared>>
      tpu.wait_indirect_dma semaphore(%run_scoped3A_42 : memref<!tpu.dma_semaphore, #tpu.memory_space<semaphore_mem>>) src(%dma_wait3A_52 : memref<10240x128xf32, #tpu.memory_space<vmem_shared>>) dst(%arg8 : memref<128x128xf32, #tpu.memory_space<vmem>>)
      tpu.yield
    }) : () -> ()
    %barrier3A_26 = arith.constant 0 : index
    tpu.barrier barrier_id(%barrier3A_26)
    %run_scoped3A_27 = arith.constant 0 : i32
    "tpu.region"() ({
      %run_scoped3A_42 = tpu.sem_alloc : memref<!tpu.dma_semaphore, #tpu.memory_space<semaphore_mem>>
      %dma_start3A = arith.constant 0 : i32
      %dma_start3A_43 = tpu.memref_slice %arg9[%run_scoped3A_27, %dma_start3A] : memref<5x128xi32, #tpu.memory_space<vmem>> -> memref<1x128xi32, #tpu.memory_space<vmem>>
      %dma_start3A_44 = tpu.memref_squeeze %dma_start3A_43 : memref<1x128xi32, #tpu.memory_space<vmem>> -> memref<128xi32, #tpu.memory_space<vmem>>
      %dma_start3A_45 = arith.constant 0 : i32
      %dma_start3A_46 = arith.constant 0 : i32
      %dma_start3A_47 = tpu.memref_slice %arg10[%dma_start3A_45, %dma_start3A_46] : memref<10240x128xf32, #tpu.memory_space<vmem_shared>> -> memref<10240x128xf32, #tpu.memory_space<vmem_shared>>
      tpu.enqueue_indirect_dma source(%dma_start3A_47 : memref<10240x128xf32, #tpu.memory_space<vmem_shared>>) target(%arg8 : memref<128x128xf32, #tpu.memory_space<vmem>>) offsets(%dma_start3A_44 : memref<128xi32, #tpu.memory_space<vmem>>) semaphore(%run_scoped3A_42 : memref<!tpu.dma_semaphore, #tpu.memory_space<semaphore_mem>>)
      %dma_wait3A = arith.constant 0 : i32
      %dma_wait3A_48 = tpu.memref_slice %arg9[%run_scoped3A_27, %dma_wait3A] : memref<5x128xi32, #tpu.memory_space<vmem>> -> memref<1x128xi32, #tpu.memory_space<vmem>>
      %dma_wait3A_49 = tpu.memref_squeeze %dma_wait3A_48 : memref<1x128xi32, #tpu.memory_space<vmem>> -> memref<128xi32, #tpu.memory_space<vmem>>
      %dma_wait3A_50 = arith.constant 0 : i32
      %dma_wait3A_51 = arith.constant 0 : i32
      %dma_wait3A_52 = tpu.memref_slice %arg10[%dma_wait3A_50, %dma_wait3A_51] : memref<10240x128xf32, #tpu.memory_space<vmem_shared>> -> memref<10240x128xf32, #tpu.memory_space<vmem_shared>>
      tpu.wait_indirect_dma semaphore(%run_scoped3A_42 : memref<!tpu.dma_semaphore, #tpu.memory_space<semaphore_mem>>) src(%dma_wait3A_52 : memref<10240x128xf32, #tpu.memory_space<vmem_shared>>) dst(%arg8 : memref<128x128xf32, #tpu.memory_space<vmem>>)
      tpu.yield
    }) : () -> ()
    %add3A_28 = arith.constant 0 : i32
    %add3A_29 = arith.addi %mul3A_7, %add3A_28 : i32
    "tpu.region"() ({
      %run_scoped3A_42 = tpu.sem_alloc : memref<!tpu.dma_semaphore, #tpu.memory_space<semaphore_mem>>
      %dma_start3A = arith.constant 0 : i32
      %dma_start3A_43 = tpu.memref_slice %arg5[%arg0, %add3A_29, %dma_start3A] : memref<2x10240x128xf32, #tpu.memory_space<hbm>> -> memref<1x128x128xf32, #tpu.memory_space<hbm>>
      %dma_start3A_44 = tpu.memref_squeeze %dma_start3A_43 : memref<1x128x128xf32, #tpu.memory_space<hbm>> -> memref<128x128xf32, #tpu.memory_space<hbm>>
      %dma_start3A_45 = arith.constant 0 : i32
      %dma_start3A_46 = tpu.memref_slice %arg5[%arg0, %add3A_29, %dma_start3A_45] : memref<2x10240x128xf32, #tpu.memory_space<hbm>> -> memref<1x128x128xf32, #tpu.memory_space<hbm>>
      %dma_start3A_47 = tpu.memref_squeeze %dma_start3A_46 : memref<1x128x128xf32, #tpu.memory_space<hbm>> -> memref<128x128xf32, #tpu.memory_space<hbm>>
      tpu.enqueue_dma source(%arg8 : memref<128x128xf32, #tpu.memory_space<vmem>>) target(%dma_start3A_47 : memref<128x128xf32, #tpu.memory_space<hbm>>) target_semaphore(%run_scoped3A_42 : memref<!tpu.dma_semaphore, #tpu.memory_space<semaphore_mem>>)
      %dma_wait3A = arith.constant 0 : i32
      %dma_wait3A_48 = tpu.memref_slice %arg5[%arg0, %add3A_29, %dma_wait3A] : memref<2x10240x128xf32, #tpu.memory_space<hbm>> -> memref<1x128x128xf32, #tpu.memory_space<hbm>>
      %dma_wait3A_49 = tpu.memref_squeeze %dma_wait3A_48 : memref<1x128x128xf32, #tpu.memory_space<hbm>> -> memref<128x128xf32, #tpu.memory_space<hbm>>
      %dma_wait3A_50 = arith.constant 0 : i32
      %dma_wait3A_51 = tpu.memref_slice %arg5[%arg0, %add3A_29, %dma_wait3A_50] : memref<2x10240x128xf32, #tpu.memory_space<hbm>> -> memref<1x128x128xf32, #tpu.memory_space<hbm>>
      %dma_wait3A_52 = tpu.memref_squeeze %dma_wait3A_51 : memref<1x128x128xf32, #tpu.memory_space<hbm>> -> memref<128x128xf32, #tpu.memory_space<hbm>>
      tpu.wait_dma2 semaphore(%run_scoped3A_42 : memref<!tpu.dma_semaphore, #tpu.memory_space<semaphore_mem>>) src(%arg8 : memref<128x128xf32, #tpu.memory_space<vmem>>) dst(%dma_wait3A_52 : memref<128x128xf32, #tpu.memory_space<hbm>>)
      tpu.yield
    }) : () -> ()
    %run_scoped3A_30 = arith.constant 1 : i32
    "tpu.region"() ({
      %run_scoped3A_42 = tpu.sem_alloc : memref<!tpu.dma_semaphore, #tpu.memory_space<semaphore_mem>>
      %dma_start3A = arith.constant 0 : i32
      %dma_start3A_43 = tpu.memref_slice %arg9[%run_scoped3A_30, %dma_start3A] : memref<5x128xi32, #tpu.memory_space<vmem>> -> memref<1x128xi32, #tpu.memory_space<vmem>>
      %dma_start3A_44 = tpu.memref_squeeze %dma_start3A_43 : memref<1x128xi32, #tpu.memory_space<vmem>> -> memref<128xi32, #tpu.memory_space<vmem>>
      %dma_start3A_45 = arith.constant 0 : i32
      %dma_start3A_46 = arith.constant 0 : i32
      %dma_start3A_47 = tpu.memref_slice %arg10[%dma_start3A_45, %dma_start3A_46] : memref<10240x128xf32, #tpu.memory_space<vmem_shared>> -> memref<10240x128xf32, #tpu.memory_space<vmem_shared>>
      tpu.enqueue_indirect_dma source(%dma_start3A_47 : memref<10240x128xf32, #tpu.memory_space<vmem_shared>>) target(%arg8 : memref<128x128xf32, #tpu.memory_space<vmem>>) offsets(%dma_start3A_44 : memref<128xi32, #tpu.memory_space<vmem>>) semaphore(%run_scoped3A_42 : memref<!tpu.dma_semaphore, #tpu.memory_space<semaphore_mem>>)
      %dma_wait3A = arith.constant 0 : i32
      %dma_wait3A_48 = tpu.memref_slice %arg9[%run_scoped3A_30, %dma_wait3A] : memref<5x128xi32, #tpu.memory_space<vmem>> -> memref<1x128xi32, #tpu.memory_space<vmem>>
      %dma_wait3A_49 = tpu.memref_squeeze %dma_wait3A_48 : memref<1x128xi32, #tpu.memory_space<vmem>> -> memref<128xi32, #tpu.memory_space<vmem>>
      %dma_wait3A_50 = arith.constant 0 : i32
      %dma_wait3A_51 = arith.constant 0 : i32
      %dma_wait3A_52 = tpu.memref_slice %arg10[%dma_wait3A_50, %dma_wait3A_51] : memref<10240x128xf32, #tpu.memory_space<vmem_shared>> -> memref<10240x128xf32, #tpu.memory_space<vmem_shared>>
      tpu.wait_indirect_dma semaphore(%run_scoped3A_42 : memref<!tpu.dma_semaphore, #tpu.memory_space<semaphore_mem>>) src(%dma_wait3A_52 : memref<10240x128xf32, #tpu.memory_space<vmem_shared>>) dst(%arg8 : memref<128x128xf32, #tpu.memory_space<vmem>>)
      tpu.yield
    }) : () -> ()
    %add3A_31 = arith.constant 128 : i32
    %add3A_32 = arith.addi %mul3A_7, %add3A_31 : i32
    "tpu.region"() ({
      %run_scoped3A_42 = tpu.sem_alloc : memref<!tpu.dma_semaphore, #tpu.memory_space<semaphore_mem>>
      %dma_start3A = arith.constant 0 : i32
      %dma_start3A_43 = tpu.memref_slice %arg5[%arg0, %add3A_32, %dma_start3A] : memref<2x10240x128xf32, #tpu.memory_space<hbm>> -> memref<1x128x128xf32, #tpu.memory_space<hbm>>
      %dma_start3A_44 = tpu.memref_squeeze %dma_start3A_43 : memref<1x128x128xf32, #tpu.memory_space<hbm>> -> memref<128x128xf32, #tpu.memory_space<hbm>>
      %dma_start3A_45 = arith.constant 0 : i32
      %dma_start3A_46 = tpu.memref_slice %arg5[%arg0, %add3A_32, %dma_start3A_45] : memref<2x10240x128xf32, #tpu.memory_space<hbm>> -> memref<1x128x128xf32, #tpu.memory_space<hbm>>
      %dma_start3A_47 = tpu.memref_squeeze %dma_start3A_46 : memref<1x128x128xf32, #tpu.memory_space<hbm>> -> memref<128x128xf32, #tpu.memory_space<hbm>>
      tpu.enqueue_dma source(%arg8 : memref<128x128xf32, #tpu.memory_space<vmem>>) target(%dma_start3A_47 : memref<128x128xf32, #tpu.memory_space<hbm>>) target_semaphore(%run_scoped3A_42 : memref<!tpu.dma_semaphore, #tpu.memory_space<semaphore_mem>>)
      %dma_wait3A = arith.constant 0 : i32
      %dma_wait3A_48 = tpu.memref_slice %arg5[%arg0, %add3A_32, %dma_wait3A] : memref<2x10240x128xf32, #tpu.memory_space<hbm>> -> memref<1x128x128xf32, #tpu.memory_space<hbm>>
      %dma_wait3A_49 = tpu.memref_squeeze %dma_wait3A_48 : memref<1x128x128xf32, #tpu.memory_space<hbm>> -> memref<128x128xf32, #tpu.memory_space<hbm>>
      %dma_wait3A_50 = arith.constant 0 : i32
      %dma_wait3A_51 = tpu.memref_slice %arg5[%arg0, %add3A_32, %dma_wait3A_50] : memref<2x10240x128xf32, #tpu.memory_space<hbm>> -> memref<1x128x128xf32, #tpu.memory_space<hbm>>
      %dma_wait3A_52 = tpu.memref_squeeze %dma_wait3A_51 : memref<1x128x128xf32, #tpu.memory_space<hbm>> -> memref<128x128xf32, #tpu.memory_space<hbm>>
      tpu.wait_dma2 semaphore(%run_scoped3A_42 : memref<!tpu.dma_semaphore, #tpu.memory_space<semaphore_mem>>) src(%arg8 : memref<128x128xf32, #tpu.memory_space<vmem>>) dst(%dma_wait3A_52 : memref<128x128xf32, #tpu.memory_space<hbm>>)
      tpu.yield
    }) : () -> ()
    %run_scoped3A_33 = arith.constant 2 : i32
    "tpu.region"() ({
      %run_scoped3A_42 = tpu.sem_alloc : memref<!tpu.dma_semaphore, #tpu.memory_space<semaphore_mem>>
      %dma_start3A = arith.constant 0 : i32
      %dma_start3A_43 = tpu.memref_slice %arg9[%run_scoped3A_33, %dma_start3A] : memref<5x128xi32, #tpu.memory_space<vmem>> -> memref<1x128xi32, #tpu.memory_space<vmem>>
      %dma_start3A_44 = tpu.memref_squeeze %dma_start3A_43 : memref<1x128xi32, #tpu.memory_space<vmem>> -> memref<128xi32, #tpu.memory_space<vmem>>
      %dma_start3A_45 = arith.constant 0 : i32
      %dma_start3A_46 = arith.constant 0 : i32
      %dma_start3A_47 = tpu.memref_slice %arg10[%dma_start3A_45, %dma_start3A_46] : memref<10240x128xf32, #tpu.memory_space<vmem_shared>> -> memref<10240x128xf32, #tpu.memory_space<vmem_shared>>
      tpu.enqueue_indirect_dma source(%dma_start3A_47 : memref<10240x128xf32, #tpu.memory_space<vmem_shared>>) target(%arg8 : memref<128x128xf32, #tpu.memory_space<vmem>>) offsets(%dma_start3A_44 : memref<128xi32, #tpu.memory_space<vmem>>) semaphore(%run_scoped3A_42 : memref<!tpu.dma_semaphore, #tpu.memory_space<semaphore_mem>>)
      %dma_wait3A = arith.constant 0 : i32
      %dma_wait3A_48 = tpu.memref_slice %arg9[%run_scoped3A_33, %dma_wait3A] : memref<5x128xi32, #tpu.memory_space<vmem>> -> memref<1x128xi32, #tpu.memory_space<vmem>>
      %dma_wait3A_49 = tpu.memref_squeeze %dma_wait3A_48 : memref<1x128xi32, #tpu.memory_space<vmem>> -> memref<128xi32, #tpu.memory_space<vmem>>
      %dma_wait3A_50 = arith.constant 0 : i32
      %dma_wait3A_51 = arith.constant 0 : i32
      %dma_wait3A_52 = tpu.memref_slice %arg10[%dma_wait3A_50, %dma_wait3A_51] : memref<10240x128xf32, #tpu.memory_space<vmem_shared>> -> memref<10240x128xf32, #tpu.memory_space<vmem_shared>>
      tpu.wait_indirect_dma semaphore(%run_scoped3A_42 : memref<!tpu.dma_semaphore, #tpu.memory_space<semaphore_mem>>) src(%dma_wait3A_52 : memref<10240x128xf32, #tpu.memory_space<vmem_shared>>) dst(%arg8 : memref<128x128xf32, #tpu.memory_space<vmem>>)
      tpu.yield
    }) : () -> ()
    %add3A_34 = arith.constant 256 : i32
    %add3A_35 = arith.addi %mul3A_7, %add3A_34 : i32
    "tpu.region"() ({
      %run_scoped3A_42 = tpu.sem_alloc : memref<!tpu.dma_semaphore, #tpu.memory_space<semaphore_mem>>
      %dma_start3A = arith.constant 0 : i32
      %dma_start3A_43 = tpu.memref_slice %arg5[%arg0, %add3A_35, %dma_start3A] : memref<2x10240x128xf32, #tpu.memory_space<hbm>> -> memref<1x128x128xf32, #tpu.memory_space<hbm>>
      %dma_start3A_44 = tpu.memref_squeeze %dma_start3A_43 : memref<1x128x128xf32, #tpu.memory_space<hbm>> -> memref<128x128xf32, #tpu.memory_space<hbm>>
      %dma_start3A_45 = arith.constant 0 : i32
      %dma_start3A_46 = tpu.memref_slice %arg5[%arg0, %add3A_35, %dma_start3A_45] : memref<2x10240x128xf32, #tpu.memory_space<hbm>> -> memref<1x128x128xf32, #tpu.memory_space<hbm>>
      %dma_start3A_47 = tpu.memref_squeeze %dma_start3A_46 : memref<1x128x128xf32, #tpu.memory_space<hbm>> -> memref<128x128xf32, #tpu.memory_space<hbm>>
      tpu.enqueue_dma source(%arg8 : memref<128x128xf32, #tpu.memory_space<vmem>>) target(%dma_start3A_47 : memref<128x128xf32, #tpu.memory_space<hbm>>) target_semaphore(%run_scoped3A_42 : memref<!tpu.dma_semaphore, #tpu.memory_space<semaphore_mem>>)
      %dma_wait3A = arith.constant 0 : i32
      %dma_wait3A_48 = tpu.memref_slice %arg5[%arg0, %add3A_35, %dma_wait3A] : memref<2x10240x128xf32, #tpu.memory_space<hbm>> -> memref<1x128x128xf32, #tpu.memory_space<hbm>>
      %dma_wait3A_49 = tpu.memref_squeeze %dma_wait3A_48 : memref<1x128x128xf32, #tpu.memory_space<hbm>> -> memref<128x128xf32, #tpu.memory_space<hbm>>
      %dma_wait3A_50 = arith.constant 0 : i32
      %dma_wait3A_51 = tpu.memref_slice %arg5[%arg0, %add3A_35, %dma_wait3A_50] : memref<2x10240x128xf32, #tpu.memory_space<hbm>> -> memref<1x128x128xf32, #tpu.memory_space<hbm>>
      %dma_wait3A_52 = tpu.memref_squeeze %dma_wait3A_51 : memref<1x128x128xf32, #tpu.memory_space<hbm>> -> memref<128x128xf32, #tpu.memory_space<hbm>>
      tpu.wait_dma2 semaphore(%run_scoped3A_42 : memref<!tpu.dma_semaphore, #tpu.memory_space<semaphore_mem>>) src(%arg8 : memref<128x128xf32, #tpu.memory_space<vmem>>) dst(%dma_wait3A_52 : memref<128x128xf32, #tpu.memory_space<hbm>>)
      tpu.yield
    }) : () -> ()
    %run_scoped3A_36 = arith.constant 3 : i32
    "tpu.region"() ({
      %run_scoped3A_42 = tpu.sem_alloc : memref<!tpu.dma_semaphore, #tpu.memory_space<semaphore_mem>>
      %dma_start3A = arith.constant 0 : i32
      %dma_start3A_43 = tpu.memref_slice %arg9[%run_scoped3A_36, %dma_start3A] : memref<5x128xi32, #tpu.memory_space<vmem>> -> memref<1x128xi32, #tpu.memory_space<vmem>>
      %dma_start3A_44 = tpu.memref_squeeze %dma_start3A_43 : memref<1x128xi32, #tpu.memory_space<vmem>> -> memref<128xi32, #tpu.memory_space<vmem>>
      %dma_start3A_45 = arith.constant 0 : i32
      %dma_start3A_46 = arith.constant 0 : i32
      %dma_start3A_47 = tpu.memref_slice %arg10[%dma_start3A_45, %dma_start3A_46] : memref<10240x128xf32, #tpu.memory_space<vmem_shared>> -> memref<10240x128xf32, #tpu.memory_space<vmem_shared>>
      tpu.enqueue_indirect_dma source(%dma_start3A_47 : memref<10240x128xf32, #tpu.memory_space<vmem_shared>>) target(%arg8 : memref<128x128xf32, #tpu.memory_space<vmem>>) offsets(%dma_start3A_44 : memref<128xi32, #tpu.memory_space<vmem>>) semaphore(%run_scoped3A_42 : memref<!tpu.dma_semaphore, #tpu.memory_space<semaphore_mem>>)
      %dma_wait3A = arith.constant 0 : i32
      %dma_wait3A_48 = tpu.memref_slice %arg9[%run_scoped3A_36, %dma_wait3A] : memref<5x128xi32, #tpu.memory_space<vmem>> -> memref<1x128xi32, #tpu.memory_space<vmem>>
      %dma_wait3A_49 = tpu.memref_squeeze %dma_wait3A_48 : memref<1x128xi32, #tpu.memory_space<vmem>> -> memref<128xi32, #tpu.memory_space<vmem>>
      %dma_wait3A_50 = arith.constant 0 : i32
      %dma_wait3A_51 = arith.constant 0 : i32
      %dma_wait3A_52 = tpu.memref_slice %arg10[%dma_wait3A_50, %dma_wait3A_51] : memref<10240x128xf32, #tpu.memory_space<vmem_shared>> -> memref<10240x128xf32, #tpu.memory_space<vmem_shared>>
      tpu.wait_indirect_dma semaphore(%run_scoped3A_42 : memref<!tpu.dma_semaphore, #tpu.memory_space<semaphore_mem>>) src(%dma_wait3A_52 : memref<10240x128xf32, #tpu.memory_space<vmem_shared>>) dst(%arg8 : memref<128x128xf32, #tpu.memory_space<vmem>>)
      tpu.yield
    }) : () -> ()
    %add3A_37 = arith.constant 384 : i32
    %add3A_38 = arith.addi %mul3A_7, %add3A_37 : i32
    "tpu.region"() ({
      %run_scoped3A_42 = tpu.sem_alloc : memref<!tpu.dma_semaphore, #tpu.memory_space<semaphore_mem>>
      %dma_start3A = arith.constant 0 : i32
      %dma_start3A_43 = tpu.memref_slice %arg5[%arg0, %add3A_38, %dma_start3A] : memref<2x10240x128xf32, #tpu.memory_space<hbm>> -> memref<1x128x128xf32, #tpu.memory_space<hbm>>
      %dma_start3A_44 = tpu.memref_squeeze %dma_start3A_43 : memref<1x128x128xf32, #tpu.memory_space<hbm>> -> memref<128x128xf32, #tpu.memory_space<hbm>>
      %dma_start3A_45 = arith.constant 0 : i32
      %dma_start3A_46 = tpu.memref_slice %arg5[%arg0, %add3A_38, %dma_start3A_45] : memref<2x10240x128xf32, #tpu.memory_space<hbm>> -> memref<1x128x128xf32, #tpu.memory_space<hbm>>
      %dma_start3A_47 = tpu.memref_squeeze %dma_start3A_46 : memref<1x128x128xf32, #tpu.memory_space<hbm>> -> memref<128x128xf32, #tpu.memory_space<hbm>>
      tpu.enqueue_dma source(%arg8 : memref<128x128xf32, #tpu.memory_space<vmem>>) target(%dma_start3A_47 : memref<128x128xf32, #tpu.memory_space<hbm>>) target_semaphore(%run_scoped3A_42 : memref<!tpu.dma_semaphore, #tpu.memory_space<semaphore_mem>>)
      %dma_wait3A = arith.constant 0 : i32
      %dma_wait3A_48 = tpu.memref_slice %arg5[%arg0, %add3A_38, %dma_wait3A] : memref<2x10240x128xf32, #tpu.memory_space<hbm>> -> memref<1x128x128xf32, #tpu.memory_space<hbm>>
      %dma_wait3A_49 = tpu.memref_squeeze %dma_wait3A_48 : memref<1x128x128xf32, #tpu.memory_space<hbm>> -> memref<128x128xf32, #tpu.memory_space<hbm>>
      %dma_wait3A_50 = arith.constant 0 : i32
      %dma_wait3A_51 = tpu.memref_slice %arg5[%arg0, %add3A_38, %dma_wait3A_50] : memref<2x10240x128xf32, #tpu.memory_space<hbm>> -> memref<1x128x128xf32, #tpu.memory_space<hbm>>
      %dma_wait3A_52 = tpu.memref_squeeze %dma_wait3A_51 : memref<1x128x128xf32, #tpu.memory_space<hbm>> -> memref<128x128xf32, #tpu.memory_space<hbm>>
      tpu.wait_dma2 semaphore(%run_scoped3A_42 : memref<!tpu.dma_semaphore, #tpu.memory_space<semaphore_mem>>) src(%arg8 : memref<128x128xf32, #tpu.memory_space<vmem>>) dst(%dma_wait3A_52 : memref<128x128xf32, #tpu.memory_space<hbm>>)
      tpu.yield
    }) : () -> ()
    %run_scoped3A_39 = arith.constant 4 : i32
    "tpu.region"() ({
      %run_scoped3A_42 = tpu.sem_alloc : memref<!tpu.dma_semaphore, #tpu.memory_space<semaphore_mem>>
      %dma_start3A = arith.constant 0 : i32
      %dma_start3A_43 = tpu.memref_slice %arg9[%run_scoped3A_39, %dma_start3A] : memref<5x128xi32, #tpu.memory_space<vmem>> -> memref<1x128xi32, #tpu.memory_space<vmem>>
      %dma_start3A_44 = tpu.memref_squeeze %dma_start3A_43 : memref<1x128xi32, #tpu.memory_space<vmem>> -> memref<128xi32, #tpu.memory_space<vmem>>
      %dma_start3A_45 = arith.constant 0 : i32
      %dma_start3A_46 = arith.constant 0 : i32
      %dma_start3A_47 = tpu.memref_slice %arg10[%dma_start3A_45, %dma_start3A_46] : memref<10240x128xf32, #tpu.memory_space<vmem_shared>> -> memref<10240x128xf32, #tpu.memory_space<vmem_shared>>
      tpu.enqueue_indirect_dma source(%dma_start3A_47 : memref<10240x128xf32, #tpu.memory_space<vmem_shared>>) target(%arg8 : memref<128x128xf32, #tpu.memory_space<vmem>>) offsets(%dma_start3A_44 : memref<128xi32, #tpu.memory_space<vmem>>) semaphore(%run_scoped3A_42 : memref<!tpu.dma_semaphore, #tpu.memory_space<semaphore_mem>>)
      %dma_wait3A = arith.constant 0 : i32
      %dma_wait3A_48 = tpu.memref_slice %arg9[%run_scoped3A_39, %dma_wait3A] : memref<5x128xi32, #tpu.memory_space<vmem>> -> memref<1x128xi32, #tpu.memory_space<vmem>>
      %dma_wait3A_49 = tpu.memref_squeeze %dma_wait3A_48 : memref<1x128xi32, #tpu.memory_space<vmem>> -> memref<128xi32, #tpu.memory_space<vmem>>
      %dma_wait3A_50 = arith.constant 0 : i32
      %dma_wait3A_51 = arith.constant 0 : i32
      %dma_wait3A_52 = tpu.memref_slice %arg10[%dma_wait3A_50, %dma_wait3A_51] : memref<10240x128xf32, #tpu.memory_space<vmem_shared>> -> memref<10240x128xf32, #tpu.memory_space<vmem_shared>>
      tpu.wait_indirect_dma semaphore(%run_scoped3A_42 : memref<!tpu.dma_semaphore, #tpu.memory_space<semaphore_mem>>) src(%dma_wait3A_52 : memref<10240x128xf32, #tpu.memory_space<vmem_shared>>) dst(%arg8 : memref<128x128xf32, #tpu.memory_space<vmem>>)
      tpu.yield
    }) : () -> ()
    %add3A_40 = arith.constant 512 : i32
    %add3A_41 = arith.addi %mul3A_7, %add3A_40 : i32
    "tpu.region"() ({
      %run_scoped3A_42 = tpu.sem_alloc : memref<!tpu.dma_semaphore, #tpu.memory_space<semaphore_mem>>
      %dma_start3A = arith.constant 0 : i32
      %dma_start3A_43 = tpu.memref_slice %arg5[%arg0, %add3A_41, %dma_start3A] : memref<2x10240x128xf32, #tpu.memory_space<hbm>> -> memref<1x128x128xf32, #tpu.memory_space<hbm>>
      %dma_start3A_44 = tpu.memref_squeeze %dma_start3A_43 : memref<1x128x128xf32, #tpu.memory_space<hbm>> -> memref<128x128xf32, #tpu.memory_space<hbm>>
      %dma_start3A_45 = arith.constant 0 : i32
      %dma_start3A_46 = tpu.memref_slice %arg5[%arg0, %add3A_41, %dma_start3A_45] : memref<2x10240x128xf32, #tpu.memory_space<hbm>> -> memref<1x128x128xf32, #tpu.memory_space<hbm>>
      %dma_start3A_47 = tpu.memref_squeeze %dma_start3A_46 : memref<1x128x128xf32, #tpu.memory_space<hbm>> -> memref<128x128xf32, #tpu.memory_space<hbm>>
      tpu.enqueue_dma source(%arg8 : memref<128x128xf32, #tpu.memory_space<vmem>>) target(%dma_start3A_47 : memref<128x128xf32, #tpu.memory_space<hbm>>) target_semaphore(%run_scoped3A_42 : memref<!tpu.dma_semaphore, #tpu.memory_space<semaphore_mem>>)
      %dma_wait3A = arith.constant 0 : i32
      %dma_wait3A_48 = tpu.memref_slice %arg5[%arg0, %add3A_41, %dma_wait3A] : memref<2x10240x128xf32, #tpu.memory_space<hbm>> -> memref<1x128x128xf32, #tpu.memory_space<hbm>>
      %dma_wait3A_49 = tpu.memref_squeeze %dma_wait3A_48 : memref<1x128x128xf32, #tpu.memory_space<hbm>> -> memref<128x128xf32, #tpu.memory_space<hbm>>
      %dma_wait3A_50 = arith.constant 0 : i32
      %dma_wait3A_51 = tpu.memref_slice %arg5[%arg0, %add3A_41, %dma_wait3A_50] : memref<2x10240x128xf32, #tpu.memory_space<hbm>> -> memref<1x128x128xf32, #tpu.memory_space<hbm>>
      %dma_wait3A_52 = tpu.memref_squeeze %dma_wait3A_51 : memref<1x128x128xf32, #tpu.memory_space<hbm>> -> memref<128x128xf32, #tpu.memory_space<hbm>>
      tpu.wait_dma2 semaphore(%run_scoped3A_42 : memref<!tpu.dma_semaphore, #tpu.memory_space<semaphore_mem>>) src(%arg8 : memref<128x128xf32, #tpu.memory_space<vmem>>) dst(%dma_wait3A_52 : memref<128x128xf32, #tpu.memory_space<hbm>>)
      tpu.yield
    }) : () -> ()
    return
  }
}

#map = affine_map<(d0, d1) -> (0, 0)>
#map1 = affine_map<(d0, d1) -> (0, 0, 0)>
module attributes {stable_mosaic.version = 14 : i64} {
  func.func @_sc_scatter(%arg0: i32, %arg1: i32, %arg2: memref<10240x128xf32, #tpu.memory_space<hbm>>, %arg3: memref<32x79x128xi32, #tpu.memory_space<hbm>>, %arg4: memref<32x79x128xi32, #tpu.memory_space<hbm>>, %arg5: memref<2x10240x128xf32, #tpu.memory_space<hbm>>, %arg6: memref<79x128xi32, #tpu.memory_space<vmem>>, %arg7: memref<79x128xi32, #tpu.memory_space<vmem>>, %arg8: memref<128x128xf32, #tpu.memory_space<vmem>>, %arg9: memref<5x128xi32, #tpu.memory_space<vmem>>, %arg10: memref<10240x128xf32, #tpu.memory_space<vmem_shared>>) attributes {dimension_semantics = [#tpu.dimension_semantics<core_parallel>, #tpu.dimension_semantics<subcore_parallel>], iteration_bounds = array<i64: 2, 16>, scalar_prefetch = 0 : i64, scratch_operands = 5 : i64, tpu.core_type = #tpu.core_type<sc_vector_subcore>, window_params = [{transform_indices = #map}, {transform_indices = #map1}, {transform_indices = #map1}, {transform_indices = #map1}]} {
    %mul3A = arith.constant 16 : i32
    %mul3A_0 = arith.muli %arg0, %mul3A : i32
    %add3A = arith.addi %mul3A_0, %arg1 : i32
    "tpu.region"() ({
      %run_scoped3A_42 = tpu.sem_alloc : memref<!tpu.dma_semaphore, #tpu.memory_space<semaphore_mem>>
      %dma_start3A = arith.constant 0 : i32
      %dma_start3A_43 = arith.constant 0 : i32
      %dma_start3A_44 = tpu.memref_slice %arg3[%add3A, %dma_start3A, %dma_start3A_43] : memref<32x79x128xi32, #tpu.memory_space<hbm>> -> memref<1x79x128xi32, #tpu.memory_space<hbm>>
      %dma_start3A_45 = tpu.memref_squeeze %dma_start3A_44 : memref<1x79x128xi32, #tpu.memory_space<hbm>> -> memref<79x128xi32, #tpu.memory_space<hbm>>
      %dma_start3A_46 = arith.constant 0 : i32
      %dma_start3A_47 = arith.constant 0 : i32
      %dma_start3A_48 = tpu.memref_slice %arg3[%add3A, %dma_start3A_46, %dma_start3A_47] : memref<32x79x128xi32, #tpu.memory_space<hbm>> -> memref<1x79x128xi32, #tpu.memory_space<hbm>>
      %dma_start3A_49 = tpu.memref_squeeze %dma_start3A_48 : memref<1x79x128xi32, #tpu.memory_space<hbm>> -> memref<79x128xi32, #tpu.memory_space<hbm>>
      tpu.enqueue_dma source(%dma_start3A_49 : memref<79x128xi32, #tpu.memory_space<hbm>>) target(%arg6 : memref<79x128xi32, #tpu.memory_space<vmem>>) target_semaphore(%run_scoped3A_42 : memref<!tpu.dma_semaphore, #tpu.memory_space<semaphore_mem>>)
      %dma_wait3A = arith.constant 0 : i32
      %dma_wait3A_50 = arith.constant 0 : i32
      %dma_wait3A_51 = tpu.memref_slice %arg3[%add3A, %dma_wait3A, %dma_wait3A_50] : memref<32x79x128xi32, #tpu.memory_space<hbm>> -> memref<1x79x128xi32, #tpu.memory_space<hbm>>
      %dma_wait3A_52 = tpu.memref_squeeze %dma_wait3A_51 : memref<1x79x128xi32, #tpu.memory_space<hbm>> -> memref<79x128xi32, #tpu.memory_space<hbm>>
      %dma_wait3A_53 = arith.constant 0 : i32
      %dma_wait3A_54 = arith.constant 0 : i32
      %dma_wait3A_55 = tpu.memref_slice %arg3[%add3A, %dma_wait3A_53, %dma_wait3A_54] : memref<32x79x128xi32, #tpu.memory_space<hbm>> -> memref<1x79x128xi32, #tpu.memory_space<hbm>>
      %dma_wait3A_56 = tpu.memref_squeeze %dma_wait3A_55 : memref<1x79x128xi32, #tpu.memory_space<hbm>> -> memref<79x128xi32, #tpu.memory_space<hbm>>
      tpu.wait_dma2 semaphore(%run_scoped3A_42 : memref<!tpu.dma_semaphore, #tpu.memory_space<semaphore_mem>>) src(%dma_wait3A_56 : memref<79x128xi32, #tpu.memory_space<hbm>>) dst(%arg6 : memref<79x128xi32, #tpu.memory_space<vmem>>)
      tpu.yield
    }) : () -> ()
    "tpu.region"() ({
      %run_scoped3A_42 = tpu.sem_alloc : memref<!tpu.dma_semaphore, #tpu.memory_space<semaphore_mem>>
      %dma_start3A = arith.constant 0 : i32
      %dma_start3A_43 = arith.constant 0 : i32
      %dma_start3A_44 = tpu.memref_slice %arg4[%add3A, %dma_start3A, %dma_start3A_43] : memref<32x79x128xi32, #tpu.memory_space<hbm>> -> memref<1x79x128xi32, #tpu.memory_space<hbm>>
      %dma_start3A_45 = tpu.memref_squeeze %dma_start3A_44 : memref<1x79x128xi32, #tpu.memory_space<hbm>> -> memref<79x128xi32, #tpu.memory_space<hbm>>
      %dma_start3A_46 = arith.constant 0 : i32
      %dma_start3A_47 = arith.constant 0 : i32
      %dma_start3A_48 = tpu.memref_slice %arg4[%add3A, %dma_start3A_46, %dma_start3A_47] : memref<32x79x128xi32, #tpu.memory_space<hbm>> -> memref<1x79x128xi32, #tpu.memory_space<hbm>>
      %dma_start3A_49 = tpu.memref_squeeze %dma_start3A_48 : memref<1x79x128xi32, #tpu.memory_space<hbm>> -> memref<79x128xi32, #tpu.memory_space<hbm>>
      tpu.enqueue_dma source(%dma_start3A_49 : memref<79x128xi32, #tpu.memory_space<hbm>>) target(%arg7 : memref<79x128xi32, #tpu.memory_space<vmem>>) target_semaphore(%run_scoped3A_42 : memref<!tpu.dma_semaphore, #tpu.memory_space<semaphore_mem>>)
      %dma_wait3A = arith.constant 0 : i32
      %dma_wait3A_50 = arith.constant 0 : i32
      %dma_wait3A_51 = tpu.memref_slice %arg4[%add3A, %dma_wait3A, %dma_wait3A_50] : memref<32x79x128xi32, #tpu.memory_space<hbm>> -> memref<1x79x128xi32, #tpu.memory_space<hbm>>
      %dma_wait3A_52 = tpu.memref_squeeze %dma_wait3A_51 : memref<1x79x128xi32, #tpu.memory_space<hbm>> -> memref<79x128xi32, #tpu.memory_space<hbm>>
      %dma_wait3A_53 = arith.constant 0 : i32
      %dma_wait3A_54 = arith.constant 0 : i32
      %dma_wait3A_55 = tpu.memref_slice %arg4[%add3A, %dma_wait3A_53, %dma_wait3A_54] : memref<32x79x128xi32, #tpu.memory_space<hbm>> -> memref<1x79x128xi32, #tpu.memory_space<hbm>>
      %dma_wait3A_56 = tpu.memref_squeeze %dma_wait3A_55 : memref<1x79x128xi32, #tpu.memory_space<hbm>> -> memref<79x128xi32, #tpu.memory_space<hbm>>
      tpu.wait_dma2 semaphore(%run_scoped3A_42 : memref<!tpu.dma_semaphore, #tpu.memory_space<semaphore_mem>>) src(%dma_wait3A_56 : memref<79x128xi32, #tpu.memory_space<hbm>>) dst(%arg7 : memref<79x128xi32, #tpu.memory_space<vmem>>)
      tpu.yield
    }) : () -> ()
    %scan3A = arith.constant 0 : i32
    %scan3A_1 = arith.constant 0 : i32
    %scan3A_2 = arith.constant 128 : i32
    %scan3A_3 = arith.addi %scan3A_1, %scan3A_2 : i32
    %scan3A_4 = arith.constant 1 : i32
    scf.for %scan3A_42 = %scan3A_1 to %scan3A_3 step %scan3A_4  : i32 {
      %broadcast_in_dim3A = arith.constant 0.000000e+00 : f32
      %broadcast_in_dim3A_43 = vector.broadcast %broadcast_in_dim3A : f32 to vector<16xf32>
      %swap3A = arith.index_cast %scan3A_42 : i32 to index
      %swap3A_44 = arith.constant 0 : index
      %swap3A_45 = tpu.vector_load %arg8[%swap3A, %swap3A_44] {strides = array<i32>} : memref<128x128xf32, #tpu.memory_space<vmem>>, vector<1x16xf32>,
      %swap3A_46 = vector.shape_cast %swap3A_45 : vector<1x16xf32> to vector<16xf32>
      %swap3A_47 = vector.shape_cast %broadcast_in_dim3A_43 : vector<16xf32> to vector<1x16xf32>
      tpu.vector_store %arg8[%swap3A, %swap3A_44], %swap3A_47 {strides = array<i32>} : memref<128x128xf32, #tpu.memory_space<vmem>>, vector<1x16xf32>,
      %broadcast_in_dim3A_48 = arith.constant 0.000000e+00 : f32
      %broadcast_in_dim3A_49 = vector.broadcast %broadcast_in_dim3A_48 : f32 to vector<16xf32>
      %swap3A_50 = arith.index_cast %scan3A_42 : i32 to index
      %swap3A_51 = arith.constant 16 : index
      %swap3A_52 = tpu.vector_load %arg8[%swap3A_50, %swap3A_51] {strides = array<i32>} : memref<128x128xf32, #tpu.memory_space<vmem>>, vector<1x16xf32>,
      %swap3A_53 = vector.shape_cast %swap3A_52 : vector<1x16xf32> to vector<16xf32>
      %swap3A_54 = vector.shape_cast %broadcast_in_dim3A_49 : vector<16xf32> to vector<1x16xf32>
      tpu.vector_store %arg8[%swap3A_50, %swap3A_51], %swap3A_54 {strides = array<i32>} : memref<128x128xf32, #tpu.memory_space<vmem>>, vector<1x16xf32>,
      %broadcast_in_dim3A_55 = arith.constant 0.000000e+00 : f32
      %broadcast_in_dim3A_56 = vector.broadcast %broadcast_in_dim3A_55 : f32 to vector<16xf32>
      %swap3A_57 = arith.index_cast %scan3A_42 : i32 to index
      %swap3A_58 = arith.constant 32 : index
      %swap3A_59 = tpu.vector_load %arg8[%swap3A_57, %swap3A_58] {strides = array<i32>} : memref<128x128xf32, #tpu.memory_space<vmem>>, vector<1x16xf32>,
      %swap3A_60 = vector.shape_cast %swap3A_59 : vector<1x16xf32> to vector<16xf32>
      %swap3A_61 = vector.shape_cast %broadcast_in_dim3A_56 : vector<16xf32> to vector<1x16xf32>
      tpu.vector_store %arg8[%swap3A_57, %swap3A_58], %swap3A_61 {strides = array<i32>} : memref<128x128xf32, #tpu.memory_space<vmem>>, vector<1x16xf32>,
      %broadcast_in_dim3A_62 = arith.constant 0.000000e+00 : f32
      %broadcast_in_dim3A_63 = vector.broadcast %broadcast_in_dim3A_62 : f32 to vector<16xf32>
      %swap3A_64 = arith.index_cast %scan3A_42 : i32 to index
      %swap3A_65 = arith.constant 48 : index
      %swap3A_66 = tpu.vector_load %arg8[%swap3A_64, %swap3A_65] {strides = array<i32>} : memref<128x128xf32, #tpu.memory_space<vmem>>, vector<1x16xf32>,
      %swap3A_67 = vector.shape_cast %swap3A_66 : vector<1x16xf32> to vector<16xf32>
      %swap3A_68 = vector.shape_cast %broadcast_in_dim3A_63 : vector<16xf32> to vector<1x16xf32>
      tpu.vector_store %arg8[%swap3A_64, %swap3A_65], %swap3A_68 {strides = array<i32>} : memref<128x128xf32, #tpu.memory_space<vmem>>, vector<1x16xf32>,
      %broadcast_in_dim3A_69 = arith.constant 0.000000e+00 : f32
      %broadcast_in_dim3A_70 = vector.broadcast %broadcast_in_dim3A_69 : f32 to vector<16xf32>
      %swap3A_71 = arith.index_cast %scan3A_42 : i32 to index
      %swap3A_72 = arith.constant 64 : index
      %swap3A_73 = tpu.vector_load %arg8[%swap3A_71, %swap3A_72] {strides = array<i32>} : memref<128x128xf32, #tpu.memory_space<vmem>>, vector<1x16xf32>,
      %swap3A_74 = vector.shape_cast %swap3A_73 : vector<1x16xf32> to vector<16xf32>
      %swap3A_75 = vector.shape_cast %broadcast_in_dim3A_70 : vector<16xf32> to vector<1x16xf32>
      tpu.vector_store %arg8[%swap3A_71, %swap3A_72], %swap3A_75 {strides = array<i32>} : memref<128x128xf32, #tpu.memory_space<vmem>>, vector<1x16xf32>,
      %broadcast_in_dim3A_76 = arith.constant 0.000000e+00 : f32
      %broadcast_in_dim3A_77 = vector.broadcast %broadcast_in_dim3A_76 : f32 to vector<16xf32>
      %swap3A_78 = arith.index_cast %scan3A_42 : i32 to index
      %swap3A_79 = arith.constant 80 : index
      %swap3A_80 = tpu.vector_load %arg8[%swap3A_78, %swap3A_79] {strides = array<i32>} : memref<128x128xf32, #tpu.memory_space<vmem>>, vector<1x16xf32>,
      %swap3A_81 = vector.shape_cast %swap3A_80 : vector<1x16xf32> to vector<16xf32>
      %swap3A_82 = vector.shape_cast %broadcast_in_dim3A_77 : vector<16xf32> to vector<1x16xf32>
      tpu.vector_store %arg8[%swap3A_78, %swap3A_79], %swap3A_82 {strides = array<i32>} : memref<128x128xf32, #tpu.memory_space<vmem>>, vector<1x16xf32>,
      %broadcast_in_dim3A_83 = arith.constant 0.000000e+00 : f32
      %broadcast_in_dim3A_84 = vector.broadcast %broadcast_in_dim3A_83 : f32 to vector<16xf32>
      %swap3A_85 = arith.index_cast %scan3A_42 : i32 to index
      %swap3A_86 = arith.constant 96 : index
      %swap3A_87 = tpu.vector_load %arg8[%swap3A_85, %swap3A_86] {strides = array<i32>} : memref<128x128xf32, #tpu.memory_space<vmem>>, vector<1x16xf32>,
      %swap3A_88 = vector.shape_cast %swap3A_87 : vector<1x16xf32> to vector<16xf32>
      %swap3A_89 = vector.shape_cast %broadcast_in_dim3A_84 : vector<16xf32> to vector<1x16xf32>
      tpu.vector_store %arg8[%swap3A_85, %swap3A_86], %swap3A_89 {strides = array<i32>} : memref<128x128xf32, #tpu.memory_space<vmem>>, vector<1x16xf32>,
      %broadcast_in_dim3A_90 = arith.constant 0.000000e+00 : f32
      %broadcast_in_dim3A_91 = vector.broadcast %broadcast_in_dim3A_90 : f32 to vector<16xf32>
      %swap3A_92 = arith.index_cast %scan3A_42 : i32 to index
      %swap3A_93 = arith.constant 112 : index
      %swap3A_94 = tpu.vector_load %arg8[%swap3A_92, %swap3A_93] {strides = array<i32>} : memref<128x128xf32, #tpu.memory_space<vmem>>, vector<1x16xf32>,
      %swap3A_95 = vector.shape_cast %swap3A_94 : vector<1x16xf32> to vector<16xf32>
      %swap3A_96 = vector.shape_cast %broadcast_in_dim3A_91 : vector<16xf32> to vector<1x16xf32>
      tpu.vector_store %arg8[%swap3A_92, %swap3A_93], %swap3A_96 {strides = array<i32>} : memref<128x128xf32, #tpu.memory_space<vmem>>, vector<1x16xf32>,
    }
    %scan3A_5 = arith.constant 128 : i32
    %mul3A_6 = arith.constant 640 : i32
    %mul3A_7 = arith.muli %arg1, %mul3A_6 : i32
    %scan3A_8 = arith.constant 0 : i32
    %scan3A_9 = arith.constant 0 : i32
    %scan3A_10 = arith.constant 40 : i32
    %scan3A_11 = arith.addi %scan3A_9, %scan3A_10 : i32
    %scan3A_12 = arith.constant 1 : i32
    scf.for %scan3A_42 = %scan3A_9 to %scan3A_11 step %scan3A_12  : i32 {
      %mul3A_43 = arith.constant 16 : i32
      %mul3A_44 = arith.muli %scan3A_42, %mul3A_43 : i32
      %add3A_45 = arith.addi %mul3A_7, %mul3A_44 : i32
      %iota3A = tpu.iota {dimensions = array<i32: 0>} : vector<16xi32>
      %add3A_46 = vector.broadcast %add3A_45 : i32 to vector<16xi32>
      %add3A_47 = arith.addi %add3A_46, %iota3A : vector<16xi32>
      %jit3A = arith.constant 8 : i32
      %div3A = arith.divsi %scan3A_42, %jit3A : i32
      %sign3A = arith.constant 0 : i32
      %sign3A_48 = arith.cmpi sgt, %scan3A_42, %sign3A : i32
      %sign3A_49 = arith.extui %sign3A_48 : i1 to i32
      %sign3A_50 = arith.constant 0 : i32
      %sign3A_51 = arith.cmpi slt, %scan3A_42, %sign3A_50 : i32
      %sign3A_52 = arith.extui %sign3A_51 : i1 to i32
      %sign3A_53 = arith.subi %sign3A_49, %sign3A_52 : i32
      %sign3A_54 = arith.constant 0 : i32
      %sign3A_55 = arith.cmpi sgt, %jit3A, %sign3A_54 : i32
      %sign3A_56 = arith.extui %sign3A_55 : i1 to i32
      %sign3A_57 = arith.constant 0 : i32
      %sign3A_58 = arith.cmpi slt, %jit3A, %sign3A_57 : i32
      %sign3A_59 = arith.extui %sign3A_58 : i1 to i32
      %sign3A_60 = arith.subi %sign3A_56, %sign3A_59 : i32
      %ne3A = arith.cmpi ne, %sign3A_53, %sign3A_60 : i32
      %rem3A = arith.remsi %scan3A_42, %jit3A : i32
      %ne3A_61 = arith.constant 0 : i32
      %ne3A_62 = arith.cmpi ne, %rem3A, %ne3A_61 : i32
      %and3A = arith.andi %ne3A, %ne3A_62 : i1
      %sub3A = arith.constant 1 : i32
      %sub3A_63 = arith.subi %div3A, %sub3A : i32
      %select_n3A = arith.select %and3A, %sub3A_63, %div3A : i32
      %jit3A_64 = arith.constant 8 : i32
      %eq3A = arith.constant 0 : i32
      %eq3A_65 = arith.cmpi eq, %jit3A_64, %eq3A : i32
      %jit3A_66 = arith.constant 1 : i32
      %select_n3A_67 = arith.select %eq3A_65, %jit3A_66, %jit3A_64 : i32
      %rem3A_68 = arith.remsi %scan3A_42, %select_n3A_67 : i32
      %ne3A_69 = arith.constant 0 : i32
      %ne3A_70 = arith.cmpi ne, %rem3A_68, %ne3A_69 : i32
      %lt3A = arith.constant 0 : i32
      %lt3A_71 = arith.cmpi slt, %rem3A_68, %lt3A : i32
      %lt3A_72 = arith.constant 0 : i32
      %lt3A_73 = arith.cmpi slt, %select_n3A_67, %lt3A_72 : i32
      %ne3A_74 = arith.xori %lt3A_71, %lt3A_73 : i1
      %and3A_75 = arith.andi %ne3A_74, %ne3A_70 : i1
      %add3A_76 = arith.addi %rem3A_68, %select_n3A_67 : i32
      %select_n3A_77 = arith.select %and3A_75, %add3A_76, %rem3A_68 : i32
      %mul3A_78 = arith.constant 16 : i32
      %mul3A_79 = arith.muli %select_n3A_77, %mul3A_78 : i32
      %swap3A = arith.index_cast %select_n3A : i32 to index
      %swap3A_80 = arith.index_cast %mul3A_79 : i32 to index
      %swap3A_81 = tpu.vector_load %arg9[%swap3A, %swap3A_80] {strides = array<i32>} : memref<5x128xi32, #tpu.memory_space<vmem>>, vector<1x16xi32>,
      %swap3A_82 = vector.shape_cast %swap3A_81 : vector<1x16xi32> to vector<16xi32>
      %swap3A_83 = vector.shape_cast %add3A_47 : vector<16xi32> to vector<1x16xi32>
      tpu.vector_store %arg9[%swap3A, %swap3A_80], %swap3A_83 {strides = array<i32>} : memref<5x128xi32, #tpu.memory_space<vmem>>, vector<1x16xi32>,
    }
    %scan3A_13 = arith.constant 40 : i32
    %run_scoped3A = arith.constant 0 : i32
    "tpu.region"() ({
      %run_scoped3A_42 = tpu.sem_alloc : memref<!tpu.dma_semaphore, #tpu.memory_space<semaphore_mem>>
      %dma_start3A = arith.constant 0 : i32
      %dma_start3A_43 = tpu.memref_slice %arg9[%run_scoped3A, %dma_start3A] : memref<5x128xi32, #tpu.memory_space<vmem>> -> memref<1x128xi32, #tpu.memory_space<vmem>>
      %dma_start3A_44 = tpu.memref_squeeze %dma_start3A_43 : memref<1x128xi32, #tpu.memory_space<vmem>> -> memref<128xi32, #tpu.memory_space<vmem>>
      %dma_start3A_45 = arith.constant 0 : i32
      %dma_start3A_46 = arith.constant 0 : i32
      %dma_start3A_47 = tpu.memref_slice %arg10[%dma_start3A_45, %dma_start3A_46] : memref<10240x128xf32, #tpu.memory_space<vmem_shared>> -> memref<10240x128xf32, #tpu.memory_space<vmem_shared>>
      tpu.enqueue_indirect_dma source(%arg8 : memref<128x128xf32, #tpu.memory_space<vmem>>) target(%dma_start3A_47 : memref<10240x128xf32, #tpu.memory_space<vmem_shared>>) offsets(%dma_start3A_44 : memref<128xi32, #tpu.memory_space<vmem>>) semaphore(%run_scoped3A_42 : memref<!tpu.dma_semaphore, #tpu.memory_space<semaphore_mem>>)
      %dma_wait3A = arith.constant 0 : i32
      %dma_wait3A_48 = tpu.memref_slice %arg9[%run_scoped3A, %dma_wait3A] : memref<5x128xi32, #tpu.memory_space<vmem>> -> memref<1x128xi32, #tpu.memory_space<vmem>>
      %dma_wait3A_49 = tpu.memref_squeeze %dma_wait3A_48 : memref<1x128xi32, #tpu.memory_space<vmem>> -> memref<128xi32, #tpu.memory_space<vmem>>
      %dma_wait3A_50 = arith.constant 0 : i32
      %dma_wait3A_51 = arith.constant 0 : i32
      %dma_wait3A_52 = tpu.memref_slice %arg10[%dma_wait3A_50, %dma_wait3A_51] : memref<10240x128xf32, #tpu.memory_space<vmem_shared>> -> memref<10240x128xf32, #tpu.memory_space<vmem_shared>>
      tpu.wait_indirect_dma semaphore(%run_scoped3A_42 : memref<!tpu.dma_semaphore, #tpu.memory_space<semaphore_mem>>) src(%arg8 : memref<128x128xf32, #tpu.memory_space<vmem>>) dst(%dma_wait3A_52 : memref<10240x128xf32, #tpu.memory_space<vmem_shared>>)
      tpu.yield
    }) : () -> ()
    %run_scoped3A_14 = arith.constant 1 : i32
    "tpu.region"() ({
      %run_scoped3A_42 = tpu.sem_alloc : memref<!tpu.dma_semaphore, #tpu.memory_space<semaphore_mem>>
      %dma_start3A = arith.constant 0 : i32
      %dma_start3A_43 = tpu.memref_slice %arg9[%run_scoped3A_14, %dma_start3A] : memref<5x128xi32, #tpu.memory_space<vmem>> -> memref<1x128xi32, #tpu.memory_space<vmem>>
      %dma_start3A_44 = tpu.memref_squeeze %dma_start3A_43 : memref<1x128xi32, #tpu.memory_space<vmem>> -> memref<128xi32, #tpu.memory_space<vmem>>
      %dma_start3A_45 = arith.constant 0 : i32
      %dma_start3A_46 = arith.constant 0 : i32
      %dma_start3A_47 = tpu.memref_slice %arg10[%dma_start3A_45, %dma_start3A_46] : memref<10240x128xf32, #tpu.memory_space<vmem_shared>> -> memref<10240x128xf32, #tpu.memory_space<vmem_shared>>
      tpu.enqueue_indirect_dma source(%arg8 : memref<128x128xf32, #tpu.memory_space<vmem>>) target(%dma_start3A_47 : memref<10240x128xf32, #tpu.memory_space<vmem_shared>>) offsets(%dma_start3A_44 : memref<128xi32, #tpu.memory_space<vmem>>) semaphore(%run_scoped3A_42 : memref<!tpu.dma_semaphore, #tpu.memory_space<semaphore_mem>>)
      %dma_wait3A = arith.constant 0 : i32
      %dma_wait3A_48 = tpu.memref_slice %arg9[%run_scoped3A_14, %dma_wait3A] : memref<5x128xi32, #tpu.memory_space<vmem>> -> memref<1x128xi32, #tpu.memory_space<vmem>>
      %dma_wait3A_49 = tpu.memref_squeeze %dma_wait3A_48 : memref<1x128xi32, #tpu.memory_space<vmem>> -> memref<128xi32, #tpu.memory_space<vmem>>
      %dma_wait3A_50 = arith.constant 0 : i32
      %dma_wait3A_51 = arith.constant 0 : i32
      %dma_wait3A_52 = tpu.memref_slice %arg10[%dma_wait3A_50, %dma_wait3A_51] : memref<10240x128xf32, #tpu.memory_space<vmem_shared>> -> memref<10240x128xf32, #tpu.memory_space<vmem_shared>>
      tpu.wait_indirect_dma semaphore(%run_scoped3A_42 : memref<!tpu.dma_semaphore, #tpu.memory_space<semaphore_mem>>) src(%arg8 : memref<128x128xf32, #tpu.memory_space<vmem>>) dst(%dma_wait3A_52 : memref<10240x128xf32, #tpu.memory_space<vmem_shared>>)
      tpu.yield
    }) : () -> ()
    %run_scoped3A_15 = arith.constant 2 : i32
    "tpu.region"() ({
      %run_scoped3A_42 = tpu.sem_alloc : memref<!tpu.dma_semaphore, #tpu.memory_space<semaphore_mem>>
      %dma_start3A = arith.constant 0 : i32
      %dma_start3A_43 = tpu.memref_slice %arg9[%run_scoped3A_15, %dma_start3A] : memref<5x128xi32, #tpu.memory_space<vmem>> -> memref<1x128xi32, #tpu.memory_space<vmem>>
      %dma_start3A_44 = tpu.memref_squeeze %dma_start3A_43 : memref<1x128xi32, #tpu.memory_space<vmem>> -> memref<128xi32, #tpu.memory_space<vmem>>
      %dma_start3A_45 = arith.constant 0 : i32
      %dma_start3A_46 = arith.constant 0 : i32
      %dma_start3A_47 = tpu.memref_slice %arg10[%dma_start3A_45, %dma_start3A_46] : memref<10240x128xf32, #tpu.memory_space<vmem_shared>> -> memref<10240x128xf32, #tpu.memory_space<vmem_shared>>
      tpu.enqueue_indirect_dma source(%arg8 : memref<128x128xf32, #tpu.memory_space<vmem>>) target(%dma_start3A_47 : memref<10240x128xf32, #tpu.memory_space<vmem_shared>>) offsets(%dma_start3A_44 : memref<128xi32, #tpu.memory_space<vmem>>) semaphore(%run_scoped3A_42 : memref<!tpu.dma_semaphore, #tpu.memory_space<semaphore_mem>>)
      %dma_wait3A = arith.constant 0 : i32
      %dma_wait3A_48 = tpu.memref_slice %arg9[%run_scoped3A_15, %dma_wait3A] : memref<5x128xi32, #tpu.memory_space<vmem>> -> memref<1x128xi32, #tpu.memory_space<vmem>>
      %dma_wait3A_49 = tpu.memref_squeeze %dma_wait3A_48 : memref<1x128xi32, #tpu.memory_space<vmem>> -> memref<128xi32, #tpu.memory_space<vmem>>
      %dma_wait3A_50 = arith.constant 0 : i32
      %dma_wait3A_51 = arith.constant 0 : i32
      %dma_wait3A_52 = tpu.memref_slice %arg10[%dma_wait3A_50, %dma_wait3A_51] : memref<10240x128xf32, #tpu.memory_space<vmem_shared>> -> memref<10240x128xf32, #tpu.memory_space<vmem_shared>>
      tpu.wait_indirect_dma semaphore(%run_scoped3A_42 : memref<!tpu.dma_semaphore, #tpu.memory_space<semaphore_mem>>) src(%arg8 : memref<128x128xf32, #tpu.memory_space<vmem>>) dst(%dma_wait3A_52 : memref<10240x128xf32, #tpu.memory_space<vmem_shared>>)
      tpu.yield
    }) : () -> ()
    %run_scoped3A_16 = arith.constant 3 : i32
    "tpu.region"() ({
      %run_scoped3A_42 = tpu.sem_alloc : memref<!tpu.dma_semaphore, #tpu.memory_space<semaphore_mem>>
      %dma_start3A = arith.constant 0 : i32
      %dma_start3A_43 = tpu.memref_slice %arg9[%run_scoped3A_16, %dma_start3A] : memref<5x128xi32, #tpu.memory_space<vmem>> -> memref<1x128xi32, #tpu.memory_space<vmem>>
      %dma_start3A_44 = tpu.memref_squeeze %dma_start3A_43 : memref<1x128xi32, #tpu.memory_space<vmem>> -> memref<128xi32, #tpu.memory_space<vmem>>
      %dma_start3A_45 = arith.constant 0 : i32
      %dma_start3A_46 = arith.constant 0 : i32
      %dma_start3A_47 = tpu.memref_slice %arg10[%dma_start3A_45, %dma_start3A_46] : memref<10240x128xf32, #tpu.memory_space<vmem_shared>> -> memref<10240x128xf32, #tpu.memory_space<vmem_shared>>
      tpu.enqueue_indirect_dma source(%arg8 : memref<128x128xf32, #tpu.memory_space<vmem>>) target(%dma_start3A_47 : memref<10240x128xf32, #tpu.memory_space<vmem_shared>>) offsets(%dma_start3A_44 : memref<128xi32, #tpu.memory_space<vmem>>) semaphore(%run_scoped3A_42 : memref<!tpu.dma_semaphore, #tpu.memory_space<semaphore_mem>>)
      %dma_wait3A = arith.constant 0 : i32
      %dma_wait3A_48 = tpu.memref_slice %arg9[%run_scoped3A_16, %dma_wait3A] : memref<5x128xi32, #tpu.memory_space<vmem>> -> memref<1x128xi32, #tpu.memory_space<vmem>>
      %dma_wait3A_49 = tpu.memref_squeeze %dma_wait3A_48 : memref<1x128xi32, #tpu.memory_space<vmem>> -> memref<128xi32, #tpu.memory_space<vmem>>
      %dma_wait3A_50 = arith.constant 0 : i32
      %dma_wait3A_51 = arith.constant 0 : i32
      %dma_wait3A_52 = tpu.memref_slice %arg10[%dma_wait3A_50, %dma_wait3A_51] : memref<10240x128xf32, #tpu.memory_space<vmem_shared>> -> memref<10240x128xf32, #tpu.memory_space<vmem_shared>>
      tpu.wait_indirect_dma semaphore(%run_scoped3A_42 : memref<!tpu.dma_semaphore, #tpu.memory_space<semaphore_mem>>) src(%arg8 : memref<128x128xf32, #tpu.memory_space<vmem>>) dst(%dma_wait3A_52 : memref<10240x128xf32, #tpu.memory_space<vmem_shared>>)
      tpu.yield
    }) : () -> ()
    %run_scoped3A_17 = arith.constant 4 : i32
    "tpu.region"() ({
      %run_scoped3A_42 = tpu.sem_alloc : memref<!tpu.dma_semaphore, #tpu.memory_space<semaphore_mem>>
      %dma_start3A = arith.constant 0 : i32
      %dma_start3A_43 = tpu.memref_slice %arg9[%run_scoped3A_17, %dma_start3A] : memref<5x128xi32, #tpu.memory_space<vmem>> -> memref<1x128xi32, #tpu.memory_space<vmem>>
      %dma_start3A_44 = tpu.memref_squeeze %dma_start3A_43 : memref<1x128xi32, #tpu.memory_space<vmem>> -> memref<128xi32, #tpu.memory_space<vmem>>
      %dma_start3A_45 = arith.constant 0 : i32
      %dma_start3A_46 = arith.constant 0 : i32
      %dma_start3A_47 = tpu.memref_slice %arg10[%dma_start3A_45, %dma_start3A_46] : memref<10240x128xf32, #tpu.memory_space<vmem_shared>> -> memref<10240x128xf32, #tpu.memory_space<vmem_shared>>
      tpu.enqueue_indirect_dma source(%arg8 : memref<128x128xf32, #tpu.memory_space<vmem>>) target(%dma_start3A_47 : memref<10240x128xf32, #tpu.memory_space<vmem_shared>>) offsets(%dma_start3A_44 : memref<128xi32, #tpu.memory_space<vmem>>) semaphore(%run_scoped3A_42 : memref<!tpu.dma_semaphore, #tpu.memory_space<semaphore_mem>>)
      %dma_wait3A = arith.constant 0 : i32
      %dma_wait3A_48 = tpu.memref_slice %arg9[%run_scoped3A_17, %dma_wait3A] : memref<5x128xi32, #tpu.memory_space<vmem>> -> memref<1x128xi32, #tpu.memory_space<vmem>>
      %dma_wait3A_49 = tpu.memref_squeeze %dma_wait3A_48 : memref<1x128xi32, #tpu.memory_space<vmem>> -> memref<128xi32, #tpu.memory_space<vmem>>
      %dma_wait3A_50 = arith.constant 0 : i32
      %dma_wait3A_51 = arith.constant 0 : i32
      %dma_wait3A_52 = tpu.memref_slice %arg10[%dma_wait3A_50, %dma_wait3A_51] : memref<10240x128xf32, #tpu.memory_space<vmem_shared>> -> memref<10240x128xf32, #tpu.memory_space<vmem_shared>>
      tpu.wait_indirect_dma semaphore(%run_scoped3A_42 : memref<!tpu.dma_semaphore, #tpu.memory_space<semaphore_mem>>) src(%arg8 : memref<128x128xf32, #tpu.memory_space<vmem>>) dst(%dma_wait3A_52 : memref<10240x128xf32, #tpu.memory_space<vmem_shared>>)
      tpu.yield
    }) : () -> ()
    %run_scoped3A_18 = arith.constant 0 : i32
    "tpu.region"() ({
      %run_scoped3A_42 = tpu.sem_alloc : memref<!tpu.dma_semaphore, #tpu.memory_space<semaphore_mem>>
      %dma_start3A = arith.constant 0 : i32
      %dma_start3A_43 = tpu.memref_slice %arg9[%run_scoped3A_18, %dma_start3A] : memref<5x128xi32, #tpu.memory_space<vmem>> -> memref<1x128xi32, #tpu.memory_space<vmem>>
      %dma_start3A_44 = tpu.memref_squeeze %dma_start3A_43 : memref<1x128xi32, #tpu.memory_space<vmem>> -> memref<128xi32, #tpu.memory_space<vmem>>
      %dma_start3A_45 = arith.constant 0 : i32
      %dma_start3A_46 = arith.constant 0 : i32
      %dma_start3A_47 = tpu.memref_slice %arg10[%dma_start3A_45, %dma_start3A_46] : memref<10240x128xf32, #tpu.memory_space<vmem_shared>> -> memref<10240x128xf32, #tpu.memory_space<vmem_shared>>
      tpu.enqueue_indirect_dma source(%dma_start3A_47 : memref<10240x128xf32, #tpu.memory_space<vmem_shared>>) target(%arg8 : memref<128x128xf32, #tpu.memory_space<vmem>>) offsets(%dma_start3A_44 : memref<128xi32, #tpu.memory_space<vmem>>) semaphore(%run_scoped3A_42 : memref<!tpu.dma_semaphore, #tpu.memory_space<semaphore_mem>>)
      %dma_wait3A = arith.constant 0 : i32
      %dma_wait3A_48 = tpu.memref_slice %arg9[%run_scoped3A_18, %dma_wait3A] : memref<5x128xi32, #tpu.memory_space<vmem>> -> memref<1x128xi32, #tpu.memory_space<vmem>>
      %dma_wait3A_49 = tpu.memref_squeeze %dma_wait3A_48 : memref<1x128xi32, #tpu.memory_space<vmem>> -> memref<128xi32, #tpu.memory_space<vmem>>
      %dma_wait3A_50 = arith.constant 0 : i32
      %dma_wait3A_51 = arith.constant 0 : i32
      %dma_wait3A_52 = tpu.memref_slice %arg10[%dma_wait3A_50, %dma_wait3A_51] : memref<10240x128xf32, #tpu.memory_space<vmem_shared>> -> memref<10240x128xf32, #tpu.memory_space<vmem_shared>>
      tpu.wait_indirect_dma semaphore(%run_scoped3A_42 : memref<!tpu.dma_semaphore, #tpu.memory_space<semaphore_mem>>) src(%dma_wait3A_52 : memref<10240x128xf32, #tpu.memory_space<vmem_shared>>) dst(%arg8 : memref<128x128xf32, #tpu.memory_space<vmem>>)
      tpu.yield
    }) : () -> ()
    %barrier3A = arith.constant 0 : index
    tpu.barrier barrier_id(%barrier3A)
    %scan3A_19 = arith.constant 0 : i32
    %scan3A_20 = arith.constant 0 : i32
    %scan3A_21 = arith.constant 79 : i32
    %scan3A_22 = arith.addi %scan3A_20, %scan3A_21 : i32
    %scan3A_23 = arith.constant 1 : i32
    scf.for %scan3A_42 = %scan3A_20 to %scan3A_22 step %scan3A_23  : i32 {
      "tpu.region"() ({
        %run_scoped3A_43 = tpu.sem_alloc : memref<!tpu.dma_semaphore, #tpu.memory_space<semaphore_mem>>
        %dma_start3A = arith.constant 0 : i32
        %dma_start3A_44 = tpu.memref_slice %arg6[%scan3A_42, %dma_start3A] : memref<79x128xi32, #tpu.memory_space<vmem>> -> memref<1x128xi32, #tpu.memory_space<vmem>>
        %dma_start3A_45 = tpu.memref_squeeze %dma_start3A_44 : memref<1x128xi32, #tpu.memory_space<vmem>> -> memref<128xi32, #tpu.memory_space<vmem>>
        %dma_start3A_46 = arith.constant 0 : i32
        %dma_start3A_47 = arith.constant 0 : i32
        %dma_start3A_48 = tpu.memref_slice %arg2[%dma_start3A_46, %dma_start3A_47] : memref<10240x128xf32, #tpu.memory_space<hbm>> -> memref<10240x128xf32, #tpu.memory_space<hbm>>
        tpu.enqueue_indirect_dma source(%dma_start3A_48 : memref<10240x128xf32, #tpu.memory_space<hbm>>) target(%arg8 : memref<128x128xf32, #tpu.memory_space<vmem>>) offsets(%dma_start3A_45 : memref<128xi32, #tpu.memory_space<vmem>>) semaphore(%run_scoped3A_43 : memref<!tpu.dma_semaphore, #tpu.memory_space<semaphore_mem>>)
        %dma_wait3A = arith.constant 0 : i32
        %dma_wait3A_49 = tpu.memref_slice %arg6[%scan3A_42, %dma_wait3A] : memref<79x128xi32, #tpu.memory_space<vmem>> -> memref<1x128xi32, #tpu.memory_space<vmem>>
        %dma_wait3A_50 = tpu.memref_squeeze %dma_wait3A_49 : memref<1x128xi32, #tpu.memory_space<vmem>> -> memref<128xi32, #tpu.memory_space<vmem>>
        %dma_wait3A_51 = arith.constant 0 : i32
        %dma_wait3A_52 = arith.constant 0 : i32
        %dma_wait3A_53 = tpu.memref_slice %arg2[%dma_wait3A_51, %dma_wait3A_52] : memref<10240x128xf32, #tpu.memory_space<hbm>> -> memref<10240x128xf32, #tpu.memory_space<hbm>>
        tpu.wait_indirect_dma semaphore(%run_scoped3A_43 : memref<!tpu.dma_semaphore, #tpu.memory_space<semaphore_mem>>) src(%dma_wait3A_53 : memref<10240x128xf32, #tpu.memory_space<hbm>>) dst(%arg8 : memref<128x128xf32, #tpu.memory_space<vmem>>)
        tpu.yield
      }) : () -> ()
      "tpu.region"() ({
        %run_scoped3A_43 = tpu.sem_alloc : memref<!tpu.dma_semaphore, #tpu.memory_space<semaphore_mem>>
        %dma_start3A = arith.constant 0 : i32
        %dma_start3A_44 = tpu.memref_slice %arg7[%scan3A_42, %dma_start3A] : memref<79x128xi32, #tpu.memory_space<vmem>> -> memref<1x128xi32, #tpu.memory_space<vmem>>
        %dma_start3A_45 = tpu.memref_squeeze %dma_start3A_44 : memref<1x128xi32, #tpu.memory_space<vmem>> -> memref<128xi32, #tpu.memory_space<vmem>>
        %dma_start3A_46 = arith.constant 0 : i32
        %dma_start3A_47 = arith.constant 0 : i32
        %dma_start3A_48 = tpu.memref_slice %arg10[%dma_start3A_46, %dma_start3A_47] : memref<10240x128xf32, #tpu.memory_space<vmem_shared>> -> memref<10240x128xf32, #tpu.memory_space<vmem_shared>>
        tpu.enqueue_indirect_dma source(%arg8 : memref<128x128xf32, #tpu.memory_space<vmem>>) target(%dma_start3A_48 : memref<10240x128xf32, #tpu.memory_space<vmem_shared>>) offsets(%dma_start3A_45 : memref<128xi32, #tpu.memory_space<vmem>>) semaphore(%run_scoped3A_43 : memref<!tpu.dma_semaphore, #tpu.memory_space<semaphore_mem>>) {add = true}
        %dma_wait3A = arith.constant 0 : i32
        %dma_wait3A_49 = tpu.memref_slice %arg7[%scan3A_42, %dma_wait3A] : memref<79x128xi32, #tpu.memory_space<vmem>> -> memref<1x128xi32, #tpu.memory_space<vmem>>
        %dma_wait3A_50 = tpu.memref_squeeze %dma_wait3A_49 : memref<1x128xi32, #tpu.memory_space<vmem>> -> memref<128xi32, #tpu.memory_space<vmem>>
        %dma_wait3A_51 = arith.constant 0 : i32
        %dma_wait3A_52 = arith.constant 0 : i32
        %dma_wait3A_53 = tpu.memref_slice %arg10[%dma_wait3A_51, %dma_wait3A_52] : memref<10240x128xf32, #tpu.memory_space<vmem_shared>> -> memref<10240x128xf32, #tpu.memory_space<vmem_shared>>
        tpu.wait_indirect_dma semaphore(%run_scoped3A_43 : memref<!tpu.dma_semaphore, #tpu.memory_space<semaphore_mem>>) src(%arg8 : memref<128x128xf32, #tpu.memory_space<vmem>>) dst(%dma_wait3A_53 : memref<10240x128xf32, #tpu.memory_space<vmem_shared>>)
        tpu.yield
      }) : () -> ()
    }
    %scan3A_24 = arith.constant 79 : i32
    %run_scoped3A_25 = arith.constant 0 : i32
    "tpu.region"() ({
      %run_scoped3A_42 = tpu.sem_alloc : memref<!tpu.dma_semaphore, #tpu.memory_space<semaphore_mem>>
      %dma_start3A = arith.constant 0 : i32
      %dma_start3A_43 = tpu.memref_slice %arg9[%run_scoped3A_25, %dma_start3A] : memref<5x128xi32, #tpu.memory_space<vmem>> -> memref<1x128xi32, #tpu.memory_space<vmem>>
      %dma_start3A_44 = tpu.memref_squeeze %dma_start3A_43 : memref<1x128xi32, #tpu.memory_space<vmem>> -> memref<128xi32, #tpu.memory_space<vmem>>
      %dma_start3A_45 = arith.constant 0 : i32
      %dma_start3A_46 = arith.constant 0 : i32
      %dma_start3A_47 = tpu.memref_slice %arg10[%dma_start3A_45, %dma_start3A_46] : memref<10240x128xf32, #tpu.memory_space<vmem_shared>> -> memref<10240x128xf32, #tpu.memory_space<vmem_shared>>
      tpu.enqueue_indirect_dma source(%dma_start3A_47 : memref<10240x128xf32, #tpu.memory_space<vmem_shared>>) target(%arg8 : memref<128x128xf32, #tpu.memory_space<vmem>>) offsets(%dma_start3A_44 : memref<128xi32, #tpu.memory_space<vmem>>) semaphore(%run_scoped3A_42 : memref<!tpu.dma_semaphore, #tpu.memory_space<semaphore_mem>>)
      %dma_wait3A = arith.constant 0 : i32
      %dma_wait3A_48 = tpu.memref_slice %arg9[%run_scoped3A_25, %dma_wait3A] : memref<5x128xi32, #tpu.memory_space<vmem>> -> memref<1x128xi32, #tpu.memory_space<vmem>>
      %dma_wait3A_49 = tpu.memref_squeeze %dma_wait3A_48 : memref<1x128xi32, #tpu.memory_space<vmem>> -> memref<128xi32, #tpu.memory_space<vmem>>
      %dma_wait3A_50 = arith.constant 0 : i32
      %dma_wait3A_51 = arith.constant 0 : i32
      %dma_wait3A_52 = tpu.memref_slice %arg10[%dma_wait3A_50, %dma_wait3A_51] : memref<10240x128xf32, #tpu.memory_space<vmem_shared>> -> memref<10240x128xf32, #tpu.memory_space<vmem_shared>>
      tpu.wait_indirect_dma semaphore(%run_scoped3A_42 : memref<!tpu.dma_semaphore, #tpu.memory_space<semaphore_mem>>) src(%dma_wait3A_52 : memref<10240x128xf32, #tpu.memory_space<vmem_shared>>) dst(%arg8 : memref<128x128xf32, #tpu.memory_space<vmem>>)
      tpu.yield
    }) : () -> ()
    %barrier3A_26 = arith.constant 0 : index
    tpu.barrier barrier_id(%barrier3A_26)
    %run_scoped3A_27 = arith.constant 0 : i32
    "tpu.region"() ({
      %run_scoped3A_42 = tpu.sem_alloc : memref<!tpu.dma_semaphore, #tpu.memory_space<semaphore_mem>>
      %dma_start3A = arith.constant 0 : i32
      %dma_start3A_43 = tpu.memref_slice %arg9[%run_scoped3A_27, %dma_start3A] : memref<5x128xi32, #tpu.memory_space<vmem>> -> memref<1x128xi32, #tpu.memory_space<vmem>>
      %dma_start3A_44 = tpu.memref_squeeze %dma_start3A_43 : memref<1x128xi32, #tpu.memory_space<vmem>> -> memref<128xi32, #tpu.memory_space<vmem>>
      %dma_start3A_45 = arith.constant 0 : i32
      %dma_start3A_46 = arith.constant 0 : i32
      %dma_start3A_47 = tpu.memref_slice %arg10[%dma_start3A_45, %dma_start3A_46] : memref<10240x128xf32, #tpu.memory_space<vmem_shared>> -> memref<10240x128xf32, #tpu.memory_space<vmem_shared>>
      tpu.enqueue_indirect_dma source(%dma_start3A_47 : memref<10240x128xf32, #tpu.memory_space<vmem_shared>>) target(%arg8 : memref<128x128xf32, #tpu.memory_space<vmem>>) offsets(%dma_start3A_44 : memref<128xi32, #tpu.memory_space<vmem>>) semaphore(%run_scoped3A_42 : memref<!tpu.dma_semaphore, #tpu.memory_space<semaphore_mem>>)
      %dma_wait3A = arith.constant 0 : i32
      %dma_wait3A_48 = tpu.memref_slice %arg9[%run_scoped3A_27, %dma_wait3A] : memref<5x128xi32, #tpu.memory_space<vmem>> -> memref<1x128xi32, #tpu.memory_space<vmem>>
      %dma_wait3A_49 = tpu.memref_squeeze %dma_wait3A_48 : memref<1x128xi32, #tpu.memory_space<vmem>> -> memref<128xi32, #tpu.memory_space<vmem>>
      %dma_wait3A_50 = arith.constant 0 : i32
      %dma_wait3A_51 = arith.constant 0 : i32
      %dma_wait3A_52 = tpu.memref_slice %arg10[%dma_wait3A_50, %dma_wait3A_51] : memref<10240x128xf32, #tpu.memory_space<vmem_shared>> -> memref<10240x128xf32, #tpu.memory_space<vmem_shared>>
      tpu.wait_indirect_dma semaphore(%run_scoped3A_42 : memref<!tpu.dma_semaphore, #tpu.memory_space<semaphore_mem>>) src(%dma_wait3A_52 : memref<10240x128xf32, #tpu.memory_space<vmem_shared>>) dst(%arg8 : memref<128x128xf32, #tpu.memory_space<vmem>>)
      tpu.yield
    }) : () -> ()
    %add3A_28 = arith.constant 0 : i32
    %add3A_29 = arith.addi %mul3A_7, %add3A_28 : i32
    "tpu.region"() ({
      %run_scoped3A_42 = tpu.sem_alloc : memref<!tpu.dma_semaphore, #tpu.memory_space<semaphore_mem>>
      %dma_start3A = arith.constant 0 : i32
      %dma_start3A_43 = tpu.memref_slice %arg5[%arg0, %add3A_29, %dma_start3A] : memref<2x10240x128xf32, #tpu.memory_space<hbm>> -> memref<1x128x128xf32, #tpu.memory_space<hbm>>
      %dma_start3A_44 = tpu.memref_squeeze %dma_start3A_43 : memref<1x128x128xf32, #tpu.memory_space<hbm>> -> memref<128x128xf32, #tpu.memory_space<hbm>>
      %dma_start3A_45 = arith.constant 0 : i32
      %dma_start3A_46 = tpu.memref_slice %arg5[%arg0, %add3A_29, %dma_start3A_45] : memref<2x10240x128xf32, #tpu.memory_space<hbm>> -> memref<1x128x128xf32, #tpu.memory_space<hbm>>
      %dma_start3A_47 = tpu.memref_squeeze %dma_start3A_46 : memref<1x128x128xf32, #tpu.memory_space<hbm>> -> memref<128x128xf32, #tpu.memory_space<hbm>>
      tpu.enqueue_dma source(%arg8 : memref<128x128xf32, #tpu.memory_space<vmem>>) target(%dma_start3A_47 : memref<128x128xf32, #tpu.memory_space<hbm>>) target_semaphore(%run_scoped3A_42 : memref<!tpu.dma_semaphore, #tpu.memory_space<semaphore_mem>>)
      %dma_wait3A = arith.constant 0 : i32
      %dma_wait3A_48 = tpu.memref_slice %arg5[%arg0, %add3A_29, %dma_wait3A] : memref<2x10240x128xf32, #tpu.memory_space<hbm>> -> memref<1x128x128xf32, #tpu.memory_space<hbm>>
      %dma_wait3A_49 = tpu.memref_squeeze %dma_wait3A_48 : memref<1x128x128xf32, #tpu.memory_space<hbm>> -> memref<128x128xf32, #tpu.memory_space<hbm>>
      %dma_wait3A_50 = arith.constant 0 : i32
      %dma_wait3A_51 = tpu.memref_slice %arg5[%arg0, %add3A_29, %dma_wait3A_50] : memref<2x10240x128xf32, #tpu.memory_space<hbm>> -> memref<1x128x128xf32, #tpu.memory_space<hbm>>
      %dma_wait3A_52 = tpu.memref_squeeze %dma_wait3A_51 : memref<1x128x128xf32, #tpu.memory_space<hbm>> -> memref<128x128xf32, #tpu.memory_space<hbm>>
      tpu.wait_dma2 semaphore(%run_scoped3A_42 : memref<!tpu.dma_semaphore, #tpu.memory_space<semaphore_mem>>) src(%arg8 : memref<128x128xf32, #tpu.memory_space<vmem>>) dst(%dma_wait3A_52 : memref<128x128xf32, #tpu.memory_space<hbm>>)
      tpu.yield
    }) : () -> ()
    %run_scoped3A_30 = arith.constant 1 : i32
    "tpu.region"() ({
      %run_scoped3A_42 = tpu.sem_alloc : memref<!tpu.dma_semaphore, #tpu.memory_space<semaphore_mem>>
      %dma_start3A = arith.constant 0 : i32
      %dma_start3A_43 = tpu.memref_slice %arg9[%run_scoped3A_30, %dma_start3A] : memref<5x128xi32, #tpu.memory_space<vmem>> -> memref<1x128xi32, #tpu.memory_space<vmem>>
      %dma_start3A_44 = tpu.memref_squeeze %dma_start3A_43 : memref<1x128xi32, #tpu.memory_space<vmem>> -> memref<128xi32, #tpu.memory_space<vmem>>
      %dma_start3A_45 = arith.constant 0 : i32
      %dma_start3A_46 = arith.constant 0 : i32
      %dma_start3A_47 = tpu.memref_slice %arg10[%dma_start3A_45, %dma_start3A_46] : memref<10240x128xf32, #tpu.memory_space<vmem_shared>> -> memref<10240x128xf32, #tpu.memory_space<vmem_shared>>
      tpu.enqueue_indirect_dma source(%dma_start3A_47 : memref<10240x128xf32, #tpu.memory_space<vmem_shared>>) target(%arg8 : memref<128x128xf32, #tpu.memory_space<vmem>>) offsets(%dma_start3A_44 : memref<128xi32, #tpu.memory_space<vmem>>) semaphore(%run_scoped3A_42 : memref<!tpu.dma_semaphore, #tpu.memory_space<semaphore_mem>>)
      %dma_wait3A = arith.constant 0 : i32
      %dma_wait3A_48 = tpu.memref_slice %arg9[%run_scoped3A_30, %dma_wait3A] : memref<5x128xi32, #tpu.memory_space<vmem>> -> memref<1x128xi32, #tpu.memory_space<vmem>>
      %dma_wait3A_49 = tpu.memref_squeeze %dma_wait3A_48 : memref<1x128xi32, #tpu.memory_space<vmem>> -> memref<128xi32, #tpu.memory_space<vmem>>
      %dma_wait3A_50 = arith.constant 0 : i32
      %dma_wait3A_51 = arith.constant 0 : i32
      %dma_wait3A_52 = tpu.memref_slice %arg10[%dma_wait3A_50, %dma_wait3A_51] : memref<10240x128xf32, #tpu.memory_space<vmem_shared>> -> memref<10240x128xf32, #tpu.memory_space<vmem_shared>>
      tpu.wait_indirect_dma semaphore(%run_scoped3A_42 : memref<!tpu.dma_semaphore, #tpu.memory_space<semaphore_mem>>) src(%dma_wait3A_52 : memref<10240x128xf32, #tpu.memory_space<vmem_shared>>) dst(%arg8 : memref<128x128xf32, #tpu.memory_space<vmem>>)
      tpu.yield
    }) : () -> ()
    %add3A_31 = arith.constant 128 : i32
    %add3A_32 = arith.addi %mul3A_7, %add3A_31 : i32
    "tpu.region"() ({
      %run_scoped3A_42 = tpu.sem_alloc : memref<!tpu.dma_semaphore, #tpu.memory_space<semaphore_mem>>
      %dma_start3A = arith.constant 0 : i32
      %dma_start3A_43 = tpu.memref_slice %arg5[%arg0, %add3A_32, %dma_start3A] : memref<2x10240x128xf32, #tpu.memory_space<hbm>> -> memref<1x128x128xf32, #tpu.memory_space<hbm>>
      %dma_start3A_44 = tpu.memref_squeeze %dma_start3A_43 : memref<1x128x128xf32, #tpu.memory_space<hbm>> -> memref<128x128xf32, #tpu.memory_space<hbm>>
      %dma_start3A_45 = arith.constant 0 : i32
      %dma_start3A_46 = tpu.memref_slice %arg5[%arg0, %add3A_32, %dma_start3A_45] : memref<2x10240x128xf32, #tpu.memory_space<hbm>> -> memref<1x128x128xf32, #tpu.memory_space<hbm>>
      %dma_start3A_47 = tpu.memref_squeeze %dma_start3A_46 : memref<1x128x128xf32, #tpu.memory_space<hbm>> -> memref<128x128xf32, #tpu.memory_space<hbm>>
      tpu.enqueue_dma source(%arg8 : memref<128x128xf32, #tpu.memory_space<vmem>>) target(%dma_start3A_47 : memref<128x128xf32, #tpu.memory_space<hbm>>) target_semaphore(%run_scoped3A_42 : memref<!tpu.dma_semaphore, #tpu.memory_space<semaphore_mem>>)
      %dma_wait3A = arith.constant 0 : i32
      %dma_wait3A_48 = tpu.memref_slice %arg5[%arg0, %add3A_32, %dma_wait3A] : memref<2x10240x128xf32, #tpu.memory_space<hbm>> -> memref<1x128x128xf32, #tpu.memory_space<hbm>>
      %dma_wait3A_49 = tpu.memref_squeeze %dma_wait3A_48 : memref<1x128x128xf32, #tpu.memory_space<hbm>> -> memref<128x128xf32, #tpu.memory_space<hbm>>
      %dma_wait3A_50 = arith.constant 0 : i32
      %dma_wait3A_51 = tpu.memref_slice %arg5[%arg0, %add3A_32, %dma_wait3A_50] : memref<2x10240x128xf32, #tpu.memory_space<hbm>> -> memref<1x128x128xf32, #tpu.memory_space<hbm>>
      %dma_wait3A_52 = tpu.memref_squeeze %dma_wait3A_51 : memref<1x128x128xf32, #tpu.memory_space<hbm>> -> memref<128x128xf32, #tpu.memory_space<hbm>>
      tpu.wait_dma2 semaphore(%run_scoped3A_42 : memref<!tpu.dma_semaphore, #tpu.memory_space<semaphore_mem>>) src(%arg8 : memref<128x128xf32, #tpu.memory_space<vmem>>) dst(%dma_wait3A_52 : memref<128x128xf32, #tpu.memory_space<hbm>>)
      tpu.yield
    }) : () -> ()
    %run_scoped3A_33 = arith.constant 2 : i32
    "tpu.region"() ({
      %run_scoped3A_42 = tpu.sem_alloc : memref<!tpu.dma_semaphore, #tpu.memory_space<semaphore_mem>>
      %dma_start3A = arith.constant 0 : i32
      %dma_start3A_43 = tpu.memref_slice %arg9[%run_scoped3A_33, %dma_start3A] : memref<5x128xi32, #tpu.memory_space<vmem>> -> memref<1x128xi32, #tpu.memory_space<vmem>>
      %dma_start3A_44 = tpu.memref_squeeze %dma_start3A_43 : memref<1x128xi32, #tpu.memory_space<vmem>> -> memref<128xi32, #tpu.memory_space<vmem>>
      %dma_start3A_45 = arith.constant 0 : i32
      %dma_start3A_46 = arith.constant 0 : i32
      %dma_start3A_47 = tpu.memref_slice %arg10[%dma_start3A_45, %dma_start3A_46] : memref<10240x128xf32, #tpu.memory_space<vmem_shared>> -> memref<10240x128xf32, #tpu.memory_space<vmem_shared>>
      tpu.enqueue_indirect_dma source(%dma_start3A_47 : memref<10240x128xf32, #tpu.memory_space<vmem_shared>>) target(%arg8 : memref<128x128xf32, #tpu.memory_space<vmem>>) offsets(%dma_start3A_44 : memref<128xi32, #tpu.memory_space<vmem>>) semaphore(%run_scoped3A_42 : memref<!tpu.dma_semaphore, #tpu.memory_space<semaphore_mem>>)
      %dma_wait3A = arith.constant 0 : i32
      %dma_wait3A_48 = tpu.memref_slice %arg9[%run_scoped3A_33, %dma_wait3A] : memref<5x128xi32, #tpu.memory_space<vmem>> -> memref<1x128xi32, #tpu.memory_space<vmem>>
      %dma_wait3A_49 = tpu.memref_squeeze %dma_wait3A_48 : memref<1x128xi32, #tpu.memory_space<vmem>> -> memref<128xi32, #tpu.memory_space<vmem>>
      %dma_wait3A_50 = arith.constant 0 : i32
      %dma_wait3A_51 = arith.constant 0 : i32
      %dma_wait3A_52 = tpu.memref_slice %arg10[%dma_wait3A_50, %dma_wait3A_51] : memref<10240x128xf32, #tpu.memory_space<vmem_shared>> -> memref<10240x128xf32, #tpu.memory_space<vmem_shared>>
      tpu.wait_indirect_dma semaphore(%run_scoped3A_42 : memref<!tpu.dma_semaphore, #tpu.memory_space<semaphore_mem>>) src(%dma_wait3A_52 : memref<10240x128xf32, #tpu.memory_space<vmem_shared>>) dst(%arg8 : memref<128x128xf32, #tpu.memory_space<vmem>>)
      tpu.yield
    }) : () -> ()
    %add3A_34 = arith.constant 256 : i32
    %add3A_35 = arith.addi %mul3A_7, %add3A_34 : i32
    "tpu.region"() ({
      %run_scoped3A_42 = tpu.sem_alloc : memref<!tpu.dma_semaphore, #tpu.memory_space<semaphore_mem>>
      %dma_start3A = arith.constant 0 : i32
      %dma_start3A_43 = tpu.memref_slice %arg5[%arg0, %add3A_35, %dma_start3A] : memref<2x10240x128xf32, #tpu.memory_space<hbm>> -> memref<1x128x128xf32, #tpu.memory_space<hbm>>
      %dma_start3A_44 = tpu.memref_squeeze %dma_start3A_43 : memref<1x128x128xf32, #tpu.memory_space<hbm>> -> memref<128x128xf32, #tpu.memory_space<hbm>>
      %dma_start3A_45 = arith.constant 0 : i32
      %dma_start3A_46 = tpu.memref_slice %arg5[%arg0, %add3A_35, %dma_start3A_45] : memref<2x10240x128xf32, #tpu.memory_space<hbm>> -> memref<1x128x128xf32, #tpu.memory_space<hbm>>
      %dma_start3A_47 = tpu.memref_squeeze %dma_start3A_46 : memref<1x128x128xf32, #tpu.memory_space<hbm>> -> memref<128x128xf32, #tpu.memory_space<hbm>>
      tpu.enqueue_dma source(%arg8 : memref<128x128xf32, #tpu.memory_space<vmem>>) target(%dma_start3A_47 : memref<128x128xf32, #tpu.memory_space<hbm>>) target_semaphore(%run_scoped3A_42 : memref<!tpu.dma_semaphore, #tpu.memory_space<semaphore_mem>>)
      %dma_wait3A = arith.constant 0 : i32
      %dma_wait3A_48 = tpu.memref_slice %arg5[%arg0, %add3A_35, %dma_wait3A] : memref<2x10240x128xf32, #tpu.memory_space<hbm>> -> memref<1x128x128xf32, #tpu.memory_space<hbm>>
      %dma_wait3A_49 = tpu.memref_squeeze %dma_wait3A_48 : memref<1x128x128xf32, #tpu.memory_space<hbm>> -> memref<128x128xf32, #tpu.memory_space<hbm>>
      %dma_wait3A_50 = arith.constant 0 : i32
      %dma_wait3A_51 = tpu.memref_slice %arg5[%arg0, %add3A_35, %dma_wait3A_50] : memref<2x10240x128xf32, #tpu.memory_space<hbm>> -> memref<1x128x128xf32, #tpu.memory_space<hbm>>
      %dma_wait3A_52 = tpu.memref_squeeze %dma_wait3A_51 : memref<1x128x128xf32, #tpu.memory_space<hbm>> -> memref<128x128xf32, #tpu.memory_space<hbm>>
      tpu.wait_dma2 semaphore(%run_scoped3A_42 : memref<!tpu.dma_semaphore, #tpu.memory_space<semaphore_mem>>) src(%arg8 : memref<128x128xf32, #tpu.memory_space<vmem>>) dst(%dma_wait3A_52 : memref<128x128xf32, #tpu.memory_space<hbm>>)
      tpu.yield
    }) : () -> ()
    %run_scoped3A_36 = arith.constant 3 : i32
    "tpu.region"() ({
      %run_scoped3A_42 = tpu.sem_alloc : memref<!tpu.dma_semaphore, #tpu.memory_space<semaphore_mem>>
      %dma_start3A = arith.constant 0 : i32
      %dma_start3A_43 = tpu.memref_slice %arg9[%run_scoped3A_36, %dma_start3A] : memref<5x128xi32, #tpu.memory_space<vmem>> -> memref<1x128xi32, #tpu.memory_space<vmem>>
      %dma_start3A_44 = tpu.memref_squeeze %dma_start3A_43 : memref<1x128xi32, #tpu.memory_space<vmem>> -> memref<128xi32, #tpu.memory_space<vmem>>
      %dma_start3A_45 = arith.constant 0 : i32
      %dma_start3A_46 = arith.constant 0 : i32
      %dma_start3A_47 = tpu.memref_slice %arg10[%dma_start3A_45, %dma_start3A_46] : memref<10240x128xf32, #tpu.memory_space<vmem_shared>> -> memref<10240x128xf32, #tpu.memory_space<vmem_shared>>
      tpu.enqueue_indirect_dma source(%dma_start3A_47 : memref<10240x128xf32, #tpu.memory_space<vmem_shared>>) target(%arg8 : memref<128x128xf32, #tpu.memory_space<vmem>>) offsets(%dma_start3A_44 : memref<128xi32, #tpu.memory_space<vmem>>) semaphore(%run_scoped3A_42 : memref<!tpu.dma_semaphore, #tpu.memory_space<semaphore_mem>>)
      %dma_wait3A = arith.constant 0 : i32
      %dma_wait3A_48 = tpu.memref_slice %arg9[%run_scoped3A_36, %dma_wait3A] : memref<5x128xi32, #tpu.memory_space<vmem>> -> memref<1x128xi32, #tpu.memory_space<vmem>>
      %dma_wait3A_49 = tpu.memref_squeeze %dma_wait3A_48 : memref<1x128xi32, #tpu.memory_space<vmem>> -> memref<128xi32, #tpu.memory_space<vmem>>
      %dma_wait3A_50 = arith.constant 0 : i32
      %dma_wait3A_51 = arith.constant 0 : i32
      %dma_wait3A_52 = tpu.memref_slice %arg10[%dma_wait3A_50, %dma_wait3A_51] : memref<10240x128xf32, #tpu.memory_space<vmem_shared>> -> memref<10240x128xf32, #tpu.memory_space<vmem_shared>>
      tpu.wait_indirect_dma semaphore(%run_scoped3A_42 : memref<!tpu.dma_semaphore, #tpu.memory_space<semaphore_mem>>) src(%dma_wait3A_52 : memref<10240x128xf32, #tpu.memory_space<vmem_shared>>) dst(%arg8 : memref<128x128xf32, #tpu.memory_space<vmem>>)
      tpu.yield
    }) : () -> ()
    %add3A_37 = arith.constant 384 : i32
    %add3A_38 = arith.addi %mul3A_7, %add3A_37 : i32
    "tpu.region"() ({
      %run_scoped3A_42 = tpu.sem_alloc : memref<!tpu.dma_semaphore, #tpu.memory_space<semaphore_mem>>
      %dma_start3A = arith.constant 0 : i32
      %dma_start3A_43 = tpu.memref_slice %arg5[%arg0, %add3A_38, %dma_start3A] : memref<2x10240x128xf32, #tpu.memory_space<hbm>> -> memref<1x128x128xf32, #tpu.memory_space<hbm>>
      %dma_start3A_44 = tpu.memref_squeeze %dma_start3A_43 : memref<1x128x128xf32, #tpu.memory_space<hbm>> -> memref<128x128xf32, #tpu.memory_space<hbm>>
      %dma_start3A_45 = arith.constant 0 : i32
      %dma_start3A_46 = tpu.memref_slice %arg5[%arg0, %add3A_38, %dma_start3A_45] : memref<2x10240x128xf32, #tpu.memory_space<hbm>> -> memref<1x128x128xf32, #tpu.memory_space<hbm>>
      %dma_start3A_47 = tpu.memref_squeeze %dma_start3A_46 : memref<1x128x128xf32, #tpu.memory_space<hbm>> -> memref<128x128xf32, #tpu.memory_space<hbm>>
      tpu.enqueue_dma source(%arg8 : memref<128x128xf32, #tpu.memory_space<vmem>>) target(%dma_start3A_47 : memref<128x128xf32, #tpu.memory_space<hbm>>) target_semaphore(%run_scoped3A_42 : memref<!tpu.dma_semaphore, #tpu.memory_space<semaphore_mem>>)
      %dma_wait3A = arith.constant 0 : i32
      %dma_wait3A_48 = tpu.memref_slice %arg5[%arg0, %add3A_38, %dma_wait3A] : memref<2x10240x128xf32, #tpu.memory_space<hbm>> -> memref<1x128x128xf32, #tpu.memory_space<hbm>>
      %dma_wait3A_49 = tpu.memref_squeeze %dma_wait3A_48 : memref<1x128x128xf32, #tpu.memory_space<hbm>> -> memref<128x128xf32, #tpu.memory_space<hbm>>
      %dma_wait3A_50 = arith.constant 0 : i32
      %dma_wait3A_51 = tpu.memref_slice %arg5[%arg0, %add3A_38, %dma_wait3A_50] : memref<2x10240x128xf32, #tpu.memory_space<hbm>> -> memref<1x128x128xf32, #tpu.memory_space<hbm>>
      %dma_wait3A_52 = tpu.memref_squeeze %dma_wait3A_51 : memref<1x128x128xf32, #tpu.memory_space<hbm>> -> memref<128x128xf32, #tpu.memory_space<hbm>>
      tpu.wait_dma2 semaphore(%run_scoped3A_42 : memref<!tpu.dma_semaphore, #tpu.memory_space<semaphore_mem>>) src(%arg8 : memref<128x128xf32, #tpu.memory_space<vmem>>) dst(%dma_wait3A_52 : memref<128x128xf32, #tpu.memory_space<hbm>>)
      tpu.yield
    }) : () -> ()
    %run_scoped3A_39 = arith.constant 4 : i32
    "tpu.region"() ({
      %run_scoped3A_42 = tpu.sem_alloc : memref<!tpu.dma_semaphore, #tpu.memory_space<semaphore_mem>>
      %dma_start3A = arith.constant 0 : i32
      %dma_start3A_43 = tpu.memref_slice %arg9[%run_scoped3A_39, %dma_start3A] : memref<5x128xi32, #tpu.memory_space<vmem>> -> memref<1x128xi32, #tpu.memory_space<vmem>>
      %dma_start3A_44 = tpu.memref_squeeze %dma_start3A_43 : memref<1x128xi32, #tpu.memory_space<vmem>> -> memref<128xi32, #tpu.memory_space<vmem>>
      %dma_start3A_45 = arith.constant 0 : i32
      %dma_start3A_46 = arith.constant 0 : i32
      %dma_start3A_47 = tpu.memref_slice %arg10[%dma_start3A_45, %dma_start3A_46] : memref<10240x128xf32, #tpu.memory_space<vmem_shared>> -> memref<10240x128xf32, #tpu.memory_space<vmem_shared>>
      tpu.enqueue_indirect_dma source(%dma_start3A_47 : memref<10240x128xf32, #tpu.memory_space<vmem_shared>>) target(%arg8 : memref<128x128xf32, #tpu.memory_space<vmem>>) offsets(%dma_start3A_44 : memref<128xi32, #tpu.memory_space<vmem>>) semaphore(%run_scoped3A_42 : memref<!tpu.dma_semaphore, #tpu.memory_space<semaphore_mem>>)
      %dma_wait3A = arith.constant 0 : i32
      %dma_wait3A_48 = tpu.memref_slice %arg9[%run_scoped3A_39, %dma_wait3A] : memref<5x128xi32, #tpu.memory_space<vmem>> -> memref<1x128xi32, #tpu.memory_space<vmem>>
      %dma_wait3A_49 = tpu.memref_squeeze %dma_wait3A_48 : memref<1x128xi32, #tpu.memory_space<vmem>> -> memref<128xi32, #tpu.memory_space<vmem>>
      %dma_wait3A_50 = arith.constant 0 : i32
      %dma_wait3A_51 = arith.constant 0 : i32
      %dma_wait3A_52 = tpu.memref_slice %arg10[%dma_wait3A_50, %dma_wait3A_51] : memref<10240x128xf32, #tpu.memory_space<vmem_shared>> -> memref<10240x128xf32, #tpu.memory_space<vmem_shared>>
      tpu.wait_indirect_dma semaphore(%run_scoped3A_42 : memref<!tpu.dma_semaphore, #tpu.memory_space<semaphore_mem>>) src(%dma_wait3A_52 : memref<10240x128xf32, #tpu.memory_space<vmem_shared>>) dst(%arg8 : memref<128x128xf32, #tpu.memory_space<vmem>>)
      tpu.yield
    }) : () -> ()
    %add3A_40 = arith.constant 512 : i32
    %add3A_41 = arith.addi %mul3A_7, %add3A_40 : i32
    "tpu.region"() ({
      %run_scoped3A_42 = tpu.sem_alloc : memref<!tpu.dma_semaphore, #tpu.memory_space<semaphore_mem>>
      %dma_start3A = arith.constant 0 : i32
      %dma_start3A_43 = tpu.memref_slice %arg5[%arg0, %add3A_41, %dma_start3A] : memref<2x10240x128xf32, #tpu.memory_space<hbm>> -> memref<1x128x128xf32, #tpu.memory_space<hbm>>
      %dma_start3A_44 = tpu.memref_squeeze %dma_start3A_43 : memref<1x128x128xf32, #tpu.memory_space<hbm>> -> memref<128x128xf32, #tpu.memory_space<hbm>>
      %dma_start3A_45 = arith.constant 0 : i32
      %dma_start3A_46 = tpu.memref_slice %arg5[%arg0, %add3A_41, %dma_start3A_45] : memref<2x10240x128xf32, #tpu.memory_space<hbm>> -> memref<1x128x128xf32, #tpu.memory_space<hbm>>
      %dma_start3A_47 = tpu.memref_squeeze %dma_start3A_46 : memref<1x128x128xf32, #tpu.memory_space<hbm>> -> memref<128x128xf32, #tpu.memory_space<hbm>>
      tpu.enqueue_dma source(%arg8 : memref<128x128xf32, #tpu.memory_space<vmem>>) target(%dma_start3A_47 : memref<128x128xf32, #tpu.memory_space<hbm>>) target_semaphore(%run_scoped3A_42 : memref<!tpu.dma_semaphore, #tpu.memory_space<semaphore_mem>>)
      %dma_wait3A = arith.constant 0 : i32
      %dma_wait3A_48 = tpu.memref_slice %arg5[%arg0, %add3A_41, %dma_wait3A] : memref<2x10240x128xf32, #tpu.memory_space<hbm>> -> memref<1x128x128xf32, #tpu.memory_space<hbm>>
      %dma_wait3A_49 = tpu.memref_squeeze %dma_wait3A_48 : memref<1x128x128xf32, #tpu.memory_space<hbm>> -> memref<128x128xf32, #tpu.memory_space<hbm>>
      %dma_wait3A_50 = arith.constant 0 : i32
      %dma_wait3A_51 = tpu.memref_slice %arg5[%arg0, %add3A_41, %dma_wait3A_50] : memref<2x10240x128xf32, #tpu.memory_space<hbm>> -> memref<1x128x128xf32, #tpu.memory_space<hbm>>
      %dma_wait3A_52 = tpu.memref_squeeze %dma_wait3A_51 : memref<1x128x128xf32, #tpu.memory_space<hbm>> -> memref<128x128xf32, #tpu.memory_space<hbm>>
      tpu.wait_dma2 semaphore(%run_scoped3A_42 : memref<!tpu.dma_semaphore, #tpu.memory_space<semaphore_mem>>) src(%arg8 : memref<128x128xf32, #tpu.memory_space<vmem>>) dst(%dma_wait3A_52 : memref<128x128xf32, #tpu.memory_space<hbm>>)
      tpu.yield
    }) : () -> ()
    return
  }
}

module attributes {stable_mosaic.version = 14 : i64} {
  func.func @_stage_first_body(%arg0: i32, %arg1: memref<1024x128xf32, #tpu.memory_space<vmem>>, %arg2: memref<128x128xf32, #tpu.memory_space<vmem>>, %arg3: memref<1x1024x16xf32, #tpu.memory_space<vmem>>, %arg4: memref<1x1024x16xf32, #tpu.memory_space<vmem>>, %arg5: memref<1024x128xf32, #tpu.memory_space<vmem>>) attributes {dimension_semantics = [#tpu.dimension_semantics<arbitrary>], iteration_bounds = array<i64: 10>, scalar_prefetch = 0 : i64, scratch_operands = 0 : i64, tpu.core_type = #tpu.core_type<tc>, window_params = [{transform_indices = @transform_0, window_bounds = array<i64: 1024, 128>}, {pipeline_mode = #tpu.pipeline_mode<synchronous>, transform_indices = @transform_1, window_bounds = array<i64: 128, 128>}, {transform_indices = @transform_2, window_bounds = array<i64: 1, 1024, 16>}, {transform_indices = @transform_3, window_bounds = array<i64: 1, 1024, 16>}, {transform_indices = @transform_4, window_bounds = array<i64: 1024, 128>}]} {
    %get3A = arith.constant 0 : index
    %get3A_0 = arith.constant 0 : index
    %get3A_1 = arith.constant 0 : index
    %get3A_2 = vector.load %arg3[%get3A, %get3A_0, %get3A_1] : memref<1x1024x16xf32, #tpu.memory_space<vmem>>, vector<1x1024x1xf32>
    %get3A_3 = vector.shape_cast %get3A_2 : vector<1x1024x1xf32> to vector<1024x1xf32>
    %add3A = arith.constant 1.000000e+00 : f32
    %add3A_4 = vector.broadcast %add3A : f32 to vector<1024x1xf32>
    %add3A_5 = arith.addf %add3A_4, %get3A_3 : vector<1024x1xf32>
    %get3A_6 = arith.constant 0 : index
    %get3A_7 = arith.constant 0 : index
    %get3A_8 = arith.constant 0 : index
    %get3A_9 = vector.load %arg4[%get3A_6, %get3A_7, %get3A_8] : memref<1x1024x16xf32, #tpu.memory_space<vmem>>, vector<1x1024x1xf32>
    %get3A_10 = vector.shape_cast %get3A_9 : vector<1x1024x1xf32> to vector<1024x1xf32>
    %add3A_11 = arith.addf %add3A_5, %get3A_10 : vector<1024x1xf32>
    %rsqrt3A = math.rsqrt %add3A_11 : vector<1024x1xf32>
    %get3A_12 = arith.constant 0 : index
    %get3A_13 = arith.constant 0 : index
    %get3A_14 = vector.load %arg1[%get3A_12, %get3A_13] : memref<1024x128xf32, #tpu.memory_space<vmem>>, vector<1024x128xf32>
    %get3A_15 = arith.constant 0 : index
    %get3A_16 = arith.constant 0 : index
    %get3A_17 = vector.load %arg2[%get3A_15, %get3A_16] : memref<128x128xf32, #tpu.memory_space<vmem>>, vector<128x128xf32>
    %dot_general3A = arith.constant dense<0.000000e+00> : vector<1024x128xf32>
    %dot_general3A_18 = tpu.matmul %get3A_14, %get3A_17, %dot_general3A {dimension_numbers = #tpu.dot_dimension_numbers<[1], [0], [0], [1], [0, 0, 1, 1], [], []>, transpose_lhs_hint = false} : vector<1024x128xf32>, vector<128x128xf32>, vector<1024x128xf32> -> vector<1024x128xf32>
    %mul3A = vector.broadcast %rsqrt3A : vector<1024x1xf32> to vector<1024x128xf32>
    %mul3A_19 = arith.mulf %dot_general3A_18, %mul3A : vector<1024x128xf32>
    %swap3A = arith.constant 0 : index
    %swap3A_20 = arith.constant 0 : index
    %swap3A_21 = vector.load %arg5[%swap3A, %swap3A_20] : memref<1024x128xf32, #tpu.memory_space<vmem>>, vector<1024x128xf32>
    tpu.vector_store %arg5[%swap3A, %swap3A_20], %mul3A_19 {strides = array<i32>} : memref<1024x128xf32, #tpu.memory_space<vmem>>, vector<1024x128xf32>,
    return
  }
  func.func @transform_0(%arg0: i32) -> (i32, i32) {
    %c0_i32 = arith.constant 0 : i32
    %c0_i32_0 = arith.constant 0 : i32
    return %arg0, %c0_i32 : i32, i32
  }
  func.func @transform_1(%arg0: i32) -> (i32, i32) {
    %c0_i32 = arith.constant 0 : i32
    %c0_i32_0 = arith.constant 0 : i32
    %c0_i32_1 = arith.constant 0 : i32
    return %c0_i32, %c0_i32_0 : i32, i32
  }
  func.func @transform_2(%arg0: i32) -> (i32, i32, i32) {
    %c0_i32 = arith.constant 0 : i32
    %c0_i32_0 = arith.constant 0 : i32
    %c0_i32_1 = arith.constant 0 : i32
    return %c0_i32, %arg0, %c0_i32_0 : i32, i32, i32
  }
  func.func @transform_3(%arg0: i32) -> (i32, i32, i32) {
    %c0_i32 = arith.constant 0 : i32
    %c0_i32_0 = arith.constant 0 : i32
    %c0_i32_1 = arith.constant 0 : i32
    return %c0_i32, %arg0, %c0_i32_0 : i32, i32, i32
  }
  func.func @transform_4(%arg0: i32) -> (i32, i32) {
    %c0_i32 = arith.constant 0 : i32
    %c0_i32_0 = arith.constant 0 : i32
    return %arg0, %c0_i32 : i32, i32
  }
}

module attributes {stable_mosaic.version = 14 : i64} {
  func.func @_stage_mid_body(%arg0: i32, %arg1: memref<1x1024x128xf32, #tpu.memory_space<vmem>>, %arg2: memref<1x1024x128xf32, #tpu.memory_space<vmem>>, %arg3: memref<1024x128xf32, #tpu.memory_space<vmem>>, %arg4: memref<1x1024x16xf32, #tpu.memory_space<vmem>>, %arg5: memref<1x1024x16xf32, #tpu.memory_space<vmem>>, %arg6: memref<1x128xf32, #tpu.memory_space<vmem>>, %arg7: memref<128x128xf32, #tpu.memory_space<vmem>>, %arg8: memref<1024x128xf32, #tpu.memory_space<vmem>>) attributes {dimension_semantics = [#tpu.dimension_semantics<arbitrary>], iteration_bounds = array<i64: 10>, scalar_prefetch = 0 : i64, scratch_operands = 0 : i64, tpu.core_type = #tpu.core_type<tc>, window_params = [{transform_indices = @transform_0, window_bounds = array<i64: 1, 1024, 128>}, {transform_indices = @transform_1, window_bounds = array<i64: 1, 1024, 128>}, {transform_indices = @transform_2, window_bounds = array<i64: 1024, 128>}, {transform_indices = @transform_3, window_bounds = array<i64: 1, 1024, 16>}, {transform_indices = @transform_4, window_bounds = array<i64: 1, 1024, 16>}, {pipeline_mode = #tpu.pipeline_mode<synchronous>, transform_indices = @transform_5, window_bounds = array<i64: 1, 128>}, {pipeline_mode = #tpu.pipeline_mode<synchronous>, transform_indices = @transform_6, window_bounds = array<i64: 128, 128>}, {transform_indices = @transform_7, window_bounds = array<i64: 1024, 128>}]} {
    %get3A = arith.constant 0 : index
    %get3A_0 = arith.constant 0 : index
    %get3A_1 = arith.constant 0 : index
    %get3A_2 = vector.load %arg4[%get3A, %get3A_0, %get3A_1] : memref<1x1024x16xf32, #tpu.memory_space<vmem>>, vector<1x1024x1xf32>
    %get3A_3 = vector.shape_cast %get3A_2 : vector<1x1024x1xf32> to vector<1024x1xf32>
    %add3A = arith.constant 1.000000e+00 : f32
    %add3A_4 = vector.broadcast %add3A : f32 to vector<1024x1xf32>
    %add3A_5 = arith.addf %add3A_4, %get3A_3 : vector<1024x1xf32>
    %get3A_6 = arith.constant 0 : index
    %get3A_7 = arith.constant 0 : index
    %get3A_8 = arith.constant 0 : index
    %get3A_9 = vector.load %arg5[%get3A_6, %get3A_7, %get3A_8] : memref<1x1024x16xf32, #tpu.memory_space<vmem>>, vector<1x1024x1xf32>
    %get3A_10 = vector.shape_cast %get3A_9 : vector<1x1024x1xf32> to vector<1024x1xf32>
    %add3A_11 = arith.addf %add3A_5, %get3A_10 : vector<1024x1xf32>
    %rsqrt3A = math.rsqrt %add3A_11 : vector<1024x1xf32>
    %get3A_12 = arith.constant 0 : index
    %get3A_13 = arith.constant 0 : index
    %get3A_14 = arith.constant 0 : index
    %get3A_15 = vector.load %arg1[%get3A_12, %get3A_13, %get3A_14] : memref<1x1024x128xf32, #tpu.memory_space<vmem>>, vector<1x1024x128xf32>
    %get3A_16 = vector.shape_cast %get3A_15 : vector<1x1024x128xf32> to vector<1024x128xf32>
    %get3A_17 = arith.constant 0 : index
    %get3A_18 = arith.constant 0 : index
    %get3A_19 = arith.constant 0 : index
    %get3A_20 = vector.load %arg2[%get3A_17, %get3A_18, %get3A_19] : memref<1x1024x128xf32, #tpu.memory_space<vmem>>, vector<1x1024x128xf32>
    %get3A_21 = vector.shape_cast %get3A_20 : vector<1x1024x128xf32> to vector<1024x128xf32>
    %add3A_22 = arith.addf %get3A_16, %get3A_21 : vector<1024x128xf32>
    %get3A_23 = arith.constant 0 : index
    %get3A_24 = arith.constant 0 : index
    %get3A_25 = vector.load %arg3[%get3A_23, %get3A_24] : memref<1024x128xf32, #tpu.memory_space<vmem>>, vector<1024x128xf32>
    %add3A_26 = arith.addf %add3A_22, %get3A_25 : vector<1024x128xf32>
    %mul3A = vector.broadcast %rsqrt3A : vector<1024x1xf32> to vector<1024x128xf32>
    %mul3A_27 = arith.mulf %mul3A, %add3A_26 : vector<1024x128xf32>
    %get3A_28 = arith.constant 0 : index
    %get3A_29 = arith.constant 0 : index
    %get3A_30 = vector.load %arg6[%get3A_28, %get3A_29] : memref<1x128xf32, #tpu.memory_space<vmem>>, vector<1x128xf32>
    %add3A_31 = vector.broadcast %get3A_30 : vector<1x128xf32> to vector<1024x128xf32>
    %add3A_32 = arith.addf %mul3A_27, %add3A_31 : vector<1024x128xf32>
    %max3A = arith.constant 0.000000e+00 : f32
    %max3A_33 = vector.broadcast %max3A : f32 to vector<1024x128xf32>
    %max3A_34 = arith.maximumf %add3A_32, %max3A_33 : vector<1024x128xf32>
    %get3A_35 = arith.constant 0 : index
    %get3A_36 = arith.constant 0 : index
    %get3A_37 = vector.load %arg7[%get3A_35, %get3A_36] : memref<128x128xf32, #tpu.memory_space<vmem>>, vector<128x128xf32>
    %dot_general3A = arith.constant dense<0.000000e+00> : vector<1024x128xf32>
    %dot_general3A_38 = tpu.matmul %max3A_34, %get3A_37, %dot_general3A {dimension_numbers = #tpu.dot_dimension_numbers<[1], [0], [0], [1], [0, 0, 1, 1], [], []>, transpose_lhs_hint = false} : vector<1024x128xf32>, vector<128x128xf32>, vector<1024x128xf32> -> vector<1024x128xf32>
    %mul3A_39 = vector.broadcast %rsqrt3A : vector<1024x1xf32> to vector<1024x128xf32>
    %mul3A_40 = arith.mulf %dot_general3A_38, %mul3A_39 : vector<1024x128xf32>
    %swap3A = arith.constant 0 : index
    %swap3A_41 = arith.constant 0 : index
    %swap3A_42 = vector.load %arg8[%swap3A, %swap3A_41] : memref<1024x128xf32, #tpu.memory_space<vmem>>, vector<1024x128xf32>
    tpu.vector_store %arg8[%swap3A, %swap3A_41], %mul3A_40 {strides = array<i32>} : memref<1024x128xf32, #tpu.memory_space<vmem>>, vector<1024x128xf32>,
    return
  }
  func.func @transform_0(%arg0: i32) -> (i32, i32, i32) {
    %c0_i32 = arith.constant 0 : i32
    %c0_i32_0 = arith.constant 0 : i32
    %c0_i32_1 = arith.constant 0 : i32
    return %c0_i32, %arg0, %c0_i32_0 : i32, i32, i32
  }
  func.func @transform_1(%arg0: i32) -> (i32, i32, i32) {
    %c0_i32 = arith.constant 0 : i32
    %c0_i32_0 = arith.constant 0 : i32
    %c0_i32_1 = arith.constant 0 : i32
    return %c0_i32, %arg0, %c0_i32_0 : i32, i32, i32
  }
  func.func @transform_2(%arg0: i32) -> (i32, i32) {
    %c0_i32 = arith.constant 0 : i32
    %c0_i32_0 = arith.constant 0 : i32
    return %arg0, %c0_i32 : i32, i32
  }
  func.func @transform_3(%arg0: i32) -> (i32, i32, i32) {
    %c0_i32 = arith.constant 0 : i32
    %c0_i32_0 = arith.constant 0 : i32
    %c0_i32_1 = arith.constant 0 : i32
    return %c0_i32, %arg0, %c0_i32_0 : i32, i32, i32
  }
  func.func @transform_4(%arg0: i32) -> (i32, i32, i32) {
    %c0_i32 = arith.constant 0 : i32
    %c0_i32_0 = arith.constant 0 : i32
    %c0_i32_1 = arith.constant 0 : i32
    return %c0_i32, %arg0, %c0_i32_0 : i32, i32, i32
  }
  func.func @transform_5(%arg0: i32) -> (i32, i32) {
    %c0_i32 = arith.constant 0 : i32
    %c0_i32_0 = arith.constant 0 : i32
    %c0_i32_1 = arith.constant 0 : i32
    return %c0_i32, %c0_i32_0 : i32, i32
  }
  func.func @transform_6(%arg0: i32) -> (i32, i32) {
    %c0_i32 = arith.constant 0 : i32
    %c0_i32_0 = arith.constant 0 : i32
    %c0_i32_1 = arith.constant 0 : i32
    return %c0_i32, %c0_i32_0 : i32, i32
  }
  func.func @transform_7(%arg0: i32) -> (i32, i32) {
    %c0_i32 = arith.constant 0 : i32
    %c0_i32_0 = arith.constant 0 : i32
    return %arg0, %c0_i32 : i32, i32
  }
}

module attributes {stable_mosaic.version = 14 : i64} {
  func.func @_stage_last_body(%arg0: i32, %arg1: memref<1x1024x128xf32, #tpu.memory_space<vmem>>, %arg2: memref<1x1024x128xf32, #tpu.memory_space<vmem>>, %arg3: memref<1024x128xf32, #tpu.memory_space<vmem>>, %arg4: memref<1x1024x16xf32, #tpu.memory_space<vmem>>, %arg5: memref<1x1024x16xf32, #tpu.memory_space<vmem>>, %arg6: memref<1x128xf32, #tpu.memory_space<vmem>>, %arg7: memref<128x1xf32, #tpu.memory_space<vmem>>, %arg8: memref<1x1xf32, #tpu.memory_space<vmem>>, %arg9: memref<1024x1xf32, #tpu.memory_space<vmem>>) attributes {dimension_semantics = [#tpu.dimension_semantics<arbitrary>], iteration_bounds = array<i64: 10>, scalar_prefetch = 0 : i64, scratch_operands = 0 : i64, tpu.core_type = #tpu.core_type<tc>, window_params = [{transform_indices = @transform_0, window_bounds = array<i64: 1, 1024, 128>}, {transform_indices = @transform_1, window_bounds = array<i64: 1, 1024, 128>}, {transform_indices = @transform_2, window_bounds = array<i64: 1024, 128>}, {transform_indices = @transform_3, window_bounds = array<i64: 1, 1024, 16>}, {transform_indices = @transform_4, window_bounds = array<i64: 1, 1024, 16>}, {pipeline_mode = #tpu.pipeline_mode<synchronous>, transform_indices = @transform_5, window_bounds = array<i64: 1, 128>}, {pipeline_mode = #tpu.pipeline_mode<synchronous>, transform_indices = @transform_6, window_bounds = array<i64: 128, 1>}, {pipeline_mode = #tpu.pipeline_mode<synchronous>, transform_indices = @transform_7, window_bounds = array<i64: 1, 1>}, {transform_indices = @transform_8, window_bounds = array<i64: 1024, 1>}]} {
    %get3A = arith.constant 0 : index
    %get3A_0 = arith.constant 0 : index
    %get3A_1 = arith.constant 0 : index
    %get3A_2 = vector.load %arg4[%get3A, %get3A_0, %get3A_1] : memref<1x1024x16xf32, #tpu.memory_space<vmem>>, vector<1x1024x1xf32>
    %get3A_3 = vector.shape_cast %get3A_2 : vector<1x1024x1xf32> to vector<1024x1xf32>
    %add3A = arith.constant 1.000000e+00 : f32
    %add3A_4 = vector.broadcast %add3A : f32 to vector<1024x1xf32>
    %add3A_5 = arith.addf %add3A_4, %get3A_3 : vector<1024x1xf32>
    %get3A_6 = arith.constant 0 : index
    %get3A_7 = arith.constant 0 : index
    %get3A_8 = arith.constant 0 : index
    %get3A_9 = vector.load %arg5[%get3A_6, %get3A_7, %get3A_8] : memref<1x1024x16xf32, #tpu.memory_space<vmem>>, vector<1x1024x1xf32>
    %get3A_10 = vector.shape_cast %get3A_9 : vector<1x1024x1xf32> to vector<1024x1xf32>
    %add3A_11 = arith.addf %add3A_5, %get3A_10 : vector<1024x1xf32>
    %rsqrt3A = math.rsqrt %add3A_11 : vector<1024x1xf32>
    %get3A_12 = arith.constant 0 : index
    %get3A_13 = arith.constant 0 : index
    %get3A_14 = arith.constant 0 : index
    %get3A_15 = vector.load %arg1[%get3A_12, %get3A_13, %get3A_14] : memref<1x1024x128xf32, #tpu.memory_space<vmem>>, vector<1x1024x128xf32>
    %get3A_16 = vector.shape_cast %get3A_15 : vector<1x1024x128xf32> to vector<1024x128xf32>
    %get3A_17 = arith.constant 0 : index
    %get3A_18 = arith.constant 0 : index
    %get3A_19 = arith.constant 0 : index
    %get3A_20 = vector.load %arg2[%get3A_17, %get3A_18, %get3A_19] : memref<1x1024x128xf32, #tpu.memory_space<vmem>>, vector<1x1024x128xf32>
    %get3A_21 = vector.shape_cast %get3A_20 : vector<1x1024x128xf32> to vector<1024x128xf32>
    %add3A_22 = arith.addf %get3A_16, %get3A_21 : vector<1024x128xf32>
    %get3A_23 = arith.constant 0 : index
    %get3A_24 = arith.constant 0 : index
    %get3A_25 = vector.load %arg3[%get3A_23, %get3A_24] : memref<1024x128xf32, #tpu.memory_space<vmem>>, vector<1024x128xf32>
    %add3A_26 = arith.addf %add3A_22, %get3A_25 : vector<1024x128xf32>
    %mul3A = vector.broadcast %rsqrt3A : vector<1024x1xf32> to vector<1024x128xf32>
    %mul3A_27 = arith.mulf %mul3A, %add3A_26 : vector<1024x128xf32>
    %get3A_28 = arith.constant 0 : index
    %get3A_29 = arith.constant 0 : index
    %get3A_30 = vector.load %arg6[%get3A_28, %get3A_29] : memref<1x128xf32, #tpu.memory_space<vmem>>, vector<1x128xf32>
    %add3A_31 = vector.broadcast %get3A_30 : vector<1x128xf32> to vector<1024x128xf32>
    %add3A_32 = arith.addf %mul3A_27, %add3A_31 : vector<1024x128xf32>
    %max3A = arith.constant 0.000000e+00 : f32
    %max3A_33 = vector.broadcast %max3A : f32 to vector<1024x128xf32>
    %max3A_34 = arith.maximumf %add3A_32, %max3A_33 : vector<1024x128xf32>
    %get3A_35 = arith.constant 0 : index
    %get3A_36 = arith.constant 0 : index
    %get3A_37 = vector.load %arg7[%get3A_35, %get3A_36] : memref<128x1xf32, #tpu.memory_space<vmem>>, vector<128x1xf32>
    %dot_general3A = arith.constant dense<0.000000e+00> : vector<1024x1xf32>
    %dot_general3A_38 = tpu.matmul %max3A_34, %get3A_37, %dot_general3A {dimension_numbers = #tpu.dot_dimension_numbers<[1], [0], [0], [1], [0, 0, 1, 1], [], []>, transpose_lhs_hint = false} : vector<1024x128xf32>, vector<128x1xf32>, vector<1024x1xf32> -> vector<1024x1xf32>
    %get3A_39 = arith.constant 0 : index
    %get3A_40 = arith.constant 0 : index
    %get3A_41 = vector.load %arg8[%get3A_39, %get3A_40] : memref<1x1xf32, #tpu.memory_space<vmem>>, vector<1x1xf32>
    %add3A_42 = vector.broadcast %get3A_41 : vector<1x1xf32> to vector<1024x1xf32>
    %add3A_43 = arith.addf %dot_general3A_38, %add3A_42 : vector<1024x1xf32>
    %swap3A = arith.constant 0 : index
    %swap3A_44 = arith.constant 0 : index
    %swap3A_45 = vector.load %arg9[%swap3A, %swap3A_44] : memref<1024x1xf32, #tpu.memory_space<vmem>>, vector<1024x1xf32>
    tpu.vector_store %arg9[%swap3A, %swap3A_44], %add3A_43 {strides = array<i32>} : memref<1024x1xf32, #tpu.memory_space<vmem>>, vector<1024x1xf32>,
    return
  }
  func.func @transform_0(%arg0: i32) -> (i32, i32, i32) {
    %c0_i32 = arith.constant 0 : i32
    %c0_i32_0 = arith.constant 0 : i32
    %c0_i32_1 = arith.constant 0 : i32
    return %c0_i32, %arg0, %c0_i32_0 : i32, i32, i32
  }
  func.func @transform_1(%arg0: i32) -> (i32, i32, i32) {
    %c0_i32 = arith.constant 0 : i32
    %c0_i32_0 = arith.constant 0 : i32
    %c0_i32_1 = arith.constant 0 : i32
    return %c0_i32, %arg0, %c0_i32_0 : i32, i32, i32
  }
  func.func @transform_2(%arg0: i32) -> (i32, i32) {
    %c0_i32 = arith.constant 0 : i32
    %c0_i32_0 = arith.constant 0 : i32
    return %arg0, %c0_i32 : i32, i32
  }
  func.func @transform_3(%arg0: i32) -> (i32, i32, i32) {
    %c0_i32 = arith.constant 0 : i32
    %c0_i32_0 = arith.constant 0 : i32
    %c0_i32_1 = arith.constant 0 : i32
    return %c0_i32, %arg0, %c0_i32_0 : i32, i32, i32
  }
  func.func @transform_4(%arg0: i32) -> (i32, i32, i32) {
    %c0_i32 = arith.constant 0 : i32
    %c0_i32_0 = arith.constant 0 : i32
    %c0_i32_1 = arith.constant 0 : i32
    return %c0_i32, %arg0, %c0_i32_0 : i32, i32, i32
  }
  func.func @transform_5(%arg0: i32) -> (i32, i32) {
    %c0_i32 = arith.constant 0 : i32
    %c0_i32_0 = arith.constant 0 : i32
    %c0_i32_1 = arith.constant 0 : i32
    return %c0_i32, %c0_i32_0 : i32, i32
  }
  func.func @transform_6(%arg0: i32) -> (i32, i32) {
    %c0_i32 = arith.constant 0 : i32
    %c0_i32_0 = arith.constant 0 : i32
    %c0_i32_1 = arith.constant 0 : i32
    return %c0_i32, %c0_i32_0 : i32, i32
  }
  func.func @transform_7(%arg0: i32) -> (i32, i32) {
    %c0_i32 = arith.constant 0 : i32
    %c0_i32_0 = arith.constant 0 : i32
    %c0_i32_1 = arith.constant 0 : i32
    return %c0_i32, %c0_i32_0 : i32, i32
  }
  func.func @transform_8(%arg0: i32) -> (i32, i32) {
    %c0_i32 = arith.constant 0 : i32
    %c0_i32_0 = arith.constant 0 : i32
    return %arg0, %c0_i32 : i32, i32
  }
}

</mosaic_0001>

<sc_bundles>
// kernel: kernel.10.cloned.1.call-start
scs
__scs_entry_jumppad:
0x0: {  	(pc) =	sbr.rel $0x88, $3  }
0x1: {  	(tag) =	ssettag $0x0;
	lr =	simm.s32 $0x1  }
0x2: {  	[smem:$0x3F97] =	sst lr;
	_ =	strace $0xD0000000  }
0x3: {  	_ = 	snop  }
0x4: {  	_ = 	snop  }
0x5: {  	_ = 	snop  }
0x6: {  	_ = 	snop  }
0x7: {  	_ = 	snop  }
__scs_overlays_trampoline_lowered:
0x8: {  	[smem:$0x3FA6] =	sst s0  }
0x9: {  	[smem:$0x3FA7] =	sst s1  }
0xa: {  	[smem:$0x3FA8] =	sst s2  }
0xb: {  	[smem:$0x3FA9] =	sst s3  }
0xc: {  	[smem:$0x3FAA] =	sst s4  }
0xd: {  	[smem:$0x3FAB] =	sst s5  }
0xe: {  	[smem:$0x3FAC] =	sst s6  }
0xf: {  	[smem:$0x3FAD] =	sst s7  }
0x10: {  	[smem:$0x3FAE] =	sst s8  }
0x11: {  	[smem:$0x3FAF] =	sst s9;
	s0 =	simm.s32 @!p0 $0x0  }
0x12: {  	s1 =	sld [smem:$0x3F95];
	s0 =	simm.s32 @p0 $0x1  }
0x13: {  	[smem:$0x3FB0] =	sst s0;
	s0 =	simm.s32 @!p1 $0x0  }
0x14: {  	s2 =	sld [smem:$0x3F94];
	s0 =	simm.s32 @p1 $0x1  }
0x15: {  	[smem:$0x3FB1] =	sst s0;
	s0 =	simm.s32 @!p2 $0x0  }
0x16: {  	s3 =	sld [smem:$0x3FDB];
	s0 =	simm.s32 @p2 $0x1  }
0x17: {  	s4 =	simm.s32 $0x1BF5;
	[smem:$0x3FB3] =	sst s0  }
0x18: {  	s0 =	sld [smem:$0x3F96];
	_ =	swait.ge [sflag:s4], $0x0  }
0x19: {  	s7 =	sld [smem:$0x3F97]  }
0x1a: {  	s8 =	sadd.s32 $0xFFFFE003, lr  }
0x1b: {  	s9 =	sadd.s32 $0xFFFFFEF7, lr;
	s5 =	simm.s32 $0xFFFFFFFF;
	p2 =	slt.u32 s8, $0xFFFFF086  }
0x1c: {  	p1 =	slt.u32 s9, $0xF7A;
	s5 =	simm.s32 @!p2 $0x0  }
0x1d: {  	s5 =	simm.s32 @p1 $0x1;
	p0 =	seq.s32 s7, s2  }
0x1e: {  	s7 =	smul.u32 @!p0 $0xF7A, s2;
	p2 =	seq.s32 @!p0 s5, $0x0  }
0x1f: {  	s9 =	smul.u32 $0xF7A, s1;
	s8 =	simm.s32 @!p0 $0x1BF5;
	p2 =	por !p2, p0  }
0x20: {  	[sflag:s8] =	ssyncset.s32 @!p0 $0xFFFFF086;
	s6 =	sadd.s32 @!p0 s3, s7;
	s7 =	simm.s32 @!p0 $0x108  }
0x21: {  	s3 =	sadd.s32 s3, s9;
	s6 =	sadd.s32 @!p0 $0x88, s6;
	s7 =	simm.s32 @p2 $0x1082  }
0x22: {  	[simem:s7], [sflag:s8] =	dma.local @!p0 [hbm:s6], $0xF7A  }
0x23: {  	s9 =	sor.u32 $0xD0000000, s2;
	s6 =	simm.s32 $0x108;
	_ =	swait.ge @!p0 [sflag:s8], $0x0  }
0x24: {  	s3 =	sadd.s32 $0x88, s3;
	s6 =	simm.s32 @!p1 $0x1082;
	[sflag:s4] =	ssyncset.s32 $0xFFFFF086  }
0x25: {  	[simem:s6], [sflag:s4] =	dma.local [hbm:s3], $0xF7A  }
0x26: {  	[smem:$0x3F97] =	sst s1;
	(tag) =	ssettag s2;
	_ =	strace s9  }
0x27: {  	s1 =	sld [smem:$0x3FA7]  }
0x28: {  	s2 =	sld [smem:$0x3FA8]  }
0x29: {  	s4 =	sld [smem:$0x3FAA]  }
0x2a: {  	p0 =	seq.s32 s5, $0x0;
	s5 =	sld [smem:$0x3FAB]  }
0x2b: {  	s6 =	sld [smem:$0x3FAC]  }
0x2c: {  	s7 =	sld [smem:$0x3FAD]  }
0x2d: {  	s3 =	simm.s32 $0x108;
	s8 =	sld [smem:$0x3FAE]  }
0x2e: {  	s3 =	simm.s32 @!p0 $0x1082;
	s9 =	sld [smem:$0x3FAF]  }
0x2f: {  	lr =	sadd.s32 s0, s3;
	s0 =	sld [smem:$0x3FA6]  }
0x30: {  	s3 =	sld [smem:$0x3FA9]  }
0x31: {  	[smem:$0x3FB2] =	sst s10  }
0x32: {  	s10 =	sld [smem:$0x3FB0];
	_ =	sdelay $0x3  }
0x33: {  	p0 =	seq.s32 s10, $0x1;
	s10 =	sld [smem:$0x3FB2];
	_ =	sdelay $0x3  }
0x34: {  	[smem:$0x3FB2] =	sst s10  }
0x35: {  	s10 =	sld [smem:$0x3FB1];
	_ =	sdelay $0x3  }
0x36: {  	p1 =	seq.s32 s10, $0x1;
	s10 =	sld [smem:$0x3FB2];
	_ =	sdelay $0x3  }
0x37: {  	[smem:$0x3FB2] =	sst s10  }
0x38: {  	s10 =	sld [smem:$0x3FB3]  }
0x39: {  	_ = 	snop;
	(pc) =	sbr.ind lr, $3  }
0x3a: {  	_ = 	snop  }
0x3b: {  	_ = 	snop  }
0x3c: {  	p2 =	seq.s32 s10, $0x1;
	s10 =	sld [smem:$0x3FB2]  }
0x3d: {  	_ =	shalt  }
0x3e: {  	_ =	shalt  }
0x3f: {  	_ =	shalt  }
0x40: {  	_ =	shalt  }
0x41: {  	_ =	shalt  }
0x42: {  	_ =	shalt  }
0x43: {  	_ =	shalt  }
0x44: {  	_ =	shalt  }
0x45: {  	_ =	shalt  }
0x46: {  	_ =	shalt  }
0x47: {  	_ =	shalt  }
0x48: {  	_ =	shalt  }
0x49: {  	_ =	shalt  }
0x4a: {  	_ =	shalt  }
0x4b: {  	_ =	shalt  }
0x4c: {  	_ =	shalt  }
0x4d: {  	_ =	shalt  }
0x4e: {  	_ =	shalt  }
0x4f: {  	_ =	shalt  }
0x50: {  	_ =	shalt  }
0x51: {  	_ =	shalt  }
0x52: {  	_ =	shalt  }
0x53: {  	_ =	shalt  }
0x54: {  	_ =	shalt  }
0x55: {  	_ =	shalt  }
0x56: {  	_ =	shalt  }
0x57: {  	_ =	shalt  }
0x58: {  	_ =	shalt  }
0x59: {  	_ =	shalt  }
0x5a: {  	_ =	shalt  }
0x5b: {  	_ =	shalt  }
0x5c: {  	_ =	shalt  }
0x5d: {  	_ =	shalt  }
0x5e: {  	_ =	shalt  }
0x5f: {  	_ =	shalt  }
0x60: {  	_ =	shalt  }
0x61: {  	_ =	shalt  }
0x62: {  	_ =	shalt  }
0x63: {  	_ =	shalt  }
0x64: {  	_ =	shalt  }
0x65: {  	_ =	shalt  }
0x66: {  	_ =	shalt  }
0x67: {  	_ =	shalt  }
0x68: {  	_ =	shalt  }
0x69: {  	_ =	shalt  }
0x6a: {  	_ =	shalt  }
0x6b: {  	_ =	shalt  }
0x6c: {  	_ =	shalt  }
0x6d: {  	_ =	shalt  }
0x6e: {  	_ =	shalt  }
0x6f: {  	_ =	shalt  }
0x70: {  	_ =	shalt  }
0x71: {  	_ =	shalt  }
0x72: {  	_ =	shalt  }
0x73: {  	_ =	shalt  }
0x74: {  	_ =	shalt  }
0x75: {  	_ =	shalt  }
0x76: {  	_ =	shalt  }
0x77: {  	_ =	shalt  }
0x78: {  	_ =	shalt  }
0x79: {  	_ =	shalt  }
0x7a: {  	_ =	shalt  }
0x7b: {  	_ =	shalt  }
0x7c: {  	_ =	shalt  }
0x7d: {  	_ =	shalt  }
0x7e: {  	_ =	shalt  }
0x7f: {  	_ =	shalt  }
0x80: {  	_ =	shalt  }
0x81: {  	_ =	shalt  }
0x82: {  	_ =	shalt  }
0x83: {  	_ =	shalt  }
0x84: {  	_ =	shalt  }
0x85: {  	_ =	shalt  }
0x86: {  	_ =	shalt  }
0x87: {  	_ =	shalt  }
.Lfunc_end0:
.L_simem_size_0:
called_computation_lowered:
.L_overlay_start_0:
0x88: {  	s2 =	sld [smem:$0x3FD9]  }
0x89: {  	s3 =	sld [smem:$0x3FFE];
	_ =	sdelay $0x1  }
0x8a: {  	s1 =	srdreg.scid  }
0x8b: {  	s0 =	sand.u32 $0x1, s1  }
0x8c: {  	s16 =	sshll.u32 s0, $0xA;
	s2 =	sadd.s32 s3, s2  }
0x8d: {  	s2 =	sadd.s32 s2, s16  }
0x8e: {  	[smem:$0x3FBE] =	sst s2  }
0x8f: {  	_ = 	snop  }
0x90: {  	(tm) =	ssettm $0x1  }
0x91: {  	s17 =	sld [smem:$0x3FFB];
	_ =	sdelay $0x3  }
0x92: {  	_ =	strace s17  }
0x93: {  	s2 =	sld [smem:$0x3FFC];
	_ =	sdelay $0x3  }
0x94: {  	_ =	strace s2  }
0x95: {  	s2 =	sld [smem:$0x3FFD];
	_ =	sdelay $0x3  }
0x96: {  	_ =	strace s2  }
0x97: {  	_ =	strace $0x8FFFFFFF  }
0x98: {  	s18 =	sld [smem:$0x3FDB];
	_ =	sdelay $0x1  }
0x99: {  	s19 =	simm.s32 $_scs_section_size  }
0x9a: {  	s4 =	simm.s32 $_size__tile_overlayer_lowered;
	s5 =	simm.s32 $_tile_overlayer_lowered  }
0x9b: {  	s22 =	simm.s32 $0x1BFF;
	s21 =	sshll.u32 s5, $0x1;
	s2 =	sadd.s32 s19, s18  }
0x9c: {  	s6 =	simm.s32 $0x0;
	s20 =	sshll.u32 s4, $0x1;
	s4 =	sadd.s32 s21, s2  }
0x9d: {  	[timem:s6], [sflag:s22] =	dma.local [hbm:s4], s20  }
0x9e: {  	_ =	swait.ge [sflag:s22], s20  }
0x9f: {  	s3 =	ssub.s32 $0x0, s20;
	[sflag:s22] =	ssyncset.done $0x0  }
0xa0: {  	[sflag:s22] =	ssyncadd.s32 s3;
	_ =	sdelay $0x1  }
0xa1: {  	s23 =	simm.s32 $0x1B8B  }
0xa2: {  	_ =	swait.ge [sflag:s23], $0x1  }
0xa3: {  	[sflag:s23] =	ssyncset.done $0x0  }
0xa4: {  	s25 =	simm.s32 $0x1B8E;
	s24 =	sld [smem:$0x3FFE];
	[sflag:s23] =	ssyncadd.s32 $0xFFFFFFFF  }
0xa5: {  	s26 =	simm.s32 $execute0_lowered;
	[smem:$0x3FD2] =	sst s25  }
0xa6: {  	s4 =	sshll.u32 s26, $0x1;
	_ =	strace $0x80000046;
	[dreg:$0x1] =	wrdreg $0xFFFFFFFF  }
0xa7: {  	s28 =	simm.s32 $_size_execute0_lowered;
	s2 =	sadd.s32 s2, s4;
	[dreg:$0x0] =	wrdreg $0x0  }
0xa8: {  	s4 =	sshll.u32 s28, $0x1;
	[dreg:$0x2] =	wrdreg s2  }
0xa9: {  	[dreg:$0x3] =	wrdreg s4  }
0xaa: {  	[dreg:$0x4] =	wrdreg $0xC0  }
0xab: {  	_ =	task [dreg:s6], $0x5FFFF  }
0xac: {  	[dreg:$0x1] =	wrdreg $0xFFFFFFFF  }
0xad: {  	[dreg:$0x0] =	wrdreg $0x60  }
0xae: {  	[dreg:$0x2] =	wrdreg s24  }
0xaf: {  	[dreg:$0x3] =	wrdreg $0xAC000  }
0xb0: {  	[dreg:$0x4] =	wrdreg $0x9  }
0xb1: {  	_ =	task.clear_ibuf [dreg:s6], $0x5FFFF;
	_ =	strace $0x90000046  }
0xb2: {  	s29 =	simm.s32 $0x9;
	_ =	strace $0x80000048  }
0xb3: {  	_ =	swait.ge [sflag:s29], $0x1  }
0xb4: {  	[sflag:s29] =	ssyncadd.s32 $0xFFFFFFFF  }
0xb5: {  	_ =	strace $0x90000048  }
0xb6: {  	_ =	sfence  }
0xb7: {  	s30 =	sld [smem:$0x0];
	_ =	sdelay $0x2  }
0xb8: {  	s31 =	sshll.u32 s1, $0xD;
	s1 =	sshrl.u32 s1, $0x2  }
0xb9: {  	s3 =	sand.u32 $0x4000, s31;
	s1 =	sadd.s32 s1, s30  }
0xba: {  	s0 =	sor.u32 s3, s0;
	s1 =	sshll.u32 s1, $0x11  }
0xbb: {  	s0 =	sor.u32 s1, s0  }
0xbc: {  	s0 =	sadd.s32 $0x8F2B, s0  }
0xbd: {  	[sflag:s0] =	ssyncadd.remote.s32 $0x1  }
0xbe: {  	_ =	sfence.sel $0xFFFF  }
0xbf: {  	[dreg:$0x0] =	wrdreg $0xFFFFFFFF;
	(pc) =	sbr.abs _section_cstart, $3  }
0xc0: {  	[dreg:$0x1] =	wrdreg $0xFFFFFFFF  }
0xc1: {  	_ =	task.clear_ibuf [dreg:s6], $0x2FFFF;
	_ =	strace $0x9FFFFFFF  }
0xc2: {  	(tm) =	ssettm $0x7FFFFFFF  }
0xc3: {  	_ =	shalt  }
tec
execute0_lowered:
.L_overlay_start_1:
0x0: {  	(tag) =	ssettag $0x1  }
0x1: {  	s4 =	rddreg [dreg:$0x0]  }
0x2: {  	s2 =	rddreg [dreg:$0x1];
	s1 =	srdreg.scid  }
0x3: {  	s0 =	rddreg [dreg:$0x2];
	s3 =	simm.s32 $0x0;
	s12 =	simm.s32 $0x8000  }
0x4: {  	s13 =	simm.s32 $0x1;
	s14 =	simm.s32 $0x80;
	s15 =	simm.s32 $0xA800  }
0x5: {  	s16 =	simm.s32 $0xA880;
	s17 =	simm.s32 $0xA900;
	s18 =	simm.s32 $0xA980  }
0x6: {  	s19 =	simm.s32 $0xAA00;
	s20 =	simm.s32 $0x4000;
	s5 =	sand.u32 $0x1, s1  }
0x7: {  	s21 =	simm.s32 $0x0;
	s1 =	stileid.u32;
	s6 =	smul.u32 $0x140000, s5  }
0x8: {  	[smem:$0x7FF] =	sst s3;
	s7 =	sshll.u32 s5, $0x4;
	s8 =	smul.u32 $0x14000, s1  }
0x9: {  	s5 =	ssub.s32 $0x2, s5;
	_ =	strace $0x80000047;
	s7 =	sor.u32 s1, s7  }
0xa: {  	s31 =	sshrl.u32 s5, $0x1;
	s7 =	smul.u32 $0x500, s7;
	s6 =	sadd.s32 s8, s6  }
0xb: {  	s11 =	ssub.s32 s5, s31;
	s5 =	smul.u32 $0x280, s1;
	s6 =	sshrl.u32 s6, $0x3  }
0xc: {  	s11 =	smax.u32 s11, $0x1;
	s7 =	sadd.s32 s7, s4;
	s10 =	sadd.s32 s6, s4  }
0xd: {  	s4 =	sadd.s32 $0x4800, s7;
	s6 =	sadd.s32 $0xE800, s10;
	s7 =	sadd.s32 $0xF000, s10  }
0xe: {  	v0 =	vimm.f32 $0.0e+00;
	v1 =	vimm.f32 $1.000000000e+00;
	v2 =	vlaneseq.u32;
	s8 =	sadd.s32 $0xF800, s10;
	s9 =	sadd.s32 $0x10000, s10;
	s10 =	sadd.s32 $0x10800, s10  }
.LBB2_1:
0xf: {  	[tilespmem:s12], [sflag:$0x1] =	stream.linear.gather [hbm4b:s4+s3], $0x2780, $0x38;
	[tilespmem:$0xD400] =	vst v63  }
0x10: {  	_ =	swait.ge [sflag:s13], $0x2780  }
0x11: {  	[sflag:s13] =	ssyncset.done $0x0  }
0x12: {  	s22 =	simm.s32 $0x0;
	[sflag:s13] =	ssyncadd.s32 $0xFFFFD880  }
.LBB2_2:
0x13: {  	p0 =	sne.s32 s22, $0xFE00  }
.Ltmp0:
0x14: {  	_ = 	snop;
	(pc) =	sbr.rel @p0 .LBB2_2-.Ltmp0, $4  }
0x15: {  	_ = 	snop  }
0x16: {  	s23 =	sshra.s32 s22, $0x2  }
0x17: {  	[tilespmem:s23+$0x0] =	vst v0  }
0x18: {  	s22 =	sadd.s32 $0x200, s22;
	[tilespmem:s23+$0x4000] =	vst v1  }
0x19: {  	s22 =	simm.s32 $0x0  }
0x1a: {  	s23 =	sand.u32 $0xE00, s22  }
0x1b: {  	s24 =	sadd.s32 $0x0, s5;
	s25 =	sand.u32 $0x70, s22;
	s26 =	sshrl.u32 s23, $0x2  }
0x1c: {  	v3 =	vor.u32 s24, v2;
	s23 =	simm.s32 $0x40;
	s24 =	sor.u32 s25, s26  }
.LBB2_4:
0x1d: {  	p0 =	sne.s32 s23, $0x9C0  }
0x1e: {  	[tilespmem:s24+$0xA800] =	vst v3;
	s22 =	sadd.s32 $0x10, s22;
	s24 =	smov.u32 s23;
	s23 =	sadd.s32 $0x40, s23  }
.Ltmp1:
0x1f: {  	(pc) =	sbr.rel @p0 .LBB2_4-.Ltmp1, $4  }
0x20: {  	_ = 	snop  }
0x21: {  	s24 =	sand.u32 $0xE00, s24  }
0x22: {  	s25 =	sadd.s32 s22, s5;
	s26 =	sand.u32 $0x70, s22;
	s24 =	sshrl.u32 s24, $0x2  }
0x23: {  	v3 =	vor.u32 s25, v2;
	s24 =	sor.u32 s26, s24  }
0x24: {  	[tilespmem:s24+$0xA800] =	vst v3;
	s22 =	simm.s32 $0x0  }
0x25: {  	[spmem:s2] =	stream.indirect.scatter [tilespmem:s22], [sflag:$0x1], $0x10, s15, s14, $0xb8;
	[tilespmem:$0xD400] =	vst v63  }
0x26: {  	_ =	swait.ge [sflag:s13], $0x800  }
0x27: {  	[sflag:s13] =	ssyncset.done $0x0  }
0x28: {  	[sflag:s13] =	ssyncadd.s32 $0xFFFFF800  }
0x29: {  	[spmem:s2] =	stream.indirect.scatter [tilespmem:s22], [sflag:$0x1], $0x10, s16, s14, $0xb8;
	[tilespmem:$0xD400] =	vst v63  }
0x2a: {  	_ =	swait.ge [sflag:s13], $0x800  }
0x2b: {  	[sflag:s13] =	ssyncset.done $0x0  }
0x2c: {  	[sflag:s13] =	ssyncadd.s32 $0xFFFFF800  }
0x2d: {  	[spmem:s2] =	stream.indirect.scatter [tilespmem:s22], [sflag:$0x1], $0x10, s17, s14, $0xb8;
	[tilespmem:$0xD400] =	vst v63  }
0x2e: {  	_ =	swait.ge [sflag:s13], $0x800  }
0x2f: {  	[sflag:s13] =	ssyncset.done $0x0  }
0x30: {  	[sflag:s13] =	ssyncadd.s32 $0xFFFFF800  }
0x31: {  	[spmem:s2] =	stream.indirect.scatter [tilespmem:s22], [sflag:$0x1], $0x10, s18, s14, $0xb8;
	[tilespmem:$0xD400] =	vst v63  }
0x32: {  	_ =	swait.ge [sflag:s13], $0x800  }
0x33: {  	[sflag:s13] =	ssyncset.done $0x0  }
0x34: {  	[sflag:s13] =	ssyncadd.s32 $0xFFFFF800  }
0x35: {  	[spmem:s2] =	stream.indirect.scatter [tilespmem:s22], [sflag:$0x1], $0x10, s19, s14, $0xb8;
	[tilespmem:$0xD400] =	vst v63  }
0x36: {  	_ =	swait.ge [sflag:s13], $0x800  }
0x37: {  	[sflag:s13] =	ssyncset.done $0x0  }
0x38: {  	[sflag:s13] =	ssyncadd.s32 $0xFFFFF800  }
0x39: {  	[tilespmem:s22], [sflag:$0x1] =	stream.indirect.gather [spmem:s2], $0x10, s15, s14, $0xb8;
	[tilespmem:$0xD400] =	vst v63  }
0x3a: {  	_ =	swait.ge [sflag:s13], $0x800  }
0x3b: {  	[sflag:s13] =	ssyncset.done $0x0  }
0x3c: {  	[sflag:s13] =	ssyncadd.s32 $0xFFFFF800  }
0x3d: {  	s31 =	simm.s32 $0x8000;
	[bflag:$0x0] =	sbarrier.arrive $0xFFFF  }
0x3e: {  	[spmem:s2] =	stream.indirect.scatter.add.f32 [tilespmem:s20], [sflag:$0x1], $0x10, s31, s14, $0xb8;
	[tilespmem:$0xD400] =	vst v63  }
0x3f: {  	s22 =	simm.s32 $0x200;
	_ =	swait.ge [sflag:s13], $0x800  }
.LBB2_6:
0x40: {  	s23 =	sshra.s32 s22, $0x2;
	[sflag:s13] =	ssyncset.done $0x0;
	p0 =	sne.s32 s22, $0x9C00  }
.Ltmp2:
0x41: {  	s23 =	sadd.s32 $0x8000, s23;
	[sflag:s13] =	ssyncadd.s32 $0xFFFFF800;
	(pc) =	sbr.rel @p0 .LBB2_6-.Ltmp2, $3  }
0x42: {  	[spmem:s2] =	stream.indirect.scatter.add.f32 [tilespmem:s20], [sflag:$0x1], $0x10, s23, s14, $0xb8;
	[tilespmem:$0xD400] =	vst v63  }
0x43: {  	s22 =	sadd.s32 $0x200, s22;
	_ =	sdelay $0x1  }
0x44: {  	_ =	swait.ge [sflag:s13], $0x800  }
0x45: {  	[sflag:s13] =	ssyncset.done $0x0  }
0x46: {  	[sflag:s13] =	ssyncadd.s32 $0xFFFFF800  }
0x47: {  	[tilespmem:s3], [sflag:$0x1] =	stream.indirect.gather [spmem:s2], $0x10, s15, s14, $0xb8;
	[tilespmem:$0xD400] =	vst v63  }
0x48: {  	_ =	swait.ge [sflag:s13], $0x800  }
0x49: {  	[sflag:s13] =	ssyncset.done $0x0  }
0x4a: {  	[sflag:s13] =	ssyncadd.s32 $0xFFFFF800  }
0x4b: {  	[bflag:$0x0] =	sbarrier.arrive $0xFFFF  }
0x4c: {  	[tilespmem:s3], [sflag:$0x1] =	stream.indirect.gather [spmem:s2], $0x10, s15, s14, $0xb8;
	[tilespmem:$0xD400] =	vst v63  }
0x4d: {  	_ =	swait.ge [sflag:s13], $0x800  }
0x4e: {  	[sflag:s13] =	ssyncset.done $0x0  }
0x4f: {  	[sflag:s13] =	ssyncadd.s32 $0xFFFFF800  }
0x50: {  	[hbm4b:s6+s3] =	stream.linear.scatter [tilespmem:s3], [sflag:$0x1], $0x4000, $0x38;
	[tilespmem:$0xD400] =	vst v63  }
0x51: {  	_ =	swait.ge [sflag:s13], $0x4000  }
0x52: {  	[sflag:s13] =	ssyncset.done $0x0  }
0x53: {  	[sflag:s13] =	ssyncadd.s32 $0xFFFFC000  }
0x54: {  	[tilespmem:s3], [sflag:$0x1] =	stream.indirect.gather [spmem:s2], $0x10, s16, s14, $0xb8;
	[tilespmem:$0xD400] =	vst v63  }
0x55: {  	_ =	swait.ge [sflag:s13], $0x800  }
0x56: {  	[sflag:s13] =	ssyncset.done $0x0  }
0x57: {  	[sflag:s13] =	ssyncadd.s32 $0xFFFFF800  }
0x58: {  	[hbm4b:s7+s3] =	stream.linear.scatter [tilespmem:s3], [sflag:$0x1], $0x4000, $0x38;
	[tilespmem:$0xD400] =	vst v63  }
0x59: {  	_ =	swait.ge [sflag:s13], $0x4000  }
0x5a: {  	[sflag:s13] =	ssyncset.done $0x0  }
0x5b: {  	[sflag:s13] =	ssyncadd.s32 $0xFFFFC000  }
0x5c: {  	[tilespmem:s3], [sflag:$0x1] =	stream.indirect.gather [spmem:s2], $0x10, s17, s14, $0xb8;
	[tilespmem:$0xD400] =	vst v63  }
0x5d: {  	_ =	swait.ge [sflag:s13], $0x800  }
0x5e: {  	[sflag:s13] =	ssyncset.done $0x0  }
0x5f: {  	[sflag:s13] =	ssyncadd.s32 $0xFFFFF800  }
0x60: {  	[hbm4b:s8+s3] =	stream.linear.scatter [tilespmem:s3], [sflag:$0x1], $0x4000, $0x38;
	[tilespmem:$0xD400] =	vst v63  }
0x61: {  	_ =	swait.ge [sflag:s13], $0x4000  }
0x62: {  	[sflag:s13] =	ssyncset.done $0x0  }
0x63: {  	[sflag:s13] =	ssyncadd.s32 $0xFFFFC000  }
0x64: {  	[tilespmem:s3], [sflag:$0x1] =	stream.indirect.gather [spmem:s2], $0x10, s18, s14, $0xb8;
	[tilespmem:$0xD400] =	vst v63  }
0x65: {  	_ =	swait.ge [sflag:s13], $0x800  }
0x66: {  	[sflag:s13] =	ssyncset.done $0x0  }
0x67: {  	[sflag:s13] =	ssyncadd.s32 $0xFFFFF800  }
0x68: {  	[hbm4b:s9+s3] =	stream.linear.scatter [tilespmem:s3], [sflag:$0x1], $0x4000, $0x38;
	[tilespmem:$0xD400] =	vst v63  }
0x69: {  	_ =	swait.ge [sflag:s13], $0x4000  }
0x6a: {  	[sflag:s13] =	ssyncset.done $0x0  }
0x6b: {  	[sflag:s13] =	ssyncadd.s32 $0xFFFFC000  }
0x6c: {  	[tilespmem:s3], [sflag:$0x1] =	stream.indirect.gather [spmem:s2], $0x10, s19, s14, $0xb8;
	[tilespmem:$0xD400] =	vst v63  }
0x6d: {  	s21 =	sadd.s32 $0x1, s21;
	_ =	swait.ge [sflag:s13], $0x800  }
0x6e: {  	p0 =	sne.s32 s21, s11;
	[sflag:s13] =	ssyncset.done $0x0  }
.Ltmp3:
0x6f: {  	[sflag:s13] =	ssyncadd.s32 $0xFFFFF800;
	(pc) =	sbr.rel @p0 .LBB2_1-.Ltmp3, $4  }
0x70: {  	[hbm4b:s10+s3] =	stream.linear.scatter [tilespmem:s3], [sflag:$0x1], $0x4000, $0x38;
	[tilespmem:$0xD400] =	vst v63  }
0x71: {  	_ =	swait.ge [sflag:s13], $0x4000  }
0x72: {  	[sflag:s13] =	ssyncset.done $0x0  }
0x73: {  	[sflag:s13] =	ssyncadd.s32 $0xFFFFC000  }
0x74: {  	_ =	sfence.sel $0x180000  }
0x75: {  	[bflag:$0x0] =	sbarrier.arrive $0xFFFF  }
0x76: {  	p0 =	sne.s32 s1, $0x0;
	_ =	strace $0x90000047  }
0x77: {  	s0 =	sadd.s32 @!p0 $0x100000, s0;
	[bflag:$0x2] =	sbarrier.arrive $0xFFFF  }
0x78: {  	[sflag:s0] =	ssyncadd.tile.s32 @!p0 $0x1;
	_ =	shalt  }
.Lfunc_end2:
_tile_overlayer_lowered:
.L_overlay_start_2:
0x79: {  	(tag) =	ssettag $0x2  }
0x7a: {  	s0 =	rddreg [dreg:$0x0];
	s2 =	stileid.u32  }
0x7b: {  	s1 =	rddreg [dreg:$0x1];
	p0 =	sne.s32 s2, $0x0  }
0x7c: {  	s3 =	rddreg [dreg:$0x2];
	[bflag:$0x3] =	sbarrier.arrive $0xFFFF;
	s2 =	simm.s32 @!p0 $0x1C01  }
0x7d: {  	[timem:s3], [sflag:s2] =	dma.local @!p0 [hbm:s0], s1  }
0x7e: {  	s0 =	simm.s32 @!p0 $0x1  }
0x7f: {  	_ =	swait.ge @!p0 [sflag:s0], s1  }
0x80: {  	s1 =	ssub.s32 @!p0 $0x0, s1;
	[sflag:s0] =	ssyncset.done @!p0 $0x0  }
0x81: {  	[sflag:s0] =	ssyncadd.s32 @!p0 s1  }
0x82: {  	[bflag:$0x3] =	sbarrier.arrive $0xFFFF  }
0x83: {  	_ =	shalt  }

// kernel: kernel.13.cloned.1.call-start
scs
__scs_entry_jumppad:
0x0: {  	(pc) =	sbr.rel $0x88, $3  }
0x1: {  	(tag) =	ssettag $0x0;
	lr =	simm.s32 $0x1  }
0x2: {  	[smem:$0x3F97] =	sst lr;
	_ =	strace $0xD0000000  }
0x3: {  	_ = 	snop  }
0x4: {  	_ = 	snop  }
0x5: {  	_ = 	snop  }
0x6: {  	_ = 	snop  }
0x7: {  	_ = 	snop  }
__scs_overlays_trampoline_lowered:
0x8: {  	[smem:$0x3FA6] =	sst s0  }
0x9: {  	[smem:$0x3FA7] =	sst s1  }
0xa: {  	[smem:$0x3FA8] =	sst s2  }
0xb: {  	[smem:$0x3FA9] =	sst s3  }
0xc: {  	[smem:$0x3FAA] =	sst s4  }
0xd: {  	[smem:$0x3FAB] =	sst s5  }
0xe: {  	[smem:$0x3FAC] =	sst s6  }
0xf: {  	[smem:$0x3FAD] =	sst s7  }
0x10: {  	[smem:$0x3FAE] =	sst s8  }
0x11: {  	[smem:$0x3FAF] =	sst s9;
	s0 =	simm.s32 @!p0 $0x0  }
0x12: {  	s1 =	sld [smem:$0x3F95];
	s0 =	simm.s32 @p0 $0x1  }
0x13: {  	[smem:$0x3FB0] =	sst s0;
	s0 =	simm.s32 @!p1 $0x0  }
0x14: {  	s2 =	sld [smem:$0x3F94];
	s0 =	simm.s32 @p1 $0x1  }
0x15: {  	[smem:$0x3FB1] =	sst s0;
	s0 =	simm.s32 @!p2 $0x0  }
0x16: {  	s3 =	sld [smem:$0x3FDB];
	s0 =	simm.s32 @p2 $0x1  }
0x17: {  	s4 =	simm.s32 $0x1BF5;
	[smem:$0x3FB3] =	sst s0  }
0x18: {  	s0 =	sld [smem:$0x3F96];
	_ =	swait.ge [sflag:s4], $0x0  }
0x19: {  	s7 =	sld [smem:$0x3F97]  }
0x1a: {  	s8 =	sadd.s32 $0xFFFFE003, lr  }
0x1b: {  	s9 =	sadd.s32 $0xFFFFFEF7, lr;
	s5 =	simm.s32 $0xFFFFFFFF;
	p2 =	slt.u32 s8, $0xFFFFF086  }
0x1c: {  	p1 =	slt.u32 s9, $0xF7A;
	s5 =	simm.s32 @!p2 $0x0  }
0x1d: {  	s5 =	simm.s32 @p1 $0x1;
	p0 =	seq.s32 s7, s2  }
0x1e: {  	s7 =	smul.u32 @!p0 $0xF7A, s2;
	p2 =	seq.s32 @!p0 s5, $0x0  }
0x1f: {  	s9 =	smul.u32 $0xF7A, s1;
	s8 =	simm.s32 @!p0 $0x1BF5;
	p2 =	por !p2, p0  }
0x20: {  	[sflag:s8] =	ssyncset.s32 @!p0 $0xFFFFF086;
	s6 =	sadd.s32 @!p0 s3, s7;
	s7 =	simm.s32 @!p0 $0x108  }
0x21: {  	s3 =	sadd.s32 s3, s9;
	s6 =	sadd.s32 @!p0 $0x88, s6;
	s7 =	simm.s32 @p2 $0x1082  }
0x22: {  	[simem:s7], [sflag:s8] =	dma.local @!p0 [hbm:s6], $0xF7A  }
0x23: {  	s9 =	sor.u32 $0xD0000000, s2;
	s6 =	simm.s32 $0x108;
	_ =	swait.ge @!p0 [sflag:s8], $0x0  }
0x24: {  	s3 =	sadd.s32 $0x88, s3;
	s6 =	simm.s32 @!p1 $0x1082;
	[sflag:s4] =	ssyncset.s32 $0xFFFFF086  }
0x25: {  	[simem:s6], [sflag:s4] =	dma.local [hbm:s3], $0xF7A  }
0x26: {  	[smem:$0x3F97] =	sst s1;
	(tag) =	ssettag s2;
	_ =	strace s9  }
0x27: {  	s1 =	sld [smem:$0x3FA7]  }
0x28: {  	s2 =	sld [smem:$0x3FA8]  }
0x29: {  	s4 =	sld [smem:$0x3FAA]  }
0x2a: {  	p0 =	seq.s32 s5, $0x0;
	s5 =	sld [smem:$0x3FAB]  }
0x2b: {  	s6 =	sld [smem:$0x3FAC]  }
0x2c: {  	s7 =	sld [smem:$0x3FAD]  }
0x2d: {  	s3 =	simm.s32 $0x108;
	s8 =	sld [smem:$0x3FAE]  }
0x2e: {  	s3 =	simm.s32 @!p0 $0x1082;
	s9 =	sld [smem:$0x3FAF]  }
0x2f: {  	lr =	sadd.s32 s0, s3;
	s0 =	sld [smem:$0x3FA6]  }
0x30: {  	s3 =	sld [smem:$0x3FA9]  }
0x31: {  	[smem:$0x3FB2] =	sst s10  }
0x32: {  	s10 =	sld [smem:$0x3FB0];
	_ =	sdelay $0x3  }
0x33: {  	p0 =	seq.s32 s10, $0x1;
	s10 =	sld [smem:$0x3FB2];
	_ =	sdelay $0x3  }
0x34: {  	[smem:$0x3FB2] =	sst s10  }
0x35: {  	s10 =	sld [smem:$0x3FB1];
	_ =	sdelay $0x3  }
0x36: {  	p1 =	seq.s32 s10, $0x1;
	s10 =	sld [smem:$0x3FB2];
	_ =	sdelay $0x3  }
0x37: {  	[smem:$0x3FB2] =	sst s10  }
0x38: {  	s10 =	sld [smem:$0x3FB3]  }
0x39: {  	_ = 	snop;
	(pc) =	sbr.ind lr, $3  }
0x3a: {  	_ = 	snop  }
0x3b: {  	_ = 	snop  }
0x3c: {  	p2 =	seq.s32 s10, $0x1;
	s10 =	sld [smem:$0x3FB2]  }
0x3d: {  	_ =	shalt  }
0x3e: {  	_ =	shalt  }
0x3f: {  	_ =	shalt  }
0x40: {  	_ =	shalt  }
0x41: {  	_ =	shalt  }
0x42: {  	_ =	shalt  }
0x43: {  	_ =	shalt  }
0x44: {  	_ =	shalt  }
0x45: {  	_ =	shalt  }
0x46: {  	_ =	shalt  }
0x47: {  	_ =	shalt  }
0x48: {  	_ =	shalt  }
0x49: {  	_ =	shalt  }
0x4a: {  	_ =	shalt  }
0x4b: {  	_ =	shalt  }
0x4c: {  	_ =	shalt  }
0x4d: {  	_ =	shalt  }
0x4e: {  	_ =	shalt  }
0x4f: {  	_ =	shalt  }
0x50: {  	_ =	shalt  }
0x51: {  	_ =	shalt  }
0x52: {  	_ =	shalt  }
0x53: {  	_ =	shalt  }
0x54: {  	_ =	shalt  }
0x55: {  	_ =	shalt  }
0x56: {  	_ =	shalt  }
0x57: {  	_ =	shalt  }
0x58: {  	_ =	shalt  }
0x59: {  	_ =	shalt  }
0x5a: {  	_ =	shalt  }
0x5b: {  	_ =	shalt  }
0x5c: {  	_ =	shalt  }
0x5d: {  	_ =	shalt  }
0x5e: {  	_ =	shalt  }
0x5f: {  	_ =	shalt  }
0x60: {  	_ =	shalt  }
0x61: {  	_ =	shalt  }
0x62: {  	_ =	shalt  }
0x63: {  	_ =	shalt  }
0x64: {  	_ =	shalt  }
0x65: {  	_ =	shalt  }
0x66: {  	_ =	shalt  }
0x67: {  	_ =	shalt  }
0x68: {  	_ =	shalt  }
0x69: {  	_ =	shalt  }
0x6a: {  	_ =	shalt  }
0x6b: {  	_ =	shalt  }
0x6c: {  	_ =	shalt  }
0x6d: {  	_ =	shalt  }
0x6e: {  	_ =	shalt  }
0x6f: {  	_ =	shalt  }
0x70: {  	_ =	shalt  }
0x71: {  	_ =	shalt  }
0x72: {  	_ =	shalt  }
0x73: {  	_ =	shalt  }
0x74: {  	_ =	shalt  }
0x75: {  	_ =	shalt  }
0x76: {  	_ =	shalt  }
0x77: {  	_ =	shalt  }
0x78: {  	_ =	shalt  }
0x79: {  	_ =	shalt  }
0x7a: {  	_ =	shalt  }
0x7b: {  	_ =	shalt  }
0x7c: {  	_ =	shalt  }
0x7d: {  	_ =	shalt  }
0x7e: {  	_ =	shalt  }
0x7f: {  	_ =	shalt  }
0x80: {  	_ =	shalt  }
0x81: {  	_ =	shalt  }
0x82: {  	_ =	shalt  }
0x83: {  	_ =	shalt  }
0x84: {  	_ =	shalt  }
0x85: {  	_ =	shalt  }
0x86: {  	_ =	shalt  }
0x87: {  	_ =	shalt  }
.Lfunc_end0:
.L_simem_size_0:
called_computation.1_lowered:
.L_overlay_start_0:
0x88: {  	s2 =	sld [smem:$0x3FD9]  }
0x89: {  	s3 =	sld [smem:$0x3FFE];
	_ =	sdelay $0x1  }
0x8a: {  	s1 =	srdreg.scid  }
0x8b: {  	s0 =	sand.u32 $0x1, s1  }
0x8c: {  	s16 =	sshll.u32 s0, $0xA;
	s2 =	sadd.s32 s3, s2  }
0x8d: {  	s2 =	sadd.s32 s2, s16  }
0x8e: {  	[smem:$0x3FBE] =	sst s2  }
0x8f: {  	_ = 	snop  }
0x90: {  	(tm) =	ssettm $0x1  }
0x91: {  	s17 =	sld [smem:$0x3FFB];
	_ =	sdelay $0x3  }
0x92: {  	_ =	strace s17  }
0x93: {  	s2 =	sld [smem:$0x3FFC];
	_ =	sdelay $0x3  }
0x94: {  	_ =	strace s2  }
0x95: {  	s2 =	sld [smem:$0x3FFD];
	_ =	sdelay $0x3  }
0x96: {  	_ =	strace s2  }
0x97: {  	_ =	strace $0x8FFFFFFF  }
0x98: {  	s18 =	sld [smem:$0x3FDB];
	_ =	sdelay $0x1  }
0x99: {  	s19 =	simm.s32 $_scs_section_size  }
0x9a: {  	s4 =	simm.s32 $_size__tile_overlayer_lowered;
	s5 =	simm.s32 $_tile_overlayer_lowered  }
0x9b: {  	s22 =	simm.s32 $0x1BFF;
	s21 =	sshll.u32 s5, $0x1;
	s2 =	sadd.s32 s19, s18  }
0x9c: {  	s6 =	simm.s32 $0x0;
	s20 =	sshll.u32 s4, $0x1;
	s4 =	sadd.s32 s21, s2  }
0x9d: {  	[timem:s6], [sflag:s22] =	dma.local [hbm:s4], s20  }
0x9e: {  	_ =	swait.ge [sflag:s22], s20  }
0x9f: {  	s3 =	ssub.s32 $0x0, s20;
	[sflag:s22] =	ssyncset.done $0x0  }
0xa0: {  	[sflag:s22] =	ssyncadd.s32 s3;
	_ =	sdelay $0x1  }
0xa1: {  	s23 =	simm.s32 $0x1B8B  }
0xa2: {  	_ =	swait.ge [sflag:s23], $0x1  }
0xa3: {  	[sflag:s23] =	ssyncset.done $0x0  }
0xa4: {  	s25 =	simm.s32 $0x1B8E;
	s24 =	sld [smem:$0x3FFE];
	[sflag:s23] =	ssyncadd.s32 $0xFFFFFFFF  }
0xa5: {  	s26 =	simm.s32 $execute0_lowered;
	[smem:$0x3FD2] =	sst s25  }
0xa6: {  	s4 =	sshll.u32 s26, $0x1;
	_ =	strace $0x80000049;
	[dreg:$0x1] =	wrdreg $0xFFFFFFFF  }
0xa7: {  	s28 =	simm.s32 $_size_execute0_lowered;
	s2 =	sadd.s32 s2, s4;
	[dreg:$0x0] =	wrdreg $0x0  }
0xa8: {  	s4 =	sshll.u32 s28, $0x1;
	[dreg:$0x2] =	wrdreg s2  }
0xa9: {  	[dreg:$0x3] =	wrdreg s4  }
0xaa: {  	[dreg:$0x4] =	wrdreg $0xC0  }
0xab: {  	_ =	task [dreg:s6], $0x5FFFF  }
0xac: {  	[dreg:$0x1] =	wrdreg $0xFFFFFFFF  }
0xad: {  	[dreg:$0x0] =	wrdreg $0x60  }
0xae: {  	[dreg:$0x2] =	wrdreg s24  }
0xaf: {  	[dreg:$0x3] =	wrdreg $0x94000  }
0xb0: {  	[dreg:$0x4] =	wrdreg $0x9  }
0xb1: {  	_ =	task.clear_ibuf [dreg:s6], $0x5FFFF;
	_ =	strace $0x90000049  }
0xb2: {  	s29 =	simm.s32 $0x9;
	_ =	strace $0x8000004B  }
0xb3: {  	_ =	swait.ge [sflag:s29], $0x1  }
0xb4: {  	[sflag:s29] =	ssyncadd.s32 $0xFFFFFFFF  }
0xb5: {  	_ =	strace $0x9000004B  }
0xb6: {  	_ =	sfence  }
0xb7: {  	s30 =	sld [smem:$0x0];
	_ =	sdelay $0x2  }
0xb8: {  	s31 =	sshll.u32 s1, $0xD;
	s1 =	sshrl.u32 s1, $0x2  }
0xb9: {  	s3 =	sand.u32 $0x4000, s31;
	s1 =	sadd.s32 s1, s30  }
0xba: {  	s0 =	sor.u32 s3, s0;
	s1 =	sshll.u32 s1, $0x11  }
0xbb: {  	s0 =	sor.u32 s1, s0  }
0xbc: {  	s0 =	sadd.s32 $0x8F2B, s0  }
0xbd: {  	[sflag:s0] =	ssyncadd.remote.s32 $0x1  }
0xbe: {  	_ =	sfence.sel $0xFFFF  }
0xbf: {  	[dreg:$0x0] =	wrdreg $0xFFFFFFFF;
	(pc) =	sbr.abs _section_cstart, $3  }
0xc0: {  	[dreg:$0x1] =	wrdreg $0xFFFFFFFF  }
0xc1: {  	_ =	task.clear_ibuf [dreg:s6], $0x2FFFF;
	_ =	strace $0x9FFFFFFF  }
0xc2: {  	(tm) =	ssettm $0x7FFFFFFF  }
0xc3: {  	_ =	shalt  }
tec
execute0_lowered:
.L_overlay_start_1:
0x0: {  	(tag) =	ssettag $0x1  }
0x1: {  	s5 =	rddreg [dreg:$0x0]  }
0x2: {  	s1 =	rddreg [dreg:$0x1]  }
0x3: {  	s2 =	srdreg.scid;
	s0 =	rddreg [dreg:$0x2];
	s3 =	simm.s32 $0x0  }
0x4: {  	s14 =	simm.s32 $0x1;
	s15 =	simm.s32 $0x2800;
	s16 =	simm.s32 $0x80  }
0x5: {  	s17 =	simm.s32 $0x9000;
	s18 =	simm.s32 $0x5000;
	s19 =	simm.s32 $0x9080  }
0x6: {  	s20 =	simm.s32 $0x9100;
	s21 =	simm.s32 $0x9180;
	s22 =	simm.s32 $0x9200  }
0x7: {  	s23 =	simm.s32 $0x0;
	s6 =	sand.u32 $0x1, s2;
	s2 =	stileid.u32  }
0x8: {  	[smem:$0x7FF] =	sst s3;
	s4 =	sshll.u32 s6, $0x4;
	s7 =	smul.u32 $0x140000, s6  }
0x9: {  	s8 =	smul.u32 $0x14000, s2;
	s6 =	ssub.s32 $0x2, s6;
	s4 =	sor.u32 s2, s4  }
0xa: {  	_ =	strace $0x8000004A;
	s31 =	sshrl.u32 s6, $0x1;
	s9 =	smul.u32 $0x500, s4  }
0xb: {  	s4 =	sadd.s32 $0x68800, s5;
	s7 =	sadd.s32 s8, s7;
	s13 =	ssub.s32 s6, s31  }
0xc: {  	s7 =	sshrl.u32 s7, $0x3;
	s13 =	smax.u32 s13, $0x1;
	s30 =	sadd.s32 s9, s5  }
0xd: {  	s12 =	sadd.s32 s7, s5;
	s7 =	smul.u32 $0x280, s2;
	s5 =	sadd.s32 $0x5E800, s30  }
0xe: {  	s6 =	sadd.s32 $0x4800, s30;
	s8 =	sadd.s32 $0x90800, s12;
	s9 =	sadd.s32 $0x91000, s12  }
0xf: {  	v0 =	vimm.f32 $0.0e+00;
	v1 =	vlaneseq.u32;
	s10 =	sadd.s32 $0x91800, s12;
	s11 =	sadd.s32 $0x92000, s12;
	s12 =	sadd.s32 $0x92800, s12  }
.LBB2_1:
0x10: {  	[tilespmem:s3], [sflag:$0x1] =	stream.linear.gather [hbm4b:s5+s3], $0x2780, $0x38;
	[tilespmem:$0x1D400] =	vst v63  }
0x11: {  	_ =	swait.ge [sflag:s14], $0x2780  }
0x12: {  	[sflag:s14] =	ssyncset.done $0x0  }
0x13: {  	[sflag:s14] =	ssyncadd.s32 $0xFFFFD880  }
0x14: {  	[tilespmem:s15], [sflag:$0x1] =	stream.linear.gather [hbm4b:s6+s3], $0x2780, $0x38;
	[tilespmem:$0x1D400] =	vst v63  }
0x15: {  	_ =	swait.ge [sflag:s14], $0x2780  }
0x16: {  	[sflag:s14] =	ssyncset.done $0x0  }
0x17: {  	s24 =	simm.s32 $0x0;
	s25 =	simm.s32 $0x200;
	[sflag:s14] =	ssyncadd.s32 $0xFFFFD880  }
.LBB2_2:
0x18: {  	p0 =	sne.s32 s25, $0xFE00;
	[tilespmem:s24+$0x5070] =	vst v0  }
0x19: {  	[tilespmem:s24+$0x5000] =	vst v0  }
0x1a: {  	[tilespmem:s24+$0x5010] =	vst v0  }
.Ltmp0:
0x1b: {  	[tilespmem:s24+$0x5020] =	vst v0;
	(pc) =	sbr.rel @p0 .LBB2_2-.Ltmp0, $4  }
0x1c: {  	[tilespmem:s24+$0x5030] =	vst v0  }
0x1d: {  	[tilespmem:s24+$0x5040] =	vst v0  }
0x1e: {  	[tilespmem:s24+$0x5050] =	vst v0  }
0x1f: {  	[tilespmem:s24+$0x5060] =	vst v0;
	s24 =	sshra.s32 s25, $0x2;
	s25 =	sadd.s32 $0x200, s25  }
0x20: {  	[tilespmem:s24+$0x5070] =	vst v0  }
0x21: {  	[tilespmem:s24+$0x5000] =	vst v0  }
0x22: {  	[tilespmem:s24+$0x5010] =	vst v0  }
0x23: {  	[tilespmem:s24+$0x5020] =	vst v0  }
0x24: {  	[tilespmem:s24+$0x5030] =	vst v0;
	s25 =	simm.s32 $0x0  }
0x25: {  	[tilespmem:s24+$0x5040] =	vst v0;
	s26 =	sand.u32 $0xE00, s25  }
0x26: {  	[tilespmem:s24+$0x5050] =	vst v0;
	s28 =	sadd.s32 $0x0, s7;
	s29 =	sand.u32 $0x70, s25;
	s26 =	sshrl.u32 s26, $0x2  }
0x27: {  	[tilespmem:s24+$0x5060] =	vst v0;
	s24 =	simm.s32 $0x40;
	v2 =	vor.u32 s28, v1;
	s26 =	sor.u32 s29, s26  }
.LBB2_4:
0x28: {  	p0 =	sne.s32 s24, $0x9C0  }
0x29: {  	[tilespmem:s26+$0x9000] =	vst v2;
	s25 =	sadd.s32 $0x10, s25;
	s26 =	smov.u32 s24;
	s24 =	sadd.s32 $0x40, s24  }
.Ltmp1:
0x2a: {  	(pc) =	sbr.rel @p0 .LBB2_4-.Ltmp1, $4  }
0x2b: {  	_ = 	snop  }
0x2c: {  	s26 =	sand.u32 $0xE00, s26  }
0x2d: {  	s28 =	sadd.s32 s25, s7;
	s29 =	sand.u32 $0x70, s25;
	s26 =	sshrl.u32 s26, $0x2  }
0x2e: {  	v2 =	vor.u32 s28, v1;
	s26 =	sor.u32 s29, s26  }
0x2f: {  	[tilespmem:s26+$0x9000] =	vst v2  }
0x30: {  	[spmem:s1] =	stream.indirect.scatter [tilespmem:s18], [sflag:$0x1], $0x80, s17, s16, $0xb8;
	[tilespmem:$0x1D400] =	vst v63  }
0x31: {  	_ =	swait.ge [sflag:s14], $0x4000  }
0x32: {  	[sflag:s14] =	ssyncset.done $0x0  }
0x33: {  	[sflag:s14] =	ssyncadd.s32 $0xFFFFC000  }
0x34: {  	[spmem:s1] =	stream.indirect.scatter [tilespmem:s18], [sflag:$0x1], $0x80, s19, s16, $0xb8;
	[tilespmem:$0x1D400] =	vst v63  }
0x35: {  	_ =	swait.ge [sflag:s14], $0x4000  }
0x36: {  	[sflag:s14] =	ssyncset.done $0x0  }
0x37: {  	[sflag:s14] =	ssyncadd.s32 $0xFFFFC000  }
0x38: {  	[spmem:s1] =	stream.indirect.scatter [tilespmem:s18], [sflag:$0x1], $0x80, s20, s16, $0xb8;
	[tilespmem:$0x1D400] =	vst v63  }
0x39: {  	_ =	swait.ge [sflag:s14], $0x4000  }
0x3a: {  	[sflag:s14] =	ssyncset.done $0x0  }
0x3b: {  	[sflag:s14] =	ssyncadd.s32 $0xFFFFC000  }
0x3c: {  	[spmem:s1] =	stream.indirect.scatter [tilespmem:s18], [sflag:$0x1], $0x80, s21, s16, $0xb8;
	[tilespmem:$0x1D400] =	vst v63  }
0x3d: {  	_ =	swait.ge [sflag:s14], $0x4000  }
0x3e: {  	[sflag:s14] =	ssyncset.done $0x0  }
0x3f: {  	[sflag:s14] =	ssyncadd.s32 $0xFFFFC000  }
0x40: {  	[spmem:s1] =	stream.indirect.scatter [tilespmem:s18], [sflag:$0x1], $0x80, s22, s16, $0xb8;
	[tilespmem:$0x1D400] =	vst v63  }
0x41: {  	_ =	swait.ge [sflag:s14], $0x4000  }
0x42: {  	[sflag:s14] =	ssyncset.done $0x0  }
0x43: {  	[sflag:s14] =	ssyncadd.s32 $0xFFFFC000  }
0x44: {  	[tilespmem:s18], [sflag:$0x1] =	stream.indirect.gather [spmem:s1], $0x80, s17, s16, $0xb8;
	[tilespmem:$0x1D400] =	vst v63  }
0x45: {  	_ =	swait.ge [sflag:s14], $0x4000  }
0x46: {  	[sflag:s14] =	ssyncset.done $0x0  }
0x47: {  	[sflag:s14] =	ssyncadd.s32 $0xFFFFC000  }
0x48: {  	s24 =	simm.s32 $0x0;
	[bflag:$0x0] =	sbarrier.arrive $0xFFFF  }
0x49: {  	[tilespmem:s18], [sflag:$0x1] =	stream.indirect.gather [hbm4b:s4+s16], $0x80, s24, s16, $0xb8;
	[tilespmem:$0x1D400] =	vst v63  }
0x4a: {  	_ =	swait.ge [sflag:s14], $0x4000  }
0x4b: {  	[sflag:s14] =	ssyncset.done $0x0  }
0x4c: {  	s31 =	simm.s32 $0x2800;
	[sflag:s14] =	ssyncadd.s32 $0xFFFFC000  }
0x4d: {  	[spmem:s1] =	stream.indirect.scatter.add.f32 [tilespmem:s18], [sflag:$0x1], $0x80, s31, s16, $0xb8;
	[tilespmem:$0x1D400] =	vst v63  }
0x4e: {  	_ =	swait.ge [sflag:s14], $0x4000  }
0x4f: {  	s25 =	simm.s32 $0x400;
	s24 =	simm.s32 $0x200;
	[sflag:s14] =	ssyncset.done $0x0  }
.LBB2_6:
0x50: {  	s26 =	sshra.s32 s24, $0x2  }
0x51: {  	[sflag:s14] =	ssyncadd.s32 $0xFFFFC000;
	s24 =	smov.u32 s25;
	s28 =	sadd.s32 $0x200, s25  }
0x52: {  	[tilespmem:s18], [sflag:$0x1] =	stream.indirect.gather [hbm4b:s4+s16], $0x80, s26, s16, $0xb8;
	[tilespmem:$0x1D400] =	vst v63  }
0x53: {  	p0 =	sne.s32 s25, $0x9C00;
	_ =	swait.ge [sflag:s14], $0x4000  }
.Ltmp2:
0x54: {  	[sflag:s14] =	ssyncset.done $0x0;
	(pc) =	sbr.rel @p0 .LBB2_6-.Ltmp2, $4  }
0x55: {  	s25 =	sadd.s32 $0x2800, s26;
	[sflag:s14] =	ssyncadd.s32 $0xFFFFC000  }
0x56: {  	[spmem:s1] =	stream.indirect.scatter.add.f32 [tilespmem:s18], [sflag:$0x1], $0x80, s25, s16, $0xb8;
	[tilespmem:$0x1D400] =	vst v63  }
0x57: {  	_ =	swait.ge [sflag:s14], $0x4000  }
0x58: {  	s25 =	smov.u32 s28;
	[sflag:s14] =	ssyncset.done $0x0  }
0x59: {  	s24 =	sshra.s32 s24, $0x2;
	[sflag:s14] =	ssyncadd.s32 $0xFFFFC000  }
0x5a: {  	[tilespmem:s18], [sflag:$0x1] =	stream.indirect.gather [hbm4b:s4+s16], $0x80, s24, s16, $0xb8;
	[tilespmem:$0x1D400] =	vst v63  }
0x5b: {  	_ =	swait.ge [sflag:s14], $0x4000  }
0x5c: {  	[sflag:s14] =	ssyncset.done $0x0  }
0x5d: {  	s24 =	sadd.s32 $0x2800, s24;
	[sflag:s14] =	ssyncadd.s32 $0xFFFFC000  }
0x5e: {  	[spmem:s1] =	stream.indirect.scatter.add.f32 [tilespmem:s18], [sflag:$0x1], $0x80, s24, s16, $0xb8;
	[tilespmem:$0x1D400] =	vst v63  }
0x5f: {  	_ =	swait.ge [sflag:s14], $0x4000  }
0x60: {  	[sflag:s14] =	ssyncset.done $0x0  }
0x61: {  	[sflag:s14] =	ssyncadd.s32 $0xFFFFC000  }
0x62: {  	[tilespmem:s18], [sflag:$0x1] =	stream.indirect.gather [spmem:s1], $0x80, s17, s16, $0xb8;
	[tilespmem:$0x1D400] =	vst v63  }
0x63: {  	_ =	swait.ge [sflag:s14], $0x4000  }
0x64: {  	[sflag:s14] =	ssyncset.done $0x0  }
0x65: {  	[sflag:s14] =	ssyncadd.s32 $0xFFFFC000  }
0x66: {  	[bflag:$0x0] =	sbarrier.arrive $0xFFFF  }
0x67: {  	[tilespmem:s18], [sflag:$0x1] =	stream.indirect.gather [spmem:s1], $0x80, s17, s16, $0xb8;
	[tilespmem:$0x1D400] =	vst v63  }
0x68: {  	_ =	swait.ge [sflag:s14], $0x4000  }
0x69: {  	[sflag:s14] =	ssyncset.done $0x0  }
0x6a: {  	[sflag:s14] =	ssyncadd.s32 $0xFFFFC000  }
0x6b: {  	[hbm4b:s8+s3] =	stream.linear.scatter [tilespmem:s18], [sflag:$0x1], $0x4000, $0x38;
	[tilespmem:$0x1D400] =	vst v63  }
0x6c: {  	_ =	swait.ge [sflag:s14], $0x4000  }
0x6d: {  	[sflag:s14] =	ssyncset.done $0x0  }
0x6e: {  	[sflag:s14] =	ssyncadd.s32 $0xFFFFC000  }
0x6f: {  	[tilespmem:s18], [sflag:$0x1] =	stream.indirect.gather [spmem:s1], $0x80, s19, s16, $0xb8;
	[tilespmem:$0x1D400] =	vst v63  }
0x70: {  	_ =	swait.ge [sflag:s14], $0x4000  }
0x71: {  	[sflag:s14] =	ssyncset.done $0x0  }
0x72: {  	[sflag:s14] =	ssyncadd.s32 $0xFFFFC000  }
0x73: {  	[hbm4b:s9+s3] =	stream.linear.scatter [tilespmem:s18], [sflag:$0x1], $0x4000, $0x38;
	[tilespmem:$0x1D400] =	vst v63  }
0x74: {  	_ =	swait.ge [sflag:s14], $0x4000  }
0x75: {  	[sflag:s14] =	ssyncset.done $0x0  }
0x76: {  	[sflag:s14] =	ssyncadd.s32 $0xFFFFC000  }
0x77: {  	[tilespmem:s18], [sflag:$0x1] =	stream.indirect.gather [spmem:s1], $0x80, s20, s16, $0xb8;
	[tilespmem:$0x1D400] =	vst v63  }
0x78: {  	_ =	swait.ge [sflag:s14], $0x4000  }
0x79: {  	[sflag:s14] =	ssyncset.done $0x0  }
0x7a: {  	[sflag:s14] =	ssyncadd.s32 $0xFFFFC000  }
0x7b: {  	[hbm4b:s10+s3] =	stream.linear.scatter [tilespmem:s18], [sflag:$0x1], $0x4000, $0x38;
	[tilespmem:$0x1D400] =	vst v63  }
0x7c: {  	_ =	swait.ge [sflag:s14], $0x4000  }
0x7d: {  	[sflag:s14] =	ssyncset.done $0x0  }
0x7e: {  	[sflag:s14] =	ssyncadd.s32 $0xFFFFC000  }
0x7f: {  	[tilespmem:s18], [sflag:$0x1] =	stream.indirect.gather [spmem:s1], $0x80, s21, s16, $0xb8;
	[tilespmem:$0x1D400] =	vst v63  }
0x80: {  	_ =	swait.ge [sflag:s14], $0x4000  }
0x81: {  	[sflag:s14] =	ssyncset.done $0x0  }
0x82: {  	[sflag:s14] =	ssyncadd.s32 $0xFFFFC000  }
0x83: {  	[hbm4b:s11+s3] =	stream.linear.scatter [tilespmem:s18], [sflag:$0x1], $0x4000, $0x38;
	[tilespmem:$0x1D400] =	vst v63  }
0x84: {  	_ =	swait.ge [sflag:s14], $0x4000  }
0x85: {  	[sflag:s14] =	ssyncset.done $0x0  }
0x86: {  	[sflag:s14] =	ssyncadd.s32 $0xFFFFC000  }
0x87: {  	[tilespmem:s18], [sflag:$0x1] =	stream.indirect.gather [spmem:s1], $0x80, s22, s16, $0xb8;
	[tilespmem:$0x1D400] =	vst v63  }
0x88: {  	s23 =	sadd.s32 $0x1, s23;
	_ =	swait.ge [sflag:s14], $0x4000  }
0x89: {  	p0 =	sne.s32 s23, s13;
	[sflag:s14] =	ssyncset.done $0x0  }
.Ltmp3:
0x8a: {  	[sflag:s14] =	ssyncadd.s32 $0xFFFFC000;
	(pc) =	sbr.rel @p0 .LBB2_1-.Ltmp3, $4  }
0x8b: {  	[hbm4b:s12+s3] =	stream.linear.scatter [tilespmem:s18], [sflag:$0x1], $0x4000, $0x38;
	[tilespmem:$0x1D400] =	vst v63  }
0x8c: {  	_ =	swait.ge [sflag:s14], $0x4000  }
0x8d: {  	[sflag:s14] =	ssyncset.done $0x0  }
0x8e: {  	[sflag:s14] =	ssyncadd.s32 $0xFFFFC000  }
0x8f: {  	_ =	sfence.sel $0x180000  }
0x90: {  	[bflag:$0x0] =	sbarrier.arrive $0xFFFF  }
0x91: {  	p0 =	sne.s32 s2, $0x0;
	_ =	strace $0x9000004A  }
0x92: {  	s0 =	sadd.s32 @!p0 $0x100000, s0;
	[bflag:$0x2] =	sbarrier.arrive $0xFFFF  }
0x93: {  	[sflag:s0] =	ssyncadd.tile.s32 @!p0 $0x1;
	_ =	shalt  }
.Lfunc_end2:
_tile_overlayer_lowered:
.L_overlay_start_2:
0x94: {  	(tag) =	ssettag $0x2  }
0x95: {  	s0 =	rddreg [dreg:$0x0];
	s2 =	stileid.u32  }
0x96: {  	s1 =	rddreg [dreg:$0x1];
	p0 =	sne.s32 s2, $0x0  }
0x97: {  	s3 =	rddreg [dreg:$0x2];
	[bflag:$0x3] =	sbarrier.arrive $0xFFFF;
	s2 =	simm.s32 @!p0 $0x1C01  }
0x98: {  	[timem:s3], [sflag:s2] =	dma.local @!p0 [hbm:s0], s1  }
0x99: {  	s0 =	simm.s32 @!p0 $0x1  }
0x9a: {  	_ =	swait.ge @!p0 [sflag:s0], s1  }
0x9b: {  	s1 =	ssub.s32 @!p0 $0x0, s1;
	[sflag:s0] =	ssyncset.done @!p0 $0x0  }
0x9c: {  	[sflag:s0] =	ssyncadd.s32 @!p0 s1  }
0x9d: {  	[bflag:$0x3] =	sbarrier.arrive $0xFFFF  }
0x9e: {  	_ =	shalt  }

// kernel: kernel.16.cloned.1.call-start
scs
__scs_entry_jumppad:
0x0: {  	(pc) =	sbr.rel $0x88, $3  }
0x1: {  	(tag) =	ssettag $0x0;
	lr =	simm.s32 $0x1  }
0x2: {  	[smem:$0x3F97] =	sst lr;
	_ =	strace $0xD0000000  }
0x3: {  	_ = 	snop  }
0x4: {  	_ = 	snop  }
0x5: {  	_ = 	snop  }
0x6: {  	_ = 	snop  }
0x7: {  	_ = 	snop  }
__scs_overlays_trampoline_lowered:
0x8: {  	[smem:$0x3FA6] =	sst s0  }
0x9: {  	[smem:$0x3FA7] =	sst s1  }
0xa: {  	[smem:$0x3FA8] =	sst s2  }
0xb: {  	[smem:$0x3FA9] =	sst s3  }
0xc: {  	[smem:$0x3FAA] =	sst s4  }
0xd: {  	[smem:$0x3FAB] =	sst s5  }
0xe: {  	[smem:$0x3FAC] =	sst s6  }
0xf: {  	[smem:$0x3FAD] =	sst s7  }
0x10: {  	[smem:$0x3FAE] =	sst s8  }
0x11: {  	[smem:$0x3FAF] =	sst s9;
	s0 =	simm.s32 @!p0 $0x0  }
0x12: {  	s1 =	sld [smem:$0x3F95];
	s0 =	simm.s32 @p0 $0x1  }
0x13: {  	[smem:$0x3FB0] =	sst s0;
	s0 =	simm.s32 @!p1 $0x0  }
0x14: {  	s2 =	sld [smem:$0x3F94];
	s0 =	simm.s32 @p1 $0x1  }
0x15: {  	[smem:$0x3FB1] =	sst s0;
	s0 =	simm.s32 @!p2 $0x0  }
0x16: {  	s3 =	sld [smem:$0x3FDB];
	s0 =	simm.s32 @p2 $0x1  }
0x17: {  	s4 =	simm.s32 $0x1BF5;
	[smem:$0x3FB3] =	sst s0  }
0x18: {  	s0 =	sld [smem:$0x3F96];
	_ =	swait.ge [sflag:s4], $0x0  }
0x19: {  	s7 =	sld [smem:$0x3F97]  }
0x1a: {  	s8 =	sadd.s32 $0xFFFFE003, lr  }
0x1b: {  	s9 =	sadd.s32 $0xFFFFFEF7, lr;
	s5 =	simm.s32 $0xFFFFFFFF;
	p2 =	slt.u32 s8, $0xFFFFF086  }
0x1c: {  	p1 =	slt.u32 s9, $0xF7A;
	s5 =	simm.s32 @!p2 $0x0  }
0x1d: {  	s5 =	simm.s32 @p1 $0x1;
	p0 =	seq.s32 s7, s2  }
0x1e: {  	s7 =	smul.u32 @!p0 $0xF7A, s2;
	p2 =	seq.s32 @!p0 s5, $0x0  }
0x1f: {  	s9 =	smul.u32 $0xF7A, s1;
	s8 =	simm.s32 @!p0 $0x1BF5;
	p2 =	por !p2, p0  }
0x20: {  	[sflag:s8] =	ssyncset.s32 @!p0 $0xFFFFF086;
	s6 =	sadd.s32 @!p0 s3, s7;
	s7 =	simm.s32 @!p0 $0x108  }
0x21: {  	s3 =	sadd.s32 s3, s9;
	s6 =	sadd.s32 @!p0 $0x88, s6;
	s7 =	simm.s32 @p2 $0x1082  }
0x22: {  	[simem:s7], [sflag:s8] =	dma.local @!p0 [hbm:s6], $0xF7A  }
0x23: {  	s9 =	sor.u32 $0xD0000000, s2;
	s6 =	simm.s32 $0x108;
	_ =	swait.ge @!p0 [sflag:s8], $0x0  }
0x24: {  	s3 =	sadd.s32 $0x88, s3;
	s6 =	simm.s32 @!p1 $0x1082;
	[sflag:s4] =	ssyncset.s32 $0xFFFFF086  }
0x25: {  	[simem:s6], [sflag:s4] =	dma.local [hbm:s3], $0xF7A  }
0x26: {  	[smem:$0x3F97] =	sst s1;
	(tag) =	ssettag s2;
	_ =	strace s9  }
0x27: {  	s1 =	sld [smem:$0x3FA7]  }
0x28: {  	s2 =	sld [smem:$0x3FA8]  }
0x29: {  	s4 =	sld [smem:$0x3FAA]  }
0x2a: {  	p0 =	seq.s32 s5, $0x0;
	s5 =	sld [smem:$0x3FAB]  }
0x2b: {  	s6 =	sld [smem:$0x3FAC]  }
0x2c: {  	s7 =	sld [smem:$0x3FAD]  }
0x2d: {  	s3 =	simm.s32 $0x108;
	s8 =	sld [smem:$0x3FAE]  }
0x2e: {  	s3 =	simm.s32 @!p0 $0x1082;
	s9 =	sld [smem:$0x3FAF]  }
0x2f: {  	lr =	sadd.s32 s0, s3;
	s0 =	sld [smem:$0x3FA6]  }
0x30: {  	s3 =	sld [smem:$0x3FA9]  }
0x31: {  	[smem:$0x3FB2] =	sst s10  }
0x32: {  	s10 =	sld [smem:$0x3FB0];
	_ =	sdelay $0x3  }
0x33: {  	p0 =	seq.s32 s10, $0x1;
	s10 =	sld [smem:$0x3FB2];
	_ =	sdelay $0x3  }
0x34: {  	[smem:$0x3FB2] =	sst s10  }
0x35: {  	s10 =	sld [smem:$0x3FB1];
	_ =	sdelay $0x3  }
0x36: {  	p1 =	seq.s32 s10, $0x1;
	s10 =	sld [smem:$0x3FB2];
	_ =	sdelay $0x3  }
0x37: {  	[smem:$0x3FB2] =	sst s10  }
0x38: {  	s10 =	sld [smem:$0x3FB3]  }
0x39: {  	_ = 	snop;
	(pc) =	sbr.ind lr, $3  }
0x3a: {  	_ = 	snop  }
0x3b: {  	_ = 	snop  }
0x3c: {  	p2 =	seq.s32 s10, $0x1;
	s10 =	sld [smem:$0x3FB2]  }
0x3d: {  	_ =	shalt  }
0x3e: {  	_ =	shalt  }
0x3f: {  	_ =	shalt  }
0x40: {  	_ =	shalt  }
0x41: {  	_ =	shalt  }
0x42: {  	_ =	shalt  }
0x43: {  	_ =	shalt  }
0x44: {  	_ =	shalt  }
0x45: {  	_ =	shalt  }
0x46: {  	_ =	shalt  }
0x47: {  	_ =	shalt  }
0x48: {  	_ =	shalt  }
0x49: {  	_ =	shalt  }
0x4a: {  	_ =	shalt  }
0x4b: {  	_ =	shalt  }
0x4c: {  	_ =	shalt  }
0x4d: {  	_ =	shalt  }
0x4e: {  	_ =	shalt  }
0x4f: {  	_ =	shalt  }
0x50: {  	_ =	shalt  }
0x51: {  	_ =	shalt  }
0x52: {  	_ =	shalt  }
0x53: {  	_ =	shalt  }
0x54: {  	_ =	shalt  }
0x55: {  	_ =	shalt  }
0x56: {  	_ =	shalt  }
0x57: {  	_ =	shalt  }
0x58: {  	_ =	shalt  }
0x59: {  	_ =	shalt  }
0x5a: {  	_ =	shalt  }
0x5b: {  	_ =	shalt  }
0x5c: {  	_ =	shalt  }
0x5d: {  	_ =	shalt  }
0x5e: {  	_ =	shalt  }
0x5f: {  	_ =	shalt  }
0x60: {  	_ =	shalt  }
0x61: {  	_ =	shalt  }
0x62: {  	_ =	shalt  }
0x63: {  	_ =	shalt  }
0x64: {  	_ =	shalt  }
0x65: {  	_ =	shalt  }
0x66: {  	_ =	shalt  }
0x67: {  	_ =	shalt  }
0x68: {  	_ =	shalt  }
0x69: {  	_ =	shalt  }
0x6a: {  	_ =	shalt  }
0x6b: {  	_ =	shalt  }
0x6c: {  	_ =	shalt  }
0x6d: {  	_ =	shalt  }
0x6e: {  	_ =	shalt  }
0x6f: {  	_ =	shalt  }
0x70: {  	_ =	shalt  }
0x71: {  	_ =	shalt  }
0x72: {  	_ =	shalt  }
0x73: {  	_ =	shalt  }
0x74: {  	_ =	shalt  }
0x75: {  	_ =	shalt  }
0x76: {  	_ =	shalt  }
0x77: {  	_ =	shalt  }
0x78: {  	_ =	shalt  }
0x79: {  	_ =	shalt  }
0x7a: {  	_ =	shalt  }
0x7b: {  	_ =	shalt  }
0x7c: {  	_ =	shalt  }
0x7d: {  	_ =	shalt  }
0x7e: {  	_ =	shalt  }
0x7f: {  	_ =	shalt  }
0x80: {  	_ =	shalt  }
0x81: {  	_ =	shalt  }
0x82: {  	_ =	shalt  }
0x83: {  	_ =	shalt  }
0x84: {  	_ =	shalt  }
0x85: {  	_ =	shalt  }
0x86: {  	_ =	shalt  }
0x87: {  	_ =	shalt  }
.Lfunc_end0:
.L_simem_size_0:
called_computation.2_lowered:
.L_overlay_start_0:
0x88: {  	s2 =	sld [smem:$0x3FD9]  }
0x89: {  	s3 =	sld [smem:$0x3FFE];
	_ =	sdelay $0x1  }
0x8a: {  	s1 =	srdreg.scid  }
0x8b: {  	s0 =	sand.u32 $0x1, s1  }
0x8c: {  	s16 =	sshll.u32 s0, $0xA;
	s2 =	sadd.s32 s3, s2  }
0x8d: {  	s2 =	sadd.s32 s2, s16  }
0x8e: {  	[smem:$0x3FBE] =	sst s2  }
0x8f: {  	_ = 	snop  }
0x90: {  	(tm) =	ssettm $0x1  }
0x91: {  	s17 =	sld [smem:$0x3FFB];
	_ =	sdelay $0x3  }
0x92: {  	_ =	strace s17  }
0x93: {  	s2 =	sld [smem:$0x3FFC];
	_ =	sdelay $0x3  }
0x94: {  	_ =	strace s2  }
0x95: {  	s2 =	sld [smem:$0x3FFD];
	_ =	sdelay $0x3  }
0x96: {  	_ =	strace s2  }
0x97: {  	_ =	strace $0x8FFFFFFF  }
0x98: {  	s18 =	sld [smem:$0x3FDB];
	_ =	sdelay $0x1  }
0x99: {  	s19 =	simm.s32 $_scs_section_size  }
0x9a: {  	s4 =	simm.s32 $_size__tile_overlayer_lowered;
	s5 =	simm.s32 $_tile_overlayer_lowered  }
0x9b: {  	s22 =	simm.s32 $0x1BFF;
	s21 =	sshll.u32 s5, $0x1;
	s2 =	sadd.s32 s19, s18  }
0x9c: {  	s6 =	simm.s32 $0x0;
	s20 =	sshll.u32 s4, $0x1;
	s4 =	sadd.s32 s21, s2  }
0x9d: {  	[timem:s6], [sflag:s22] =	dma.local [hbm:s4], s20  }
0x9e: {  	_ =	swait.ge [sflag:s22], s20  }
0x9f: {  	s3 =	ssub.s32 $0x0, s20;
	[sflag:s22] =	ssyncset.done $0x0  }
0xa0: {  	[sflag:s22] =	ssyncadd.s32 s3;
	_ =	sdelay $0x1  }
0xa1: {  	s23 =	simm.s32 $0x1B8B  }
0xa2: {  	_ =	swait.ge [sflag:s23], $0x1  }
0xa3: {  	[sflag:s23] =	ssyncset.done $0x0  }
0xa4: {  	s25 =	simm.s32 $0x1B8E;
	s24 =	sld [smem:$0x3FFE];
	[sflag:s23] =	ssyncadd.s32 $0xFFFFFFFF  }
0xa5: {  	s26 =	simm.s32 $execute0_lowered;
	[smem:$0x3FD2] =	sst s25  }
0xa6: {  	s4 =	sshll.u32 s26, $0x1;
	_ =	strace $0x8000004C;
	[dreg:$0x1] =	wrdreg $0xFFFFFFFF  }
0xa7: {  	s28 =	simm.s32 $_size_execute0_lowered;
	s2 =	sadd.s32 s2, s4;
	[dreg:$0x0] =	wrdreg $0x0  }
0xa8: {  	s4 =	sshll.u32 s28, $0x1;
	[dreg:$0x2] =	wrdreg s2  }
0xa9: {  	[dreg:$0x3] =	wrdreg s4  }
0xaa: {  	[dreg:$0x4] =	wrdreg $0xC0  }
0xab: {  	_ =	task [dreg:s6], $0x5FFFF  }
0xac: {  	[dreg:$0x1] =	wrdreg $0xFFFFFFFF  }
0xad: {  	[dreg:$0x0] =	wrdreg $0x60  }
0xae: {  	[dreg:$0x2] =	wrdreg s24  }
0xaf: {  	[dreg:$0x3] =	wrdreg $0x94000  }
0xb0: {  	[dreg:$0x4] =	wrdreg $0x9  }
0xb1: {  	_ =	task.clear_ibuf [dreg:s6], $0x5FFFF;
	_ =	strace $0x9000004C  }
0xb2: {  	s29 =	simm.s32 $0x9;
	_ =	strace $0x8000004E  }
0xb3: {  	_ =	swait.ge [sflag:s29], $0x1  }
0xb4: {  	[sflag:s29] =	ssyncadd.s32 $0xFFFFFFFF  }
0xb5: {  	_ =	strace $0x9000004E  }
0xb6: {  	_ =	sfence  }
0xb7: {  	s30 =	sld [smem:$0x0];
	_ =	sdelay $0x2  }
0xb8: {  	s31 =	sshll.u32 s1, $0xD;
	s1 =	sshrl.u32 s1, $0x2  }
0xb9: {  	s3 =	sand.u32 $0x4000, s31;
	s1 =	sadd.s32 s1, s30  }
0xba: {  	s0 =	sor.u32 s3, s0;
	s1 =	sshll.u32 s1, $0x11  }
0xbb: {  	s0 =	sor.u32 s1, s0  }
0xbc: {  	s0 =	sadd.s32 $0x8F2B, s0  }
0xbd: {  	[sflag:s0] =	ssyncadd.remote.s32 $0x1  }
0xbe: {  	_ =	sfence.sel $0xFFFF  }
0xbf: {  	[dreg:$0x0] =	wrdreg $0xFFFFFFFF;
	(pc) =	sbr.abs _section_cstart, $3  }
0xc0: {  	[dreg:$0x1] =	wrdreg $0xFFFFFFFF  }
0xc1: {  	_ =	task.clear_ibuf [dreg:s6], $0x2FFFF;
	_ =	strace $0x9FFFFFFF  }
0xc2: {  	(tm) =	ssettm $0x7FFFFFFF  }
0xc3: {  	_ =	shalt  }
tec
execute0_lowered:
.L_overlay_start_1:
0x0: {  	(tag) =	ssettag $0x1  }
0x1: {  	s5 =	rddreg [dreg:$0x0]  }
0x2: {  	s1 =	rddreg [dreg:$0x1]  }
0x3: {  	s2 =	srdreg.scid;
	s0 =	rddreg [dreg:$0x2];
	s3 =	simm.s32 $0x0  }
0x4: {  	s14 =	simm.s32 $0x1;
	s15 =	simm.s32 $0x2800;
	s16 =	simm.s32 $0x80  }
0x5: {  	s17 =	simm.s32 $0x9000;
	s18 =	simm.s32 $0x5000;
	s19 =	simm.s32 $0x9080  }
0x6: {  	s20 =	simm.s32 $0x9100;
	s21 =	simm.s32 $0x9180;
	s22 =	simm.s32 $0x9200  }
0x7: {  	s23 =	simm.s32 $0x0;
	s6 =	sand.u32 $0x1, s2;
	s2 =	stileid.u32  }
0x8: {  	[smem:$0x7FF] =	sst s3;
	s4 =	sshll.u32 s6, $0x4;
	s7 =	smul.u32 $0x140000, s6  }
0x9: {  	s8 =	smul.u32 $0x14000, s2;
	s6 =	ssub.s32 $0x2, s6;
	s4 =	sor.u32 s2, s4  }
0xa: {  	_ =	strace $0x8000004D;
	s31 =	sshrl.u32 s6, $0x1;
	s9 =	smul.u32 $0x500, s4  }
0xb: {  	s4 =	sadd.s32 $0x68800, s5;
	s7 =	sadd.s32 s8, s7;
	s13 =	ssub.s32 s6, s31  }
0xc: {  	s7 =	sshrl.u32 s7, $0x3;
	s13 =	smax.u32 s13, $0x1;
	s30 =	sadd.s32 s9, s5  }
0xd: {  	s12 =	sadd.s32 s7, s5;
	s7 =	smul.u32 $0x280, s2;
	s5 =	sadd.s32 $0x5E800, s30  }
0xe: {  	s6 =	sadd.s32 $0x4800, s30;
	s8 =	sadd.s32 $0x90800, s12;
	s9 =	sadd.s32 $0x91000, s12  }
0xf: {  	v0 =	vimm.f32 $0.0e+00;
	v1 =	vlaneseq.u32;
	s10 =	sadd.s32 $0x91800, s12;
	s11 =	sadd.s32 $0x92000, s12;
	s12 =	sadd.s32 $0x92800, s12  }
.LBB2_1:
0x10: {  	[tilespmem:s3], [sflag:$0x1] =	stream.linear.gather [hbm4b:s5+s3], $0x2780, $0x38;
	[tilespmem:$0x1D400] =	vst v63  }
0x11: {  	_ =	swait.ge [sflag:s14], $0x2780  }
0x12: {  	[sflag:s14] =	ssyncset.done $0x0  }
0x13: {  	[sflag:s14] =	ssyncadd.s32 $0xFFFFD880  }
0x14: {  	[tilespmem:s15], [sflag:$0x1] =	stream.linear.gather [hbm4b:s6+s3], $0x2780, $0x38;
	[tilespmem:$0x1D400] =	vst v63  }
0x15: {  	_ =	swait.ge [sflag:s14], $0x2780  }
0x16: {  	[sflag:s14] =	ssyncset.done $0x0  }
0x17: {  	s24 =	simm.s32 $0x0;
	s25 =	simm.s32 $0x200;
	[sflag:s14] =	ssyncadd.s32 $0xFFFFD880  }
.LBB2_2:
0x18: {  	p0 =	sne.s32 s25, $0xFE00;
	[tilespmem:s24+$0x5070] =	vst v0  }
0x19: {  	[tilespmem:s24+$0x5000] =	vst v0  }
0x1a: {  	[tilespmem:s24+$0x5010] =	vst v0  }
.Ltmp0:
0x1b: {  	[tilespmem:s24+$0x5020] =	vst v0;
	(pc) =	sbr.rel @p0 .LBB2_2-.Ltmp0, $4  }
0x1c: {  	[tilespmem:s24+$0x5030] =	vst v0  }
0x1d: {  	[tilespmem:s24+$0x5040] =	vst v0  }
0x1e: {  	[tilespmem:s24+$0x5050] =	vst v0  }
0x1f: {  	[tilespmem:s24+$0x5060] =	vst v0;
	s24 =	sshra.s32 s25, $0x2;
	s25 =	sadd.s32 $0x200, s25  }
0x20: {  	[tilespmem:s24+$0x5070] =	vst v0  }
0x21: {  	[tilespmem:s24+$0x5000] =	vst v0  }
0x22: {  	[tilespmem:s24+$0x5010] =	vst v0  }
0x23: {  	[tilespmem:s24+$0x5020] =	vst v0  }
0x24: {  	[tilespmem:s24+$0x5030] =	vst v0;
	s25 =	simm.s32 $0x0  }
0x25: {  	[tilespmem:s24+$0x5040] =	vst v0;
	s26 =	sand.u32 $0xE00, s25  }
0x26: {  	[tilespmem:s24+$0x5050] =	vst v0;
	s28 =	sadd.s32 $0x0, s7;
	s29 =	sand.u32 $0x70, s25;
	s26 =	sshrl.u32 s26, $0x2  }
0x27: {  	[tilespmem:s24+$0x5060] =	vst v0;
	s24 =	simm.s32 $0x40;
	v2 =	vor.u32 s28, v1;
	s26 =	sor.u32 s29, s26  }
.LBB2_4:
0x28: {  	p0 =	sne.s32 s24, $0x9C0  }
0x29: {  	[tilespmem:s26+$0x9000] =	vst v2;
	s25 =	sadd.s32 $0x10, s25;
	s26 =	smov.u32 s24;
	s24 =	sadd.s32 $0x40, s24  }
.Ltmp1:
0x2a: {  	(pc) =	sbr.rel @p0 .LBB2_4-.Ltmp1, $4  }
0x2b: {  	_ = 	snop  }
0x2c: {  	s26 =	sand.u32 $0xE00, s26  }
0x2d: {  	s28 =	sadd.s32 s25, s7;
	s29 =	sand.u32 $0x70, s25;
	s26 =	sshrl.u32 s26, $0x2  }
0x2e: {  	v2 =	vor.u32 s28, v1;
	s26 =	sor.u32 s29, s26  }
0x2f: {  	[tilespmem:s26+$0x9000] =	vst v2  }
0x30: {  	[spmem:s1] =	stream.indirect.scatter [tilespmem:s18], [sflag:$0x1], $0x80, s17, s16, $0xb8;
	[tilespmem:$0x1D400] =	vst v63  }
0x31: {  	_ =	swait.ge [sflag:s14], $0x4000  }
0x32: {  	[sflag:s14] =	ssyncset.done $0x0  }
0x33: {  	[sflag:s14] =	ssyncadd.s32 $0xFFFFC000  }
0x34: {  	[spmem:s1] =	stream.indirect.scatter [tilespmem:s18], [sflag:$0x1], $0x80, s19, s16, $0xb8;
	[tilespmem:$0x1D400] =	vst v63  }
0x35: {  	_ =	swait.ge [sflag:s14], $0x4000  }
0x36: {  	[sflag:s14] =	ssyncset.done $0x0  }
0x37: {  	[sflag:s14] =	ssyncadd.s32 $0xFFFFC000  }
0x38: {  	[spmem:s1] =	stream.indirect.scatter [tilespmem:s18], [sflag:$0x1], $0x80, s20, s16, $0xb8;
	[tilespmem:$0x1D400] =	vst v63  }
0x39: {  	_ =	swait.ge [sflag:s14], $0x4000  }
0x3a: {  	[sflag:s14] =	ssyncset.done $0x0  }
0x3b: {  	[sflag:s14] =	ssyncadd.s32 $0xFFFFC000  }
0x3c: {  	[spmem:s1] =	stream.indirect.scatter [tilespmem:s18], [sflag:$0x1], $0x80, s21, s16, $0xb8;
	[tilespmem:$0x1D400] =	vst v63  }
0x3d: {  	_ =	swait.ge [sflag:s14], $0x4000  }
0x3e: {  	[sflag:s14] =	ssyncset.done $0x0  }
0x3f: {  	[sflag:s14] =	ssyncadd.s32 $0xFFFFC000  }
0x40: {  	[spmem:s1] =	stream.indirect.scatter [tilespmem:s18], [sflag:$0x1], $0x80, s22, s16, $0xb8;
	[tilespmem:$0x1D400] =	vst v63  }
0x41: {  	_ =	swait.ge [sflag:s14], $0x4000  }
0x42: {  	[sflag:s14] =	ssyncset.done $0x0  }
0x43: {  	[sflag:s14] =	ssyncadd.s32 $0xFFFFC000  }
0x44: {  	[tilespmem:s18], [sflag:$0x1] =	stream.indirect.gather [spmem:s1], $0x80, s17, s16, $0xb8;
	[tilespmem:$0x1D400] =	vst v63  }
0x45: {  	_ =	swait.ge [sflag:s14], $0x4000  }
0x46: {  	[sflag:s14] =	ssyncset.done $0x0  }
0x47: {  	[sflag:s14] =	ssyncadd.s32 $0xFFFFC000  }
0x48: {  	s24 =	simm.s32 $0x0;
	[bflag:$0x0] =	sbarrier.arrive $0xFFFF  }
0x49: {  	[tilespmem:s18], [sflag:$0x1] =	stream.indirect.gather [hbm4b:s4+s16], $0x80, s24, s16, $0xb8;
	[tilespmem:$0x1D400] =	vst v63  }
0x4a: {  	_ =	swait.ge [sflag:s14], $0x4000  }
0x4b: {  	[sflag:s14] =	ssyncset.done $0x0  }
0x4c: {  	s31 =	simm.s32 $0x2800;
	[sflag:s14] =	ssyncadd.s32 $0xFFFFC000  }
0x4d: {  	[spmem:s1] =	stream.indirect.scatter.add.f32 [tilespmem:s18], [sflag:$0x1], $0x80, s31, s16, $0xb8;
	[tilespmem:$0x1D400] =	vst v63  }
0x4e: {  	_ =	swait.ge [sflag:s14], $0x4000  }
0x4f: {  	s25 =	simm.s32 $0x400;
	s24 =	simm.s32 $0x200;
	[sflag:s14] =	ssyncset.done $0x0  }
.LBB2_6:
0x50: {  	s26 =	sshra.s32 s24, $0x2  }
0x51: {  	[sflag:s14] =	ssyncadd.s32 $0xFFFFC000;
	s24 =	smov.u32 s25;
	s28 =	sadd.s32 $0x200, s25  }
0x52: {  	[tilespmem:s18], [sflag:$0x1] =	stream.indirect.gather [hbm4b:s4+s16], $0x80, s26, s16, $0xb8;
	[tilespmem:$0x1D400] =	vst v63  }
0x53: {  	p0 =	sne.s32 s25, $0x9C00;
	_ =	swait.ge [sflag:s14], $0x4000  }
.Ltmp2:
0x54: {  	[sflag:s14] =	ssyncset.done $0x0;
	(pc) =	sbr.rel @p0 .LBB2_6-.Ltmp2, $4  }
0x55: {  	s25 =	sadd.s32 $0x2800, s26;
	[sflag:s14] =	ssyncadd.s32 $0xFFFFC000  }
0x56: {  	[spmem:s1] =	stream.indirect.scatter.add.f32 [tilespmem:s18], [sflag:$0x1], $0x80, s25, s16, $0xb8;
	[tilespmem:$0x1D400] =	vst v63  }
0x57: {  	_ =	swait.ge [sflag:s14], $0x4000  }
0x58: {  	s25 =	smov.u32 s28;
	[sflag:s14] =	ssyncset.done $0x0  }
0x59: {  	s24 =	sshra.s32 s24, $0x2;
	[sflag:s14] =	ssyncadd.s32 $0xFFFFC000  }
0x5a: {  	[tilespmem:s18], [sflag:$0x1] =	stream.indirect.gather [hbm4b:s4+s16], $0x80, s24, s16, $0xb8;
	[tilespmem:$0x1D400] =	vst v63  }
0x5b: {  	_ =	swait.ge [sflag:s14], $0x4000  }
0x5c: {  	[sflag:s14] =	ssyncset.done $0x0  }
0x5d: {  	s24 =	sadd.s32 $0x2800, s24;
	[sflag:s14] =	ssyncadd.s32 $0xFFFFC000  }
0x5e: {  	[spmem:s1] =	stream.indirect.scatter.add.f32 [tilespmem:s18], [sflag:$0x1], $0x80, s24, s16, $0xb8;
	[tilespmem:$0x1D400] =	vst v63  }
0x5f: {  	_ =	swait.ge [sflag:s14], $0x4000  }
0x60: {  	[sflag:s14] =	ssyncset.done $0x0  }
0x61: {  	[sflag:s14] =	ssyncadd.s32 $0xFFFFC000  }
0x62: {  	[tilespmem:s18], [sflag:$0x1] =	stream.indirect.gather [spmem:s1], $0x80, s17, s16, $0xb8;
	[tilespmem:$0x1D400] =	vst v63  }
0x63: {  	_ =	swait.ge [sflag:s14], $0x4000  }
0x64: {  	[sflag:s14] =	ssyncset.done $0x0  }
0x65: {  	[sflag:s14] =	ssyncadd.s32 $0xFFFFC000  }
0x66: {  	[bflag:$0x0] =	sbarrier.arrive $0xFFFF  }
0x67: {  	[tilespmem:s18], [sflag:$0x1] =	stream.indirect.gather [spmem:s1], $0x80, s17, s16, $0xb8;
	[tilespmem:$0x1D400] =	vst v63  }
0x68: {  	_ =	swait.ge [sflag:s14], $0x4000  }
0x69: {  	[sflag:s14] =	ssyncset.done $0x0  }
0x6a: {  	[sflag:s14] =	ssyncadd.s32 $0xFFFFC000  }
0x6b: {  	[hbm4b:s8+s3] =	stream.linear.scatter [tilespmem:s18], [sflag:$0x1], $0x4000, $0x38;
	[tilespmem:$0x1D400] =	vst v63  }
0x6c: {  	_ =	swait.ge [sflag:s14], $0x4000  }
0x6d: {  	[sflag:s14] =	ssyncset.done $0x0  }
0x6e: {  	[sflag:s14] =	ssyncadd.s32 $0xFFFFC000  }
0x6f: {  	[tilespmem:s18], [sflag:$0x1] =	stream.indirect.gather [spmem:s1], $0x80, s19, s16, $0xb8;
	[tilespmem:$0x1D400] =	vst v63  }
0x70: {  	_ =	swait.ge [sflag:s14], $0x4000  }
0x71: {  	[sflag:s14] =	ssyncset.done $0x0  }
0x72: {  	[sflag:s14] =	ssyncadd.s32 $0xFFFFC000  }
0x73: {  	[hbm4b:s9+s3] =	stream.linear.scatter [tilespmem:s18], [sflag:$0x1], $0x4000, $0x38;
	[tilespmem:$0x1D400] =	vst v63  }
0x74: {  	_ =	swait.ge [sflag:s14], $0x4000  }
0x75: {  	[sflag:s14] =	ssyncset.done $0x0  }
0x76: {  	[sflag:s14] =	ssyncadd.s32 $0xFFFFC000  }
0x77: {  	[tilespmem:s18], [sflag:$0x1] =	stream.indirect.gather [spmem:s1], $0x80, s20, s16, $0xb8;
	[tilespmem:$0x1D400] =	vst v63  }
0x78: {  	_ =	swait.ge [sflag:s14], $0x4000  }
0x79: {  	[sflag:s14] =	ssyncset.done $0x0  }
0x7a: {  	[sflag:s14] =	ssyncadd.s32 $0xFFFFC000  }
0x7b: {  	[hbm4b:s10+s3] =	stream.linear.scatter [tilespmem:s18], [sflag:$0x1], $0x4000, $0x38;
	[tilespmem:$0x1D400] =	vst v63  }
0x7c: {  	_ =	swait.ge [sflag:s14], $0x4000  }
0x7d: {  	[sflag:s14] =	ssyncset.done $0x0  }
0x7e: {  	[sflag:s14] =	ssyncadd.s32 $0xFFFFC000  }
0x7f: {  	[tilespmem:s18], [sflag:$0x1] =	stream.indirect.gather [spmem:s1], $0x80, s21, s16, $0xb8;
	[tilespmem:$0x1D400] =	vst v63  }
0x80: {  	_ =	swait.ge [sflag:s14], $0x4000  }
0x81: {  	[sflag:s14] =	ssyncset.done $0x0  }
0x82: {  	[sflag:s14] =	ssyncadd.s32 $0xFFFFC000  }
0x83: {  	[hbm4b:s11+s3] =	stream.linear.scatter [tilespmem:s18], [sflag:$0x1], $0x4000, $0x38;
	[tilespmem:$0x1D400] =	vst v63  }
0x84: {  	_ =	swait.ge [sflag:s14], $0x4000  }
0x85: {  	[sflag:s14] =	ssyncset.done $0x0  }
0x86: {  	[sflag:s14] =	ssyncadd.s32 $0xFFFFC000  }
0x87: {  	[tilespmem:s18], [sflag:$0x1] =	stream.indirect.gather [spmem:s1], $0x80, s22, s16, $0xb8;
	[tilespmem:$0x1D400] =	vst v63  }
0x88: {  	s23 =	sadd.s32 $0x1, s23;
	_ =	swait.ge [sflag:s14], $0x4000  }
0x89: {  	p0 =	sne.s32 s23, s13;
	[sflag:s14] =	ssyncset.done $0x0  }
.Ltmp3:
0x8a: {  	[sflag:s14] =	ssyncadd.s32 $0xFFFFC000;
	(pc) =	sbr.rel @p0 .LBB2_1-.Ltmp3, $4  }
0x8b: {  	[hbm4b:s12+s3] =	stream.linear.scatter [tilespmem:s18], [sflag:$0x1], $0x4000, $0x38;
	[tilespmem:$0x1D400] =	vst v63  }
0x8c: {  	_ =	swait.ge [sflag:s14], $0x4000  }
0x8d: {  	[sflag:s14] =	ssyncset.done $0x0  }
0x8e: {  	[sflag:s14] =	ssyncadd.s32 $0xFFFFC000  }
0x8f: {  	_ =	sfence.sel $0x180000  }
0x90: {  	[bflag:$0x0] =	sbarrier.arrive $0xFFFF  }
0x91: {  	p0 =	sne.s32 s2, $0x0;
	_ =	strace $0x9000004D  }
0x92: {  	s0 =	sadd.s32 @!p0 $0x100000, s0;
	[bflag:$0x2] =	sbarrier.arrive $0xFFFF  }
0x93: {  	[sflag:s0] =	ssyncadd.tile.s32 @!p0 $0x1;
	_ =	shalt  }
.Lfunc_end2:
_tile_overlayer_lowered:
.L_overlay_start_2:
0x94: {  	(tag) =	ssettag $0x2  }
0x95: {  	s0 =	rddreg [dreg:$0x0];
	s2 =	stileid.u32  }
0x96: {  	s1 =	rddreg [dreg:$0x1];
	p0 =	sne.s32 s2, $0x0  }
0x97: {  	s3 =	rddreg [dreg:$0x2];
	[bflag:$0x3] =	sbarrier.arrive $0xFFFF;
	s2 =	simm.s32 @!p0 $0x1C01  }
0x98: {  	[timem:s3], [sflag:s2] =	dma.local @!p0 [hbm:s0], s1  }
0x99: {  	s0 =	simm.s32 @!p0 $0x1  }
0x9a: {  	_ =	swait.ge @!p0 [sflag:s0], s1  }
0x9b: {  	s1 =	ssub.s32 @!p0 $0x0, s1;
	[sflag:s0] =	ssyncset.done @!p0 $0x0  }
0x9c: {  	[sflag:s0] =	ssyncadd.s32 @!p0 s1  }
0x9d: {  	[bflag:$0x3] =	sbarrier.arrive $0xFFFF  }
0x9e: {  	_ =	shalt  }

// kernel: kernel.19.cloned.1.call-start
scs
__scs_entry_jumppad:
0x0: {  	(pc) =	sbr.rel $0x88, $3  }
0x1: {  	(tag) =	ssettag $0x0;
	lr =	simm.s32 $0x1  }
0x2: {  	[smem:$0x3F97] =	sst lr;
	_ =	strace $0xD0000000  }
0x3: {  	_ = 	snop  }
0x4: {  	_ = 	snop  }
0x5: {  	_ = 	snop  }
0x6: {  	_ = 	snop  }
0x7: {  	_ = 	snop  }
__scs_overlays_trampoline_lowered:
0x8: {  	[smem:$0x3FA6] =	sst s0  }
0x9: {  	[smem:$0x3FA7] =	sst s1  }
0xa: {  	[smem:$0x3FA8] =	sst s2  }
0xb: {  	[smem:$0x3FA9] =	sst s3  }
0xc: {  	[smem:$0x3FAA] =	sst s4  }
0xd: {  	[smem:$0x3FAB] =	sst s5  }
0xe: {  	[smem:$0x3FAC] =	sst s6  }
0xf: {  	[smem:$0x3FAD] =	sst s7  }
0x10: {  	[smem:$0x3FAE] =	sst s8  }
0x11: {  	[smem:$0x3FAF] =	sst s9;
	s0 =	simm.s32 @!p0 $0x0  }
0x12: {  	s1 =	sld [smem:$0x3F95];
	s0 =	simm.s32 @p0 $0x1  }
0x13: {  	[smem:$0x3FB0] =	sst s0;
	s0 =	simm.s32 @!p1 $0x0  }
0x14: {  	s2 =	sld [smem:$0x3F94];
	s0 =	simm.s32 @p1 $0x1  }
0x15: {  	[smem:$0x3FB1] =	sst s0;
	s0 =	simm.s32 @!p2 $0x0  }
0x16: {  	s3 =	sld [smem:$0x3FDB];
	s0 =	simm.s32 @p2 $0x1  }
0x17: {  	s4 =	simm.s32 $0x1BF5;
	[smem:$0x3FB3] =	sst s0  }
0x18: {  	s0 =	sld [smem:$0x3F96];
	_ =	swait.ge [sflag:s4], $0x0  }
0x19: {  	s7 =	sld [smem:$0x3F97]  }
0x1a: {  	s8 =	sadd.s32 $0xFFFFE003, lr  }
0x1b: {  	s9 =	sadd.s32 $0xFFFFFEF7, lr;
	s5 =	simm.s32 $0xFFFFFFFF;
	p2 =	slt.u32 s8, $0xFFFFF086  }
0x1c: {  	p1 =	slt.u32 s9, $0xF7A;
	s5 =	simm.s32 @!p2 $0x0  }
0x1d: {  	s5 =	simm.s32 @p1 $0x1;
	p0 =	seq.s32 s7, s2  }
0x1e: {  	s7 =	smul.u32 @!p0 $0xF7A, s2;
	p2 =	seq.s32 @!p0 s5, $0x0  }
0x1f: {  	s9 =	smul.u32 $0xF7A, s1;
	s8 =	simm.s32 @!p0 $0x1BF5;
	p2 =	por !p2, p0  }
0x20: {  	[sflag:s8] =	ssyncset.s32 @!p0 $0xFFFFF086;
	s6 =	sadd.s32 @!p0 s3, s7;
	s7 =	simm.s32 @!p0 $0x108  }
0x21: {  	s3 =	sadd.s32 s3, s9;
	s6 =	sadd.s32 @!p0 $0x88, s6;
	s7 =	simm.s32 @p2 $0x1082  }
0x22: {  	[simem:s7], [sflag:s8] =	dma.local @!p0 [hbm:s6], $0xF7A  }
0x23: {  	s9 =	sor.u32 $0xD0000000, s2;
	s6 =	simm.s32 $0x108;
	_ =	swait.ge @!p0 [sflag:s8], $0x0  }
0x24: {  	s3 =	sadd.s32 $0x88, s3;
	s6 =	simm.s32 @!p1 $0x1082;
	[sflag:s4] =	ssyncset.s32 $0xFFFFF086  }
0x25: {  	[simem:s6], [sflag:s4] =	dma.local [hbm:s3], $0xF7A  }
0x26: {  	[smem:$0x3F97] =	sst s1;
	(tag) =	ssettag s2;
	_ =	strace s9  }
0x27: {  	s1 =	sld [smem:$0x3FA7]  }
0x28: {  	s2 =	sld [smem:$0x3FA8]  }
0x29: {  	s4 =	sld [smem:$0x3FAA]  }
0x2a: {  	p0 =	seq.s32 s5, $0x0;
	s5 =	sld [smem:$0x3FAB]  }
0x2b: {  	s6 =	sld [smem:$0x3FAC]  }
0x2c: {  	s7 =	sld [smem:$0x3FAD]  }
0x2d: {  	s3 =	simm.s32 $0x108;
	s8 =	sld [smem:$0x3FAE]  }
0x2e: {  	s3 =	simm.s32 @!p0 $0x1082;
	s9 =	sld [smem:$0x3FAF]  }
0x2f: {  	lr =	sadd.s32 s0, s3;
	s0 =	sld [smem:$0x3FA6]  }
0x30: {  	s3 =	sld [smem:$0x3FA9]  }
0x31: {  	[smem:$0x3FB2] =	sst s10  }
0x32: {  	s10 =	sld [smem:$0x3FB0];
	_ =	sdelay $0x3  }
0x33: {  	p0 =	seq.s32 s10, $0x1;
	s10 =	sld [smem:$0x3FB2];
	_ =	sdelay $0x3  }
0x34: {  	[smem:$0x3FB2] =	sst s10  }
0x35: {  	s10 =	sld [smem:$0x3FB1];
	_ =	sdelay $0x3  }
0x36: {  	p1 =	seq.s32 s10, $0x1;
	s10 =	sld [smem:$0x3FB2];
	_ =	sdelay $0x3  }
0x37: {  	[smem:$0x3FB2] =	sst s10  }
0x38: {  	s10 =	sld [smem:$0x3FB3]  }
0x39: {  	_ = 	snop;
	(pc) =	sbr.ind lr, $3  }
0x3a: {  	_ = 	snop  }
0x3b: {  	_ = 	snop  }
0x3c: {  	p2 =	seq.s32 s10, $0x1;
	s10 =	sld [smem:$0x3FB2]  }
0x3d: {  	_ =	shalt  }
0x3e: {  	_ =	shalt  }
0x3f: {  	_ =	shalt  }
0x40: {  	_ =	shalt  }
0x41: {  	_ =	shalt  }
0x42: {  	_ =	shalt  }
0x43: {  	_ =	shalt  }
0x44: {  	_ =	shalt  }
0x45: {  	_ =	shalt  }
0x46: {  	_ =	shalt  }
0x47: {  	_ =	shalt  }
0x48: {  	_ =	shalt  }
0x49: {  	_ =	shalt  }
0x4a: {  	_ =	shalt  }
0x4b: {  	_ =	shalt  }
0x4c: {  	_ =	shalt  }
0x4d: {  	_ =	shalt  }
0x4e: {  	_ =	shalt  }
0x4f: {  	_ =	shalt  }
0x50: {  	_ =	shalt  }
0x51: {  	_ =	shalt  }
0x52: {  	_ =	shalt  }
0x53: {  	_ =	shalt  }
0x54: {  	_ =	shalt  }
0x55: {  	_ =	shalt  }
0x56: {  	_ =	shalt  }
0x57: {  	_ =	shalt  }
0x58: {  	_ =	shalt  }
0x59: {  	_ =	shalt  }
0x5a: {  	_ =	shalt  }
0x5b: {  	_ =	shalt  }
0x5c: {  	_ =	shalt  }
0x5d: {  	_ =	shalt  }
0x5e: {  	_ =	shalt  }
0x5f: {  	_ =	shalt  }
0x60: {  	_ =	shalt  }
0x61: {  	_ =	shalt  }
0x62: {  	_ =	shalt  }
0x63: {  	_ =	shalt  }
0x64: {  	_ =	shalt  }
0x65: {  	_ =	shalt  }
0x66: {  	_ =	shalt  }
0x67: {  	_ =	shalt  }
0x68: {  	_ =	shalt  }
0x69: {  	_ =	shalt  }
0x6a: {  	_ =	shalt  }
0x6b: {  	_ =	shalt  }
0x6c: {  	_ =	shalt  }
0x6d: {  	_ =	shalt  }
0x6e: {  	_ =	shalt  }
0x6f: {  	_ =	shalt  }
0x70: {  	_ =	shalt  }
0x71: {  	_ =	shalt  }
0x72: {  	_ =	shalt  }
0x73: {  	_ =	shalt  }
0x74: {  	_ =	shalt  }
0x75: {  	_ =	shalt  }
0x76: {  	_ =	shalt  }
0x77: {  	_ =	shalt  }
0x78: {  	_ =	shalt  }
0x79: {  	_ =	shalt  }
0x7a: {  	_ =	shalt  }
0x7b: {  	_ =	shalt  }
0x7c: {  	_ =	shalt  }
0x7d: {  	_ =	shalt  }
0x7e: {  	_ =	shalt  }
0x7f: {  	_ =	shalt  }
0x80: {  	_ =	shalt  }
0x81: {  	_ =	shalt  }
0x82: {  	_ =	shalt  }
0x83: {  	_ =	shalt  }
0x84: {  	_ =	shalt  }
0x85: {  	_ =	shalt  }
0x86: {  	_ =	shalt  }
0x87: {  	_ =	shalt  }
.Lfunc_end0:
.L_simem_size_0:
called_computation.3_lowered:
.L_overlay_start_0:
0x88: {  	s2 =	sld [smem:$0x3FD9]  }
0x89: {  	s3 =	sld [smem:$0x3FFE];
	_ =	sdelay $0x1  }
0x8a: {  	s1 =	srdreg.scid  }
0x8b: {  	s0 =	sand.u32 $0x1, s1  }
0x8c: {  	s16 =	sshll.u32 s0, $0xA;
	s2 =	sadd.s32 s3, s2  }
0x8d: {  	s2 =	sadd.s32 s2, s16  }
0x8e: {  	[smem:$0x3FBE] =	sst s2  }
0x8f: {  	_ = 	snop  }
0x90: {  	(tm) =	ssettm $0x1  }
0x91: {  	s17 =	sld [smem:$0x3FFB];
	_ =	sdelay $0x3  }
0x92: {  	_ =	strace s17  }
0x93: {  	s2 =	sld [smem:$0x3FFC];
	_ =	sdelay $0x3  }
0x94: {  	_ =	strace s2  }
0x95: {  	s2 =	sld [smem:$0x3FFD];
	_ =	sdelay $0x3  }
0x96: {  	_ =	strace s2  }
0x97: {  	_ =	strace $0x8FFFFFFF  }
0x98: {  	s18 =	sld [smem:$0x3FDB];
	_ =	sdelay $0x1  }
0x99: {  	s19 =	simm.s32 $_scs_section_size  }
0x9a: {  	s4 =	simm.s32 $_size__tile_overlayer_lowered;
	s5 =	simm.s32 $_tile_overlayer_lowered  }
0x9b: {  	s22 =	simm.s32 $0x1BFF;
	s21 =	sshll.u32 s5, $0x1;
	s2 =	sadd.s32 s19, s18  }
0x9c: {  	s6 =	simm.s32 $0x0;
	s20 =	sshll.u32 s4, $0x1;
	s4 =	sadd.s32 s21, s2  }
0x9d: {  	[timem:s6], [sflag:s22] =	dma.local [hbm:s4], s20  }
0x9e: {  	_ =	swait.ge [sflag:s22], s20  }
0x9f: {  	s3 =	ssub.s32 $0x0, s20;
	[sflag:s22] =	ssyncset.done $0x0  }
0xa0: {  	[sflag:s22] =	ssyncadd.s32 s3;
	_ =	sdelay $0x1  }
0xa1: {  	s23 =	simm.s32 $0x1B8B  }
0xa2: {  	_ =	swait.ge [sflag:s23], $0x1  }
0xa3: {  	[sflag:s23] =	ssyncset.done $0x0  }
0xa4: {  	s25 =	simm.s32 $0x1B8E;
	s24 =	sld [smem:$0x3FFE];
	[sflag:s23] =	ssyncadd.s32 $0xFFFFFFFF  }
0xa5: {  	s26 =	simm.s32 $execute0_lowered;
	[smem:$0x3FD2] =	sst s25  }
0xa6: {  	s4 =	sshll.u32 s26, $0x1;
	_ =	strace $0x8000004F;
	[dreg:$0x1] =	wrdreg $0xFFFFFFFF  }
0xa7: {  	s28 =	simm.s32 $_size_execute0_lowered;
	s2 =	sadd.s32 s2, s4;
	[dreg:$0x0] =	wrdreg $0x0  }
0xa8: {  	s4 =	sshll.u32 s28, $0x1;
	[dreg:$0x2] =	wrdreg s2  }
0xa9: {  	[dreg:$0x3] =	wrdreg s4  }
0xaa: {  	[dreg:$0x4] =	wrdreg $0xC0  }
0xab: {  	_ =	task [dreg:s6], $0x5FFFF  }
0xac: {  	[dreg:$0x1] =	wrdreg $0xFFFFFFFF  }
0xad: {  	[dreg:$0x0] =	wrdreg $0x60  }
0xae: {  	[dreg:$0x2] =	wrdreg s24  }
0xaf: {  	[dreg:$0x3] =	wrdreg $0x94000  }
0xb0: {  	[dreg:$0x4] =	wrdreg $0x9  }
0xb1: {  	_ =	task.clear_ibuf [dreg:s6], $0x5FFFF;
	_ =	strace $0x9000004F  }
0xb2: {  	s29 =	simm.s32 $0x9;
	_ =	strace $0x80000051  }
0xb3: {  	_ =	swait.ge [sflag:s29], $0x1  }
0xb4: {  	[sflag:s29] =	ssyncadd.s32 $0xFFFFFFFF  }
0xb5: {  	_ =	strace $0x90000051  }
0xb6: {  	_ =	sfence  }
0xb7: {  	s30 =	sld [smem:$0x0];
	_ =	sdelay $0x2  }
0xb8: {  	s31 =	sshll.u32 s1, $0xD;
	s1 =	sshrl.u32 s1, $0x2  }
0xb9: {  	s3 =	sand.u32 $0x4000, s31;
	s1 =	sadd.s32 s1, s30  }
0xba: {  	s0 =	sor.u32 s3, s0;
	s1 =	sshll.u32 s1, $0x11  }
0xbb: {  	s0 =	sor.u32 s1, s0  }
0xbc: {  	s0 =	sadd.s32 $0x8F2B, s0  }
0xbd: {  	[sflag:s0] =	ssyncadd.remote.s32 $0x1  }
0xbe: {  	_ =	sfence.sel $0xFFFF  }
0xbf: {  	[dreg:$0x0] =	wrdreg $0xFFFFFFFF;
	(pc) =	sbr.abs _section_cstart, $3  }
0xc0: {  	[dreg:$0x1] =	wrdreg $0xFFFFFFFF  }
0xc1: {  	_ =	task.clear_ibuf [dreg:s6], $0x2FFFF;
	_ =	strace $0x9FFFFFFF  }
0xc2: {  	(tm) =	ssettm $0x7FFFFFFF  }
0xc3: {  	_ =	shalt  }
tec
execute0_lowered:
.L_overlay_start_1:
0x0: {  	(tag) =	ssettag $0x1  }
0x1: {  	s5 =	rddreg [dreg:$0x0]  }
0x2: {  	s1 =	rddreg [dreg:$0x1]  }
0x3: {  	s2 =	srdreg.scid;
	s0 =	rddreg [dreg:$0x2];
	s3 =	simm.s32 $0x0  }
0x4: {  	s14 =	simm.s32 $0x1;
	s15 =	simm.s32 $0x2800;
	s16 =	simm.s32 $0x80  }
0x5: {  	s17 =	simm.s32 $0x9000;
	s18 =	simm.s32 $0x5000;
	s19 =	simm.s32 $0x9080  }
0x6: {  	s20 =	simm.s32 $0x9100;
	s21 =	simm.s32 $0x9180;
	s22 =	simm.s32 $0x9200  }
0x7: {  	s23 =	simm.s32 $0x0;
	s6 =	sand.u32 $0x1, s2;
	s2 =	stileid.u32  }
0x8: {  	[smem:$0x7FF] =	sst s3;
	s4 =	sshll.u32 s6, $0x4;
	s7 =	smul.u32 $0x140000, s6  }
0x9: {  	s8 =	smul.u32 $0x14000, s2;
	s6 =	ssub.s32 $0x2, s6;
	s4 =	sor.u32 s2, s4  }
0xa: {  	_ =	strace $0x80000050;
	s31 =	sshrl.u32 s6, $0x1;
	s9 =	smul.u32 $0x500, s4  }
0xb: {  	s4 =	sadd.s32 $0x68800, s5;
	s7 =	sadd.s32 s8, s7;
	s13 =	ssub.s32 s6, s31  }
0xc: {  	s7 =	sshrl.u32 s7, $0x3;
	s13 =	smax.u32 s13, $0x1;
	s30 =	sadd.s32 s9, s5  }
0xd: {  	s12 =	sadd.s32 s7, s5;
	s7 =	smul.u32 $0x280, s2;
	s5 =	sadd.s32 $0x5E800, s30  }
0xe: {  	s6 =	sadd.s32 $0x4800, s30;
	s8 =	sadd.s32 $0x90800, s12;
	s9 =	sadd.s32 $0x91000, s12  }
0xf: {  	v0 =	vimm.f32 $0.0e+00;
	v1 =	vlaneseq.u32;
	s10 =	sadd.s32 $0x91800, s12;
	s11 =	sadd.s32 $0x92000, s12;
	s12 =	sadd.s32 $0x92800, s12  }
.LBB2_1:
0x10: {  	[tilespmem:s3], [sflag:$0x1] =	stream.linear.gather [hbm4b:s5+s3], $0x2780, $0x38;
	[tilespmem:$0x1D400] =	vst v63  }
0x11: {  	_ =	swait.ge [sflag:s14], $0x2780  }
0x12: {  	[sflag:s14] =	ssyncset.done $0x0  }
0x13: {  	[sflag:s14] =	ssyncadd.s32 $0xFFFFD880  }
0x14: {  	[tilespmem:s15], [sflag:$0x1] =	stream.linear.gather [hbm4b:s6+s3], $0x2780, $0x38;
	[tilespmem:$0x1D400] =	vst v63  }
0x15: {  	_ =	swait.ge [sflag:s14], $0x2780  }
0x16: {  	[sflag:s14] =	ssyncset.done $0x0  }
0x17: {  	s24 =	simm.s32 $0x0;
	s25 =	simm.s32 $0x200;
	[sflag:s14] =	ssyncadd.s32 $0xFFFFD880  }
.LBB2_2:
0x18: {  	p0 =	sne.s32 s25, $0xFE00;
	[tilespmem:s24+$0x5070] =	vst v0  }
0x19: {  	[tilespmem:s24+$0x5000] =	vst v0  }
0x1a: {  	[tilespmem:s24+$0x5010] =	vst v0  }
.Ltmp0:
0x1b: {  	[tilespmem:s24+$0x5020] =	vst v0;
	(pc) =	sbr.rel @p0 .LBB2_2-.Ltmp0, $4  }
0x1c: {  	[tilespmem:s24+$0x5030] =	vst v0  }
0x1d: {  	[tilespmem:s24+$0x5040] =	vst v0  }
0x1e: {  	[tilespmem:s24+$0x5050] =	vst v0  }
0x1f: {  	[tilespmem:s24+$0x5060] =	vst v0;
	s24 =	sshra.s32 s25, $0x2;
	s25 =	sadd.s32 $0x200, s25  }
0x20: {  	[tilespmem:s24+$0x5070] =	vst v0  }
0x21: {  	[tilespmem:s24+$0x5000] =	vst v0  }
0x22: {  	[tilespmem:s24+$0x5010] =	vst v0  }
0x23: {  	[tilespmem:s24+$0x5020] =	vst v0  }
0x24: {  	[tilespmem:s24+$0x5030] =	vst v0;
	s25 =	simm.s32 $0x0  }
0x25: {  	[tilespmem:s24+$0x5040] =	vst v0;
	s26 =	sand.u32 $0xE00, s25  }
0x26: {  	[tilespmem:s24+$0x5050] =	vst v0;
	s28 =	sadd.s32 $0x0, s7;
	s29 =	sand.u32 $0x70, s25;
	s26 =	sshrl.u32 s26, $0x2  }
0x27: {  	[tilespmem:s24+$0x5060] =	vst v0;
	s24 =	simm.s32 $0x40;
	v2 =	vor.u32 s28, v1;
	s26 =	sor.u32 s29, s26  }
.LBB2_4:
0x28: {  	p0 =	sne.s32 s24, $0x9C0  }
0x29: {  	[tilespmem:s26+$0x9000] =	vst v2;
	s25 =	sadd.s32 $0x10, s25;
	s26 =	smov.u32 s24;
	s24 =	sadd.s32 $0x40, s24  }
.Ltmp1:
0x2a: {  	(pc) =	sbr.rel @p0 .LBB2_4-.Ltmp1, $4  }
0x2b: {  	_ = 	snop  }
0x2c: {  	s26 =	sand.u32 $0xE00, s26  }
0x2d: {  	s28 =	sadd.s32 s25, s7;
	s29 =	sand.u32 $0x70, s25;
	s26 =	sshrl.u32 s26, $0x2  }
0x2e: {  	v2 =	vor.u32 s28, v1;
	s26 =	sor.u32 s29, s26  }
0x2f: {  	[tilespmem:s26+$0x9000] =	vst v2  }
0x30: {  	[spmem:s1] =	stream.indirect.scatter [tilespmem:s18], [sflag:$0x1], $0x80, s17, s16, $0xb8;
	[tilespmem:$0x1D400] =	vst v63  }
0x31: {  	_ =	swait.ge [sflag:s14], $0x4000  }
0x32: {  	[sflag:s14] =	ssyncset.done $0x0  }
0x33: {  	[sflag:s14] =	ssyncadd.s32 $0xFFFFC000  }
0x34: {  	[spmem:s1] =	stream.indirect.scatter [tilespmem:s18], [sflag:$0x1], $0x80, s19, s16, $0xb8;
	[tilespmem:$0x1D400] =	vst v63  }
0x35: {  	_ =	swait.ge [sflag:s14], $0x4000  }
0x36: {  	[sflag:s14] =	ssyncset.done $0x0  }
0x37: {  	[sflag:s14] =	ssyncadd.s32 $0xFFFFC000  }
0x38: {  	[spmem:s1] =	stream.indirect.scatter [tilespmem:s18], [sflag:$0x1], $0x80, s20, s16, $0xb8;
	[tilespmem:$0x1D400] =	vst v63  }
0x39: {  	_ =	swait.ge [sflag:s14], $0x4000  }
0x3a: {  	[sflag:s14] =	ssyncset.done $0x0  }
0x3b: {  	[sflag:s14] =	ssyncadd.s32 $0xFFFFC000  }
0x3c: {  	[spmem:s1] =	stream.indirect.scatter [tilespmem:s18], [sflag:$0x1], $0x80, s21, s16, $0xb8;
	[tilespmem:$0x1D400] =	vst v63  }
0x3d: {  	_ =	swait.ge [sflag:s14], $0x4000  }
0x3e: {  	[sflag:s14] =	ssyncset.done $0x0  }
0x3f: {  	[sflag:s14] =	ssyncadd.s32 $0xFFFFC000  }
0x40: {  	[spmem:s1] =	stream.indirect.scatter [tilespmem:s18], [sflag:$0x1], $0x80, s22, s16, $0xb8;
	[tilespmem:$0x1D400] =	vst v63  }
0x41: {  	_ =	swait.ge [sflag:s14], $0x4000  }
0x42: {  	[sflag:s14] =	ssyncset.done $0x0  }
0x43: {  	[sflag:s14] =	ssyncadd.s32 $0xFFFFC000  }
0x44: {  	[tilespmem:s18], [sflag:$0x1] =	stream.indirect.gather [spmem:s1], $0x80, s17, s16, $0xb8;
	[tilespmem:$0x1D400] =	vst v63  }
0x45: {  	_ =	swait.ge [sflag:s14], $0x4000  }
0x46: {  	[sflag:s14] =	ssyncset.done $0x0  }
0x47: {  	[sflag:s14] =	ssyncadd.s32 $0xFFFFC000  }
0x48: {  	s24 =	simm.s32 $0x0;
	[bflag:$0x0] =	sbarrier.arrive $0xFFFF  }
0x49: {  	[tilespmem:s18], [sflag:$0x1] =	stream.indirect.gather [hbm4b:s4+s16], $0x80, s24, s16, $0xb8;
	[tilespmem:$0x1D400] =	vst v63  }
0x4a: {  	_ =	swait.ge [sflag:s14], $0x4000  }
0x4b: {  	[sflag:s14] =	ssyncset.done $0x0  }
0x4c: {  	s31 =	simm.s32 $0x2800;
	[sflag:s14] =	ssyncadd.s32 $0xFFFFC000  }
0x4d: {  	[spmem:s1] =	stream.indirect.scatter.add.f32 [tilespmem:s18], [sflag:$0x1], $0x80, s31, s16, $0xb8;
	[tilespmem:$0x1D400] =	vst v63  }
0x4e: {  	_ =	swait.ge [sflag:s14], $0x4000  }
0x4f: {  	s25 =	simm.s32 $0x400;
	s24 =	simm.s32 $0x200;
	[sflag:s14] =	ssyncset.done $0x0  }
.LBB2_6:
0x50: {  	s26 =	sshra.s32 s24, $0x2  }
0x51: {  	[sflag:s14] =	ssyncadd.s32 $0xFFFFC000;
	s24 =	smov.u32 s25;
	s28 =	sadd.s32 $0x200, s25  }
0x52: {  	[tilespmem:s18], [sflag:$0x1] =	stream.indirect.gather [hbm4b:s4+s16], $0x80, s26, s16, $0xb8;
	[tilespmem:$0x1D400] =	vst v63  }
0x53: {  	p0 =	sne.s32 s25, $0x9C00;
	_ =	swait.ge [sflag:s14], $0x4000  }
.Ltmp2:
0x54: {  	[sflag:s14] =	ssyncset.done $0x0;
	(pc) =	sbr.rel @p0 .LBB2_6-.Ltmp2, $4  }
0x55: {  	s25 =	sadd.s32 $0x2800, s26;
	[sflag:s14] =	ssyncadd.s32 $0xFFFFC000  }
0x56: {  	[spmem:s1] =	stream.indirect.scatter.add.f32 [tilespmem:s18], [sflag:$0x1], $0x80, s25, s16, $0xb8;
	[tilespmem:$0x1D400] =	vst v63  }
0x57: {  	_ =	swait.ge [sflag:s14], $0x4000  }
0x58: {  	s25 =	smov.u32 s28;
	[sflag:s14] =	ssyncset.done $0x0  }
0x59: {  	s24 =	sshra.s32 s24, $0x2;
	[sflag:s14] =	ssyncadd.s32 $0xFFFFC000  }
0x5a: {  	[tilespmem:s18], [sflag:$0x1] =	stream.indirect.gather [hbm4b:s4+s16], $0x80, s24, s16, $0xb8;
	[tilespmem:$0x1D400] =	vst v63  }
0x5b: {  	_ =	swait.ge [sflag:s14], $0x4000  }
0x5c: {  	[sflag:s14] =	ssyncset.done $0x0  }
0x5d: {  	s24 =	sadd.s32 $0x2800, s24;
	[sflag:s14] =	ssyncadd.s32 $0xFFFFC000  }
0x5e: {  	[spmem:s1] =	stream.indirect.scatter.add.f32 [tilespmem:s18], [sflag:$0x1], $0x80, s24, s16, $0xb8;
	[tilespmem:$0x1D400] =	vst v63  }
0x5f: {  	_ =	swait.ge [sflag:s14], $0x4000  }
0x60: {  	[sflag:s14] =	ssyncset.done $0x0  }
0x61: {  	[sflag:s14] =	ssyncadd.s32 $0xFFFFC000  }
0x62: {  	[tilespmem:s18], [sflag:$0x1] =	stream.indirect.gather [spmem:s1], $0x80, s17, s16, $0xb8;
	[tilespmem:$0x1D400] =	vst v63  }
0x63: {  	_ =	swait.ge [sflag:s14], $0x4000  }
0x64: {  	[sflag:s14] =	ssyncset.done $0x0  }
0x65: {  	[sflag:s14] =	ssyncadd.s32 $0xFFFFC000  }
0x66: {  	[bflag:$0x0] =	sbarrier.arrive $0xFFFF  }
0x67: {  	[tilespmem:s18], [sflag:$0x1] =	stream.indirect.gather [spmem:s1], $0x80, s17, s16, $0xb8;
	[tilespmem:$0x1D400] =	vst v63  }
0x68: {  	_ =	swait.ge [sflag:s14], $0x4000  }
0x69: {  	[sflag:s14] =	ssyncset.done $0x0  }
0x6a: {  	[sflag:s14] =	ssyncadd.s32 $0xFFFFC000  }
0x6b: {  	[hbm4b:s8+s3] =	stream.linear.scatter [tilespmem:s18], [sflag:$0x1], $0x4000, $0x38;
	[tilespmem:$0x1D400] =	vst v63  }
0x6c: {  	_ =	swait.ge [sflag:s14], $0x4000  }
0x6d: {  	[sflag:s14] =	ssyncset.done $0x0  }
0x6e: {  	[sflag:s14] =	ssyncadd.s32 $0xFFFFC000  }
0x6f: {  	[tilespmem:s18], [sflag:$0x1] =	stream.indirect.gather [spmem:s1], $0x80, s19, s16, $0xb8;
	[tilespmem:$0x1D400] =	vst v63  }
0x70: {  	_ =	swait.ge [sflag:s14], $0x4000  }
0x71: {  	[sflag:s14] =	ssyncset.done $0x0  }
0x72: {  	[sflag:s14] =	ssyncadd.s32 $0xFFFFC000  }
0x73: {  	[hbm4b:s9+s3] =	stream.linear.scatter [tilespmem:s18], [sflag:$0x1], $0x4000, $0x38;
	[tilespmem:$0x1D400] =	vst v63  }
0x74: {  	_ =	swait.ge [sflag:s14], $0x4000  }
0x75: {  	[sflag:s14] =	ssyncset.done $0x0  }
0x76: {  	[sflag:s14] =	ssyncadd.s32 $0xFFFFC000  }
0x77: {  	[tilespmem:s18], [sflag:$0x1] =	stream.indirect.gather [spmem:s1], $0x80, s20, s16, $0xb8;
	[tilespmem:$0x1D400] =	vst v63  }
0x78: {  	_ =	swait.ge [sflag:s14], $0x4000  }
0x79: {  	[sflag:s14] =	ssyncset.done $0x0  }
0x7a: {  	[sflag:s14] =	ssyncadd.s32 $0xFFFFC000  }
0x7b: {  	[hbm4b:s10+s3] =	stream.linear.scatter [tilespmem:s18], [sflag:$0x1], $0x4000, $0x38;
	[tilespmem:$0x1D400] =	vst v63  }
0x7c: {  	_ =	swait.ge [sflag:s14], $0x4000  }
0x7d: {  	[sflag:s14] =	ssyncset.done $0x0  }
0x7e: {  	[sflag:s14] =	ssyncadd.s32 $0xFFFFC000  }
0x7f: {  	[tilespmem:s18], [sflag:$0x1] =	stream.indirect.gather [spmem:s1], $0x80, s21, s16, $0xb8;
	[tilespmem:$0x1D400] =	vst v63  }
0x80: {  	_ =	swait.ge [sflag:s14], $0x4000  }
0x81: {  	[sflag:s14] =	ssyncset.done $0x0  }
0x82: {  	[sflag:s14] =	ssyncadd.s32 $0xFFFFC000  }
0x83: {  	[hbm4b:s11+s3] =	stream.linear.scatter [tilespmem:s18], [sflag:$0x1], $0x4000, $0x38;
	[tilespmem:$0x1D400] =	vst v63  }
0x84: {  	_ =	swait.ge [sflag:s14], $0x4000  }
0x85: {  	[sflag:s14] =	ssyncset.done $0x0  }
0x86: {  	[sflag:s14] =	ssyncadd.s32 $0xFFFFC000  }
0x87: {  	[tilespmem:s18], [sflag:$0x1] =	stream.indirect.gather [spmem:s1], $0x80, s22, s16, $0xb8;
	[tilespmem:$0x1D400] =	vst v63  }
0x88: {  	s23 =	sadd.s32 $0x1, s23;
	_ =	swait.ge [sflag:s14], $0x4000  }
0x89: {  	p0 =	sne.s32 s23, s13;
	[sflag:s14] =	ssyncset.done $0x0  }
.Ltmp3:
0x8a: {  	[sflag:s14] =	ssyncadd.s32 $0xFFFFC000;
	(pc) =	sbr.rel @p0 .LBB2_1-.Ltmp3, $4  }
0x8b: {  	[hbm4b:s12+s3] =	stream.linear.scatter [tilespmem:s18], [sflag:$0x1], $0x4000, $0x38;
	[tilespmem:$0x1D400] =	vst v63  }
0x8c: {  	_ =	swait.ge [sflag:s14], $0x4000  }
0x8d: {  	[sflag:s14] =	ssyncset.done $0x0  }
0x8e: {  	[sflag:s14] =	ssyncadd.s32 $0xFFFFC000  }
0x8f: {  	_ =	sfence.sel $0x180000  }
0x90: {  	[bflag:$0x0] =	sbarrier.arrive $0xFFFF  }
0x91: {  	p0 =	sne.s32 s2, $0x0;
	_ =	strace $0x90000050  }
0x92: {  	s0 =	sadd.s32 @!p0 $0x100000, s0;
	[bflag:$0x2] =	sbarrier.arrive $0xFFFF  }
0x93: {  	[sflag:s0] =	ssyncadd.tile.s32 @!p0 $0x1;
	_ =	shalt  }
.Lfunc_end2:
_tile_overlayer_lowered:
.L_overlay_start_2:
0x94: {  	(tag) =	ssettag $0x2  }
0x95: {  	s0 =	rddreg [dreg:$0x0];
	s2 =	stileid.u32  }
0x96: {  	s1 =	rddreg [dreg:$0x1];
	p0 =	sne.s32 s2, $0x0  }
0x97: {  	s3 =	rddreg [dreg:$0x2];
	[bflag:$0x3] =	sbarrier.arrive $0xFFFF;
	s2 =	simm.s32 @!p0 $0x1C01  }
0x98: {  	[timem:s3], [sflag:s2] =	dma.local @!p0 [hbm:s0], s1  }
0x99: {  	s0 =	simm.s32 @!p0 $0x1  }
0x9a: {  	_ =	swait.ge @!p0 [sflag:s0], s1  }
0x9b: {  	s1 =	ssub.s32 @!p0 $0x0, s1;
	[sflag:s0] =	ssyncset.done @!p0 $0x0  }
0x9c: {  	[sflag:s0] =	ssyncadd.s32 @!p0 s1  }
0x9d: {  	[bflag:$0x3] =	sbarrier.arrive $0xFFFF  }
0x9e: {  	_ =	shalt  }

</sc_bundles>
